<compile_context>
chip_gen: v7x
topology: tpu7x:2x2x1
jax: 0.10.2.dev20260603
libtpu: 0.0.44.dev20260713+nightly
codegen_flags: <defaults>
</compile_context>

<pallas_src>
import functools

import jax
import jax.numpy as jnp
from jax import lax
from jax.experimental import pallas as pl
from jax.experimental.pallas import tpu as pltpu
from jax.experimental.pallas import tpu_sc as plsc

_G = 128
_CH = 32
_ROWS = _G * _G * _G
_PAD_ROWS = _ROWS + 8
_N = 150000
_CHUNK = 1024
_NCHUNK = 148
_NPAD = _CHUNK * _NCHUNK
_ZB = 512
_NSUB = 16
_ZPER = _ROWS // _NSUB
_IDXW = 256
_NB = _CHUNK // _IDXW


def _build_sc_call():
  mesh = plsc.VectorSubcoreMesh(core_axis_name="c", subcore_axis_name="s")

  @functools.partial(
      pl.kernel,
      out_type=jax.ShapeDtypeStruct((_PAD_ROWS, _CH), jnp.float32),
      mesh=mesh,
      compiler_params=pltpu.CompilerParams(use_tc_tiling_on_sc=False),
      scratch_types=[
          pltpu.VMEM((_ZB, _CH), jnp.float32),
          [pltpu.VMEM((_CHUNK,), jnp.int32) for _ in range(2)],
          [pltpu.VMEM((_CHUNK,), jnp.int32) for _ in range(2)],
          [pltpu.VMEM((_CHUNK,), jnp.int32) for _ in range(2)],
          [pltpu.VMEM((_CHUNK, _CH), jnp.float32) for _ in range(2)],
          [pltpu.VMEM((_IDXW,), jnp.int32) for _ in range(_NB)],
          pltpu.SemaphoreType.DMA,
          [pltpu.SemaphoreType.DMA for _ in range(2)],
          pltpu.SemaphoreType.DMA,
      ],
  )
  def grid_scatter(iz_hbm, iy_hbm, ix_hbm, f_hbm, out_hbm,
                   zbuf, izv, iyv, ixv, fv, linv, zsem, isem, ssem):
    cid = lax.axis_index("c")
    sid = lax.axis_index("s")

    @pl.when(cid == 0)
    def _core0():
      zeros16 = jnp.zeros((16,), jnp.float32)

      def _zrow(r, carry):
        zbuf[r, pl.ds(0, 16)] = zeros16
        zbuf[r, pl.ds(16, 16)] = zeros16
        return carry

      lax.fori_loop(0, _ZB, _zrow, 0)

      base = sid * _ZPER

      def _zdma(t, carry):
        hs = [
            pltpu.async_copy(
                zbuf, out_hbm.at[pl.ds(base + (t * 8 + k) * _ZB, _ZB)], zsem)
            for k in range(8)
        ]
        for h in hs:
          h.wait()
        return carry

      lax.fori_loop(0, _ZPER // _ZB // 8, _zdma, 0)

      plsc.subcore_barrier()

      @pl.when(sid == 0)
      def _scatter():
        def _startin(b, c):
          off = c * _CHUNK
          pltpu.async_copy(iz_hbm.at[pl.ds(off, _CHUNK)], izv[b], isem[b])
          pltpu.async_copy(iy_hbm.at[pl.ds(off, _CHUNK)], iyv[b], isem[b])
          pltpu.async_copy(ix_hbm.at[pl.ds(off, _CHUNK)], ixv[b], isem[b])
          pltpu.async_copy(f_hbm.at[pl.ds(off, _CHUNK)], fv[b], isem[b])

        def _waitin(b):
          pltpu.make_async_copy(
              iz_hbm.at[pl.ds(0, _CHUNK)], izv[b], isem[b]).wait()
          pltpu.make_async_copy(
              iy_hbm.at[pl.ds(0, _CHUNK)], iyv[b], isem[b]).wait()
          pltpu.make_async_copy(
              ix_hbm.at[pl.ds(0, _CHUNK)], ixv[b], isem[b]).wait()
          pltpu.make_async_copy(
              f_hbm.at[pl.ds(0, _CHUNK)], fv[b], isem[b]).wait()

        def _scatter_chunk(b):
          for q in range(_NB):
            for j in range(_IDXW // 16):
              s = q * _IDXW + j * 16
              z16 = izv[b][pl.ds(s, 16)]
              y16 = iyv[b][pl.ds(s, 16)]
              x16 = ixv[b][pl.ds(s, 16)]
              linv[q][pl.ds(j * 16, 16)] = z16 * (_G * _G) + y16 * _G + x16
          for q in range(_NB):
            pltpu.async_copy(
                fv[b].at[pl.ds(q * _IDXW, _IDXW)],
                out_hbm.at[linv[q]], ssem).wait()

        _startin(0, 0)

        def _pair(cc, carry):
          c0 = cc * 2
          _waitin(0)
          _startin(1, c0 + 1)
          _scatter_chunk(0)
          _waitin(1)
          _startin(0, jnp.minimum(c0 + 2, _NCHUNK - 1))
          _scatter_chunk(1)
          return carry

        lax.fori_loop(0, _NCHUNK // 2, _pair, 0)
        _waitin(0)

  return grid_scatter


_SC_CALL = _build_sc_call()


def kernel(voxel_features, indices):
  idx = indices.astype(jnp.int32)
  npad = _NPAD - _N
  iz = jnp.concatenate([idx[:, 0], jnp.full((npad,), _G, jnp.int32)])
  iy = jnp.concatenate([idx[:, 1], jnp.zeros((npad,), jnp.int32)])
  ix = jnp.concatenate([idx[:, 2], jnp.zeros((npad,), jnp.int32)])
  feats = jnp.concatenate(
      [voxel_features.astype(jnp.float32),
       jnp.zeros((npad, _CH), jnp.float32)])
  out = _SC_CALL(iz, iy, ix, feats)
  return out[:_ROWS].reshape(_G, _G, _G, _CH)

# --- scband reference (transcript-rebuilt; emitter-appended) ---
"""Pipeline reference for scband-create-voxel-grid-11879879543813 (READ-ONLY COPY).

The authoritative reference and input builder live on the scoring server;
editing this copy changes nothing except your own understanding.
"""

import jax, jax.numpy as jnp
import numpy as np

GRID_SHAPE = (128, 128, 128, 32)
N_VOXELS = 150000
N_CHANNELS = 32

def setup_inputs(seed: int = 0) -> dict:
    key = jax.random.key(seed)
    k1, k2 = jax.random.split(key)
    voxel_features = jax.random.normal(k1, (N_VOXELS, N_CHANNELS), dtype=jnp.float32)
    indices = jax.random.randint(k2, (N_VOXELS, 3), 0, 128)
    return {"voxel_features": voxel_features, "indices": indices}

def reference(voxel_features, indices):
    # grid = voxel_features.new_zeros(self.grid_shape)
    grid = jnp.zeros(GRID_SHAPE, dtype=voxel_features.dtype)
    # grid[indices[:,0], indices[:,1], indices[:,2]] = voxel_features  (scatter-overwrite)
    grid = grid.at[indices[:, 0], indices[:, 1], indices[:, 2]].set(voxel_features)
    return grid

if __name__ == "__main__":
    import jax
    _d = setup_inputs()
    print(jax.jit(kernel)(*tuple(_d.values())))

</pallas_src>

<mosaic_0001>
#map = affine_map<(d0, d1) -> (0)>
#map1 = affine_map<(d0, d1) -> (0, 0)>
module attributes {stable_mosaic.version = 14 : i64} {
  func.func @grid_scatter(%arg0: i32, %arg1: i32, %arg2: memref<151552xi32, #tpu.memory_space<hbm>>, %arg3: memref<151552xi32, #tpu.memory_space<hbm>>, %arg4: memref<151552xi32, #tpu.memory_space<hbm>>, %arg5: memref<151552x32xf32, #tpu.memory_space<hbm>>, %arg6: memref<2097160x32xf32, #tpu.memory_space<hbm>>, %arg7: memref<512x32xf32, #tpu.memory_space<vmem>>, %arg8: memref<1024xi32, #tpu.memory_space<vmem>>, %arg9: memref<1024xi32, #tpu.memory_space<vmem>>, %arg10: memref<1024xi32, #tpu.memory_space<vmem>>, %arg11: memref<1024xi32, #tpu.memory_space<vmem>>, %arg12: memref<1024xi32, #tpu.memory_space<vmem>>, %arg13: memref<1024xi32, #tpu.memory_space<vmem>>, %arg14: memref<1024x32xf32, #tpu.memory_space<vmem>>, %arg15: memref<1024x32xf32, #tpu.memory_space<vmem>>, %arg16: memref<256xi32, #tpu.memory_space<vmem>>, %arg17: memref<256xi32, #tpu.memory_space<vmem>>, %arg18: memref<256xi32, #tpu.memory_space<vmem>>, %arg19: memref<256xi32, #tpu.memory_space<vmem>>, %arg20: memref<!tpu.dma_semaphore, #tpu.memory_space<semaphore_mem>>, %arg21: memref<!tpu.dma_semaphore, #tpu.memory_space<semaphore_mem>>, %arg22: memref<!tpu.dma_semaphore, #tpu.memory_space<semaphore_mem>>, %arg23: memref<!tpu.dma_semaphore, #tpu.memory_space<semaphore_mem>>) attributes {dimension_semantics = [#tpu.dimension_semantics<core_parallel>, #tpu.dimension_semantics<subcore_parallel>], iteration_bounds = array<i64: 2, 16>, scalar_prefetch = 0 : i64, scratch_operands = 17 : i64, tpu.core_type = #tpu.core_type<sc_vector_subcore>, window_params = [{transform_indices = #map}, {transform_indices = #map}, {transform_indices = #map}, {transform_indices = #map1}, {transform_indices = #map1}]} {
    %eq3A = arith.constant 0 : i32
    %eq3A_0 = arith.cmpi eq, %arg0, %eq3A : i32
    %convert_element_type3A = arith.extui %eq3A_0 : i1 to i32
    %cond3A = arith.constant 0 : i32
    %cond3A_1 = arith.cmpi ne, %convert_element_type3A, %cond3A : i32
    scf.if %cond3A_1 {
      %broadcast_in_dim3A = arith.constant 0.000000e+00 : f32
      %broadcast_in_dim3A_2 = vector.broadcast %broadcast_in_dim3A : f32 to vector<16xf32>
      %scan3A = arith.constant 0 : i32
      %scan3A_3 = arith.constant 0 : i32
      %scan3A_4 = arith.constant 512 : i32
      %scan3A_5 = arith.addi %scan3A_3, %scan3A_4 : i32
      %scan3A_6 = arith.constant 1 : i32
      scf.for %scan3A_20 = %scan3A_3 to %scan3A_5 step %scan3A_6  : i32 {
        %swap3A = arith.index_cast %scan3A_20 : i32 to index
        %swap3A_21 = arith.constant 0 : index
        %swap3A_22 = tpu.vector_load %arg7[%swap3A, %swap3A_21] {strides = array<i32>} : memref<512x32xf32, #tpu.memory_space<vmem>>, vector<1x16xf32>,
        %swap3A_23 = vector.shape_cast %swap3A_22 : vector<1x16xf32> to vector<16xf32>
        %swap3A_24 = vector.shape_cast %broadcast_in_dim3A_2 : vector<16xf32> to vector<1x16xf32>
        tpu.vector_store %arg7[%swap3A, %swap3A_21], %swap3A_24 {strides = array<i32>} : memref<512x32xf32, #tpu.memory_space<vmem>>, vector<1x16xf32>,
        %swap3A_25 = arith.index_cast %scan3A_20 : i32 to index
        %swap3A_26 = arith.constant 16 : index
        %swap3A_27 = tpu.vector_load %arg7[%swap3A_25, %swap3A_26] {strides = array<i32>} : memref<512x32xf32, #tpu.memory_space<vmem>>, vector<1x16xf32>,
        %swap3A_28 = vector.shape_cast %swap3A_27 : vector<1x16xf32> to vector<16xf32>
        %swap3A_29 = vector.shape_cast %broadcast_in_dim3A_2 : vector<16xf32> to vector<1x16xf32>
        tpu.vector_store %arg7[%swap3A_25, %swap3A_26], %swap3A_29 {strides = array<i32>} : memref<512x32xf32, #tpu.memory_space<vmem>>, vector<1x16xf32>,
      }
      %scan3A_7 = arith.constant 512 : i32
      %mul3A = arith.constant 131072 : i32
      %mul3A_8 = arith.muli %arg1, %mul3A : i32
      %scan3A_9 = arith.constant 0 : i32
      %scan3A_10 = arith.constant 0 : i32
      %scan3A_11 = arith.constant 32 : i32
      %scan3A_12 = arith.addi %scan3A_10, %scan3A_11 : i32
      %scan3A_13 = arith.constant 1 : i32
      scf.for %scan3A_20 = %scan3A_10 to %scan3A_12 step %scan3A_13  : i32 {
        %mul3A_21 = arith.constant 8 : i32
        %mul3A_22 = arith.muli %scan3A_20, %mul3A_21 : i32
        %add3A = arith.constant 0 : i32
        %add3A_23 = arith.addi %mul3A_22, %add3A : i32
        %mul3A_24 = arith.constant 512 : i32
        %mul3A_25 = arith.muli %add3A_23, %mul3A_24 : i32
        %add3A_26 = arith.addi %mul3A_8, %mul3A_25 : i32
        %dma_start3A = arith.constant 0 : i32
        %dma_start3A_27 = tpu.memref_slice %arg6[%add3A_26, %dma_start3A] : memref<2097160x32xf32, #tpu.memory_space<hbm>> -> memref<512x32xf32, #tpu.memory_space<hbm>>
        %dma_start3A_28 = arith.constant 0 : i32
        %dma_start3A_29 = tpu.memref_slice %arg6[%add3A_26, %dma_start3A_28] : memref<2097160x32xf32, #tpu.memory_space<hbm>> -> memref<512x32xf32, #tpu.memory_space<hbm>>
        tpu.enqueue_dma source(%arg7 : memref<512x32xf32, #tpu.memory_space<vmem>>) target(%dma_start3A_29 : memref<512x32xf32, #tpu.memory_space<hbm>>) target_semaphore(%arg20 : memref<!tpu.dma_semaphore, #tpu.memory_space<semaphore_mem>>)
        %mul3A_30 = arith.constant 8 : i32
        %mul3A_31 = arith.muli %scan3A_20, %mul3A_30 : i32
        %add3A_32 = arith.constant 1 : i32
        %add3A_33 = arith.addi %mul3A_31, %add3A_32 : i32
        %mul3A_34 = arith.constant 512 : i32
        %mul3A_35 = arith.muli %add3A_33, %mul3A_34 : i32
        %add3A_36 = arith.addi %mul3A_8, %mul3A_35 : i32
        %dma_start3A_37 = arith.constant 0 : i32
        %dma_start3A_38 = tpu.memref_slice %arg6[%add3A_36, %dma_start3A_37] : memref<2097160x32xf32, #tpu.memory_space<hbm>> -> memref<512x32xf32, #tpu.memory_space<hbm>>
        %dma_start3A_39 = arith.constant 0 : i32
        %dma_start3A_40 = tpu.memref_slice %arg6[%add3A_36, %dma_start3A_39] : memref<2097160x32xf32, #tpu.memory_space<hbm>> -> memref<512x32xf32, #tpu.memory_space<hbm>>
        tpu.enqueue_dma source(%arg7 : memref<512x32xf32, #tpu.memory_space<vmem>>) target(%dma_start3A_40 : memref<512x32xf32, #tpu.memory_space<hbm>>) target_semaphore(%arg20 : memref<!tpu.dma_semaphore, #tpu.memory_space<semaphore_mem>>)
        %mul3A_41 = arith.constant 8 : i32
        %mul3A_42 = arith.muli %scan3A_20, %mul3A_41 : i32
        %add3A_43 = arith.constant 2 : i32
        %add3A_44 = arith.addi %mul3A_42, %add3A_43 : i32
        %mul3A_45 = arith.constant 512 : i32
        %mul3A_46 = arith.muli %add3A_44, %mul3A_45 : i32
        %add3A_47 = arith.addi %mul3A_8, %mul3A_46 : i32
        %dma_start3A_48 = arith.constant 0 : i32
        %dma_start3A_49 = tpu.memref_slice %arg6[%add3A_47, %dma_start3A_48] : memref<2097160x32xf32, #tpu.memory_space<hbm>> -> memref<512x32xf32, #tpu.memory_space<hbm>>
        %dma_start3A_50 = arith.constant 0 : i32
        %dma_start3A_51 = tpu.memref_slice %arg6[%add3A_47, %dma_start3A_50] : memref<2097160x32xf32, #tpu.memory_space<hbm>> -> memref<512x32xf32, #tpu.memory_space<hbm>>
        tpu.enqueue_dma source(%arg7 : memref<512x32xf32, #tpu.memory_space<vmem>>) target(%dma_start3A_51 : memref<512x32xf32, #tpu.memory_space<hbm>>) target_semaphore(%arg20 : memref<!tpu.dma_semaphore, #tpu.memory_space<semaphore_mem>>)
        %mul3A_52 = arith.constant 8 : i32
        %mul3A_53 = arith.muli %scan3A_20, %mul3A_52 : i32
        %add3A_54 = arith.constant 3 : i32
        %add3A_55 = arith.addi %mul3A_53, %add3A_54 : i32
        %mul3A_56 = arith.constant 512 : i32
        %mul3A_57 = arith.muli %add3A_55, %mul3A_56 : i32
        %add3A_58 = arith.addi %mul3A_8, %mul3A_57 : i32
        %dma_start3A_59 = arith.constant 0 : i32
        %dma_start3A_60 = tpu.memref_slice %arg6[%add3A_58, %dma_start3A_59] : memref<2097160x32xf32, #tpu.memory_space<hbm>> -> memref<512x32xf32, #tpu.memory_space<hbm>>
        %dma_start3A_61 = arith.constant 0 : i32
        %dma_start3A_62 = tpu.memref_slice %arg6[%add3A_58, %dma_start3A_61] : memref<2097160x32xf32, #tpu.memory_space<hbm>> -> memref<512x32xf32, #tpu.memory_space<hbm>>
        tpu.enqueue_dma source(%arg7 : memref<512x32xf32, #tpu.memory_space<vmem>>) target(%dma_start3A_62 : memref<512x32xf32, #tpu.memory_space<hbm>>) target_semaphore(%arg20 : memref<!tpu.dma_semaphore, #tpu.memory_space<semaphore_mem>>)
        %mul3A_63 = arith.constant 8 : i32
        %mul3A_64 = arith.muli %scan3A_20, %mul3A_63 : i32
        %add3A_65 = arith.constant 4 : i32
        %add3A_66 = arith.addi %mul3A_64, %add3A_65 : i32
        %mul3A_67 = arith.constant 512 : i32
        %mul3A_68 = arith.muli %add3A_66, %mul3A_67 : i32
        %add3A_69 = arith.addi %mul3A_8, %mul3A_68 : i32
        %dma_start3A_70 = arith.constant 0 : i32
        %dma_start3A_71 = tpu.memref_slice %arg6[%add3A_69, %dma_start3A_70] : memref<2097160x32xf32, #tpu.memory_space<hbm>> -> memref<512x32xf32, #tpu.memory_space<hbm>>
        %dma_start3A_72 = arith.constant 0 : i32
        %dma_start3A_73 = tpu.memref_slice %arg6[%add3A_69, %dma_start3A_72] : memref<2097160x32xf32, #tpu.memory_space<hbm>> -> memref<512x32xf32, #tpu.memory_space<hbm>>
        tpu.enqueue_dma source(%arg7 : memref<512x32xf32, #tpu.memory_space<vmem>>) target(%dma_start3A_73 : memref<512x32xf32, #tpu.memory_space<hbm>>) target_semaphore(%arg20 : memref<!tpu.dma_semaphore, #tpu.memory_space<semaphore_mem>>)
        %mul3A_74 = arith.constant 8 : i32
        %mul3A_75 = arith.muli %scan3A_20, %mul3A_74 : i32
        %add3A_76 = arith.constant 5 : i32
        %add3A_77 = arith.addi %mul3A_75, %add3A_76 : i32
        %mul3A_78 = arith.constant 512 : i32
        %mul3A_79 = arith.muli %add3A_77, %mul3A_78 : i32
        %add3A_80 = arith.addi %mul3A_8, %mul3A_79 : i32
        %dma_start3A_81 = arith.constant 0 : i32
        %dma_start3A_82 = tpu.memref_slice %arg6[%add3A_80, %dma_start3A_81] : memref<2097160x32xf32, #tpu.memory_space<hbm>> -> memref<512x32xf32, #tpu.memory_space<hbm>>
        %dma_start3A_83 = arith.constant 0 : i32
        %dma_start3A_84 = tpu.memref_slice %arg6[%add3A_80, %dma_start3A_83] : memref<2097160x32xf32, #tpu.memory_space<hbm>> -> memref<512x32xf32, #tpu.memory_space<hbm>>
        tpu.enqueue_dma source(%arg7 : memref<512x32xf32, #tpu.memory_space<vmem>>) target(%dma_start3A_84 : memref<512x32xf32, #tpu.memory_space<hbm>>) target_semaphore(%arg20 : memref<!tpu.dma_semaphore, #tpu.memory_space<semaphore_mem>>)
        %mul3A_85 = arith.constant 8 : i32
        %mul3A_86 = arith.muli %scan3A_20, %mul3A_85 : i32
        %add3A_87 = arith.constant 6 : i32
        %add3A_88 = arith.addi %mul3A_86, %add3A_87 : i32
        %mul3A_89 = arith.constant 512 : i32
        %mul3A_90 = arith.muli %add3A_88, %mul3A_89 : i32
        %add3A_91 = arith.addi %mul3A_8, %mul3A_90 : i32
        %dma_start3A_92 = arith.constant 0 : i32
        %dma_start3A_93 = tpu.memref_slice %arg6[%add3A_91, %dma_start3A_92] : memref<2097160x32xf32, #tpu.memory_space<hbm>> -> memref<512x32xf32, #tpu.memory_space<hbm>>
        %dma_start3A_94 = arith.constant 0 : i32
        %dma_start3A_95 = tpu.memref_slice %arg6[%add3A_91, %dma_start3A_94] : memref<2097160x32xf32, #tpu.memory_space<hbm>> -> memref<512x32xf32, #tpu.memory_space<hbm>>
        tpu.enqueue_dma source(%arg7 : memref<512x32xf32, #tpu.memory_space<vmem>>) target(%dma_start3A_95 : memref<512x32xf32, #tpu.memory_space<hbm>>) target_semaphore(%arg20 : memref<!tpu.dma_semaphore, #tpu.memory_space<semaphore_mem>>)
        %mul3A_96 = arith.constant 8 : i32
        %mul3A_97 = arith.muli %scan3A_20, %mul3A_96 : i32
        %add3A_98 = arith.constant 7 : i32
        %add3A_99 = arith.addi %mul3A_97, %add3A_98 : i32
        %mul3A_100 = arith.constant 512 : i32
        %mul3A_101 = arith.muli %add3A_99, %mul3A_100 : i32
        %add3A_102 = arith.addi %mul3A_8, %mul3A_101 : i32
        %dma_start3A_103 = arith.constant 0 : i32
        %dma_start3A_104 = tpu.memref_slice %arg6[%add3A_102, %dma_start3A_103] : memref<2097160x32xf32, #tpu.memory_space<hbm>> -> memref<512x32xf32, #tpu.memory_space<hbm>>
        %dma_start3A_105 = arith.constant 0 : i32
        %dma_start3A_106 = tpu.memref_slice %arg6[%add3A_102, %dma_start3A_105] : memref<2097160x32xf32, #tpu.memory_space<hbm>> -> memref<512x32xf32, #tpu.memory_space<hbm>>
        tpu.enqueue_dma source(%arg7 : memref<512x32xf32, #tpu.memory_space<vmem>>) target(%dma_start3A_106 : memref<512x32xf32, #tpu.memory_space<hbm>>) target_semaphore(%arg20 : memref<!tpu.dma_semaphore, #tpu.memory_space<semaphore_mem>>)
        %dma_wait3A = arith.constant 0 : i32
        %dma_wait3A_107 = tpu.memref_slice %arg6[%add3A_26, %dma_wait3A] : memref<2097160x32xf32, #tpu.memory_space<hbm>> -> memref<512x32xf32, #tpu.memory_space<hbm>>
        %dma_wait3A_108 = arith.constant 0 : i32
        %dma_wait3A_109 = tpu.memref_slice %arg6[%add3A_26, %dma_wait3A_108] : memref<2097160x32xf32, #tpu.memory_space<hbm>> -> memref<512x32xf32, #tpu.memory_space<hbm>>
        tpu.wait_dma2 semaphore(%arg20 : memref<!tpu.dma_semaphore, #tpu.memory_space<semaphore_mem>>) src(%arg7 : memref<512x32xf32, #tpu.memory_space<vmem>>) dst(%dma_wait3A_109 : memref<512x32xf32, #tpu.memory_space<hbm>>)
        %dma_wait3A_110 = arith.constant 0 : i32
        %dma_wait3A_111 = tpu.memref_slice %arg6[%add3A_36, %dma_wait3A_110] : memref<2097160x32xf32, #tpu.memory_space<hbm>> -> memref<512x32xf32, #tpu.memory_space<hbm>>
        %dma_wait3A_112 = arith.constant 0 : i32
        %dma_wait3A_113 = tpu.memref_slice %arg6[%add3A_36, %dma_wait3A_112] : memref<2097160x32xf32, #tpu.memory_space<hbm>> -> memref<512x32xf32, #tpu.memory_space<hbm>>
        tpu.wait_dma2 semaphore(%arg20 : memref<!tpu.dma_semaphore, #tpu.memory_space<semaphore_mem>>) src(%arg7 : memref<512x32xf32, #tpu.memory_space<vmem>>) dst(%dma_wait3A_113 : memref<512x32xf32, #tpu.memory_space<hbm>>)
        %dma_wait3A_114 = arith.constant 0 : i32
        %dma_wait3A_115 = tpu.memref_slice %arg6[%add3A_47, %dma_wait3A_114] : memref<2097160x32xf32, #tpu.memory_space<hbm>> -> memref<512x32xf32, #tpu.memory_space<hbm>>
        %dma_wait3A_116 = arith.constant 0 : i32
        %dma_wait3A_117 = tpu.memref_slice %arg6[%add3A_47, %dma_wait3A_116] : memref<2097160x32xf32, #tpu.memory_space<hbm>> -> memref<512x32xf32, #tpu.memory_space<hbm>>
        tpu.wait_dma2 semaphore(%arg20 : memref<!tpu.dma_semaphore, #tpu.memory_space<semaphore_mem>>) src(%arg7 : memref<512x32xf32, #tpu.memory_space<vmem>>) dst(%dma_wait3A_117 : memref<512x32xf32, #tpu.memory_space<hbm>>)
        %dma_wait3A_118 = arith.constant 0 : i32
        %dma_wait3A_119 = tpu.memref_slice %arg6[%add3A_58, %dma_wait3A_118] : memref<2097160x32xf32, #tpu.memory_space<hbm>> -> memref<512x32xf32, #tpu.memory_space<hbm>>
        %dma_wait3A_120 = arith.constant 0 : i32
        %dma_wait3A_121 = tpu.memref_slice %arg6[%add3A_58, %dma_wait3A_120] : memref<2097160x32xf32, #tpu.memory_space<hbm>> -> memref<512x32xf32, #tpu.memory_space<hbm>>
        tpu.wait_dma2 semaphore(%arg20 : memref<!tpu.dma_semaphore, #tpu.memory_space<semaphore_mem>>) src(%arg7 : memref<512x32xf32, #tpu.memory_space<vmem>>) dst(%dma_wait3A_121 : memref<512x32xf32, #tpu.memory_space<hbm>>)
        %dma_wait3A_122 = arith.constant 0 : i32
        %dma_wait3A_123 = tpu.memref_slice %arg6[%add3A_69, %dma_wait3A_122] : memref<2097160x32xf32, #tpu.memory_space<hbm>> -> memref<512x32xf32, #tpu.memory_space<hbm>>
        %dma_wait3A_124 = arith.constant 0 : i32
        %dma_wait3A_125 = tpu.memref_slice %arg6[%add3A_69, %dma_wait3A_124] : memref<2097160x32xf32, #tpu.memory_space<hbm>> -> memref<512x32xf32, #tpu.memory_space<hbm>>
        tpu.wait_dma2 semaphore(%arg20 : memref<!tpu.dma_semaphore, #tpu.memory_space<semaphore_mem>>) src(%arg7 : memref<512x32xf32, #tpu.memory_space<vmem>>) dst(%dma_wait3A_125 : memref<512x32xf32, #tpu.memory_space<hbm>>)
        %dma_wait3A_126 = arith.constant 0 : i32
        %dma_wait3A_127 = tpu.memref_slice %arg6[%add3A_80, %dma_wait3A_126] : memref<2097160x32xf32, #tpu.memory_space<hbm>> -> memref<512x32xf32, #tpu.memory_space<hbm>>
        %dma_wait3A_128 = arith.constant 0 : i32
        %dma_wait3A_129 = tpu.memref_slice %arg6[%add3A_80, %dma_wait3A_128] : memref<2097160x32xf32, #tpu.memory_space<hbm>> -> memref<512x32xf32, #tpu.memory_space<hbm>>
        tpu.wait_dma2 semaphore(%arg20 : memref<!tpu.dma_semaphore, #tpu.memory_space<semaphore_mem>>) src(%arg7 : memref<512x32xf32, #tpu.memory_space<vmem>>) dst(%dma_wait3A_129 : memref<512x32xf32, #tpu.memory_space<hbm>>)
        %dma_wait3A_130 = arith.constant 0 : i32
        %dma_wait3A_131 = tpu.memref_slice %arg6[%add3A_91, %dma_wait3A_130] : memref<2097160x32xf32, #tpu.memory_space<hbm>> -> memref<512x32xf32, #tpu.memory_space<hbm>>
        %dma_wait3A_132 = arith.constant 0 : i32
        %dma_wait3A_133 = tpu.memref_slice %arg6[%add3A_91, %dma_wait3A_132] : memref<2097160x32xf32, #tpu.memory_space<hbm>> -> memref<512x32xf32, #tpu.memory_space<hbm>>
        tpu.wait_dma2 semaphore(%arg20 : memref<!tpu.dma_semaphore, #tpu.memory_space<semaphore_mem>>) src(%arg7 : memref<512x32xf32, #tpu.memory_space<vmem>>) dst(%dma_wait3A_133 : memref<512x32xf32, #tpu.memory_space<hbm>>)
        %dma_wait3A_134 = arith.constant 0 : i32
        %dma_wait3A_135 = tpu.memref_slice %arg6[%add3A_102, %dma_wait3A_134] : memref<2097160x32xf32, #tpu.memory_space<hbm>> -> memref<512x32xf32, #tpu.memory_space<hbm>>
        %dma_wait3A_136 = arith.constant 0 : i32
        %dma_wait3A_137 = tpu.memref_slice %arg6[%add3A_102, %dma_wait3A_136] : memref<2097160x32xf32, #tpu.memory_space<hbm>> -> memref<512x32xf32, #tpu.memory_space<hbm>>
        tpu.wait_dma2 semaphore(%arg20 : memref<!tpu.dma_semaphore, #tpu.memory_space<semaphore_mem>>) src(%arg7 : memref<512x32xf32, #tpu.memory_space<vmem>>) dst(%dma_wait3A_137 : memref<512x32xf32, #tpu.memory_space<hbm>>)
      }
      %scan3A_14 = arith.constant 32 : i32
      %barrier3A = arith.constant 0 : index
      tpu.barrier barrier_id(%barrier3A)
      %eq3A_15 = arith.constant 0 : i32
      %eq3A_16 = arith.cmpi eq, %arg1, %eq3A_15 : i32
      %convert_element_type3A_17 = arith.extui %eq3A_16 : i1 to i32
      %cond3A_18 = arith.constant 0 : i32
      %cond3A_19 = arith.cmpi ne, %convert_element_type3A_17, %cond3A_18 : i32
      scf.if %cond3A_19 {
        %dma_start3A = arith.constant 0 : i32
        %dma_start3A_20 = tpu.memref_slice %arg2[%dma_start3A] : memref<151552xi32, #tpu.memory_space<hbm>> -> memref<1024xi32, #tpu.memory_space<hbm>>
        %dma_start3A_21 = arith.constant 0 : i32
        %dma_start3A_22 = tpu.memref_slice %arg2[%dma_start3A_21] : memref<151552xi32, #tpu.memory_space<hbm>> -> memref<1024xi32, #tpu.memory_space<hbm>>
        tpu.enqueue_dma source(%dma_start3A_22 : memref<1024xi32, #tpu.memory_space<hbm>>) target(%arg8 : memref<1024xi32, #tpu.memory_space<vmem>>) target_semaphore(%arg21 : memref<!tpu.dma_semaphore, #tpu.memory_space<semaphore_mem>>)
        %dma_start3A_23 = arith.constant 0 : i32
        %dma_start3A_24 = tpu.memref_slice %arg3[%dma_start3A_23] : memref<151552xi32, #tpu.memory_space<hbm>> -> memref<1024xi32, #tpu.memory_space<hbm>>
        %dma_start3A_25 = arith.constant 0 : i32
        %dma_start3A_26 = tpu.memref_slice %arg3[%dma_start3A_25] : memref<151552xi32, #tpu.memory_space<hbm>> -> memref<1024xi32, #tpu.memory_space<hbm>>
        tpu.enqueue_dma source(%dma_start3A_26 : memref<1024xi32, #tpu.memory_space<hbm>>) target(%arg10 : memref<1024xi32, #tpu.memory_space<vmem>>) target_semaphore(%arg21 : memref<!tpu.dma_semaphore, #tpu.memory_space<semaphore_mem>>)
        %dma_start3A_27 = arith.constant 0 : i32
        %dma_start3A_28 = tpu.memref_slice %arg4[%dma_start3A_27] : memref<151552xi32, #tpu.memory_space<hbm>> -> memref<1024xi32, #tpu.memory_space<hbm>>
        %dma_start3A_29 = arith.constant 0 : i32
        %dma_start3A_30 = tpu.memref_slice %arg4[%dma_start3A_29] : memref<151552xi32, #tpu.memory_space<hbm>> -> memref<1024xi32, #tpu.memory_space<hbm>>
        tpu.enqueue_dma source(%dma_start3A_30 : memref<1024xi32, #tpu.memory_space<hbm>>) target(%arg12 : memref<1024xi32, #tpu.memory_space<vmem>>) target_semaphore(%arg21 : memref<!tpu.dma_semaphore, #tpu.memory_space<semaphore_mem>>)
        %dma_start3A_31 = arith.constant 0 : i32
        %dma_start3A_32 = arith.constant 0 : i32
        %dma_start3A_33 = tpu.memref_slice %arg5[%dma_start3A_31, %dma_start3A_32] : memref<151552x32xf32, #tpu.memory_space<hbm>> -> memref<1024x32xf32, #tpu.memory_space<hbm>>
        %dma_start3A_34 = arith.constant 0 : i32
        %dma_start3A_35 = arith.constant 0 : i32
        %dma_start3A_36 = tpu.memref_slice %arg5[%dma_start3A_34, %dma_start3A_35] : memref<151552x32xf32, #tpu.memory_space<hbm>> -> memref<1024x32xf32, #tpu.memory_space<hbm>>
        tpu.enqueue_dma source(%dma_start3A_36 : memref<1024x32xf32, #tpu.memory_space<hbm>>) target(%arg14 : memref<1024x32xf32, #tpu.memory_space<vmem>>) target_semaphore(%arg21 : memref<!tpu.dma_semaphore, #tpu.memory_space<semaphore_mem>>)
        %scan3A_37 = arith.constant 0 : i32
        %scan3A_38 = arith.constant 0 : i32
        %scan3A_39 = arith.constant 74 : i32
        %scan3A_40 = arith.addi %scan3A_38, %scan3A_39 : i32
        %scan3A_41 = arith.constant 1 : i32
        scf.for %scan3A_60 = %scan3A_38 to %scan3A_40 step %scan3A_41  : i32 {
          %mul3A_61 = arith.constant 2 : i32
          %mul3A_62 = arith.muli %scan3A_60, %mul3A_61 : i32
          %dma_wait3A_63 = arith.constant 0 : i32
          %dma_wait3A_64 = tpu.memref_slice %arg2[%dma_wait3A_63] : memref<151552xi32, #tpu.memory_space<hbm>> -> memref<1024xi32, #tpu.memory_space<hbm>>
          %dma_wait3A_65 = arith.constant 0 : i32
          %dma_wait3A_66 = tpu.memref_slice %arg2[%dma_wait3A_65] : memref<151552xi32, #tpu.memory_space<hbm>> -> memref<1024xi32, #tpu.memory_space<hbm>>
          tpu.wait_dma2 semaphore(%arg21 : memref<!tpu.dma_semaphore, #tpu.memory_space<semaphore_mem>>) src(%dma_wait3A_66 : memref<1024xi32, #tpu.memory_space<hbm>>) dst(%arg8 : memref<1024xi32, #tpu.memory_space<vmem>>)
          %dma_wait3A_67 = arith.constant 0 : i32
          %dma_wait3A_68 = tpu.memref_slice %arg3[%dma_wait3A_67] : memref<151552xi32, #tpu.memory_space<hbm>> -> memref<1024xi32, #tpu.memory_space<hbm>>
          %dma_wait3A_69 = arith.constant 0 : i32
          %dma_wait3A_70 = tpu.memref_slice %arg3[%dma_wait3A_69] : memref<151552xi32, #tpu.memory_space<hbm>> -> memref<1024xi32, #tpu.memory_space<hbm>>
          tpu.wait_dma2 semaphore(%arg21 : memref<!tpu.dma_semaphore, #tpu.memory_space<semaphore_mem>>) src(%dma_wait3A_70 : memref<1024xi32, #tpu.memory_space<hbm>>) dst(%arg10 : memref<1024xi32, #tpu.memory_space<vmem>>)
          %dma_wait3A_71 = arith.constant 0 : i32
          %dma_wait3A_72 = tpu.memref_slice %arg4[%dma_wait3A_71] : memref<151552xi32, #tpu.memory_space<hbm>> -> memref<1024xi32, #tpu.memory_space<hbm>>
          %dma_wait3A_73 = arith.constant 0 : i32
          %dma_wait3A_74 = tpu.memref_slice %arg4[%dma_wait3A_73] : memref<151552xi32, #tpu.memory_space<hbm>> -> memref<1024xi32, #tpu.memory_space<hbm>>
          tpu.wait_dma2 semaphore(%arg21 : memref<!tpu.dma_semaphore, #tpu.memory_space<semaphore_mem>>) src(%dma_wait3A_74 : memref<1024xi32, #tpu.memory_space<hbm>>) dst(%arg12 : memref<1024xi32, #tpu.memory_space<vmem>>)
          %dma_wait3A_75 = arith.constant 0 : i32
          %dma_wait3A_76 = arith.constant 0 : i32
          %dma_wait3A_77 = tpu.memref_slice %arg5[%dma_wait3A_75, %dma_wait3A_76] : memref<151552x32xf32, #tpu.memory_space<hbm>> -> memref<1024x32xf32, #tpu.memory_space<hbm>>
          %dma_wait3A_78 = arith.constant 0 : i32
          %dma_wait3A_79 = arith.constant 0 : i32
          %dma_wait3A_80 = tpu.memref_slice %arg5[%dma_wait3A_78, %dma_wait3A_79] : memref<151552x32xf32, #tpu.memory_space<hbm>> -> memref<1024x32xf32, #tpu.memory_space<hbm>>
          tpu.wait_dma2 semaphore(%arg21 : memref<!tpu.dma_semaphore, #tpu.memory_space<semaphore_mem>>) src(%dma_wait3A_80 : memref<1024x32xf32, #tpu.memory_space<hbm>>) dst(%arg14 : memref<1024x32xf32, #tpu.memory_space<vmem>>)
          %add3A = arith.constant 1 : i32
          %add3A_81 = arith.addi %mul3A_62, %add3A : i32
          %mul3A_82 = arith.constant 1024 : i32
          %mul3A_83 = arith.muli %add3A_81, %mul3A_82 : i32
          %dma_start3A_84 = tpu.memref_slice %arg2[%mul3A_83] : memref<151552xi32, #tpu.memory_space<hbm>> -> memref<1024xi32, #tpu.memory_space<hbm>>
          %dma_start3A_85 = tpu.memref_slice %arg2[%mul3A_83] : memref<151552xi32, #tpu.memory_space<hbm>> -> memref<1024xi32, #tpu.memory_space<hbm>>
          tpu.enqueue_dma source(%dma_start3A_85 : memref<1024xi32, #tpu.memory_space<hbm>>) target(%arg9 : memref<1024xi32, #tpu.memory_space<vmem>>) target_semaphore(%arg22 : memref<!tpu.dma_semaphore, #tpu.memory_space<semaphore_mem>>)
          %dma_start3A_86 = tpu.memref_slice %arg3[%mul3A_83] : memref<151552xi32, #tpu.memory_space<hbm>> -> memref<1024xi32, #tpu.memory_space<hbm>>
          %dma_start3A_87 = tpu.memref_slice %arg3[%mul3A_83] : memref<151552xi32, #tpu.memory_space<hbm>> -> memref<1024xi32, #tpu.memory_space<hbm>>
          tpu.enqueue_dma source(%dma_start3A_87 : memref<1024xi32, #tpu.memory_space<hbm>>) target(%arg11 : memref<1024xi32, #tpu.memory_space<vmem>>) target_semaphore(%arg22 : memref<!tpu.dma_semaphore, #tpu.memory_space<semaphore_mem>>)
          %dma_start3A_88 = tpu.memref_slice %arg4[%mul3A_83] : memref<151552xi32, #tpu.memory_space<hbm>> -> memref<1024xi32, #tpu.memory_space<hbm>>
          %dma_start3A_89 = tpu.memref_slice %arg4[%mul3A_83] : memref<151552xi32, #tpu.memory_space<hbm>> -> memref<1024xi32, #tpu.memory_space<hbm>>
          tpu.enqueue_dma source(%dma_start3A_89 : memref<1024xi32, #tpu.memory_space<hbm>>) target(%arg13 : memref<1024xi32, #tpu.memory_space<vmem>>) target_semaphore(%arg22 : memref<!tpu.dma_semaphore, #tpu.memory_space<semaphore_mem>>)
          %dma_start3A_90 = arith.constant 0 : i32
          %dma_start3A_91 = tpu.memref_slice %arg5[%mul3A_83, %dma_start3A_90] : memref<151552x32xf32, #tpu.memory_space<hbm>> -> memref<1024x32xf32, #tpu.memory_space<hbm>>
          %dma_start3A_92 = arith.constant 0 : i32
          %dma_start3A_93 = tpu.memref_slice %arg5[%mul3A_83, %dma_start3A_92] : memref<151552x32xf32, #tpu.memory_space<hbm>> -> memref<1024x32xf32, #tpu.memory_space<hbm>>
          tpu.enqueue_dma source(%dma_start3A_93 : memref<1024x32xf32, #tpu.memory_space<hbm>>) target(%arg15 : memref<1024x32xf32, #tpu.memory_space<vmem>>) target_semaphore(%arg22 : memref<!tpu.dma_semaphore, #tpu.memory_space<semaphore_mem>>)
          %get3A = arith.constant 0 : index
          %get3A_94 = tpu.vector_load %arg8[%get3A] {strides = array<i32>} : memref<1024xi32, #tpu.memory_space<vmem>>, vector<16xi32>,
          %get3A_95 = vector.shape_cast %get3A_94 : vector<16xi32> to vector<16xi32>
          %get3A_96 = arith.constant 0 : index
          %get3A_97 = tpu.vector_load %arg10[%get3A_96] {strides = array<i32>} : memref<1024xi32, #tpu.memory_space<vmem>>, vector<16xi32>,
          %get3A_98 = vector.shape_cast %get3A_97 : vector<16xi32> to vector<16xi32>
          %get3A_99 = arith.constant 0 : index
          %get3A_100 = tpu.vector_load %arg12[%get3A_99] {strides = array<i32>} : memref<1024xi32, #tpu.memory_space<vmem>>, vector<16xi32>,
          %get3A_101 = vector.shape_cast %get3A_100 : vector<16xi32> to vector<16xi32>
          %mul3A_102 = arith.constant 16384 : i32
          %mul3A_103 = vector.broadcast %mul3A_102 : i32 to vector<16xi32>
          %mul3A_104 = arith.muli %get3A_95, %mul3A_103 : vector<16xi32>
          %mul3A_105 = arith.constant 128 : i32
          %mul3A_106 = vector.broadcast %mul3A_105 : i32 to vector<16xi32>
          %mul3A_107 = arith.muli %get3A_98, %mul3A_106 : vector<16xi32>
          %add3A_108 = arith.addi %mul3A_104, %mul3A_107 : vector<16xi32>
          %add3A_109 = arith.addi %add3A_108, %get3A_101 : vector<16xi32>
          %swap3A = arith.constant 0 : index
          %swap3A_110 = tpu.vector_load %arg16[%swap3A] {strides = array<i32>} : memref<256xi32, #tpu.memory_space<vmem>>, vector<16xi32>,
          %swap3A_111 = vector.shape_cast %swap3A_110 : vector<16xi32> to vector<16xi32>
          %swap3A_112 = vector.shape_cast %add3A_109 : vector<16xi32> to vector<16xi32>
          tpu.vector_store %arg16[%swap3A], %swap3A_112 {strides = array<i32>} : memref<256xi32, #tpu.memory_space<vmem>>, vector<16xi32>,
          %get3A_113 = arith.constant 16 : index
          %get3A_114 = tpu.vector_load %arg8[%get3A_113] {strides = array<i32>} : memref<1024xi32, #tpu.memory_space<vmem>>, vector<16xi32>,
          %get3A_115 = vector.shape_cast %get3A_114 : vector<16xi32> to vector<16xi32>
          %get3A_116 = arith.constant 16 : index
          %get3A_117 = tpu.vector_load %arg10[%get3A_116] {strides = array<i32>} : memref<1024xi32, #tpu.memory_space<vmem>>, vector<16xi32>,
          %get3A_118 = vector.shape_cast %get3A_117 : vector<16xi32> to vector<16xi32>
          %get3A_119 = arith.constant 16 : index
          %get3A_120 = tpu.vector_load %arg12[%get3A_119] {strides = array<i32>} : memref<1024xi32, #tpu.memory_space<vmem>>, vector<16xi32>,
          %get3A_121 = vector.shape_cast %get3A_120 : vector<16xi32> to vector<16xi32>
          %mul3A_122 = arith.constant 16384 : i32
          %mul3A_123 = vector.broadcast %mul3A_122 : i32 to vector<16xi32>
          %mul3A_124 = arith.muli %get3A_115, %mul3A_123 : vector<16xi32>
          %mul3A_125 = arith.constant 128 : i32
          %mul3A_126 = vector.broadcast %mul3A_125 : i32 to vector<16xi32>
          %mul3A_127 = arith.muli %get3A_118, %mul3A_126 : vector<16xi32>
          %add3A_128 = arith.addi %mul3A_124, %mul3A_127 : vector<16xi32>
          %add3A_129 = arith.addi %add3A_128, %get3A_121 : vector<16xi32>
          %swap3A_130 = arith.constant 16 : index
          %swap3A_131 = tpu.vector_load %arg16[%swap3A_130] {strides = array<i32>} : memref<256xi32, #tpu.memory_space<vmem>>, vector<16xi32>,
          %swap3A_132 = vector.shape_cast %swap3A_131 : vector<16xi32> to vector<16xi32>
          %swap3A_133 = vector.shape_cast %add3A_129 : vector<16xi32> to vector<16xi32>
          tpu.vector_store %arg16[%swap3A_130], %swap3A_133 {strides = array<i32>} : memref<256xi32, #tpu.memory_space<vmem>>, vector<16xi32>,
          %get3A_134 = arith.constant 32 : index
          %get3A_135 = tpu.vector_load %arg8[%get3A_134] {strides = array<i32>} : memref<1024xi32, #tpu.memory_space<vmem>>, vector<16xi32>,
          %get3A_136 = vector.shape_cast %get3A_135 : vector<16xi32> to vector<16xi32>
          %get3A_137 = arith.constant 32 : index
          %get3A_138 = tpu.vector_load %arg10[%get3A_137] {strides = array<i32>} : memref<1024xi32, #tpu.memory_space<vmem>>, vector<16xi32>,
          %get3A_139 = vector.shape_cast %get3A_138 : vector<16xi32> to vector<16xi32>
          %get3A_140 = arith.constant 32 : index
          %get3A_141 = tpu.vector_load %arg12[%get3A_140] {strides = array<i32>} : memref<1024xi32, #tpu.memory_space<vmem>>, vector<16xi32>,
          %get3A_142 = vector.shape_cast %get3A_141 : vector<16xi32> to vector<16xi32>
          %mul3A_143 = arith.constant 16384 : i32
          %mul3A_144 = vector.broadcast %mul3A_143 : i32 to vector<16xi32>
          %mul3A_145 = arith.muli %get3A_136, %mul3A_144 : vector<16xi32>
          %mul3A_146 = arith.constant 128 : i32
          %mul3A_147 = vector.broadcast %mul3A_146 : i32 to vector<16xi32>
          %mul3A_148 = arith.muli %get3A_139, %mul3A_147 : vector<16xi32>
          %add3A_149 = arith.addi %mul3A_145, %mul3A_148 : vector<16xi32>
          %add3A_150 = arith.addi %add3A_149, %get3A_142 : vector<16xi32>
          %swap3A_151 = arith.constant 32 : index
          %swap3A_152 = tpu.vector_load %arg16[%swap3A_151] {strides = array<i32>} : memref<256xi32, #tpu.memory_space<vmem>>, vector<16xi32>,
          %swap3A_153 = vector.shape_cast %swap3A_152 : vector<16xi32> to vector<16xi32>
          %swap3A_154 = vector.shape_cast %add3A_150 : vector<16xi32> to vector<16xi32>
          tpu.vector_store %arg16[%swap3A_151], %swap3A_154 {strides = array<i32>} : memref<256xi32, #tpu.memory_space<vmem>>, vector<16xi32>,
          %get3A_155 = arith.constant 48 : index
          %get3A_156 = tpu.vector_load %arg8[%get3A_155] {strides = array<i32>} : memref<1024xi32, #tpu.memory_space<vmem>>, vector<16xi32>,
          %get3A_157 = vector.shape_cast %get3A_156 : vector<16xi32> to vector<16xi32>
          %get3A_158 = arith.constant 48 : index
          %get3A_159 = tpu.vector_load %arg10[%get3A_158] {strides = array<i32>} : memref<1024xi32, #tpu.memory_space<vmem>>, vector<16xi32>,
          %get3A_160 = vector.shape_cast %get3A_159 : vector<16xi32> to vector<16xi32>
          %get3A_161 = arith.constant 48 : index
          %get3A_162 = tpu.vector_load %arg12[%get3A_161] {strides = array<i32>} : memref<1024xi32, #tpu.memory_space<vmem>>, vector<16xi32>,
          %get3A_163 = vector.shape_cast %get3A_162 : vector<16xi32> to vector<16xi32>
          %mul3A_164 = arith.constant 16384 : i32
          %mul3A_165 = vector.broadcast %mul3A_164 : i32 to vector<16xi32>
          %mul3A_166 = arith.muli %get3A_157, %mul3A_165 : vector<16xi32>
          %mul3A_167 = arith.constant 128 : i32
          %mul3A_168 = vector.broadcast %mul3A_167 : i32 to vector<16xi32>
          %mul3A_169 = arith.muli %get3A_160, %mul3A_168 : vector<16xi32>
          %add3A_170 = arith.addi %mul3A_166, %mul3A_169 : vector<16xi32>
          %add3A_171 = arith.addi %add3A_170, %get3A_163 : vector<16xi32>
          %swap3A_172 = arith.constant 48 : index
          %swap3A_173 = tpu.vector_load %arg16[%swap3A_172] {strides = array<i32>} : memref<256xi32, #tpu.memory_space<vmem>>, vector<16xi32>,
          %swap3A_174 = vector.shape_cast %swap3A_173 : vector<16xi32> to vector<16xi32>
          %swap3A_175 = vector.shape_cast %add3A_171 : vector<16xi32> to vector<16xi32>
          tpu.vector_store %arg16[%swap3A_172], %swap3A_175 {strides = array<i32>} : memref<256xi32, #tpu.memory_space<vmem>>, vector<16xi32>,
          %get3A_176 = arith.constant 64 : index
          %get3A_177 = tpu.vector_load %arg8[%get3A_176] {strides = array<i32>} : memref<1024xi32, #tpu.memory_space<vmem>>, vector<16xi32>,
          %get3A_178 = vector.shape_cast %get3A_177 : vector<16xi32> to vector<16xi32>
          %get3A_179 = arith.constant 64 : index
          %get3A_180 = tpu.vector_load %arg10[%get3A_179] {strides = array<i32>} : memref<1024xi32, #tpu.memory_space<vmem>>, vector<16xi32>,
          %get3A_181 = vector.shape_cast %get3A_180 : vector<16xi32> to vector<16xi32>
          %get3A_182 = arith.constant 64 : index
          %get3A_183 = tpu.vector_load %arg12[%get3A_182] {strides = array<i32>} : memref<1024xi32, #tpu.memory_space<vmem>>, vector<16xi32>,
          %get3A_184 = vector.shape_cast %get3A_183 : vector<16xi32> to vector<16xi32>
          %mul3A_185 = arith.constant 16384 : i32
          %mul3A_186 = vector.broadcast %mul3A_185 : i32 to vector<16xi32>
          %mul3A_187 = arith.muli %get3A_178, %mul3A_186 : vector<16xi32>
          %mul3A_188 = arith.constant 128 : i32
          %mul3A_189 = vector.broadcast %mul3A_188 : i32 to vector<16xi32>
          %mul3A_190 = arith.muli %get3A_181, %mul3A_189 : vector<16xi32>
          %add3A_191 = arith.addi %mul3A_187, %mul3A_190 : vector<16xi32>
          %add3A_192 = arith.addi %add3A_191, %get3A_184 : vector<16xi32>
          %swap3A_193 = arith.constant 64 : index
          %swap3A_194 = tpu.vector_load %arg16[%swap3A_193] {strides = array<i32>} : memref<256xi32, #tpu.memory_space<vmem>>, vector<16xi32>,
          %swap3A_195 = vector.shape_cast %swap3A_194 : vector<16xi32> to vector<16xi32>
          %swap3A_196 = vector.shape_cast %add3A_192 : vector<16xi32> to vector<16xi32>
          tpu.vector_store %arg16[%swap3A_193], %swap3A_196 {strides = array<i32>} : memref<256xi32, #tpu.memory_space<vmem>>, vector<16xi32>,
          %get3A_197 = arith.constant 80 : index
          %get3A_198 = tpu.vector_load %arg8[%get3A_197] {strides = array<i32>} : memref<1024xi32, #tpu.memory_space<vmem>>, vector<16xi32>,
          %get3A_199 = vector.shape_cast %get3A_198 : vector<16xi32> to vector<16xi32>
          %get3A_200 = arith.constant 80 : index
          %get3A_201 = tpu.vector_load %arg10[%get3A_200] {strides = array<i32>} : memref<1024xi32, #tpu.memory_space<vmem>>, vector<16xi32>,
          %get3A_202 = vector.shape_cast %get3A_201 : vector<16xi32> to vector<16xi32>
          %get3A_203 = arith.constant 80 : index
          %get3A_204 = tpu.vector_load %arg12[%get3A_203] {strides = array<i32>} : memref<1024xi32, #tpu.memory_space<vmem>>, vector<16xi32>,
          %get3A_205 = vector.shape_cast %get3A_204 : vector<16xi32> to vector<16xi32>
          %mul3A_206 = arith.constant 16384 : i32
          %mul3A_207 = vector.broadcast %mul3A_206 : i32 to vector<16xi32>
          %mul3A_208 = arith.muli %get3A_199, %mul3A_207 : vector<16xi32>
          %mul3A_209 = arith.constant 128 : i32
          %mul3A_210 = vector.broadcast %mul3A_209 : i32 to vector<16xi32>
          %mul3A_211 = arith.muli %get3A_202, %mul3A_210 : vector<16xi32>
          %add3A_212 = arith.addi %mul3A_208, %mul3A_211 : vector<16xi32>
          %add3A_213 = arith.addi %add3A_212, %get3A_205 : vector<16xi32>
          %swap3A_214 = arith.constant 80 : index
          %swap3A_215 = tpu.vector_load %arg16[%swap3A_214] {strides = array<i32>} : memref<256xi32, #tpu.memory_space<vmem>>, vector<16xi32>,
          %swap3A_216 = vector.shape_cast %swap3A_215 : vector<16xi32> to vector<16xi32>
          %swap3A_217 = vector.shape_cast %add3A_213 : vector<16xi32> to vector<16xi32>
          tpu.vector_store %arg16[%swap3A_214], %swap3A_217 {strides = array<i32>} : memref<256xi32, #tpu.memory_space<vmem>>, vector<16xi32>,
          %get3A_218 = arith.constant 96 : index
          %get3A_219 = tpu.vector_load %arg8[%get3A_218] {strides = array<i32>} : memref<1024xi32, #tpu.memory_space<vmem>>, vector<16xi32>,
          %get3A_220 = vector.shape_cast %get3A_219 : vector<16xi32> to vector<16xi32>
          %get3A_221 = arith.constant 96 : index
          %get3A_222 = tpu.vector_load %arg10[%get3A_221] {strides = array<i32>} : memref<1024xi32, #tpu.memory_space<vmem>>, vector<16xi32>,
          %get3A_223 = vector.shape_cast %get3A_222 : vector<16xi32> to vector<16xi32>
          %get3A_224 = arith.constant 96 : index
          %get3A_225 = tpu.vector_load %arg12[%get3A_224] {strides = array<i32>} : memref<1024xi32, #tpu.memory_space<vmem>>, vector<16xi32>,
          %get3A_226 = vector.shape_cast %get3A_225 : vector<16xi32> to vector<16xi32>
          %mul3A_227 = arith.constant 16384 : i32
          %mul3A_228 = vector.broadcast %mul3A_227 : i32 to vector<16xi32>
          %mul3A_229 = arith.muli %get3A_220, %mul3A_228 : vector<16xi32>
          %mul3A_230 = arith.constant 128 : i32
          %mul3A_231 = vector.broadcast %mul3A_230 : i32 to vector<16xi32>
          %mul3A_232 = arith.muli %get3A_223, %mul3A_231 : vector<16xi32>
          %add3A_233 = arith.addi %mul3A_229, %mul3A_232 : vector<16xi32>
          %add3A_234 = arith.addi %add3A_233, %get3A_226 : vector<16xi32>
          %swap3A_235 = arith.constant 96 : index
          %swap3A_236 = tpu.vector_load %arg16[%swap3A_235] {strides = array<i32>} : memref<256xi32, #tpu.memory_space<vmem>>, vector<16xi32>,
          %swap3A_237 = vector.shape_cast %swap3A_236 : vector<16xi32> to vector<16xi32>
          %swap3A_238 = vector.shape_cast %add3A_234 : vector<16xi32> to vector<16xi32>
          tpu.vector_store %arg16[%swap3A_235], %swap3A_238 {strides = array<i32>} : memref<256xi32, #tpu.memory_space<vmem>>, vector<16xi32>,
          %get3A_239 = arith.constant 112 : index
          %get3A_240 = tpu.vector_load %arg8[%get3A_239] {strides = array<i32>} : memref<1024xi32, #tpu.memory_space<vmem>>, vector<16xi32>,
          %get3A_241 = vector.shape_cast %get3A_240 : vector<16xi32> to vector<16xi32>
          %get3A_242 = arith.constant 112 : index
          %get3A_243 = tpu.vector_load %arg10[%get3A_242] {strides = array<i32>} : memref<1024xi32, #tpu.memory_space<vmem>>, vector<16xi32>,
          %get3A_244 = vector.shape_cast %get3A_243 : vector<16xi32> to vector<16xi32>
          %get3A_245 = arith.constant 112 : index
          %get3A_246 = tpu.vector_load %arg12[%get3A_245] {strides = array<i32>} : memref<1024xi32, #tpu.memory_space<vmem>>, vector<16xi32>,
          %get3A_247 = vector.shape_cast %get3A_246 : vector<16xi32> to vector<16xi32>
          %mul3A_248 = arith.constant 16384 : i32
          %mul3A_249 = vector.broadcast %mul3A_248 : i32 to vector<16xi32>
          %mul3A_250 = arith.muli %get3A_241, %mul3A_249 : vector<16xi32>
          %mul3A_251 = arith.constant 128 : i32
          %mul3A_252 = vector.broadcast %mul3A_251 : i32 to vector<16xi32>
          %mul3A_253 = arith.muli %get3A_244, %mul3A_252 : vector<16xi32>
          %add3A_254 = arith.addi %mul3A_250, %mul3A_253 : vector<16xi32>
          %add3A_255 = arith.addi %add3A_254, %get3A_247 : vector<16xi32>
          %swap3A_256 = arith.constant 112 : index
          %swap3A_257 = tpu.vector_load %arg16[%swap3A_256] {strides = array<i32>} : memref<256xi32, #tpu.memory_space<vmem>>, vector<16xi32>,
          %swap3A_258 = vector.shape_cast %swap3A_257 : vector<16xi32> to vector<16xi32>
          %swap3A_259 = vector.shape_cast %add3A_255 : vector<16xi32> to vector<16xi32>
          tpu.vector_store %arg16[%swap3A_256], %swap3A_259 {strides = array<i32>} : memref<256xi32, #tpu.memory_space<vmem>>, vector<16xi32>,
          %get3A_260 = arith.constant 128 : index
          %get3A_261 = tpu.vector_load %arg8[%get3A_260] {strides = array<i32>} : memref<1024xi32, #tpu.memory_space<vmem>>, vector<16xi32>,
          %get3A_262 = vector.shape_cast %get3A_261 : vector<16xi32> to vector<16xi32>
          %get3A_263 = arith.constant 128 : index
          %get3A_264 = tpu.vector_load %arg10[%get3A_263] {strides = array<i32>} : memref<1024xi32, #tpu.memory_space<vmem>>, vector<16xi32>,
          %get3A_265 = vector.shape_cast %get3A_264 : vector<16xi32> to vector<16xi32>
          %get3A_266 = arith.constant 128 : index
          %get3A_267 = tpu.vector_load %arg12[%get3A_266] {strides = array<i32>} : memref<1024xi32, #tpu.memory_space<vmem>>, vector<16xi32>,
          %get3A_268 = vector.shape_cast %get3A_267 : vector<16xi32> to vector<16xi32>
          %mul3A_269 = arith.constant 16384 : i32
          %mul3A_270 = vector.broadcast %mul3A_269 : i32 to vector<16xi32>
          %mul3A_271 = arith.muli %get3A_262, %mul3A_270 : vector<16xi32>
          %mul3A_272 = arith.constant 128 : i32
          %mul3A_273 = vector.broadcast %mul3A_272 : i32 to vector<16xi32>
          %mul3A_274 = arith.muli %get3A_265, %mul3A_273 : vector<16xi32>
          %add3A_275 = arith.addi %mul3A_271, %mul3A_274 : vector<16xi32>
          %add3A_276 = arith.addi %add3A_275, %get3A_268 : vector<16xi32>
          %swap3A_277 = arith.constant 128 : index
          %swap3A_278 = tpu.vector_load %arg16[%swap3A_277] {strides = array<i32>} : memref<256xi32, #tpu.memory_space<vmem>>, vector<16xi32>,
          %swap3A_279 = vector.shape_cast %swap3A_278 : vector<16xi32> to vector<16xi32>
          %swap3A_280 = vector.shape_cast %add3A_276 : vector<16xi32> to vector<16xi32>
          tpu.vector_store %arg16[%swap3A_277], %swap3A_280 {strides = array<i32>} : memref<256xi32, #tpu.memory_space<vmem>>, vector<16xi32>,
          %get3A_281 = arith.constant 144 : index
          %get3A_282 = tpu.vector_load %arg8[%get3A_281] {strides = array<i32>} : memref<1024xi32, #tpu.memory_space<vmem>>, vector<16xi32>,
          %get3A_283 = vector.shape_cast %get3A_282 : vector<16xi32> to vector<16xi32>
          %get3A_284 = arith.constant 144 : index
          %get3A_285 = tpu.vector_load %arg10[%get3A_284] {strides = array<i32>} : memref<1024xi32, #tpu.memory_space<vmem>>, vector<16xi32>,
          %get3A_286 = vector.shape_cast %get3A_285 : vector<16xi32> to vector<16xi32>
          %get3A_287 = arith.constant 144 : index
          %get3A_288 = tpu.vector_load %arg12[%get3A_287] {strides = array<i32>} : memref<1024xi32, #tpu.memory_space<vmem>>, vector<16xi32>,
          %get3A_289 = vector.shape_cast %get3A_288 : vector<16xi32> to vector<16xi32>
          %mul3A_290 = arith.constant 16384 : i32
          %mul3A_291 = vector.broadcast %mul3A_290 : i32 to vector<16xi32>
          %mul3A_292 = arith.muli %get3A_283, %mul3A_291 : vector<16xi32>
          %mul3A_293 = arith.constant 128 : i32
          %mul3A_294 = vector.broadcast %mul3A_293 : i32 to vector<16xi32>
          %mul3A_295 = arith.muli %get3A_286, %mul3A_294 : vector<16xi32>
          %add3A_296 = arith.addi %mul3A_292, %mul3A_295 : vector<16xi32>
          %add3A_297 = arith.addi %add3A_296, %get3A_289 : vector<16xi32>
          %swap3A_298 = arith.constant 144 : index
          %swap3A_299 = tpu.vector_load %arg16[%swap3A_298] {strides = array<i32>} : memref<256xi32, #tpu.memory_space<vmem>>, vector<16xi32>,
          %swap3A_300 = vector.shape_cast %swap3A_299 : vector<16xi32> to vector<16xi32>
          %swap3A_301 = vector.shape_cast %add3A_297 : vector<16xi32> to vector<16xi32>
          tpu.vector_store %arg16[%swap3A_298], %swap3A_301 {strides = array<i32>} : memref<256xi32, #tpu.memory_space<vmem>>, vector<16xi32>,
          %get3A_302 = arith.constant 160 : index
          %get3A_303 = tpu.vector_load %arg8[%get3A_302] {strides = array<i32>} : memref<1024xi32, #tpu.memory_space<vmem>>, vector<16xi32>,
          %get3A_304 = vector.shape_cast %get3A_303 : vector<16xi32> to vector<16xi32>
          %get3A_305 = arith.constant 160 : index
          %get3A_306 = tpu.vector_load %arg10[%get3A_305] {strides = array<i32>} : memref<1024xi32, #tpu.memory_space<vmem>>, vector<16xi32>,
          %get3A_307 = vector.shape_cast %get3A_306 : vector<16xi32> to vector<16xi32>
          %get3A_308 = arith.constant 160 : index
          %get3A_309 = tpu.vector_load %arg12[%get3A_308] {strides = array<i32>} : memref<1024xi32, #tpu.memory_space<vmem>>, vector<16xi32>,
          %get3A_310 = vector.shape_cast %get3A_309 : vector<16xi32> to vector<16xi32>
          %mul3A_311 = arith.constant 16384 : i32
          %mul3A_312 = vector.broadcast %mul3A_311 : i32 to vector<16xi32>
          %mul3A_313 = arith.muli %get3A_304, %mul3A_312 : vector<16xi32>
          %mul3A_314 = arith.constant 128 : i32
          %mul3A_315 = vector.broadcast %mul3A_314 : i32 to vector<16xi32>
          %mul3A_316 = arith.muli %get3A_307, %mul3A_315 : vector<16xi32>
          %add3A_317 = arith.addi %mul3A_313, %mul3A_316 : vector<16xi32>
          %add3A_318 = arith.addi %add3A_317, %get3A_310 : vector<16xi32>
          %swap3A_319 = arith.constant 160 : index
          %swap3A_320 = tpu.vector_load %arg16[%swap3A_319] {strides = array<i32>} : memref<256xi32, #tpu.memory_space<vmem>>, vector<16xi32>,
          %swap3A_321 = vector.shape_cast %swap3A_320 : vector<16xi32> to vector<16xi32>
          %swap3A_322 = vector.shape_cast %add3A_318 : vector<16xi32> to vector<16xi32>
          tpu.vector_store %arg16[%swap3A_319], %swap3A_322 {strides = array<i32>} : memref<256xi32, #tpu.memory_space<vmem>>, vector<16xi32>,
          %get3A_323 = arith.constant 176 : index
          %get3A_324 = tpu.vector_load %arg8[%get3A_323] {strides = array<i32>} : memref<1024xi32, #tpu.memory_space<vmem>>, vector<16xi32>,
          %get3A_325 = vector.shape_cast %get3A_324 : vector<16xi32> to vector<16xi32>
          %get3A_326 = arith.constant 176 : index
          %get3A_327 = tpu.vector_load %arg10[%get3A_326] {strides = array<i32>} : memref<1024xi32, #tpu.memory_space<vmem>>, vector<16xi32>,
          %get3A_328 = vector.shape_cast %get3A_327 : vector<16xi32> to vector<16xi32>
          %get3A_329 = arith.constant 176 : index
          %get3A_330 = tpu.vector_load %arg12[%get3A_329] {strides = array<i32>} : memref<1024xi32, #tpu.memory_space<vmem>>, vector<16xi32>,
          %get3A_331 = vector.shape_cast %get3A_330 : vector<16xi32> to vector<16xi32>
          %mul3A_332 = arith.constant 16384 : i32
          %mul3A_333 = vector.broadcast %mul3A_332 : i32 to vector<16xi32>
          %mul3A_334 = arith.muli %get3A_325, %mul3A_333 : vector<16xi32>
          %mul3A_335 = arith.constant 128 : i32
          %mul3A_336 = vector.broadcast %mul3A_335 : i32 to vector<16xi32>
          %mul3A_337 = arith.muli %get3A_328, %mul3A_336 : vector<16xi32>
          %add3A_338 = arith.addi %mul3A_334, %mul3A_337 : vector<16xi32>
          %add3A_339 = arith.addi %add3A_338, %get3A_331 : vector<16xi32>
          %swap3A_340 = arith.constant 176 : index
          %swap3A_341 = tpu.vector_load %arg16[%swap3A_340] {strides = array<i32>} : memref<256xi32, #tpu.memory_space<vmem>>, vector<16xi32>,
          %swap3A_342 = vector.shape_cast %swap3A_341 : vector<16xi32> to vector<16xi32>
          %swap3A_343 = vector.shape_cast %add3A_339 : vector<16xi32> to vector<16xi32>
          tpu.vector_store %arg16[%swap3A_340], %swap3A_343 {strides = array<i32>} : memref<256xi32, #tpu.memory_space<vmem>>, vector<16xi32>,
          %get3A_344 = arith.constant 192 : index
          %get3A_345 = tpu.vector_load %arg8[%get3A_344] {strides = array<i32>} : memref<1024xi32, #tpu.memory_space<vmem>>, vector<16xi32>,
          %get3A_346 = vector.shape_cast %get3A_345 : vector<16xi32> to vector<16xi32>
          %get3A_347 = arith.constant 192 : index
          %get3A_348 = tpu.vector_load %arg10[%get3A_347] {strides = array<i32>} : memref<1024xi32, #tpu.memory_space<vmem>>, vector<16xi32>,
          %get3A_349 = vector.shape_cast %get3A_348 : vector<16xi32> to vector<16xi32>
          %get3A_350 = arith.constant 192 : index
          %get3A_351 = tpu.vector_load %arg12[%get3A_350] {strides = array<i32>} : memref<1024xi32, #tpu.memory_space<vmem>>, vector<16xi32>,
          %get3A_352 = vector.shape_cast %get3A_351 : vector<16xi32> to vector<16xi32>
          %mul3A_353 = arith.constant 16384 : i32
          %mul3A_354 = vector.broadcast %mul3A_353 : i32 to vector<16xi32>
          %mul3A_355 = arith.muli %get3A_346, %mul3A_354 : vector<16xi32>
          %mul3A_356 = arith.constant 128 : i32
          %mul3A_357 = vector.broadcast %mul3A_356 : i32 to vector<16xi32>
          %mul3A_358 = arith.muli %get3A_349, %mul3A_357 : vector<16xi32>
          %add3A_359 = arith.addi %mul3A_355, %mul3A_358 : vector<16xi32>
          %add3A_360 = arith.addi %add3A_359, %get3A_352 : vector<16xi32>
          %swap3A_361 = arith.constant 192 : index
          %swap3A_362 = tpu.vector_load %arg16[%swap3A_361] {strides = array<i32>} : memref<256xi32, #tpu.memory_space<vmem>>, vector<16xi32>,
          %swap3A_363 = vector.shape_cast %swap3A_362 : vector<16xi32> to vector<16xi32>
          %swap3A_364 = vector.shape_cast %add3A_360 : vector<16xi32> to vector<16xi32>
          tpu.vector_store %arg16[%swap3A_361], %swap3A_364 {strides = array<i32>} : memref<256xi32, #tpu.memory_space<vmem>>, vector<16xi32>,
          %get3A_365 = arith.constant 208 : index
          %get3A_366 = tpu.vector_load %arg8[%get3A_365] {strides = array<i32>} : memref<1024xi32, #tpu.memory_space<vmem>>, vector<16xi32>,
          %get3A_367 = vector.shape_cast %get3A_366 : vector<16xi32> to vector<16xi32>
          %get3A_368 = arith.constant 208 : index
          %get3A_369 = tpu.vector_load %arg10[%get3A_368] {strides = array<i32>} : memref<1024xi32, #tpu.memory_space<vmem>>, vector<16xi32>,
          %get3A_370 = vector.shape_cast %get3A_369 : vector<16xi32> to vector<16xi32>
          %get3A_371 = arith.constant 208 : index
          %get3A_372 = tpu.vector_load %arg12[%get3A_371] {strides = array<i32>} : memref<1024xi32, #tpu.memory_space<vmem>>, vector<16xi32>,
          %get3A_373 = vector.shape_cast %get3A_372 : vector<16xi32> to vector<16xi32>
          %mul3A_374 = arith.constant 16384 : i32
          %mul3A_375 = vector.broadcast %mul3A_374 : i32 to vector<16xi32>
          %mul3A_376 = arith.muli %get3A_367, %mul3A_375 : vector<16xi32>
          %mul3A_377 = arith.constant 128 : i32
          %mul3A_378 = vector.broadcast %mul3A_377 : i32 to vector<16xi32>
          %mul3A_379 = arith.muli %get3A_370, %mul3A_378 : vector<16xi32>
          %add3A_380 = arith.addi %mul3A_376, %mul3A_379 : vector<16xi32>
          %add3A_381 = arith.addi %add3A_380, %get3A_373 : vector<16xi32>
          %swap3A_382 = arith.constant 208 : index
          %swap3A_383 = tpu.vector_load %arg16[%swap3A_382] {strides = array<i32>} : memref<256xi32, #tpu.memory_space<vmem>>, vector<16xi32>,
          %swap3A_384 = vector.shape_cast %swap3A_383 : vector<16xi32> to vector<16xi32>
          %swap3A_385 = vector.shape_cast %add3A_381 : vector<16xi32> to vector<16xi32>
          tpu.vector_store %arg16[%swap3A_382], %swap3A_385 {strides = array<i32>} : memref<256xi32, #tpu.memory_space<vmem>>, vector<16xi32>,
          %get3A_386 = arith.constant 224 : index
          %get3A_387 = tpu.vector_load %arg8[%get3A_386] {strides = array<i32>} : memref<1024xi32, #tpu.memory_space<vmem>>, vector<16xi32>,
          %get3A_388 = vector.shape_cast %get3A_387 : vector<16xi32> to vector<16xi32>
          %get3A_389 = arith.constant 224 : index
          %get3A_390 = tpu.vector_load %arg10[%get3A_389] {strides = array<i32>} : memref<1024xi32, #tpu.memory_space<vmem>>, vector<16xi32>,
          %get3A_391 = vector.shape_cast %get3A_390 : vector<16xi32> to vector<16xi32>
          %get3A_392 = arith.constant 224 : index
          %get3A_393 = tpu.vector_load %arg12[%get3A_392] {strides = array<i32>} : memref<1024xi32, #tpu.memory_space<vmem>>, vector<16xi32>,
          %get3A_394 = vector.shape_cast %get3A_393 : vector<16xi32> to vector<16xi32>
          %mul3A_395 = arith.constant 16384 : i32
          %mul3A_396 = vector.broadcast %mul3A_395 : i32 to vector<16xi32>
          %mul3A_397 = arith.muli %get3A_388, %mul3A_396 : vector<16xi32>
          %mul3A_398 = arith.constant 128 : i32
          %mul3A_399 = vector.broadcast %mul3A_398 : i32 to vector<16xi32>
          %mul3A_400 = arith.muli %get3A_391, %mul3A_399 : vector<16xi32>
          %add3A_401 = arith.addi %mul3A_397, %mul3A_400 : vector<16xi32>
          %add3A_402 = arith.addi %add3A_401, %get3A_394 : vector<16xi32>
          %swap3A_403 = arith.constant 224 : index
          %swap3A_404 = tpu.vector_load %arg16[%swap3A_403] {strides = array<i32>} : memref<256xi32, #tpu.memory_space<vmem>>, vector<16xi32>,
          %swap3A_405 = vector.shape_cast %swap3A_404 : vector<16xi32> to vector<16xi32>
          %swap3A_406 = vector.shape_cast %add3A_402 : vector<16xi32> to vector<16xi32>
          tpu.vector_store %arg16[%swap3A_403], %swap3A_406 {strides = array<i32>} : memref<256xi32, #tpu.memory_space<vmem>>, vector<16xi32>,
          %get3A_407 = arith.constant 240 : index
          %get3A_408 = tpu.vector_load %arg8[%get3A_407] {strides = array<i32>} : memref<1024xi32, #tpu.memory_space<vmem>>, vector<16xi32>,
          %get3A_409 = vector.shape_cast %get3A_408 : vector<16xi32> to vector<16xi32>
          %get3A_410 = arith.constant 240 : index
          %get3A_411 = tpu.vector_load %arg10[%get3A_410] {strides = array<i32>} : memref<1024xi32, #tpu.memory_space<vmem>>, vector<16xi32>,
          %get3A_412 = vector.shape_cast %get3A_411 : vector<16xi32> to vector<16xi32>
          %get3A_413 = arith.constant 240 : index
          %get3A_414 = tpu.vector_load %arg12[%get3A_413] {strides = array<i32>} : memref<1024xi32, #tpu.memory_space<vmem>>, vector<16xi32>,
          %get3A_415 = vector.shape_cast %get3A_414 : vector<16xi32> to vector<16xi32>
          %mul3A_416 = arith.constant 16384 : i32
          %mul3A_417 = vector.broadcast %mul3A_416 : i32 to vector<16xi32>
          %mul3A_418 = arith.muli %get3A_409, %mul3A_417 : vector<16xi32>
          %mul3A_419 = arith.constant 128 : i32
          %mul3A_420 = vector.broadcast %mul3A_419 : i32 to vector<16xi32>
          %mul3A_421 = arith.muli %get3A_412, %mul3A_420 : vector<16xi32>
          %add3A_422 = arith.addi %mul3A_418, %mul3A_421 : vector<16xi32>
          %add3A_423 = arith.addi %add3A_422, %get3A_415 : vector<16xi32>
          %swap3A_424 = arith.constant 240 : index
          %swap3A_425 = tpu.vector_load %arg16[%swap3A_424] {strides = array<i32>} : memref<256xi32, #tpu.memory_space<vmem>>, vector<16xi32>,
          %swap3A_426 = vector.shape_cast %swap3A_425 : vector<16xi32> to vector<16xi32>
          %swap3A_427 = vector.shape_cast %add3A_423 : vector<16xi32> to vector<16xi32>
          tpu.vector_store %arg16[%swap3A_424], %swap3A_427 {strides = array<i32>} : memref<256xi32, #tpu.memory_space<vmem>>, vector<16xi32>,
          %get3A_428 = arith.constant 256 : index
          %get3A_429 = tpu.vector_load %arg8[%get3A_428] {strides = array<i32>} : memref<1024xi32, #tpu.memory_space<vmem>>, vector<16xi32>,
          %get3A_430 = vector.shape_cast %get3A_429 : vector<16xi32> to vector<16xi32>
          %get3A_431 = arith.constant 256 : index
          %get3A_432 = tpu.vector_load %arg10[%get3A_431] {strides = array<i32>} : memref<1024xi32, #tpu.memory_space<vmem>>, vector<16xi32>,
          %get3A_433 = vector.shape_cast %get3A_432 : vector<16xi32> to vector<16xi32>
          %get3A_434 = arith.constant 256 : index
          %get3A_435 = tpu.vector_load %arg12[%get3A_434] {strides = array<i32>} : memref<1024xi32, #tpu.memory_space<vmem>>, vector<16xi32>,
          %get3A_436 = vector.shape_cast %get3A_435 : vector<16xi32> to vector<16xi32>
          %mul3A_437 = arith.constant 16384 : i32
          %mul3A_438 = vector.broadcast %mul3A_437 : i32 to vector<16xi32>
          %mul3A_439 = arith.muli %get3A_430, %mul3A_438 : vector<16xi32>
          %mul3A_440 = arith.constant 128 : i32
          %mul3A_441 = vector.broadcast %mul3A_440 : i32 to vector<16xi32>
          %mul3A_442 = arith.muli %get3A_433, %mul3A_441 : vector<16xi32>
          %add3A_443 = arith.addi %mul3A_439, %mul3A_442 : vector<16xi32>
          %add3A_444 = arith.addi %add3A_443, %get3A_436 : vector<16xi32>
          %swap3A_445 = arith.constant 0 : index
          %swap3A_446 = tpu.vector_load %arg17[%swap3A_445] {strides = array<i32>} : memref<256xi32, #tpu.memory_space<vmem>>, vector<16xi32>,
          %swap3A_447 = vector.shape_cast %swap3A_446 : vector<16xi32> to vector<16xi32>
          %swap3A_448 = vector.shape_cast %add3A_444 : vector<16xi32> to vector<16xi32>
          tpu.vector_store %arg17[%swap3A_445], %swap3A_448 {strides = array<i32>} : memref<256xi32, #tpu.memory_space<vmem>>, vector<16xi32>,
          %get3A_449 = arith.constant 272 : index
          %get3A_450 = tpu.vector_load %arg8[%get3A_449] {strides = array<i32>} : memref<1024xi32, #tpu.memory_space<vmem>>, vector<16xi32>,
          %get3A_451 = vector.shape_cast %get3A_450 : vector<16xi32> to vector<16xi32>
          %get3A_452 = arith.constant 272 : index
          %get3A_453 = tpu.vector_load %arg10[%get3A_452] {strides = array<i32>} : memref<1024xi32, #tpu.memory_space<vmem>>, vector<16xi32>,
          %get3A_454 = vector.shape_cast %get3A_453 : vector<16xi32> to vector<16xi32>
          %get3A_455 = arith.constant 272 : index
          %get3A_456 = tpu.vector_load %arg12[%get3A_455] {strides = array<i32>} : memref<1024xi32, #tpu.memory_space<vmem>>, vector<16xi32>,
          %get3A_457 = vector.shape_cast %get3A_456 : vector<16xi32> to vector<16xi32>
          %mul3A_458 = arith.constant 16384 : i32
          %mul3A_459 = vector.broadcast %mul3A_458 : i32 to vector<16xi32>
          %mul3A_460 = arith.muli %get3A_451, %mul3A_459 : vector<16xi32>
          %mul3A_461 = arith.constant 128 : i32
          %mul3A_462 = vector.broadcast %mul3A_461 : i32 to vector<16xi32>
          %mul3A_463 = arith.muli %get3A_454, %mul3A_462 : vector<16xi32>
          %add3A_464 = arith.addi %mul3A_460, %mul3A_463 : vector<16xi32>
          %add3A_465 = arith.addi %add3A_464, %get3A_457 : vector<16xi32>
          %swap3A_466 = arith.constant 16 : index
          %swap3A_467 = tpu.vector_load %arg17[%swap3A_466] {strides = array<i32>} : memref<256xi32, #tpu.memory_space<vmem>>, vector<16xi32>,
          %swap3A_468 = vector.shape_cast %swap3A_467 : vector<16xi32> to vector<16xi32>
          %swap3A_469 = vector.shape_cast %add3A_465 : vector<16xi32> to vector<16xi32>
          tpu.vector_store %arg17[%swap3A_466], %swap3A_469 {strides = array<i32>} : memref<256xi32, #tpu.memory_space<vmem>>, vector<16xi32>,
          %get3A_470 = arith.constant 288 : index
          %get3A_471 = tpu.vector_load %arg8[%get3A_470] {strides = array<i32>} : memref<1024xi32, #tpu.memory_space<vmem>>, vector<16xi32>,
          %get3A_472 = vector.shape_cast %get3A_471 : vector<16xi32> to vector<16xi32>
          %get3A_473 = arith.constant 288 : index
          %get3A_474 = tpu.vector_load %arg10[%get3A_473] {strides = array<i32>} : memref<1024xi32, #tpu.memory_space<vmem>>, vector<16xi32>,
          %get3A_475 = vector.shape_cast %get3A_474 : vector<16xi32> to vector<16xi32>
          %get3A_476 = arith.constant 288 : index
          %get3A_477 = tpu.vector_load %arg12[%get3A_476] {strides = array<i32>} : memref<1024xi32, #tpu.memory_space<vmem>>, vector<16xi32>,
          %get3A_478 = vector.shape_cast %get3A_477 : vector<16xi32> to vector<16xi32>
          %mul3A_479 = arith.constant 16384 : i32
          %mul3A_480 = vector.broadcast %mul3A_479 : i32 to vector<16xi32>
          %mul3A_481 = arith.muli %get3A_472, %mul3A_480 : vector<16xi32>
          %mul3A_482 = arith.constant 128 : i32
          %mul3A_483 = vector.broadcast %mul3A_482 : i32 to vector<16xi32>
          %mul3A_484 = arith.muli %get3A_475, %mul3A_483 : vector<16xi32>
          %add3A_485 = arith.addi %mul3A_481, %mul3A_484 : vector<16xi32>
          %add3A_486 = arith.addi %add3A_485, %get3A_478 : vector<16xi32>
          %swap3A_487 = arith.constant 32 : index
          %swap3A_488 = tpu.vector_load %arg17[%swap3A_487] {strides = array<i32>} : memref<256xi32, #tpu.memory_space<vmem>>, vector<16xi32>,
          %swap3A_489 = vector.shape_cast %swap3A_488 : vector<16xi32> to vector<16xi32>
          %swap3A_490 = vector.shape_cast %add3A_486 : vector<16xi32> to vector<16xi32>
          tpu.vector_store %arg17[%swap3A_487], %swap3A_490 {strides = array<i32>} : memref<256xi32, #tpu.memory_space<vmem>>, vector<16xi32>,
          %get3A_491 = arith.constant 304 : index
          %get3A_492 = tpu.vector_load %arg8[%get3A_491] {strides = array<i32>} : memref<1024xi32, #tpu.memory_space<vmem>>, vector<16xi32>,
          %get3A_493 = vector.shape_cast %get3A_492 : vector<16xi32> to vector<16xi32>
          %get3A_494 = arith.constant 304 : index
          %get3A_495 = tpu.vector_load %arg10[%get3A_494] {strides = array<i32>} : memref<1024xi32, #tpu.memory_space<vmem>>, vector<16xi32>,
          %get3A_496 = vector.shape_cast %get3A_495 : vector<16xi32> to vector<16xi32>
          %get3A_497 = arith.constant 304 : index
          %get3A_498 = tpu.vector_load %arg12[%get3A_497] {strides = array<i32>} : memref<1024xi32, #tpu.memory_space<vmem>>, vector<16xi32>,
          %get3A_499 = vector.shape_cast %get3A_498 : vector<16xi32> to vector<16xi32>
          %mul3A_500 = arith.constant 16384 : i32
          %mul3A_501 = vector.broadcast %mul3A_500 : i32 to vector<16xi32>
          %mul3A_502 = arith.muli %get3A_493, %mul3A_501 : vector<16xi32>
          %mul3A_503 = arith.constant 128 : i32
          %mul3A_504 = vector.broadcast %mul3A_503 : i32 to vector<16xi32>
          %mul3A_505 = arith.muli %get3A_496, %mul3A_504 : vector<16xi32>
          %add3A_506 = arith.addi %mul3A_502, %mul3A_505 : vector<16xi32>
          %add3A_507 = arith.addi %add3A_506, %get3A_499 : vector<16xi32>
          %swap3A_508 = arith.constant 48 : index
          %swap3A_509 = tpu.vector_load %arg17[%swap3A_508] {strides = array<i32>} : memref<256xi32, #tpu.memory_space<vmem>>, vector<16xi32>,
          %swap3A_510 = vector.shape_cast %swap3A_509 : vector<16xi32> to vector<16xi32>
          %swap3A_511 = vector.shape_cast %add3A_507 : vector<16xi32> to vector<16xi32>
          tpu.vector_store %arg17[%swap3A_508], %swap3A_511 {strides = array<i32>} : memref<256xi32, #tpu.memory_space<vmem>>, vector<16xi32>,
          %get3A_512 = arith.constant 320 : index
          %get3A_513 = tpu.vector_load %arg8[%get3A_512] {strides = array<i32>} : memref<1024xi32, #tpu.memory_space<vmem>>, vector<16xi32>,
          %get3A_514 = vector.shape_cast %get3A_513 : vector<16xi32> to vector<16xi32>
          %get3A_515 = arith.constant 320 : index
          %get3A_516 = tpu.vector_load %arg10[%get3A_515] {strides = array<i32>} : memref<1024xi32, #tpu.memory_space<vmem>>, vector<16xi32>,
          %get3A_517 = vector.shape_cast %get3A_516 : vector<16xi32> to vector<16xi32>
          %get3A_518 = arith.constant 320 : index
          %get3A_519 = tpu.vector_load %arg12[%get3A_518] {strides = array<i32>} : memref<1024xi32, #tpu.memory_space<vmem>>, vector<16xi32>,
          %get3A_520 = vector.shape_cast %get3A_519 : vector<16xi32> to vector<16xi32>
          %mul3A_521 = arith.constant 16384 : i32
          %mul3A_522 = vector.broadcast %mul3A_521 : i32 to vector<16xi32>
          %mul3A_523 = arith.muli %get3A_514, %mul3A_522 : vector<16xi32>
          %mul3A_524 = arith.constant 128 : i32
          %mul3A_525 = vector.broadcast %mul3A_524 : i32 to vector<16xi32>
          %mul3A_526 = arith.muli %get3A_517, %mul3A_525 : vector<16xi32>
          %add3A_527 = arith.addi %mul3A_523, %mul3A_526 : vector<16xi32>
          %add3A_528 = arith.addi %add3A_527, %get3A_520 : vector<16xi32>
          %swap3A_529 = arith.constant 64 : index
          %swap3A_530 = tpu.vector_load %arg17[%swap3A_529] {strides = array<i32>} : memref<256xi32, #tpu.memory_space<vmem>>, vector<16xi32>,
          %swap3A_531 = vector.shape_cast %swap3A_530 : vector<16xi32> to vector<16xi32>
          %swap3A_532 = vector.shape_cast %add3A_528 : vector<16xi32> to vector<16xi32>
          tpu.vector_store %arg17[%swap3A_529], %swap3A_532 {strides = array<i32>} : memref<256xi32, #tpu.memory_space<vmem>>, vector<16xi32>,
          %get3A_533 = arith.constant 336 : index
          %get3A_534 = tpu.vector_load %arg8[%get3A_533] {strides = array<i32>} : memref<1024xi32, #tpu.memory_space<vmem>>, vector<16xi32>,
          %get3A_535 = vector.shape_cast %get3A_534 : vector<16xi32> to vector<16xi32>
          %get3A_536 = arith.constant 336 : index
          %get3A_537 = tpu.vector_load %arg10[%get3A_536] {strides = array<i32>} : memref<1024xi32, #tpu.memory_space<vmem>>, vector<16xi32>,
          %get3A_538 = vector.shape_cast %get3A_537 : vector<16xi32> to vector<16xi32>
          %get3A_539 = arith.constant 336 : index
          %get3A_540 = tpu.vector_load %arg12[%get3A_539] {strides = array<i32>} : memref<1024xi32, #tpu.memory_space<vmem>>, vector<16xi32>,
          %get3A_541 = vector.shape_cast %get3A_540 : vector<16xi32> to vector<16xi32>
          %mul3A_542 = arith.constant 16384 : i32
          %mul3A_543 = vector.broadcast %mul3A_542 : i32 to vector<16xi32>
          %mul3A_544 = arith.muli %get3A_535, %mul3A_543 : vector<16xi32>
          %mul3A_545 = arith.constant 128 : i32
          %mul3A_546 = vector.broadcast %mul3A_545 : i32 to vector<16xi32>
          %mul3A_547 = arith.muli %get3A_538, %mul3A_546 : vector<16xi32>
          %add3A_548 = arith.addi %mul3A_544, %mul3A_547 : vector<16xi32>
          %add3A_549 = arith.addi %add3A_548, %get3A_541 : vector<16xi32>
          %swap3A_550 = arith.constant 80 : index
          %swap3A_551 = tpu.vector_load %arg17[%swap3A_550] {strides = array<i32>} : memref<256xi32, #tpu.memory_space<vmem>>, vector<16xi32>,
          %swap3A_552 = vector.shape_cast %swap3A_551 : vector<16xi32> to vector<16xi32>
          %swap3A_553 = vector.shape_cast %add3A_549 : vector<16xi32> to vector<16xi32>
          tpu.vector_store %arg17[%swap3A_550], %swap3A_553 {strides = array<i32>} : memref<256xi32, #tpu.memory_space<vmem>>, vector<16xi32>,
          %get3A_554 = arith.constant 352 : index
          %get3A_555 = tpu.vector_load %arg8[%get3A_554] {strides = array<i32>} : memref<1024xi32, #tpu.memory_space<vmem>>, vector<16xi32>,
          %get3A_556 = vector.shape_cast %get3A_555 : vector<16xi32> to vector<16xi32>
          %get3A_557 = arith.constant 352 : index
          %get3A_558 = tpu.vector_load %arg10[%get3A_557] {strides = array<i32>} : memref<1024xi32, #tpu.memory_space<vmem>>, vector<16xi32>,
          %get3A_559 = vector.shape_cast %get3A_558 : vector<16xi32> to vector<16xi32>
          %get3A_560 = arith.constant 352 : index
          %get3A_561 = tpu.vector_load %arg12[%get3A_560] {strides = array<i32>} : memref<1024xi32, #tpu.memory_space<vmem>>, vector<16xi32>,
          %get3A_562 = vector.shape_cast %get3A_561 : vector<16xi32> to vector<16xi32>
          %mul3A_563 = arith.constant 16384 : i32
          %mul3A_564 = vector.broadcast %mul3A_563 : i32 to vector<16xi32>
          %mul3A_565 = arith.muli %get3A_556, %mul3A_564 : vector<16xi32>
          %mul3A_566 = arith.constant 128 : i32
          %mul3A_567 = vector.broadcast %mul3A_566 : i32 to vector<16xi32>
          %mul3A_568 = arith.muli %get3A_559, %mul3A_567 : vector<16xi32>
          %add3A_569 = arith.addi %mul3A_565, %mul3A_568 : vector<16xi32>
          %add3A_570 = arith.addi %add3A_569, %get3A_562 : vector<16xi32>
          %swap3A_571 = arith.constant 96 : index
          %swap3A_572 = tpu.vector_load %arg17[%swap3A_571] {strides = array<i32>} : memref<256xi32, #tpu.memory_space<vmem>>, vector<16xi32>,
          %swap3A_573 = vector.shape_cast %swap3A_572 : vector<16xi32> to vector<16xi32>
          %swap3A_574 = vector.shape_cast %add3A_570 : vector<16xi32> to vector<16xi32>
          tpu.vector_store %arg17[%swap3A_571], %swap3A_574 {strides = array<i32>} : memref<256xi32, #tpu.memory_space<vmem>>, vector<16xi32>,
          %get3A_575 = arith.constant 368 : index
          %get3A_576 = tpu.vector_load %arg8[%get3A_575] {strides = array<i32>} : memref<1024xi32, #tpu.memory_space<vmem>>, vector<16xi32>,
          %get3A_577 = vector.shape_cast %get3A_576 : vector<16xi32> to vector<16xi32>
          %get3A_578 = arith.constant 368 : index
          %get3A_579 = tpu.vector_load %arg10[%get3A_578] {strides = array<i32>} : memref<1024xi32, #tpu.memory_space<vmem>>, vector<16xi32>,
          %get3A_580 = vector.shape_cast %get3A_579 : vector<16xi32> to vector<16xi32>
          %get3A_581 = arith.constant 368 : index
          %get3A_582 = tpu.vector_load %arg12[%get3A_581] {strides = array<i32>} : memref<1024xi32, #tpu.memory_space<vmem>>, vector<16xi32>,
          %get3A_583 = vector.shape_cast %get3A_582 : vector<16xi32> to vector<16xi32>
          %mul3A_584 = arith.constant 16384 : i32
          %mul3A_585 = vector.broadcast %mul3A_584 : i32 to vector<16xi32>
          %mul3A_586 = arith.muli %get3A_577, %mul3A_585 : vector<16xi32>
          %mul3A_587 = arith.constant 128 : i32
          %mul3A_588 = vector.broadcast %mul3A_587 : i32 to vector<16xi32>
          %mul3A_589 = arith.muli %get3A_580, %mul3A_588 : vector<16xi32>
          %add3A_590 = arith.addi %mul3A_586, %mul3A_589 : vector<16xi32>
          %add3A_591 = arith.addi %add3A_590, %get3A_583 : vector<16xi32>
          %swap3A_592 = arith.constant 112 : index
          %swap3A_593 = tpu.vector_load %arg17[%swap3A_592] {strides = array<i32>} : memref<256xi32, #tpu.memory_space<vmem>>, vector<16xi32>,
          %swap3A_594 = vector.shape_cast %swap3A_593 : vector<16xi32> to vector<16xi32>
          %swap3A_595 = vector.shape_cast %add3A_591 : vector<16xi32> to vector<16xi32>
          tpu.vector_store %arg17[%swap3A_592], %swap3A_595 {strides = array<i32>} : memref<256xi32, #tpu.memory_space<vmem>>, vector<16xi32>,
          %get3A_596 = arith.constant 384 : index
          %get3A_597 = tpu.vector_load %arg8[%get3A_596] {strides = array<i32>} : memref<1024xi32, #tpu.memory_space<vmem>>, vector<16xi32>,
          %get3A_598 = vector.shape_cast %get3A_597 : vector<16xi32> to vector<16xi32>
          %get3A_599 = arith.constant 384 : index
          %get3A_600 = tpu.vector_load %arg10[%get3A_599] {strides = array<i32>} : memref<1024xi32, #tpu.memory_space<vmem>>, vector<16xi32>,
          %get3A_601 = vector.shape_cast %get3A_600 : vector<16xi32> to vector<16xi32>
          %get3A_602 = arith.constant 384 : index
          %get3A_603 = tpu.vector_load %arg12[%get3A_602] {strides = array<i32>} : memref<1024xi32, #tpu.memory_space<vmem>>, vector<16xi32>,
          %get3A_604 = vector.shape_cast %get3A_603 : vector<16xi32> to vector<16xi32>
          %mul3A_605 = arith.constant 16384 : i32
          %mul3A_606 = vector.broadcast %mul3A_605 : i32 to vector<16xi32>
          %mul3A_607 = arith.muli %get3A_598, %mul3A_606 : vector<16xi32>
          %mul3A_608 = arith.constant 128 : i32
          %mul3A_609 = vector.broadcast %mul3A_608 : i32 to vector<16xi32>
          %mul3A_610 = arith.muli %get3A_601, %mul3A_609 : vector<16xi32>
          %add3A_611 = arith.addi %mul3A_607, %mul3A_610 : vector<16xi32>
          %add3A_612 = arith.addi %add3A_611, %get3A_604 : vector<16xi32>
          %swap3A_613 = arith.constant 128 : index
          %swap3A_614 = tpu.vector_load %arg17[%swap3A_613] {strides = array<i32>} : memref<256xi32, #tpu.memory_space<vmem>>, vector<16xi32>,
          %swap3A_615 = vector.shape_cast %swap3A_614 : vector<16xi32> to vector<16xi32>
          %swap3A_616 = vector.shape_cast %add3A_612 : vector<16xi32> to vector<16xi32>
          tpu.vector_store %arg17[%swap3A_613], %swap3A_616 {strides = array<i32>} : memref<256xi32, #tpu.memory_space<vmem>>, vector<16xi32>,
          %get3A_617 = arith.constant 400 : index
          %get3A_618 = tpu.vector_load %arg8[%get3A_617] {strides = array<i32>} : memref<1024xi32, #tpu.memory_space<vmem>>, vector<16xi32>,
          %get3A_619 = vector.shape_cast %get3A_618 : vector<16xi32> to vector<16xi32>
          %get3A_620 = arith.constant 400 : index
          %get3A_621 = tpu.vector_load %arg10[%get3A_620] {strides = array<i32>} : memref<1024xi32, #tpu.memory_space<vmem>>, vector<16xi32>,
          %get3A_622 = vector.shape_cast %get3A_621 : vector<16xi32> to vector<16xi32>
          %get3A_623 = arith.constant 400 : index
          %get3A_624 = tpu.vector_load %arg12[%get3A_623] {strides = array<i32>} : memref<1024xi32, #tpu.memory_space<vmem>>, vector<16xi32>,
          %get3A_625 = vector.shape_cast %get3A_624 : vector<16xi32> to vector<16xi32>
          %mul3A_626 = arith.constant 16384 : i32
          %mul3A_627 = vector.broadcast %mul3A_626 : i32 to vector<16xi32>
          %mul3A_628 = arith.muli %get3A_619, %mul3A_627 : vector<16xi32>
          %mul3A_629 = arith.constant 128 : i32
          %mul3A_630 = vector.broadcast %mul3A_629 : i32 to vector<16xi32>
          %mul3A_631 = arith.muli %get3A_622, %mul3A_630 : vector<16xi32>
          %add3A_632 = arith.addi %mul3A_628, %mul3A_631 : vector<16xi32>
          %add3A_633 = arith.addi %add3A_632, %get3A_625 : vector<16xi32>
          %swap3A_634 = arith.constant 144 : index
          %swap3A_635 = tpu.vector_load %arg17[%swap3A_634] {strides = array<i32>} : memref<256xi32, #tpu.memory_space<vmem>>, vector<16xi32>,
          %swap3A_636 = vector.shape_cast %swap3A_635 : vector<16xi32> to vector<16xi32>
          %swap3A_637 = vector.shape_cast %add3A_633 : vector<16xi32> to vector<16xi32>
          tpu.vector_store %arg17[%swap3A_634], %swap3A_637 {strides = array<i32>} : memref<256xi32, #tpu.memory_space<vmem>>, vector<16xi32>,
          %get3A_638 = arith.constant 416 : index
          %get3A_639 = tpu.vector_load %arg8[%get3A_638] {strides = array<i32>} : memref<1024xi32, #tpu.memory_space<vmem>>, vector<16xi32>,
          %get3A_640 = vector.shape_cast %get3A_639 : vector<16xi32> to vector<16xi32>
          %get3A_641 = arith.constant 416 : index
          %get3A_642 = tpu.vector_load %arg10[%get3A_641] {strides = array<i32>} : memref<1024xi32, #tpu.memory_space<vmem>>, vector<16xi32>,
          %get3A_643 = vector.shape_cast %get3A_642 : vector<16xi32> to vector<16xi32>
          %get3A_644 = arith.constant 416 : index
          %get3A_645 = tpu.vector_load %arg12[%get3A_644] {strides = array<i32>} : memref<1024xi32, #tpu.memory_space<vmem>>, vector<16xi32>,
          %get3A_646 = vector.shape_cast %get3A_645 : vector<16xi32> to vector<16xi32>
          %mul3A_647 = arith.constant 16384 : i32
          %mul3A_648 = vector.broadcast %mul3A_647 : i32 to vector<16xi32>
          %mul3A_649 = arith.muli %get3A_640, %mul3A_648 : vector<16xi32>
          %mul3A_650 = arith.constant 128 : i32
          %mul3A_651 = vector.broadcast %mul3A_650 : i32 to vector<16xi32>
          %mul3A_652 = arith.muli %get3A_643, %mul3A_651 : vector<16xi32>
          %add3A_653 = arith.addi %mul3A_649, %mul3A_652 : vector<16xi32>
          %add3A_654 = arith.addi %add3A_653, %get3A_646 : vector<16xi32>
          %swap3A_655 = arith.constant 160 : index
          %swap3A_656 = tpu.vector_load %arg17[%swap3A_655] {strides = array<i32>} : memref<256xi32, #tpu.memory_space<vmem>>, vector<16xi32>,
          %swap3A_657 = vector.shape_cast %swap3A_656 : vector<16xi32> to vector<16xi32>
          %swap3A_658 = vector.shape_cast %add3A_654 : vector<16xi32> to vector<16xi32>
          tpu.vector_store %arg17[%swap3A_655], %swap3A_658 {strides = array<i32>} : memref<256xi32, #tpu.memory_space<vmem>>, vector<16xi32>,
          %get3A_659 = arith.constant 432 : index
          %get3A_660 = tpu.vector_load %arg8[%get3A_659] {strides = array<i32>} : memref<1024xi32, #tpu.memory_space<vmem>>, vector<16xi32>,
          %get3A_661 = vector.shape_cast %get3A_660 : vector<16xi32> to vector<16xi32>
          %get3A_662 = arith.constant 432 : index
          %get3A_663 = tpu.vector_load %arg10[%get3A_662] {strides = array<i32>} : memref<1024xi32, #tpu.memory_space<vmem>>, vector<16xi32>,
          %get3A_664 = vector.shape_cast %get3A_663 : vector<16xi32> to vector<16xi32>
          %get3A_665 = arith.constant 432 : index
          %get3A_666 = tpu.vector_load %arg12[%get3A_665] {strides = array<i32>} : memref<1024xi32, #tpu.memory_space<vmem>>, vector<16xi32>,
          %get3A_667 = vector.shape_cast %get3A_666 : vector<16xi32> to vector<16xi32>
          %mul3A_668 = arith.constant 16384 : i32
          %mul3A_669 = vector.broadcast %mul3A_668 : i32 to vector<16xi32>
          %mul3A_670 = arith.muli %get3A_661, %mul3A_669 : vector<16xi32>
          %mul3A_671 = arith.constant 128 : i32
          %mul3A_672 = vector.broadcast %mul3A_671 : i32 to vector<16xi32>
          %mul3A_673 = arith.muli %get3A_664, %mul3A_672 : vector<16xi32>
          %add3A_674 = arith.addi %mul3A_670, %mul3A_673 : vector<16xi32>
          %add3A_675 = arith.addi %add3A_674, %get3A_667 : vector<16xi32>
          %swap3A_676 = arith.constant 176 : index
          %swap3A_677 = tpu.vector_load %arg17[%swap3A_676] {strides = array<i32>} : memref<256xi32, #tpu.memory_space<vmem>>, vector<16xi32>,
          %swap3A_678 = vector.shape_cast %swap3A_677 : vector<16xi32> to vector<16xi32>
          %swap3A_679 = vector.shape_cast %add3A_675 : vector<16xi32> to vector<16xi32>
          tpu.vector_store %arg17[%swap3A_676], %swap3A_679 {strides = array<i32>} : memref<256xi32, #tpu.memory_space<vmem>>, vector<16xi32>,
          %get3A_680 = arith.constant 448 : index
          %get3A_681 = tpu.vector_load %arg8[%get3A_680] {strides = array<i32>} : memref<1024xi32, #tpu.memory_space<vmem>>, vector<16xi32>,
          %get3A_682 = vector.shape_cast %get3A_681 : vector<16xi32> to vector<16xi32>
          %get3A_683 = arith.constant 448 : index
          %get3A_684 = tpu.vector_load %arg10[%get3A_683] {strides = array<i32>} : memref<1024xi32, #tpu.memory_space<vmem>>, vector<16xi32>,
          %get3A_685 = vector.shape_cast %get3A_684 : vector<16xi32> to vector<16xi32>
          %get3A_686 = arith.constant 448 : index
          %get3A_687 = tpu.vector_load %arg12[%get3A_686] {strides = array<i32>} : memref<1024xi32, #tpu.memory_space<vmem>>, vector<16xi32>,
          %get3A_688 = vector.shape_cast %get3A_687 : vector<16xi32> to vector<16xi32>
          %mul3A_689 = arith.constant 16384 : i32
          %mul3A_690 = vector.broadcast %mul3A_689 : i32 to vector<16xi32>
          %mul3A_691 = arith.muli %get3A_682, %mul3A_690 : vector<16xi32>
          %mul3A_692 = arith.constant 128 : i32
          %mul3A_693 = vector.broadcast %mul3A_692 : i32 to vector<16xi32>
          %mul3A_694 = arith.muli %get3A_685, %mul3A_693 : vector<16xi32>
          %add3A_695 = arith.addi %mul3A_691, %mul3A_694 : vector<16xi32>
          %add3A_696 = arith.addi %add3A_695, %get3A_688 : vector<16xi32>
          %swap3A_697 = arith.constant 192 : index
          %swap3A_698 = tpu.vector_load %arg17[%swap3A_697] {strides = array<i32>} : memref<256xi32, #tpu.memory_space<vmem>>, vector<16xi32>,
          %swap3A_699 = vector.shape_cast %swap3A_698 : vector<16xi32> to vector<16xi32>
          %swap3A_700 = vector.shape_cast %add3A_696 : vector<16xi32> to vector<16xi32>
          tpu.vector_store %arg17[%swap3A_697], %swap3A_700 {strides = array<i32>} : memref<256xi32, #tpu.memory_space<vmem>>, vector<16xi32>,
          %get3A_701 = arith.constant 464 : index
          %get3A_702 = tpu.vector_load %arg8[%get3A_701] {strides = array<i32>} : memref<1024xi32, #tpu.memory_space<vmem>>, vector<16xi32>,
          %get3A_703 = vector.shape_cast %get3A_702 : vector<16xi32> to vector<16xi32>
          %get3A_704 = arith.constant 464 : index
          %get3A_705 = tpu.vector_load %arg10[%get3A_704] {strides = array<i32>} : memref<1024xi32, #tpu.memory_space<vmem>>, vector<16xi32>,
          %get3A_706 = vector.shape_cast %get3A_705 : vector<16xi32> to vector<16xi32>
          %get3A_707 = arith.constant 464 : index
          %get3A_708 = tpu.vector_load %arg12[%get3A_707] {strides = array<i32>} : memref<1024xi32, #tpu.memory_space<vmem>>, vector<16xi32>,
          %get3A_709 = vector.shape_cast %get3A_708 : vector<16xi32> to vector<16xi32>
          %mul3A_710 = arith.constant 16384 : i32
          %mul3A_711 = vector.broadcast %mul3A_710 : i32 to vector<16xi32>
          %mul3A_712 = arith.muli %get3A_703, %mul3A_711 : vector<16xi32>
          %mul3A_713 = arith.constant 128 : i32
          %mul3A_714 = vector.broadcast %mul3A_713 : i32 to vector<16xi32>
          %mul3A_715 = arith.muli %get3A_706, %mul3A_714 : vector<16xi32>
          %add3A_716 = arith.addi %mul3A_712, %mul3A_715 : vector<16xi32>
          %add3A_717 = arith.addi %add3A_716, %get3A_709 : vector<16xi32>
          %swap3A_718 = arith.constant 208 : index
          %swap3A_719 = tpu.vector_load %arg17[%swap3A_718] {strides = array<i32>} : memref<256xi32, #tpu.memory_space<vmem>>, vector<16xi32>,
          %swap3A_720 = vector.shape_cast %swap3A_719 : vector<16xi32> to vector<16xi32>
          %swap3A_721 = vector.shape_cast %add3A_717 : vector<16xi32> to vector<16xi32>
          tpu.vector_store %arg17[%swap3A_718], %swap3A_721 {strides = array<i32>} : memref<256xi32, #tpu.memory_space<vmem>>, vector<16xi32>,
          %get3A_722 = arith.constant 480 : index
          %get3A_723 = tpu.vector_load %arg8[%get3A_722] {strides = array<i32>} : memref<1024xi32, #tpu.memory_space<vmem>>, vector<16xi32>,
          %get3A_724 = vector.shape_cast %get3A_723 : vector<16xi32> to vector<16xi32>
          %get3A_725 = arith.constant 480 : index
          %get3A_726 = tpu.vector_load %arg10[%get3A_725] {strides = array<i32>} : memref<1024xi32, #tpu.memory_space<vmem>>, vector<16xi32>,
          %get3A_727 = vector.shape_cast %get3A_726 : vector<16xi32> to vector<16xi32>
          %get3A_728 = arith.constant 480 : index
          %get3A_729 = tpu.vector_load %arg12[%get3A_728] {strides = array<i32>} : memref<1024xi32, #tpu.memory_space<vmem>>, vector<16xi32>,
          %get3A_730 = vector.shape_cast %get3A_729 : vector<16xi32> to vector<16xi32>
          %mul3A_731 = arith.constant 16384 : i32
          %mul3A_732 = vector.broadcast %mul3A_731 : i32 to vector<16xi32>
          %mul3A_733 = arith.muli %get3A_724, %mul3A_732 : vector<16xi32>
          %mul3A_734 = arith.constant 128 : i32
          %mul3A_735 = vector.broadcast %mul3A_734 : i32 to vector<16xi32>
          %mul3A_736 = arith.muli %get3A_727, %mul3A_735 : vector<16xi32>
          %add3A_737 = arith.addi %mul3A_733, %mul3A_736 : vector<16xi32>
          %add3A_738 = arith.addi %add3A_737, %get3A_730 : vector<16xi32>
          %swap3A_739 = arith.constant 224 : index
          %swap3A_740 = tpu.vector_load %arg17[%swap3A_739] {strides = array<i32>} : memref<256xi32, #tpu.memory_space<vmem>>, vector<16xi32>,
          %swap3A_741 = vector.shape_cast %swap3A_740 : vector<16xi32> to vector<16xi32>
          %swap3A_742 = vector.shape_cast %add3A_738 : vector<16xi32> to vector<16xi32>
          tpu.vector_store %arg17[%swap3A_739], %swap3A_742 {strides = array<i32>} : memref<256xi32, #tpu.memory_space<vmem>>, vector<16xi32>,
          %get3A_743 = arith.constant 496 : index
          %get3A_744 = tpu.vector_load %arg8[%get3A_743] {strides = array<i32>} : memref<1024xi32, #tpu.memory_space<vmem>>, vector<16xi32>,
          %get3A_745 = vector.shape_cast %get3A_744 : vector<16xi32> to vector<16xi32>
          %get3A_746 = arith.constant 496 : index
          %get3A_747 = tpu.vector_load %arg10[%get3A_746] {strides = array<i32>} : memref<1024xi32, #tpu.memory_space<vmem>>, vector<16xi32>,
          %get3A_748 = vector.shape_cast %get3A_747 : vector<16xi32> to vector<16xi32>
          %get3A_749 = arith.constant 496 : index
          %get3A_750 = tpu.vector_load %arg12[%get3A_749] {strides = array<i32>} : memref<1024xi32, #tpu.memory_space<vmem>>, vector<16xi32>,
          %get3A_751 = vector.shape_cast %get3A_750 : vector<16xi32> to vector<16xi32>
          %mul3A_752 = arith.constant 16384 : i32
          %mul3A_753 = vector.broadcast %mul3A_752 : i32 to vector<16xi32>
          %mul3A_754 = arith.muli %get3A_745, %mul3A_753 : vector<16xi32>
          %mul3A_755 = arith.constant 128 : i32
          %mul3A_756 = vector.broadcast %mul3A_755 : i32 to vector<16xi32>
          %mul3A_757 = arith.muli %get3A_748, %mul3A_756 : vector<16xi32>
          %add3A_758 = arith.addi %mul3A_754, %mul3A_757 : vector<16xi32>
          %add3A_759 = arith.addi %add3A_758, %get3A_751 : vector<16xi32>
          %swap3A_760 = arith.constant 240 : index
          %swap3A_761 = tpu.vector_load %arg17[%swap3A_760] {strides = array<i32>} : memref<256xi32, #tpu.memory_space<vmem>>, vector<16xi32>,
          %swap3A_762 = vector.shape_cast %swap3A_761 : vector<16xi32> to vector<16xi32>
          %swap3A_763 = vector.shape_cast %add3A_759 : vector<16xi32> to vector<16xi32>
          tpu.vector_store %arg17[%swap3A_760], %swap3A_763 {strides = array<i32>} : memref<256xi32, #tpu.memory_space<vmem>>, vector<16xi32>,
          %get3A_764 = arith.constant 512 : index
          %get3A_765 = tpu.vector_load %arg8[%get3A_764] {strides = array<i32>} : memref<1024xi32, #tpu.memory_space<vmem>>, vector<16xi32>,
          %get3A_766 = vector.shape_cast %get3A_765 : vector<16xi32> to vector<16xi32>
          %get3A_767 = arith.constant 512 : index
          %get3A_768 = tpu.vector_load %arg10[%get3A_767] {strides = array<i32>} : memref<1024xi32, #tpu.memory_space<vmem>>, vector<16xi32>,
          %get3A_769 = vector.shape_cast %get3A_768 : vector<16xi32> to vector<16xi32>
          %get3A_770 = arith.constant 512 : index
          %get3A_771 = tpu.vector_load %arg12[%get3A_770] {strides = array<i32>} : memref<1024xi32, #tpu.memory_space<vmem>>, vector<16xi32>,
          %get3A_772 = vector.shape_cast %get3A_771 : vector<16xi32> to vector<16xi32>
          %mul3A_773 = arith.constant 16384 : i32
          %mul3A_774 = vector.broadcast %mul3A_773 : i32 to vector<16xi32>
          %mul3A_775 = arith.muli %get3A_766, %mul3A_774 : vector<16xi32>
          %mul3A_776 = arith.constant 128 : i32
          %mul3A_777 = vector.broadcast %mul3A_776 : i32 to vector<16xi32>
          %mul3A_778 = arith.muli %get3A_769, %mul3A_777 : vector<16xi32>
          %add3A_779 = arith.addi %mul3A_775, %mul3A_778 : vector<16xi32>
          %add3A_780 = arith.addi %add3A_779, %get3A_772 : vector<16xi32>
          %swap3A_781 = arith.constant 0 : index
          %swap3A_782 = tpu.vector_load %arg18[%swap3A_781] {strides = array<i32>} : memref<256xi32, #tpu.memory_space<vmem>>, vector<16xi32>,
          %swap3A_783 = vector.shape_cast %swap3A_782 : vector<16xi32> to vector<16xi32>
          %swap3A_784 = vector.shape_cast %add3A_780 : vector<16xi32> to vector<16xi32>
          tpu.vector_store %arg18[%swap3A_781], %swap3A_784 {strides = array<i32>} : memref<256xi32, #tpu.memory_space<vmem>>, vector<16xi32>,
          %get3A_785 = arith.constant 528 : index
          %get3A_786 = tpu.vector_load %arg8[%get3A_785] {strides = array<i32>} : memref<1024xi32, #tpu.memory_space<vmem>>, vector<16xi32>,
          %get3A_787 = vector.shape_cast %get3A_786 : vector<16xi32> to vector<16xi32>
          %get3A_788 = arith.constant 528 : index
          %get3A_789 = tpu.vector_load %arg10[%get3A_788] {strides = array<i32>} : memref<1024xi32, #tpu.memory_space<vmem>>, vector<16xi32>,
          %get3A_790 = vector.shape_cast %get3A_789 : vector<16xi32> to vector<16xi32>
          %get3A_791 = arith.constant 528 : index
          %get3A_792 = tpu.vector_load %arg12[%get3A_791] {strides = array<i32>} : memref<1024xi32, #tpu.memory_space<vmem>>, vector<16xi32>,
          %get3A_793 = vector.shape_cast %get3A_792 : vector<16xi32> to vector<16xi32>
          %mul3A_794 = arith.constant 16384 : i32
          %mul3A_795 = vector.broadcast %mul3A_794 : i32 to vector<16xi32>
          %mul3A_796 = arith.muli %get3A_787, %mul3A_795 : vector<16xi32>
          %mul3A_797 = arith.constant 128 : i32
          %mul3A_798 = vector.broadcast %mul3A_797 : i32 to vector<16xi32>
          %mul3A_799 = arith.muli %get3A_790, %mul3A_798 : vector<16xi32>
          %add3A_800 = arith.addi %mul3A_796, %mul3A_799 : vector<16xi32>
          %add3A_801 = arith.addi %add3A_800, %get3A_793 : vector<16xi32>
          %swap3A_802 = arith.constant 16 : index
          %swap3A_803 = tpu.vector_load %arg18[%swap3A_802] {strides = array<i32>} : memref<256xi32, #tpu.memory_space<vmem>>, vector<16xi32>,
          %swap3A_804 = vector.shape_cast %swap3A_803 : vector<16xi32> to vector<16xi32>
          %swap3A_805 = vector.shape_cast %add3A_801 : vector<16xi32> to vector<16xi32>
          tpu.vector_store %arg18[%swap3A_802], %swap3A_805 {strides = array<i32>} : memref<256xi32, #tpu.memory_space<vmem>>, vector<16xi32>,
          %get3A_806 = arith.constant 544 : index
          %get3A_807 = tpu.vector_load %arg8[%get3A_806] {strides = array<i32>} : memref<1024xi32, #tpu.memory_space<vmem>>, vector<16xi32>,
          %get3A_808 = vector.shape_cast %get3A_807 : vector<16xi32> to vector<16xi32>
          %get3A_809 = arith.constant 544 : index
          %get3A_810 = tpu.vector_load %arg10[%get3A_809] {strides = array<i32>} : memref<1024xi32, #tpu.memory_space<vmem>>, vector<16xi32>,
          %get3A_811 = vector.shape_cast %get3A_810 : vector<16xi32> to vector<16xi32>
          %get3A_812 = arith.constant 544 : index
          %get3A_813 = tpu.vector_load %arg12[%get3A_812] {strides = array<i32>} : memref<1024xi32, #tpu.memory_space<vmem>>, vector<16xi32>,
          %get3A_814 = vector.shape_cast %get3A_813 : vector<16xi32> to vector<16xi32>
          %mul3A_815 = arith.constant 16384 : i32
          %mul3A_816 = vector.broadcast %mul3A_815 : i32 to vector<16xi32>
          %mul3A_817 = arith.muli %get3A_808, %mul3A_816 : vector<16xi32>
          %mul3A_818 = arith.constant 128 : i32
          %mul3A_819 = vector.broadcast %mul3A_818 : i32 to vector<16xi32>
          %mul3A_820 = arith.muli %get3A_811, %mul3A_819 : vector<16xi32>
          %add3A_821 = arith.addi %mul3A_817, %mul3A_820 : vector<16xi32>
          %add3A_822 = arith.addi %add3A_821, %get3A_814 : vector<16xi32>
          %swap3A_823 = arith.constant 32 : index
          %swap3A_824 = tpu.vector_load %arg18[%swap3A_823] {strides = array<i32>} : memref<256xi32, #tpu.memory_space<vmem>>, vector<16xi32>,
          %swap3A_825 = vector.shape_cast %swap3A_824 : vector<16xi32> to vector<16xi32>
          %swap3A_826 = vector.shape_cast %add3A_822 : vector<16xi32> to vector<16xi32>
          tpu.vector_store %arg18[%swap3A_823], %swap3A_826 {strides = array<i32>} : memref<256xi32, #tpu.memory_space<vmem>>, vector<16xi32>,
          %get3A_827 = arith.constant 560 : index
          %get3A_828 = tpu.vector_load %arg8[%get3A_827] {strides = array<i32>} : memref<1024xi32, #tpu.memory_space<vmem>>, vector<16xi32>,
          %get3A_829 = vector.shape_cast %get3A_828 : vector<16xi32> to vector<16xi32>
          %get3A_830 = arith.constant 560 : index
          %get3A_831 = tpu.vector_load %arg10[%get3A_830] {strides = array<i32>} : memref<1024xi32, #tpu.memory_space<vmem>>, vector<16xi32>,
          %get3A_832 = vector.shape_cast %get3A_831 : vector<16xi32> to vector<16xi32>
          %get3A_833 = arith.constant 560 : index
          %get3A_834 = tpu.vector_load %arg12[%get3A_833] {strides = array<i32>} : memref<1024xi32, #tpu.memory_space<vmem>>, vector<16xi32>,
          %get3A_835 = vector.shape_cast %get3A_834 : vector<16xi32> to vector<16xi32>
          %mul3A_836 = arith.constant 16384 : i32
          %mul3A_837 = vector.broadcast %mul3A_836 : i32 to vector<16xi32>
          %mul3A_838 = arith.muli %get3A_829, %mul3A_837 : vector<16xi32>
          %mul3A_839 = arith.constant 128 : i32
          %mul3A_840 = vector.broadcast %mul3A_839 : i32 to vector<16xi32>
          %mul3A_841 = arith.muli %get3A_832, %mul3A_840 : vector<16xi32>
          %add3A_842 = arith.addi %mul3A_838, %mul3A_841 : vector<16xi32>
          %add3A_843 = arith.addi %add3A_842, %get3A_835 : vector<16xi32>
          %swap3A_844 = arith.constant 48 : index
          %swap3A_845 = tpu.vector_load %arg18[%swap3A_844] {strides = array<i32>} : memref<256xi32, #tpu.memory_space<vmem>>, vector<16xi32>,
          %swap3A_846 = vector.shape_cast %swap3A_845 : vector<16xi32> to vector<16xi32>
          %swap3A_847 = vector.shape_cast %add3A_843 : vector<16xi32> to vector<16xi32>
          tpu.vector_store %arg18[%swap3A_844], %swap3A_847 {strides = array<i32>} : memref<256xi32, #tpu.memory_space<vmem>>, vector<16xi32>,
          %get3A_848 = arith.constant 576 : index
          %get3A_849 = tpu.vector_load %arg8[%get3A_848] {strides = array<i32>} : memref<1024xi32, #tpu.memory_space<vmem>>, vector<16xi32>,
          %get3A_850 = vector.shape_cast %get3A_849 : vector<16xi32> to vector<16xi32>
          %get3A_851 = arith.constant 576 : index
          %get3A_852 = tpu.vector_load %arg10[%get3A_851] {strides = array<i32>} : memref<1024xi32, #tpu.memory_space<vmem>>, vector<16xi32>,
          %get3A_853 = vector.shape_cast %get3A_852 : vector<16xi32> to vector<16xi32>
          %get3A_854 = arith.constant 576 : index
          %get3A_855 = tpu.vector_load %arg12[%get3A_854] {strides = array<i32>} : memref<1024xi32, #tpu.memory_space<vmem>>, vector<16xi32>,
          %get3A_856 = vector.shape_cast %get3A_855 : vector<16xi32> to vector<16xi32>
          %mul3A_857 = arith.constant 16384 : i32
          %mul3A_858 = vector.broadcast %mul3A_857 : i32 to vector<16xi32>
          %mul3A_859 = arith.muli %get3A_850, %mul3A_858 : vector<16xi32>
          %mul3A_860 = arith.constant 128 : i32
          %mul3A_861 = vector.broadcast %mul3A_860 : i32 to vector<16xi32>
          %mul3A_862 = arith.muli %get3A_853, %mul3A_861 : vector<16xi32>
          %add3A_863 = arith.addi %mul3A_859, %mul3A_862 : vector<16xi32>
          %add3A_864 = arith.addi %add3A_863, %get3A_856 : vector<16xi32>
          %swap3A_865 = arith.constant 64 : index
          %swap3A_866 = tpu.vector_load %arg18[%swap3A_865] {strides = array<i32>} : memref<256xi32, #tpu.memory_space<vmem>>, vector<16xi32>,
          %swap3A_867 = vector.shape_cast %swap3A_866 : vector<16xi32> to vector<16xi32>
          %swap3A_868 = vector.shape_cast %add3A_864 : vector<16xi32> to vector<16xi32>
          tpu.vector_store %arg18[%swap3A_865], %swap3A_868 {strides = array<i32>} : memref<256xi32, #tpu.memory_space<vmem>>, vector<16xi32>,
          %get3A_869 = arith.constant 592 : index
          %get3A_870 = tpu.vector_load %arg8[%get3A_869] {strides = array<i32>} : memref<1024xi32, #tpu.memory_space<vmem>>, vector<16xi32>,
          %get3A_871 = vector.shape_cast %get3A_870 : vector<16xi32> to vector<16xi32>
          %get3A_872 = arith.constant 592 : index
          %get3A_873 = tpu.vector_load %arg10[%get3A_872] {strides = array<i32>} : memref<1024xi32, #tpu.memory_space<vmem>>, vector<16xi32>,
          %get3A_874 = vector.shape_cast %get3A_873 : vector<16xi32> to vector<16xi32>
          %get3A_875 = arith.constant 592 : index
          %get3A_876 = tpu.vector_load %arg12[%get3A_875] {strides = array<i32>} : memref<1024xi32, #tpu.memory_space<vmem>>, vector<16xi32>,
          %get3A_877 = vector.shape_cast %get3A_876 : vector<16xi32> to vector<16xi32>
          %mul3A_878 = arith.constant 16384 : i32
          %mul3A_879 = vector.broadcast %mul3A_878 : i32 to vector<16xi32>
          %mul3A_880 = arith.muli %get3A_871, %mul3A_879 : vector<16xi32>
          %mul3A_881 = arith.constant 128 : i32
          %mul3A_882 = vector.broadcast %mul3A_881 : i32 to vector<16xi32>
          %mul3A_883 = arith.muli %get3A_874, %mul3A_882 : vector<16xi32>
          %add3A_884 = arith.addi %mul3A_880, %mul3A_883 : vector<16xi32>
          %add3A_885 = arith.addi %add3A_884, %get3A_877 : vector<16xi32>
          %swap3A_886 = arith.constant 80 : index
          %swap3A_887 = tpu.vector_load %arg18[%swap3A_886] {strides = array<i32>} : memref<256xi32, #tpu.memory_space<vmem>>, vector<16xi32>,
          %swap3A_888 = vector.shape_cast %swap3A_887 : vector<16xi32> to vector<16xi32>
          %swap3A_889 = vector.shape_cast %add3A_885 : vector<16xi32> to vector<16xi32>
          tpu.vector_store %arg18[%swap3A_886], %swap3A_889 {strides = array<i32>} : memref<256xi32, #tpu.memory_space<vmem>>, vector<16xi32>,
          %get3A_890 = arith.constant 608 : index
          %get3A_891 = tpu.vector_load %arg8[%get3A_890] {strides = array<i32>} : memref<1024xi32, #tpu.memory_space<vmem>>, vector<16xi32>,
          %get3A_892 = vector.shape_cast %get3A_891 : vector<16xi32> to vector<16xi32>
          %get3A_893 = arith.constant 608 : index
          %get3A_894 = tpu.vector_load %arg10[%get3A_893] {strides = array<i32>} : memref<1024xi32, #tpu.memory_space<vmem>>, vector<16xi32>,
          %get3A_895 = vector.shape_cast %get3A_894 : vector<16xi32> to vector<16xi32>
          %get3A_896 = arith.constant 608 : index
          %get3A_897 = tpu.vector_load %arg12[%get3A_896] {strides = array<i32>} : memref<1024xi32, #tpu.memory_space<vmem>>, vector<16xi32>,
          %get3A_898 = vector.shape_cast %get3A_897 : vector<16xi32> to vector<16xi32>
          %mul3A_899 = arith.constant 16384 : i32
          %mul3A_900 = vector.broadcast %mul3A_899 : i32 to vector<16xi32>
          %mul3A_901 = arith.muli %get3A_892, %mul3A_900 : vector<16xi32>
          %mul3A_902 = arith.constant 128 : i32
          %mul3A_903 = vector.broadcast %mul3A_902 : i32 to vector<16xi32>
          %mul3A_904 = arith.muli %get3A_895, %mul3A_903 : vector<16xi32>
          %add3A_905 = arith.addi %mul3A_901, %mul3A_904 : vector<16xi32>
          %add3A_906 = arith.addi %add3A_905, %get3A_898 : vector<16xi32>
          %swap3A_907 = arith.constant 96 : index
          %swap3A_908 = tpu.vector_load %arg18[%swap3A_907] {strides = array<i32>} : memref<256xi32, #tpu.memory_space<vmem>>, vector<16xi32>,
          %swap3A_909 = vector.shape_cast %swap3A_908 : vector<16xi32> to vector<16xi32>
          %swap3A_910 = vector.shape_cast %add3A_906 : vector<16xi32> to vector<16xi32>
          tpu.vector_store %arg18[%swap3A_907], %swap3A_910 {strides = array<i32>} : memref<256xi32, #tpu.memory_space<vmem>>, vector<16xi32>,
          %get3A_911 = arith.constant 624 : index
          %get3A_912 = tpu.vector_load %arg8[%get3A_911] {strides = array<i32>} : memref<1024xi32, #tpu.memory_space<vmem>>, vector<16xi32>,
          %get3A_913 = vector.shape_cast %get3A_912 : vector<16xi32> to vector<16xi32>
          %get3A_914 = arith.constant 624 : index
          %get3A_915 = tpu.vector_load %arg10[%get3A_914] {strides = array<i32>} : memref<1024xi32, #tpu.memory_space<vmem>>, vector<16xi32>,
          %get3A_916 = vector.shape_cast %get3A_915 : vector<16xi32> to vector<16xi32>
          %get3A_917 = arith.constant 624 : index
          %get3A_918 = tpu.vector_load %arg12[%get3A_917] {strides = array<i32>} : memref<1024xi32, #tpu.memory_space<vmem>>, vector<16xi32>,
          %get3A_919 = vector.shape_cast %get3A_918 : vector<16xi32> to vector<16xi32>
          %mul3A_920 = arith.constant 16384 : i32
          %mul3A_921 = vector.broadcast %mul3A_920 : i32 to vector<16xi32>
          %mul3A_922 = arith.muli %get3A_913, %mul3A_921 : vector<16xi32>
          %mul3A_923 = arith.constant 128 : i32
          %mul3A_924 = vector.broadcast %mul3A_923 : i32 to vector<16xi32>
          %mul3A_925 = arith.muli %get3A_916, %mul3A_924 : vector<16xi32>
          %add3A_926 = arith.addi %mul3A_922, %mul3A_925 : vector<16xi32>
          %add3A_927 = arith.addi %add3A_926, %get3A_919 : vector<16xi32>
          %swap3A_928 = arith.constant 112 : index
          %swap3A_929 = tpu.vector_load %arg18[%swap3A_928] {strides = array<i32>} : memref<256xi32, #tpu.memory_space<vmem>>, vector<16xi32>,
          %swap3A_930 = vector.shape_cast %swap3A_929 : vector<16xi32> to vector<16xi32>
          %swap3A_931 = vector.shape_cast %add3A_927 : vector<16xi32> to vector<16xi32>
          tpu.vector_store %arg18[%swap3A_928], %swap3A_931 {strides = array<i32>} : memref<256xi32, #tpu.memory_space<vmem>>, vector<16xi32>,
          %get3A_932 = arith.constant 640 : index
          %get3A_933 = tpu.vector_load %arg8[%get3A_932] {strides = array<i32>} : memref<1024xi32, #tpu.memory_space<vmem>>, vector<16xi32>,
          %get3A_934 = vector.shape_cast %get3A_933 : vector<16xi32> to vector<16xi32>
          %get3A_935 = arith.constant 640 : index
          %get3A_936 = tpu.vector_load %arg10[%get3A_935] {strides = array<i32>} : memref<1024xi32, #tpu.memory_space<vmem>>, vector<16xi32>,
          %get3A_937 = vector.shape_cast %get3A_936 : vector<16xi32> to vector<16xi32>
          %get3A_938 = arith.constant 640 : index
          %get3A_939 = tpu.vector_load %arg12[%get3A_938] {strides = array<i32>} : memref<1024xi32, #tpu.memory_space<vmem>>, vector<16xi32>,
          %get3A_940 = vector.shape_cast %get3A_939 : vector<16xi32> to vector<16xi32>
          %mul3A_941 = arith.constant 16384 : i32
          %mul3A_942 = vector.broadcast %mul3A_941 : i32 to vector<16xi32>
          %mul3A_943 = arith.muli %get3A_934, %mul3A_942 : vector<16xi32>
          %mul3A_944 = arith.constant 128 : i32
          %mul3A_945 = vector.broadcast %mul3A_944 : i32 to vector<16xi32>
          %mul3A_946 = arith.muli %get3A_937, %mul3A_945 : vector<16xi32>
          %add3A_947 = arith.addi %mul3A_943, %mul3A_946 : vector<16xi32>
          %add3A_948 = arith.addi %add3A_947, %get3A_940 : vector<16xi32>
          %swap3A_949 = arith.constant 128 : index
          %swap3A_950 = tpu.vector_load %arg18[%swap3A_949] {strides = array<i32>} : memref<256xi32, #tpu.memory_space<vmem>>, vector<16xi32>,
          %swap3A_951 = vector.shape_cast %swap3A_950 : vector<16xi32> to vector<16xi32>
          %swap3A_952 = vector.shape_cast %add3A_948 : vector<16xi32> to vector<16xi32>
          tpu.vector_store %arg18[%swap3A_949], %swap3A_952 {strides = array<i32>} : memref<256xi32, #tpu.memory_space<vmem>>, vector<16xi32>,
          %get3A_953 = arith.constant 656 : index
          %get3A_954 = tpu.vector_load %arg8[%get3A_953] {strides = array<i32>} : memref<1024xi32, #tpu.memory_space<vmem>>, vector<16xi32>,
          %get3A_955 = vector.shape_cast %get3A_954 : vector<16xi32> to vector<16xi32>
          %get3A_956 = arith.constant 656 : index
          %get3A_957 = tpu.vector_load %arg10[%get3A_956] {strides = array<i32>} : memref<1024xi32, #tpu.memory_space<vmem>>, vector<16xi32>,
          %get3A_958 = vector.shape_cast %get3A_957 : vector<16xi32> to vector<16xi32>
          %get3A_959 = arith.constant 656 : index
          %get3A_960 = tpu.vector_load %arg12[%get3A_959] {strides = array<i32>} : memref<1024xi32, #tpu.memory_space<vmem>>, vector<16xi32>,
          %get3A_961 = vector.shape_cast %get3A_960 : vector<16xi32> to vector<16xi32>
          %mul3A_962 = arith.constant 16384 : i32
          %mul3A_963 = vector.broadcast %mul3A_962 : i32 to vector<16xi32>
          %mul3A_964 = arith.muli %get3A_955, %mul3A_963 : vector<16xi32>
          %mul3A_965 = arith.constant 128 : i32
          %mul3A_966 = vector.broadcast %mul3A_965 : i32 to vector<16xi32>
          %mul3A_967 = arith.muli %get3A_958, %mul3A_966 : vector<16xi32>
          %add3A_968 = arith.addi %mul3A_964, %mul3A_967 : vector<16xi32>
          %add3A_969 = arith.addi %add3A_968, %get3A_961 : vector<16xi32>
          %swap3A_970 = arith.constant 144 : index
          %swap3A_971 = tpu.vector_load %arg18[%swap3A_970] {strides = array<i32>} : memref<256xi32, #tpu.memory_space<vmem>>, vector<16xi32>,
          %swap3A_972 = vector.shape_cast %swap3A_971 : vector<16xi32> to vector<16xi32>
          %swap3A_973 = vector.shape_cast %add3A_969 : vector<16xi32> to vector<16xi32>
          tpu.vector_store %arg18[%swap3A_970], %swap3A_973 {strides = array<i32>} : memref<256xi32, #tpu.memory_space<vmem>>, vector<16xi32>,
          %get3A_974 = arith.constant 672 : index
          %get3A_975 = tpu.vector_load %arg8[%get3A_974] {strides = array<i32>} : memref<1024xi32, #tpu.memory_space<vmem>>, vector<16xi32>,
          %get3A_976 = vector.shape_cast %get3A_975 : vector<16xi32> to vector<16xi32>
          %get3A_977 = arith.constant 672 : index
          %get3A_978 = tpu.vector_load %arg10[%get3A_977] {strides = array<i32>} : memref<1024xi32, #tpu.memory_space<vmem>>, vector<16xi32>,
          %get3A_979 = vector.shape_cast %get3A_978 : vector<16xi32> to vector<16xi32>
          %get3A_980 = arith.constant 672 : index
          %get3A_981 = tpu.vector_load %arg12[%get3A_980] {strides = array<i32>} : memref<1024xi32, #tpu.memory_space<vmem>>, vector<16xi32>,
          %get3A_982 = vector.shape_cast %get3A_981 : vector<16xi32> to vector<16xi32>
          %mul3A_983 = arith.constant 16384 : i32
          %mul3A_984 = vector.broadcast %mul3A_983 : i32 to vector<16xi32>
          %mul3A_985 = arith.muli %get3A_976, %mul3A_984 : vector<16xi32>
          %mul3A_986 = arith.constant 128 : i32
          %mul3A_987 = vector.broadcast %mul3A_986 : i32 to vector<16xi32>
          %mul3A_988 = arith.muli %get3A_979, %mul3A_987 : vector<16xi32>
          %add3A_989 = arith.addi %mul3A_985, %mul3A_988 : vector<16xi32>
          %add3A_990 = arith.addi %add3A_989, %get3A_982 : vector<16xi32>
          %swap3A_991 = arith.constant 160 : index
          %swap3A_992 = tpu.vector_load %arg18[%swap3A_991] {strides = array<i32>} : memref<256xi32, #tpu.memory_space<vmem>>, vector<16xi32>,
          %swap3A_993 = vector.shape_cast %swap3A_992 : vector<16xi32> to vector<16xi32>
          %swap3A_994 = vector.shape_cast %add3A_990 : vector<16xi32> to vector<16xi32>
          tpu.vector_store %arg18[%swap3A_991], %swap3A_994 {strides = array<i32>} : memref<256xi32, #tpu.memory_space<vmem>>, vector<16xi32>,
          %get3A_995 = arith.constant 688 : index
          %get3A_996 = tpu.vector_load %arg8[%get3A_995] {strides = array<i32>} : memref<1024xi32, #tpu.memory_space<vmem>>, vector<16xi32>,
          %get3A_997 = vector.shape_cast %get3A_996 : vector<16xi32> to vector<16xi32>
          %get3A_998 = arith.constant 688 : index
          %get3A_999 = tpu.vector_load %arg10[%get3A_998] {strides = array<i32>} : memref<1024xi32, #tpu.memory_space<vmem>>, vector<16xi32>,
          %get3A_1000 = vector.shape_cast %get3A_999 : vector<16xi32> to vector<16xi32>
          %get3A_1001 = arith.constant 688 : index
          %get3A_1002 = tpu.vector_load %arg12[%get3A_1001] {strides = array<i32>} : memref<1024xi32, #tpu.memory_space<vmem>>, vector<16xi32>,
          %get3A_1003 = vector.shape_cast %get3A_1002 : vector<16xi32> to vector<16xi32>
          %mul3A_1004 = arith.constant 16384 : i32
          %mul3A_1005 = vector.broadcast %mul3A_1004 : i32 to vector<16xi32>
          %mul3A_1006 = arith.muli %get3A_997, %mul3A_1005 : vector<16xi32>
          %mul3A_1007 = arith.constant 128 : i32
          %mul3A_1008 = vector.broadcast %mul3A_1007 : i32 to vector<16xi32>
          %mul3A_1009 = arith.muli %get3A_1000, %mul3A_1008 : vector<16xi32>
          %add3A_1010 = arith.addi %mul3A_1006, %mul3A_1009 : vector<16xi32>
          %add3A_1011 = arith.addi %add3A_1010, %get3A_1003 : vector<16xi32>
          %swap3A_1012 = arith.constant 176 : index
          %swap3A_1013 = tpu.vector_load %arg18[%swap3A_1012] {strides = array<i32>} : memref<256xi32, #tpu.memory_space<vmem>>, vector<16xi32>,
          %swap3A_1014 = vector.shape_cast %swap3A_1013 : vector<16xi32> to vector<16xi32>
          %swap3A_1015 = vector.shape_cast %add3A_1011 : vector<16xi32> to vector<16xi32>
          tpu.vector_store %arg18[%swap3A_1012], %swap3A_1015 {strides = array<i32>} : memref<256xi32, #tpu.memory_space<vmem>>, vector<16xi32>,
          %get3A_1016 = arith.constant 704 : index
          %get3A_1017 = tpu.vector_load %arg8[%get3A_1016] {strides = array<i32>} : memref<1024xi32, #tpu.memory_space<vmem>>, vector<16xi32>,
          %get3A_1018 = vector.shape_cast %get3A_1017 : vector<16xi32> to vector<16xi32>
          %get3A_1019 = arith.constant 704 : index
          %get3A_1020 = tpu.vector_load %arg10[%get3A_1019] {strides = array<i32>} : memref<1024xi32, #tpu.memory_space<vmem>>, vector<16xi32>,
          %get3A_1021 = vector.shape_cast %get3A_1020 : vector<16xi32> to vector<16xi32>
          %get3A_1022 = arith.constant 704 : index
          %get3A_1023 = tpu.vector_load %arg12[%get3A_1022] {strides = array<i32>} : memref<1024xi32, #tpu.memory_space<vmem>>, vector<16xi32>,
          %get3A_1024 = vector.shape_cast %get3A_1023 : vector<16xi32> to vector<16xi32>
          %mul3A_1025 = arith.constant 16384 : i32
          %mul3A_1026 = vector.broadcast %mul3A_1025 : i32 to vector<16xi32>
          %mul3A_1027 = arith.muli %get3A_1018, %mul3A_1026 : vector<16xi32>
          %mul3A_1028 = arith.constant 128 : i32
          %mul3A_1029 = vector.broadcast %mul3A_1028 : i32 to vector<16xi32>
          %mul3A_1030 = arith.muli %get3A_1021, %mul3A_1029 : vector<16xi32>
          %add3A_1031 = arith.addi %mul3A_1027, %mul3A_1030 : vector<16xi32>
          %add3A_1032 = arith.addi %add3A_1031, %get3A_1024 : vector<16xi32>
          %swap3A_1033 = arith.constant 192 : index
          %swap3A_1034 = tpu.vector_load %arg18[%swap3A_1033] {strides = array<i32>} : memref<256xi32, #tpu.memory_space<vmem>>, vector<16xi32>,
          %swap3A_1035 = vector.shape_cast %swap3A_1034 : vector<16xi32> to vector<16xi32>
          %swap3A_1036 = vector.shape_cast %add3A_1032 : vector<16xi32> to vector<16xi32>
          tpu.vector_store %arg18[%swap3A_1033], %swap3A_1036 {strides = array<i32>} : memref<256xi32, #tpu.memory_space<vmem>>, vector<16xi32>,
          %get3A_1037 = arith.constant 720 : index
          %get3A_1038 = tpu.vector_load %arg8[%get3A_1037] {strides = array<i32>} : memref<1024xi32, #tpu.memory_space<vmem>>, vector<16xi32>,
          %get3A_1039 = vector.shape_cast %get3A_1038 : vector<16xi32> to vector<16xi32>
          %get3A_1040 = arith.constant 720 : index
          %get3A_1041 = tpu.vector_load %arg10[%get3A_1040] {strides = array<i32>} : memref<1024xi32, #tpu.memory_space<vmem>>, vector<16xi32>,
          %get3A_1042 = vector.shape_cast %get3A_1041 : vector<16xi32> to vector<16xi32>
          %get3A_1043 = arith.constant 720 : index
          %get3A_1044 = tpu.vector_load %arg12[%get3A_1043] {strides = array<i32>} : memref<1024xi32, #tpu.memory_space<vmem>>, vector<16xi32>,
          %get3A_1045 = vector.shape_cast %get3A_1044 : vector<16xi32> to vector<16xi32>
          %mul3A_1046 = arith.constant 16384 : i32
          %mul3A_1047 = vector.broadcast %mul3A_1046 : i32 to vector<16xi32>
          %mul3A_1048 = arith.muli %get3A_1039, %mul3A_1047 : vector<16xi32>
          %mul3A_1049 = arith.constant 128 : i32
          %mul3A_1050 = vector.broadcast %mul3A_1049 : i32 to vector<16xi32>
          %mul3A_1051 = arith.muli %get3A_1042, %mul3A_1050 : vector<16xi32>
          %add3A_1052 = arith.addi %mul3A_1048, %mul3A_1051 : vector<16xi32>
          %add3A_1053 = arith.addi %add3A_1052, %get3A_1045 : vector<16xi32>
          %swap3A_1054 = arith.constant 208 : index
          %swap3A_1055 = tpu.vector_load %arg18[%swap3A_1054] {strides = array<i32>} : memref<256xi32, #tpu.memory_space<vmem>>, vector<16xi32>,
          %swap3A_1056 = vector.shape_cast %swap3A_1055 : vector<16xi32> to vector<16xi32>
          %swap3A_1057 = vector.shape_cast %add3A_1053 : vector<16xi32> to vector<16xi32>
          tpu.vector_store %arg18[%swap3A_1054], %swap3A_1057 {strides = array<i32>} : memref<256xi32, #tpu.memory_space<vmem>>, vector<16xi32>,
          %get3A_1058 = arith.constant 736 : index
          %get3A_1059 = tpu.vector_load %arg8[%get3A_1058] {strides = array<i32>} : memref<1024xi32, #tpu.memory_space<vmem>>, vector<16xi32>,
          %get3A_1060 = vector.shape_cast %get3A_1059 : vector<16xi32> to vector<16xi32>
          %get3A_1061 = arith.constant 736 : index
          %get3A_1062 = tpu.vector_load %arg10[%get3A_1061] {strides = array<i32>} : memref<1024xi32, #tpu.memory_space<vmem>>, vector<16xi32>,
          %get3A_1063 = vector.shape_cast %get3A_1062 : vector<16xi32> to vector<16xi32>
          %get3A_1064 = arith.constant 736 : index
          %get3A_1065 = tpu.vector_load %arg12[%get3A_1064] {strides = array<i32>} : memref<1024xi32, #tpu.memory_space<vmem>>, vector<16xi32>,
          %get3A_1066 = vector.shape_cast %get3A_1065 : vector<16xi32> to vector<16xi32>
          %mul3A_1067 = arith.constant 16384 : i32
          %mul3A_1068 = vector.broadcast %mul3A_1067 : i32 to vector<16xi32>
          %mul3A_1069 = arith.muli %get3A_1060, %mul3A_1068 : vector<16xi32>
          %mul3A_1070 = arith.constant 128 : i32
          %mul3A_1071 = vector.broadcast %mul3A_1070 : i32 to vector<16xi32>
          %mul3A_1072 = arith.muli %get3A_1063, %mul3A_1071 : vector<16xi32>
          %add3A_1073 = arith.addi %mul3A_1069, %mul3A_1072 : vector<16xi32>
          %add3A_1074 = arith.addi %add3A_1073, %get3A_1066 : vector<16xi32>
          %swap3A_1075 = arith.constant 224 : index
          %swap3A_1076 = tpu.vector_load %arg18[%swap3A_1075] {strides = array<i32>} : memref<256xi32, #tpu.memory_space<vmem>>, vector<16xi32>,
          %swap3A_1077 = vector.shape_cast %swap3A_1076 : vector<16xi32> to vector<16xi32>
          %swap3A_1078 = vector.shape_cast %add3A_1074 : vector<16xi32> to vector<16xi32>
          tpu.vector_store %arg18[%swap3A_1075], %swap3A_1078 {strides = array<i32>} : memref<256xi32, #tpu.memory_space<vmem>>, vector<16xi32>,
          %get3A_1079 = arith.constant 752 : index
          %get3A_1080 = tpu.vector_load %arg8[%get3A_1079] {strides = array<i32>} : memref<1024xi32, #tpu.memory_space<vmem>>, vector<16xi32>,
          %get3A_1081 = vector.shape_cast %get3A_1080 : vector<16xi32> to vector<16xi32>
          %get3A_1082 = arith.constant 752 : index
          %get3A_1083 = tpu.vector_load %arg10[%get3A_1082] {strides = array<i32>} : memref<1024xi32, #tpu.memory_space<vmem>>, vector<16xi32>,
          %get3A_1084 = vector.shape_cast %get3A_1083 : vector<16xi32> to vector<16xi32>
          %get3A_1085 = arith.constant 752 : index
          %get3A_1086 = tpu.vector_load %arg12[%get3A_1085] {strides = array<i32>} : memref<1024xi32, #tpu.memory_space<vmem>>, vector<16xi32>,
          %get3A_1087 = vector.shape_cast %get3A_1086 : vector<16xi32> to vector<16xi32>
          %mul3A_1088 = arith.constant 16384 : i32
          %mul3A_1089 = vector.broadcast %mul3A_1088 : i32 to vector<16xi32>
          %mul3A_1090 = arith.muli %get3A_1081, %mul3A_1089 : vector<16xi32>
          %mul3A_1091 = arith.constant 128 : i32
          %mul3A_1092 = vector.broadcast %mul3A_1091 : i32 to vector<16xi32>
          %mul3A_1093 = arith.muli %get3A_1084, %mul3A_1092 : vector<16xi32>
          %add3A_1094 = arith.addi %mul3A_1090, %mul3A_1093 : vector<16xi32>
          %add3A_1095 = arith.addi %add3A_1094, %get3A_1087 : vector<16xi32>
          %swap3A_1096 = arith.constant 240 : index
          %swap3A_1097 = tpu.vector_load %arg18[%swap3A_1096] {strides = array<i32>} : memref<256xi32, #tpu.memory_space<vmem>>, vector<16xi32>,
          %swap3A_1098 = vector.shape_cast %swap3A_1097 : vector<16xi32> to vector<16xi32>
          %swap3A_1099 = vector.shape_cast %add3A_1095 : vector<16xi32> to vector<16xi32>
          tpu.vector_store %arg18[%swap3A_1096], %swap3A_1099 {strides = array<i32>} : memref<256xi32, #tpu.memory_space<vmem>>, vector<16xi32>,
          %get3A_1100 = arith.constant 768 : index
          %get3A_1101 = tpu.vector_load %arg8[%get3A_1100] {strides = array<i32>} : memref<1024xi32, #tpu.memory_space<vmem>>, vector<16xi32>,
          %get3A_1102 = vector.shape_cast %get3A_1101 : vector<16xi32> to vector<16xi32>
          %get3A_1103 = arith.constant 768 : index
          %get3A_1104 = tpu.vector_load %arg10[%get3A_1103] {strides = array<i32>} : memref<1024xi32, #tpu.memory_space<vmem>>, vector<16xi32>,
          %get3A_1105 = vector.shape_cast %get3A_1104 : vector<16xi32> to vector<16xi32>
          %get3A_1106 = arith.constant 768 : index
          %get3A_1107 = tpu.vector_load %arg12[%get3A_1106] {strides = array<i32>} : memref<1024xi32, #tpu.memory_space<vmem>>, vector<16xi32>,
          %get3A_1108 = vector.shape_cast %get3A_1107 : vector<16xi32> to vector<16xi32>
          %mul3A_1109 = arith.constant 16384 : i32
          %mul3A_1110 = vector.broadcast %mul3A_1109 : i32 to vector<16xi32>
          %mul3A_1111 = arith.muli %get3A_1102, %mul3A_1110 : vector<16xi32>
          %mul3A_1112 = arith.constant 128 : i32
          %mul3A_1113 = vector.broadcast %mul3A_1112 : i32 to vector<16xi32>
          %mul3A_1114 = arith.muli %get3A_1105, %mul3A_1113 : vector<16xi32>
          %add3A_1115 = arith.addi %mul3A_1111, %mul3A_1114 : vector<16xi32>
          %add3A_1116 = arith.addi %add3A_1115, %get3A_1108 : vector<16xi32>
          %swap3A_1117 = arith.constant 0 : index
          %swap3A_1118 = tpu.vector_load %arg19[%swap3A_1117] {strides = array<i32>} : memref<256xi32, #tpu.memory_space<vmem>>, vector<16xi32>,
          %swap3A_1119 = vector.shape_cast %swap3A_1118 : vector<16xi32> to vector<16xi32>
          %swap3A_1120 = vector.shape_cast %add3A_1116 : vector<16xi32> to vector<16xi32>
          tpu.vector_store %arg19[%swap3A_1117], %swap3A_1120 {strides = array<i32>} : memref<256xi32, #tpu.memory_space<vmem>>, vector<16xi32>,
          %get3A_1121 = arith.constant 784 : index
          %get3A_1122 = tpu.vector_load %arg8[%get3A_1121] {strides = array<i32>} : memref<1024xi32, #tpu.memory_space<vmem>>, vector<16xi32>,
          %get3A_1123 = vector.shape_cast %get3A_1122 : vector<16xi32> to vector<16xi32>
          %get3A_1124 = arith.constant 784 : index
          %get3A_1125 = tpu.vector_load %arg10[%get3A_1124] {strides = array<i32>} : memref<1024xi32, #tpu.memory_space<vmem>>, vector<16xi32>,
          %get3A_1126 = vector.shape_cast %get3A_1125 : vector<16xi32> to vector<16xi32>
          %get3A_1127 = arith.constant 784 : index
          %get3A_1128 = tpu.vector_load %arg12[%get3A_1127] {strides = array<i32>} : memref<1024xi32, #tpu.memory_space<vmem>>, vector<16xi32>,
          %get3A_1129 = vector.shape_cast %get3A_1128 : vector<16xi32> to vector<16xi32>
          %mul3A_1130 = arith.constant 16384 : i32
          %mul3A_1131 = vector.broadcast %mul3A_1130 : i32 to vector<16xi32>
          %mul3A_1132 = arith.muli %get3A_1123, %mul3A_1131 : vector<16xi32>
          %mul3A_1133 = arith.constant 128 : i32
          %mul3A_1134 = vector.broadcast %mul3A_1133 : i32 to vector<16xi32>
          %mul3A_1135 = arith.muli %get3A_1126, %mul3A_1134 : vector<16xi32>
          %add3A_1136 = arith.addi %mul3A_1132, %mul3A_1135 : vector<16xi32>
          %add3A_1137 = arith.addi %add3A_1136, %get3A_1129 : vector<16xi32>
          %swap3A_1138 = arith.constant 16 : index
          %swap3A_1139 = tpu.vector_load %arg19[%swap3A_1138] {strides = array<i32>} : memref<256xi32, #tpu.memory_space<vmem>>, vector<16xi32>,
          %swap3A_1140 = vector.shape_cast %swap3A_1139 : vector<16xi32> to vector<16xi32>
          %swap3A_1141 = vector.shape_cast %add3A_1137 : vector<16xi32> to vector<16xi32>
          tpu.vector_store %arg19[%swap3A_1138], %swap3A_1141 {strides = array<i32>} : memref<256xi32, #tpu.memory_space<vmem>>, vector<16xi32>,
          %get3A_1142 = arith.constant 800 : index
          %get3A_1143 = tpu.vector_load %arg8[%get3A_1142] {strides = array<i32>} : memref<1024xi32, #tpu.memory_space<vmem>>, vector<16xi32>,
          %get3A_1144 = vector.shape_cast %get3A_1143 : vector<16xi32> to vector<16xi32>
          %get3A_1145 = arith.constant 800 : index
          %get3A_1146 = tpu.vector_load %arg10[%get3A_1145] {strides = array<i32>} : memref<1024xi32, #tpu.memory_space<vmem>>, vector<16xi32>,
          %get3A_1147 = vector.shape_cast %get3A_1146 : vector<16xi32> to vector<16xi32>
          %get3A_1148 = arith.constant 800 : index
          %get3A_1149 = tpu.vector_load %arg12[%get3A_1148] {strides = array<i32>} : memref<1024xi32, #tpu.memory_space<vmem>>, vector<16xi32>,
          %get3A_1150 = vector.shape_cast %get3A_1149 : vector<16xi32> to vector<16xi32>
          %mul3A_1151 = arith.constant 16384 : i32
          %mul3A_1152 = vector.broadcast %mul3A_1151 : i32 to vector<16xi32>
          %mul3A_1153 = arith.muli %get3A_1144, %mul3A_1152 : vector<16xi32>
          %mul3A_1154 = arith.constant 128 : i32
          %mul3A_1155 = vector.broadcast %mul3A_1154 : i32 to vector<16xi32>
          %mul3A_1156 = arith.muli %get3A_1147, %mul3A_1155 : vector<16xi32>
          %add3A_1157 = arith.addi %mul3A_1153, %mul3A_1156 : vector<16xi32>
          %add3A_1158 = arith.addi %add3A_1157, %get3A_1150 : vector<16xi32>
          %swap3A_1159 = arith.constant 32 : index
          %swap3A_1160 = tpu.vector_load %arg19[%swap3A_1159] {strides = array<i32>} : memref<256xi32, #tpu.memory_space<vmem>>, vector<16xi32>,
          %swap3A_1161 = vector.shape_cast %swap3A_1160 : vector<16xi32> to vector<16xi32>
          %swap3A_1162 = vector.shape_cast %add3A_1158 : vector<16xi32> to vector<16xi32>
          tpu.vector_store %arg19[%swap3A_1159], %swap3A_1162 {strides = array<i32>} : memref<256xi32, #tpu.memory_space<vmem>>, vector<16xi32>,
          %get3A_1163 = arith.constant 816 : index
          %get3A_1164 = tpu.vector_load %arg8[%get3A_1163] {strides = array<i32>} : memref<1024xi32, #tpu.memory_space<vmem>>, vector<16xi32>,
          %get3A_1165 = vector.shape_cast %get3A_1164 : vector<16xi32> to vector<16xi32>
          %get3A_1166 = arith.constant 816 : index
          %get3A_1167 = tpu.vector_load %arg10[%get3A_1166] {strides = array<i32>} : memref<1024xi32, #tpu.memory_space<vmem>>, vector<16xi32>,
          %get3A_1168 = vector.shape_cast %get3A_1167 : vector<16xi32> to vector<16xi32>
          %get3A_1169 = arith.constant 816 : index
          %get3A_1170 = tpu.vector_load %arg12[%get3A_1169] {strides = array<i32>} : memref<1024xi32, #tpu.memory_space<vmem>>, vector<16xi32>,
          %get3A_1171 = vector.shape_cast %get3A_1170 : vector<16xi32> to vector<16xi32>
          %mul3A_1172 = arith.constant 16384 : i32
          %mul3A_1173 = vector.broadcast %mul3A_1172 : i32 to vector<16xi32>
          %mul3A_1174 = arith.muli %get3A_1165, %mul3A_1173 : vector<16xi32>
          %mul3A_1175 = arith.constant 128 : i32
          %mul3A_1176 = vector.broadcast %mul3A_1175 : i32 to vector<16xi32>
          %mul3A_1177 = arith.muli %get3A_1168, %mul3A_1176 : vector<16xi32>
          %add3A_1178 = arith.addi %mul3A_1174, %mul3A_1177 : vector<16xi32>
          %add3A_1179 = arith.addi %add3A_1178, %get3A_1171 : vector<16xi32>
          %swap3A_1180 = arith.constant 48 : index
          %swap3A_1181 = tpu.vector_load %arg19[%swap3A_1180] {strides = array<i32>} : memref<256xi32, #tpu.memory_space<vmem>>, vector<16xi32>,
          %swap3A_1182 = vector.shape_cast %swap3A_1181 : vector<16xi32> to vector<16xi32>
          %swap3A_1183 = vector.shape_cast %add3A_1179 : vector<16xi32> to vector<16xi32>
          tpu.vector_store %arg19[%swap3A_1180], %swap3A_1183 {strides = array<i32>} : memref<256xi32, #tpu.memory_space<vmem>>, vector<16xi32>,
          %get3A_1184 = arith.constant 832 : index
          %get3A_1185 = tpu.vector_load %arg8[%get3A_1184] {strides = array<i32>} : memref<1024xi32, #tpu.memory_space<vmem>>, vector<16xi32>,
          %get3A_1186 = vector.shape_cast %get3A_1185 : vector<16xi32> to vector<16xi32>
          %get3A_1187 = arith.constant 832 : index
          %get3A_1188 = tpu.vector_load %arg10[%get3A_1187] {strides = array<i32>} : memref<1024xi32, #tpu.memory_space<vmem>>, vector<16xi32>,
          %get3A_1189 = vector.shape_cast %get3A_1188 : vector<16xi32> to vector<16xi32>
          %get3A_1190 = arith.constant 832 : index
          %get3A_1191 = tpu.vector_load %arg12[%get3A_1190] {strides = array<i32>} : memref<1024xi32, #tpu.memory_space<vmem>>, vector<16xi32>,
          %get3A_1192 = vector.shape_cast %get3A_1191 : vector<16xi32> to vector<16xi32>
          %mul3A_1193 = arith.constant 16384 : i32
          %mul3A_1194 = vector.broadcast %mul3A_1193 : i32 to vector<16xi32>
          %mul3A_1195 = arith.muli %get3A_1186, %mul3A_1194 : vector<16xi32>
          %mul3A_1196 = arith.constant 128 : i32
          %mul3A_1197 = vector.broadcast %mul3A_1196 : i32 to vector<16xi32>
          %mul3A_1198 = arith.muli %get3A_1189, %mul3A_1197 : vector<16xi32>
          %add3A_1199 = arith.addi %mul3A_1195, %mul3A_1198 : vector<16xi32>
          %add3A_1200 = arith.addi %add3A_1199, %get3A_1192 : vector<16xi32>
          %swap3A_1201 = arith.constant 64 : index
          %swap3A_1202 = tpu.vector_load %arg19[%swap3A_1201] {strides = array<i32>} : memref<256xi32, #tpu.memory_space<vmem>>, vector<16xi32>,
          %swap3A_1203 = vector.shape_cast %swap3A_1202 : vector<16xi32> to vector<16xi32>
          %swap3A_1204 = vector.shape_cast %add3A_1200 : vector<16xi32> to vector<16xi32>
          tpu.vector_store %arg19[%swap3A_1201], %swap3A_1204 {strides = array<i32>} : memref<256xi32, #tpu.memory_space<vmem>>, vector<16xi32>,
          %get3A_1205 = arith.constant 848 : index
          %get3A_1206 = tpu.vector_load %arg8[%get3A_1205] {strides = array<i32>} : memref<1024xi32, #tpu.memory_space<vmem>>, vector<16xi32>,
          %get3A_1207 = vector.shape_cast %get3A_1206 : vector<16xi32> to vector<16xi32>
          %get3A_1208 = arith.constant 848 : index
          %get3A_1209 = tpu.vector_load %arg10[%get3A_1208] {strides = array<i32>} : memref<1024xi32, #tpu.memory_space<vmem>>, vector<16xi32>,
          %get3A_1210 = vector.shape_cast %get3A_1209 : vector<16xi32> to vector<16xi32>
          %get3A_1211 = arith.constant 848 : index
          %get3A_1212 = tpu.vector_load %arg12[%get3A_1211] {strides = array<i32>} : memref<1024xi32, #tpu.memory_space<vmem>>, vector<16xi32>,
          %get3A_1213 = vector.shape_cast %get3A_1212 : vector<16xi32> to vector<16xi32>
          %mul3A_1214 = arith.constant 16384 : i32
          %mul3A_1215 = vector.broadcast %mul3A_1214 : i32 to vector<16xi32>
          %mul3A_1216 = arith.muli %get3A_1207, %mul3A_1215 : vector<16xi32>
          %mul3A_1217 = arith.constant 128 : i32
          %mul3A_1218 = vector.broadcast %mul3A_1217 : i32 to vector<16xi32>
          %mul3A_1219 = arith.muli %get3A_1210, %mul3A_1218 : vector<16xi32>
          %add3A_1220 = arith.addi %mul3A_1216, %mul3A_1219 : vector<16xi32>
          %add3A_1221 = arith.addi %add3A_1220, %get3A_1213 : vector<16xi32>
          %swap3A_1222 = arith.constant 80 : index
          %swap3A_1223 = tpu.vector_load %arg19[%swap3A_1222] {strides = array<i32>} : memref<256xi32, #tpu.memory_space<vmem>>, vector<16xi32>,
          %swap3A_1224 = vector.shape_cast %swap3A_1223 : vector<16xi32> to vector<16xi32>
          %swap3A_1225 = vector.shape_cast %add3A_1221 : vector<16xi32> to vector<16xi32>
          tpu.vector_store %arg19[%swap3A_1222], %swap3A_1225 {strides = array<i32>} : memref<256xi32, #tpu.memory_space<vmem>>, vector<16xi32>,
          %get3A_1226 = arith.constant 864 : index
          %get3A_1227 = tpu.vector_load %arg8[%get3A_1226] {strides = array<i32>} : memref<1024xi32, #tpu.memory_space<vmem>>, vector<16xi32>,
          %get3A_1228 = vector.shape_cast %get3A_1227 : vector<16xi32> to vector<16xi32>
          %get3A_1229 = arith.constant 864 : index
          %get3A_1230 = tpu.vector_load %arg10[%get3A_1229] {strides = array<i32>} : memref<1024xi32, #tpu.memory_space<vmem>>, vector<16xi32>,
          %get3A_1231 = vector.shape_cast %get3A_1230 : vector<16xi32> to vector<16xi32>
          %get3A_1232 = arith.constant 864 : index
          %get3A_1233 = tpu.vector_load %arg12[%get3A_1232] {strides = array<i32>} : memref<1024xi32, #tpu.memory_space<vmem>>, vector<16xi32>,
          %get3A_1234 = vector.shape_cast %get3A_1233 : vector<16xi32> to vector<16xi32>
          %mul3A_1235 = arith.constant 16384 : i32
          %mul3A_1236 = vector.broadcast %mul3A_1235 : i32 to vector<16xi32>
          %mul3A_1237 = arith.muli %get3A_1228, %mul3A_1236 : vector<16xi32>
          %mul3A_1238 = arith.constant 128 : i32
          %mul3A_1239 = vector.broadcast %mul3A_1238 : i32 to vector<16xi32>
          %mul3A_1240 = arith.muli %get3A_1231, %mul3A_1239 : vector<16xi32>
          %add3A_1241 = arith.addi %mul3A_1237, %mul3A_1240 : vector<16xi32>
          %add3A_1242 = arith.addi %add3A_1241, %get3A_1234 : vector<16xi32>
          %swap3A_1243 = arith.constant 96 : index
          %swap3A_1244 = tpu.vector_load %arg19[%swap3A_1243] {strides = array<i32>} : memref<256xi32, #tpu.memory_space<vmem>>, vector<16xi32>,
          %swap3A_1245 = vector.shape_cast %swap3A_1244 : vector<16xi32> to vector<16xi32>
          %swap3A_1246 = vector.shape_cast %add3A_1242 : vector<16xi32> to vector<16xi32>
          tpu.vector_store %arg19[%swap3A_1243], %swap3A_1246 {strides = array<i32>} : memref<256xi32, #tpu.memory_space<vmem>>, vector<16xi32>,
          %get3A_1247 = arith.constant 880 : index
          %get3A_1248 = tpu.vector_load %arg8[%get3A_1247] {strides = array<i32>} : memref<1024xi32, #tpu.memory_space<vmem>>, vector<16xi32>,
          %get3A_1249 = vector.shape_cast %get3A_1248 : vector<16xi32> to vector<16xi32>
          %get3A_1250 = arith.constant 880 : index
          %get3A_1251 = tpu.vector_load %arg10[%get3A_1250] {strides = array<i32>} : memref<1024xi32, #tpu.memory_space<vmem>>, vector<16xi32>,
          %get3A_1252 = vector.shape_cast %get3A_1251 : vector<16xi32> to vector<16xi32>
          %get3A_1253 = arith.constant 880 : index
          %get3A_1254 = tpu.vector_load %arg12[%get3A_1253] {strides = array<i32>} : memref<1024xi32, #tpu.memory_space<vmem>>, vector<16xi32>,
          %get3A_1255 = vector.shape_cast %get3A_1254 : vector<16xi32> to vector<16xi32>
          %mul3A_1256 = arith.constant 16384 : i32
          %mul3A_1257 = vector.broadcast %mul3A_1256 : i32 to vector<16xi32>
          %mul3A_1258 = arith.muli %get3A_1249, %mul3A_1257 : vector<16xi32>
          %mul3A_1259 = arith.constant 128 : i32
          %mul3A_1260 = vector.broadcast %mul3A_1259 : i32 to vector<16xi32>
          %mul3A_1261 = arith.muli %get3A_1252, %mul3A_1260 : vector<16xi32>
          %add3A_1262 = arith.addi %mul3A_1258, %mul3A_1261 : vector<16xi32>
          %add3A_1263 = arith.addi %add3A_1262, %get3A_1255 : vector<16xi32>
          %swap3A_1264 = arith.constant 112 : index
          %swap3A_1265 = tpu.vector_load %arg19[%swap3A_1264] {strides = array<i32>} : memref<256xi32, #tpu.memory_space<vmem>>, vector<16xi32>,
          %swap3A_1266 = vector.shape_cast %swap3A_1265 : vector<16xi32> to vector<16xi32>
          %swap3A_1267 = vector.shape_cast %add3A_1263 : vector<16xi32> to vector<16xi32>
          tpu.vector_store %arg19[%swap3A_1264], %swap3A_1267 {strides = array<i32>} : memref<256xi32, #tpu.memory_space<vmem>>, vector<16xi32>,
          %get3A_1268 = arith.constant 896 : index
          %get3A_1269 = tpu.vector_load %arg8[%get3A_1268] {strides = array<i32>} : memref<1024xi32, #tpu.memory_space<vmem>>, vector<16xi32>,
          %get3A_1270 = vector.shape_cast %get3A_1269 : vector<16xi32> to vector<16xi32>
          %get3A_1271 = arith.constant 896 : index
          %get3A_1272 = tpu.vector_load %arg10[%get3A_1271] {strides = array<i32>} : memref<1024xi32, #tpu.memory_space<vmem>>, vector<16xi32>,
          %get3A_1273 = vector.shape_cast %get3A_1272 : vector<16xi32> to vector<16xi32>
          %get3A_1274 = arith.constant 896 : index
          %get3A_1275 = tpu.vector_load %arg12[%get3A_1274] {strides = array<i32>} : memref<1024xi32, #tpu.memory_space<vmem>>, vector<16xi32>,
          %get3A_1276 = vector.shape_cast %get3A_1275 : vector<16xi32> to vector<16xi32>
          %mul3A_1277 = arith.constant 16384 : i32
          %mul3A_1278 = vector.broadcast %mul3A_1277 : i32 to vector<16xi32>
          %mul3A_1279 = arith.muli %get3A_1270, %mul3A_1278 : vector<16xi32>
          %mul3A_1280 = arith.constant 128 : i32
          %mul3A_1281 = vector.broadcast %mul3A_1280 : i32 to vector<16xi32>
          %mul3A_1282 = arith.muli %get3A_1273, %mul3A_1281 : vector<16xi32>
          %add3A_1283 = arith.addi %mul3A_1279, %mul3A_1282 : vector<16xi32>
          %add3A_1284 = arith.addi %add3A_1283, %get3A_1276 : vector<16xi32>
          %swap3A_1285 = arith.constant 128 : index
          %swap3A_1286 = tpu.vector_load %arg19[%swap3A_1285] {strides = array<i32>} : memref<256xi32, #tpu.memory_space<vmem>>, vector<16xi32>,
          %swap3A_1287 = vector.shape_cast %swap3A_1286 : vector<16xi32> to vector<16xi32>
          %swap3A_1288 = vector.shape_cast %add3A_1284 : vector<16xi32> to vector<16xi32>
          tpu.vector_store %arg19[%swap3A_1285], %swap3A_1288 {strides = array<i32>} : memref<256xi32, #tpu.memory_space<vmem>>, vector<16xi32>,
          %get3A_1289 = arith.constant 912 : index
          %get3A_1290 = tpu.vector_load %arg8[%get3A_1289] {strides = array<i32>} : memref<1024xi32, #tpu.memory_space<vmem>>, vector<16xi32>,
          %get3A_1291 = vector.shape_cast %get3A_1290 : vector<16xi32> to vector<16xi32>
          %get3A_1292 = arith.constant 912 : index
          %get3A_1293 = tpu.vector_load %arg10[%get3A_1292] {strides = array<i32>} : memref<1024xi32, #tpu.memory_space<vmem>>, vector<16xi32>,
          %get3A_1294 = vector.shape_cast %get3A_1293 : vector<16xi32> to vector<16xi32>
          %get3A_1295 = arith.constant 912 : index
          %get3A_1296 = tpu.vector_load %arg12[%get3A_1295] {strides = array<i32>} : memref<1024xi32, #tpu.memory_space<vmem>>, vector<16xi32>,
          %get3A_1297 = vector.shape_cast %get3A_1296 : vector<16xi32> to vector<16xi32>
          %mul3A_1298 = arith.constant 16384 : i32
          %mul3A_1299 = vector.broadcast %mul3A_1298 : i32 to vector<16xi32>
          %mul3A_1300 = arith.muli %get3A_1291, %mul3A_1299 : vector<16xi32>
          %mul3A_1301 = arith.constant 128 : i32
          %mul3A_1302 = vector.broadcast %mul3A_1301 : i32 to vector<16xi32>
          %mul3A_1303 = arith.muli %get3A_1294, %mul3A_1302 : vector<16xi32>
          %add3A_1304 = arith.addi %mul3A_1300, %mul3A_1303 : vector<16xi32>
          %add3A_1305 = arith.addi %add3A_1304, %get3A_1297 : vector<16xi32>
          %swap3A_1306 = arith.constant 144 : index
          %swap3A_1307 = tpu.vector_load %arg19[%swap3A_1306] {strides = array<i32>} : memref<256xi32, #tpu.memory_space<vmem>>, vector<16xi32>,
          %swap3A_1308 = vector.shape_cast %swap3A_1307 : vector<16xi32> to vector<16xi32>
          %swap3A_1309 = vector.shape_cast %add3A_1305 : vector<16xi32> to vector<16xi32>
          tpu.vector_store %arg19[%swap3A_1306], %swap3A_1309 {strides = array<i32>} : memref<256xi32, #tpu.memory_space<vmem>>, vector<16xi32>,
          %get3A_1310 = arith.constant 928 : index
          %get3A_1311 = tpu.vector_load %arg8[%get3A_1310] {strides = array<i32>} : memref<1024xi32, #tpu.memory_space<vmem>>, vector<16xi32>,
          %get3A_1312 = vector.shape_cast %get3A_1311 : vector<16xi32> to vector<16xi32>
          %get3A_1313 = arith.constant 928 : index
          %get3A_1314 = tpu.vector_load %arg10[%get3A_1313] {strides = array<i32>} : memref<1024xi32, #tpu.memory_space<vmem>>, vector<16xi32>,
          %get3A_1315 = vector.shape_cast %get3A_1314 : vector<16xi32> to vector<16xi32>
          %get3A_1316 = arith.constant 928 : index
          %get3A_1317 = tpu.vector_load %arg12[%get3A_1316] {strides = array<i32>} : memref<1024xi32, #tpu.memory_space<vmem>>, vector<16xi32>,
          %get3A_1318 = vector.shape_cast %get3A_1317 : vector<16xi32> to vector<16xi32>
          %mul3A_1319 = arith.constant 16384 : i32
          %mul3A_1320 = vector.broadcast %mul3A_1319 : i32 to vector<16xi32>
          %mul3A_1321 = arith.muli %get3A_1312, %mul3A_1320 : vector<16xi32>
          %mul3A_1322 = arith.constant 128 : i32
          %mul3A_1323 = vector.broadcast %mul3A_1322 : i32 to vector<16xi32>
          %mul3A_1324 = arith.muli %get3A_1315, %mul3A_1323 : vector<16xi32>
          %add3A_1325 = arith.addi %mul3A_1321, %mul3A_1324 : vector<16xi32>
          %add3A_1326 = arith.addi %add3A_1325, %get3A_1318 : vector<16xi32>
          %swap3A_1327 = arith.constant 160 : index
          %swap3A_1328 = tpu.vector_load %arg19[%swap3A_1327] {strides = array<i32>} : memref<256xi32, #tpu.memory_space<vmem>>, vector<16xi32>,
          %swap3A_1329 = vector.shape_cast %swap3A_1328 : vector<16xi32> to vector<16xi32>
          %swap3A_1330 = vector.shape_cast %add3A_1326 : vector<16xi32> to vector<16xi32>
          tpu.vector_store %arg19[%swap3A_1327], %swap3A_1330 {strides = array<i32>} : memref<256xi32, #tpu.memory_space<vmem>>, vector<16xi32>,
          %get3A_1331 = arith.constant 944 : index
          %get3A_1332 = tpu.vector_load %arg8[%get3A_1331] {strides = array<i32>} : memref<1024xi32, #tpu.memory_space<vmem>>, vector<16xi32>,
          %get3A_1333 = vector.shape_cast %get3A_1332 : vector<16xi32> to vector<16xi32>
          %get3A_1334 = arith.constant 944 : index
          %get3A_1335 = tpu.vector_load %arg10[%get3A_1334] {strides = array<i32>} : memref<1024xi32, #tpu.memory_space<vmem>>, vector<16xi32>,
          %get3A_1336 = vector.shape_cast %get3A_1335 : vector<16xi32> to vector<16xi32>
          %get3A_1337 = arith.constant 944 : index
          %get3A_1338 = tpu.vector_load %arg12[%get3A_1337] {strides = array<i32>} : memref<1024xi32, #tpu.memory_space<vmem>>, vector<16xi32>,
          %get3A_1339 = vector.shape_cast %get3A_1338 : vector<16xi32> to vector<16xi32>
          %mul3A_1340 = arith.constant 16384 : i32
          %mul3A_1341 = vector.broadcast %mul3A_1340 : i32 to vector<16xi32>
          %mul3A_1342 = arith.muli %get3A_1333, %mul3A_1341 : vector<16xi32>
          %mul3A_1343 = arith.constant 128 : i32
          %mul3A_1344 = vector.broadcast %mul3A_1343 : i32 to vector<16xi32>
          %mul3A_1345 = arith.muli %get3A_1336, %mul3A_1344 : vector<16xi32>
          %add3A_1346 = arith.addi %mul3A_1342, %mul3A_1345 : vector<16xi32>
          %add3A_1347 = arith.addi %add3A_1346, %get3A_1339 : vector<16xi32>
          %swap3A_1348 = arith.constant 176 : index
          %swap3A_1349 = tpu.vector_load %arg19[%swap3A_1348] {strides = array<i32>} : memref<256xi32, #tpu.memory_space<vmem>>, vector<16xi32>,
          %swap3A_1350 = vector.shape_cast %swap3A_1349 : vector<16xi32> to vector<16xi32>
          %swap3A_1351 = vector.shape_cast %add3A_1347 : vector<16xi32> to vector<16xi32>
          tpu.vector_store %arg19[%swap3A_1348], %swap3A_1351 {strides = array<i32>} : memref<256xi32, #tpu.memory_space<vmem>>, vector<16xi32>,
          %get3A_1352 = arith.constant 960 : index
          %get3A_1353 = tpu.vector_load %arg8[%get3A_1352] {strides = array<i32>} : memref<1024xi32, #tpu.memory_space<vmem>>, vector<16xi32>,
          %get3A_1354 = vector.shape_cast %get3A_1353 : vector<16xi32> to vector<16xi32>
          %get3A_1355 = arith.constant 960 : index
          %get3A_1356 = tpu.vector_load %arg10[%get3A_1355] {strides = array<i32>} : memref<1024xi32, #tpu.memory_space<vmem>>, vector<16xi32>,
          %get3A_1357 = vector.shape_cast %get3A_1356 : vector<16xi32> to vector<16xi32>
          %get3A_1358 = arith.constant 960 : index
          %get3A_1359 = tpu.vector_load %arg12[%get3A_1358] {strides = array<i32>} : memref<1024xi32, #tpu.memory_space<vmem>>, vector<16xi32>,
          %get3A_1360 = vector.shape_cast %get3A_1359 : vector<16xi32> to vector<16xi32>
          %mul3A_1361 = arith.constant 16384 : i32
          %mul3A_1362 = vector.broadcast %mul3A_1361 : i32 to vector<16xi32>
          %mul3A_1363 = arith.muli %get3A_1354, %mul3A_1362 : vector<16xi32>
          %mul3A_1364 = arith.constant 128 : i32
          %mul3A_1365 = vector.broadcast %mul3A_1364 : i32 to vector<16xi32>
          %mul3A_1366 = arith.muli %get3A_1357, %mul3A_1365 : vector<16xi32>
          %add3A_1367 = arith.addi %mul3A_1363, %mul3A_1366 : vector<16xi32>
          %add3A_1368 = arith.addi %add3A_1367, %get3A_1360 : vector<16xi32>
          %swap3A_1369 = arith.constant 192 : index
          %swap3A_1370 = tpu.vector_load %arg19[%swap3A_1369] {strides = array<i32>} : memref<256xi32, #tpu.memory_space<vmem>>, vector<16xi32>,
          %swap3A_1371 = vector.shape_cast %swap3A_1370 : vector<16xi32> to vector<16xi32>
          %swap3A_1372 = vector.shape_cast %add3A_1368 : vector<16xi32> to vector<16xi32>
          tpu.vector_store %arg19[%swap3A_1369], %swap3A_1372 {strides = array<i32>} : memref<256xi32, #tpu.memory_space<vmem>>, vector<16xi32>,
          %get3A_1373 = arith.constant 976 : index
          %get3A_1374 = tpu.vector_load %arg8[%get3A_1373] {strides = array<i32>} : memref<1024xi32, #tpu.memory_space<vmem>>, vector<16xi32>,
          %get3A_1375 = vector.shape_cast %get3A_1374 : vector<16xi32> to vector<16xi32>
          %get3A_1376 = arith.constant 976 : index
          %get3A_1377 = tpu.vector_load %arg10[%get3A_1376] {strides = array<i32>} : memref<1024xi32, #tpu.memory_space<vmem>>, vector<16xi32>,
          %get3A_1378 = vector.shape_cast %get3A_1377 : vector<16xi32> to vector<16xi32>
          %get3A_1379 = arith.constant 976 : index
          %get3A_1380 = tpu.vector_load %arg12[%get3A_1379] {strides = array<i32>} : memref<1024xi32, #tpu.memory_space<vmem>>, vector<16xi32>,
          %get3A_1381 = vector.shape_cast %get3A_1380 : vector<16xi32> to vector<16xi32>
          %mul3A_1382 = arith.constant 16384 : i32
          %mul3A_1383 = vector.broadcast %mul3A_1382 : i32 to vector<16xi32>
          %mul3A_1384 = arith.muli %get3A_1375, %mul3A_1383 : vector<16xi32>
          %mul3A_1385 = arith.constant 128 : i32
          %mul3A_1386 = vector.broadcast %mul3A_1385 : i32 to vector<16xi32>
          %mul3A_1387 = arith.muli %get3A_1378, %mul3A_1386 : vector<16xi32>
          %add3A_1388 = arith.addi %mul3A_1384, %mul3A_1387 : vector<16xi32>
          %add3A_1389 = arith.addi %add3A_1388, %get3A_1381 : vector<16xi32>
          %swap3A_1390 = arith.constant 208 : index
          %swap3A_1391 = tpu.vector_load %arg19[%swap3A_1390] {strides = array<i32>} : memref<256xi32, #tpu.memory_space<vmem>>, vector<16xi32>,
          %swap3A_1392 = vector.shape_cast %swap3A_1391 : vector<16xi32> to vector<16xi32>
          %swap3A_1393 = vector.shape_cast %add3A_1389 : vector<16xi32> to vector<16xi32>
          tpu.vector_store %arg19[%swap3A_1390], %swap3A_1393 {strides = array<i32>} : memref<256xi32, #tpu.memory_space<vmem>>, vector<16xi32>,
          %get3A_1394 = arith.constant 992 : index
          %get3A_1395 = tpu.vector_load %arg8[%get3A_1394] {strides = array<i32>} : memref<1024xi32, #tpu.memory_space<vmem>>, vector<16xi32>,
          %get3A_1396 = vector.shape_cast %get3A_1395 : vector<16xi32> to vector<16xi32>
          %get3A_1397 = arith.constant 992 : index
          %get3A_1398 = tpu.vector_load %arg10[%get3A_1397] {strides = array<i32>} : memref<1024xi32, #tpu.memory_space<vmem>>, vector<16xi32>,
          %get3A_1399 = vector.shape_cast %get3A_1398 : vector<16xi32> to vector<16xi32>
          %get3A_1400 = arith.constant 992 : index
          %get3A_1401 = tpu.vector_load %arg12[%get3A_1400] {strides = array<i32>} : memref<1024xi32, #tpu.memory_space<vmem>>, vector<16xi32>,
          %get3A_1402 = vector.shape_cast %get3A_1401 : vector<16xi32> to vector<16xi32>
          %mul3A_1403 = arith.constant 16384 : i32
          %mul3A_1404 = vector.broadcast %mul3A_1403 : i32 to vector<16xi32>
          %mul3A_1405 = arith.muli %get3A_1396, %mul3A_1404 : vector<16xi32>
          %mul3A_1406 = arith.constant 128 : i32
          %mul3A_1407 = vector.broadcast %mul3A_1406 : i32 to vector<16xi32>
          %mul3A_1408 = arith.muli %get3A_1399, %mul3A_1407 : vector<16xi32>
          %add3A_1409 = arith.addi %mul3A_1405, %mul3A_1408 : vector<16xi32>
          %add3A_1410 = arith.addi %add3A_1409, %get3A_1402 : vector<16xi32>
          %swap3A_1411 = arith.constant 224 : index
          %swap3A_1412 = tpu.vector_load %arg19[%swap3A_1411] {strides = array<i32>} : memref<256xi32, #tpu.memory_space<vmem>>, vector<16xi32>,
          %swap3A_1413 = vector.shape_cast %swap3A_1412 : vector<16xi32> to vector<16xi32>
          %swap3A_1414 = vector.shape_cast %add3A_1410 : vector<16xi32> to vector<16xi32>
          tpu.vector_store %arg19[%swap3A_1411], %swap3A_1414 {strides = array<i32>} : memref<256xi32, #tpu.memory_space<vmem>>, vector<16xi32>,
          %get3A_1415 = arith.constant 1008 : index
          %get3A_1416 = tpu.vector_load %arg8[%get3A_1415] {strides = array<i32>} : memref<1024xi32, #tpu.memory_space<vmem>>, vector<16xi32>,
          %get3A_1417 = vector.shape_cast %get3A_1416 : vector<16xi32> to vector<16xi32>
          %get3A_1418 = arith.constant 1008 : index
          %get3A_1419 = tpu.vector_load %arg10[%get3A_1418] {strides = array<i32>} : memref<1024xi32, #tpu.memory_space<vmem>>, vector<16xi32>,
          %get3A_1420 = vector.shape_cast %get3A_1419 : vector<16xi32> to vector<16xi32>
          %get3A_1421 = arith.constant 1008 : index
          %get3A_1422 = tpu.vector_load %arg12[%get3A_1421] {strides = array<i32>} : memref<1024xi32, #tpu.memory_space<vmem>>, vector<16xi32>,
          %get3A_1423 = vector.shape_cast %get3A_1422 : vector<16xi32> to vector<16xi32>
          %mul3A_1424 = arith.constant 16384 : i32
          %mul3A_1425 = vector.broadcast %mul3A_1424 : i32 to vector<16xi32>
          %mul3A_1426 = arith.muli %get3A_1417, %mul3A_1425 : vector<16xi32>
          %mul3A_1427 = arith.constant 128 : i32
          %mul3A_1428 = vector.broadcast %mul3A_1427 : i32 to vector<16xi32>
          %mul3A_1429 = arith.muli %get3A_1420, %mul3A_1428 : vector<16xi32>
          %add3A_1430 = arith.addi %mul3A_1426, %mul3A_1429 : vector<16xi32>
          %add3A_1431 = arith.addi %add3A_1430, %get3A_1423 : vector<16xi32>
          %swap3A_1432 = arith.constant 240 : index
          %swap3A_1433 = tpu.vector_load %arg19[%swap3A_1432] {strides = array<i32>} : memref<256xi32, #tpu.memory_space<vmem>>, vector<16xi32>,
          %swap3A_1434 = vector.shape_cast %swap3A_1433 : vector<16xi32> to vector<16xi32>
          %swap3A_1435 = vector.shape_cast %add3A_1431 : vector<16xi32> to vector<16xi32>
          tpu.vector_store %arg19[%swap3A_1432], %swap3A_1435 {strides = array<i32>} : memref<256xi32, #tpu.memory_space<vmem>>, vector<16xi32>,
          %dma_start3A_1436 = arith.constant 0 : i32
          %dma_start3A_1437 = arith.constant 0 : i32
          %dma_start3A_1438 = tpu.memref_slice %arg14[%dma_start3A_1436, %dma_start3A_1437] : memref<1024x32xf32, #tpu.memory_space<vmem>> -> memref<256x32xf32, #tpu.memory_space<vmem>>
          %dma_start3A_1439 = arith.constant 0 : i32
          %dma_start3A_1440 = arith.constant 0 : i32
          %dma_start3A_1441 = tpu.memref_slice %arg6[%dma_start3A_1439, %dma_start3A_1440] : memref<2097160x32xf32, #tpu.memory_space<hbm>> -> memref<2097160x32xf32, #tpu.memory_space<hbm>>
          tpu.enqueue_indirect_dma source(%dma_start3A_1438 : memref<256x32xf32, #tpu.memory_space<vmem>>) target(%dma_start3A_1441 : memref<2097160x32xf32, #tpu.memory_space<hbm>>) offsets(%arg16 : memref<256xi32, #tpu.memory_space<vmem>>) semaphore(%arg23 : memref<!tpu.dma_semaphore, #tpu.memory_space<semaphore_mem>>)
          %dma_wait3A_1442 = arith.constant 0 : i32
          %dma_wait3A_1443 = arith.constant 0 : i32
          %dma_wait3A_1444 = tpu.memref_slice %arg14[%dma_wait3A_1442, %dma_wait3A_1443] : memref<1024x32xf32, #tpu.memory_space<vmem>> -> memref<256x32xf32, #tpu.memory_space<vmem>>
          %dma_wait3A_1445 = arith.constant 0 : i32
          %dma_wait3A_1446 = arith.constant 0 : i32
          %dma_wait3A_1447 = tpu.memref_slice %arg6[%dma_wait3A_1445, %dma_wait3A_1446] : memref<2097160x32xf32, #tpu.memory_space<hbm>> -> memref<2097160x32xf32, #tpu.memory_space<hbm>>
          tpu.wait_indirect_dma semaphore(%arg23 : memref<!tpu.dma_semaphore, #tpu.memory_space<semaphore_mem>>) src(%dma_wait3A_1444 : memref<256x32xf32, #tpu.memory_space<vmem>>) dst(%dma_wait3A_1447 : memref<2097160x32xf32, #tpu.memory_space<hbm>>)
          %dma_start3A_1448 = arith.constant 256 : i32
          %dma_start3A_1449 = arith.constant 0 : i32
          %dma_start3A_1450 = tpu.memref_slice %arg14[%dma_start3A_1448, %dma_start3A_1449] : memref<1024x32xf32, #tpu.memory_space<vmem>> -> memref<256x32xf32, #tpu.memory_space<vmem>>
          %dma_start3A_1451 = arith.constant 0 : i32
          %dma_start3A_1452 = arith.constant 0 : i32
          %dma_start3A_1453 = tpu.memref_slice %arg6[%dma_start3A_1451, %dma_start3A_1452] : memref<2097160x32xf32, #tpu.memory_space<hbm>> -> memref<2097160x32xf32, #tpu.memory_space<hbm>>
          tpu.enqueue_indirect_dma source(%dma_start3A_1450 : memref<256x32xf32, #tpu.memory_space<vmem>>) target(%dma_start3A_1453 : memref<2097160x32xf32, #tpu.memory_space<hbm>>) offsets(%arg17 : memref<256xi32, #tpu.memory_space<vmem>>) semaphore(%arg23 : memref<!tpu.dma_semaphore, #tpu.memory_space<semaphore_mem>>)
          %dma_wait3A_1454 = arith.constant 256 : i32
          %dma_wait3A_1455 = arith.constant 0 : i32
          %dma_wait3A_1456 = tpu.memref_slice %arg14[%dma_wait3A_1454, %dma_wait3A_1455] : memref<1024x32xf32, #tpu.memory_space<vmem>> -> memref<256x32xf32, #tpu.memory_space<vmem>>
          %dma_wait3A_1457 = arith.constant 0 : i32
          %dma_wait3A_1458 = arith.constant 0 : i32
          %dma_wait3A_1459 = tpu.memref_slice %arg6[%dma_wait3A_1457, %dma_wait3A_1458] : memref<2097160x32xf32, #tpu.memory_space<hbm>> -> memref<2097160x32xf32, #tpu.memory_space<hbm>>
          tpu.wait_indirect_dma semaphore(%arg23 : memref<!tpu.dma_semaphore, #tpu.memory_space<semaphore_mem>>) src(%dma_wait3A_1456 : memref<256x32xf32, #tpu.memory_space<vmem>>) dst(%dma_wait3A_1459 : memref<2097160x32xf32, #tpu.memory_space<hbm>>)
          %dma_start3A_1460 = arith.constant 512 : i32
          %dma_start3A_1461 = arith.constant 0 : i32
          %dma_start3A_1462 = tpu.memref_slice %arg14[%dma_start3A_1460, %dma_start3A_1461] : memref<1024x32xf32, #tpu.memory_space<vmem>> -> memref<256x32xf32, #tpu.memory_space<vmem>>
          %dma_start3A_1463 = arith.constant 0 : i32
          %dma_start3A_1464 = arith.constant 0 : i32
          %dma_start3A_1465 = tpu.memref_slice %arg6[%dma_start3A_1463, %dma_start3A_1464] : memref<2097160x32xf32, #tpu.memory_space<hbm>> -> memref<2097160x32xf32, #tpu.memory_space<hbm>>
          tpu.enqueue_indirect_dma source(%dma_start3A_1462 : memref<256x32xf32, #tpu.memory_space<vmem>>) target(%dma_start3A_1465 : memref<2097160x32xf32, #tpu.memory_space<hbm>>) offsets(%arg18 : memref<256xi32, #tpu.memory_space<vmem>>) semaphore(%arg23 : memref<!tpu.dma_semaphore, #tpu.memory_space<semaphore_mem>>)
          %dma_wait3A_1466 = arith.constant 512 : i32
          %dma_wait3A_1467 = arith.constant 0 : i32
          %dma_wait3A_1468 = tpu.memref_slice %arg14[%dma_wait3A_1466, %dma_wait3A_1467] : memref<1024x32xf32, #tpu.memory_space<vmem>> -> memref<256x32xf32, #tpu.memory_space<vmem>>
          %dma_wait3A_1469 = arith.constant 0 : i32
          %dma_wait3A_1470 = arith.constant 0 : i32
          %dma_wait3A_1471 = tpu.memref_slice %arg6[%dma_wait3A_1469, %dma_wait3A_1470] : memref<2097160x32xf32, #tpu.memory_space<hbm>> -> memref<2097160x32xf32, #tpu.memory_space<hbm>>
          tpu.wait_indirect_dma semaphore(%arg23 : memref<!tpu.dma_semaphore, #tpu.memory_space<semaphore_mem>>) src(%dma_wait3A_1468 : memref<256x32xf32, #tpu.memory_space<vmem>>) dst(%dma_wait3A_1471 : memref<2097160x32xf32, #tpu.memory_space<hbm>>)
          %dma_start3A_1472 = arith.constant 768 : i32
          %dma_start3A_1473 = arith.constant 0 : i32
          %dma_start3A_1474 = tpu.memref_slice %arg14[%dma_start3A_1472, %dma_start3A_1473] : memref<1024x32xf32, #tpu.memory_space<vmem>> -> memref<256x32xf32, #tpu.memory_space<vmem>>
          %dma_start3A_1475 = arith.constant 0 : i32
          %dma_start3A_1476 = arith.constant 0 : i32
          %dma_start3A_1477 = tpu.memref_slice %arg6[%dma_start3A_1475, %dma_start3A_1476] : memref<2097160x32xf32, #tpu.memory_space<hbm>> -> memref<2097160x32xf32, #tpu.memory_space<hbm>>
          tpu.enqueue_indirect_dma source(%dma_start3A_1474 : memref<256x32xf32, #tpu.memory_space<vmem>>) target(%dma_start3A_1477 : memref<2097160x32xf32, #tpu.memory_space<hbm>>) offsets(%arg19 : memref<256xi32, #tpu.memory_space<vmem>>) semaphore(%arg23 : memref<!tpu.dma_semaphore, #tpu.memory_space<semaphore_mem>>)
          %dma_wait3A_1478 = arith.constant 768 : i32
          %dma_wait3A_1479 = arith.constant 0 : i32
          %dma_wait3A_1480 = tpu.memref_slice %arg14[%dma_wait3A_1478, %dma_wait3A_1479] : memref<1024x32xf32, #tpu.memory_space<vmem>> -> memref<256x32xf32, #tpu.memory_space<vmem>>
          %dma_wait3A_1481 = arith.constant 0 : i32
          %dma_wait3A_1482 = arith.constant 0 : i32
          %dma_wait3A_1483 = tpu.memref_slice %arg6[%dma_wait3A_1481, %dma_wait3A_1482] : memref<2097160x32xf32, #tpu.memory_space<hbm>> -> memref<2097160x32xf32, #tpu.memory_space<hbm>>
          tpu.wait_indirect_dma semaphore(%arg23 : memref<!tpu.dma_semaphore, #tpu.memory_space<semaphore_mem>>) src(%dma_wait3A_1480 : memref<256x32xf32, #tpu.memory_space<vmem>>) dst(%dma_wait3A_1483 : memref<2097160x32xf32, #tpu.memory_space<hbm>>)
          %dma_wait3A_1484 = arith.constant 0 : i32
          %dma_wait3A_1485 = tpu.memref_slice %arg2[%dma_wait3A_1484] : memref<151552xi32, #tpu.memory_space<hbm>> -> memref<1024xi32, #tpu.memory_space<hbm>>
          %dma_wait3A_1486 = arith.constant 0 : i32
          %dma_wait3A_1487 = tpu.memref_slice %arg2[%dma_wait3A_1486] : memref<151552xi32, #tpu.memory_space<hbm>> -> memref<1024xi32, #tpu.memory_space<hbm>>
          tpu.wait_dma2 semaphore(%arg22 : memref<!tpu.dma_semaphore, #tpu.memory_space<semaphore_mem>>) src(%dma_wait3A_1487 : memref<1024xi32, #tpu.memory_space<hbm>>) dst(%arg9 : memref<1024xi32, #tpu.memory_space<vmem>>)
          %dma_wait3A_1488 = arith.constant 0 : i32
          %dma_wait3A_1489 = tpu.memref_slice %arg3[%dma_wait3A_1488] : memref<151552xi32, #tpu.memory_space<hbm>> -> memref<1024xi32, #tpu.memory_space<hbm>>
          %dma_wait3A_1490 = arith.constant 0 : i32
          %dma_wait3A_1491 = tpu.memref_slice %arg3[%dma_wait3A_1490] : memref<151552xi32, #tpu.memory_space<hbm>> -> memref<1024xi32, #tpu.memory_space<hbm>>
          tpu.wait_dma2 semaphore(%arg22 : memref<!tpu.dma_semaphore, #tpu.memory_space<semaphore_mem>>) src(%dma_wait3A_1491 : memref<1024xi32, #tpu.memory_space<hbm>>) dst(%arg11 : memref<1024xi32, #tpu.memory_space<vmem>>)
          %dma_wait3A_1492 = arith.constant 0 : i32
          %dma_wait3A_1493 = tpu.memref_slice %arg4[%dma_wait3A_1492] : memref<151552xi32, #tpu.memory_space<hbm>> -> memref<1024xi32, #tpu.memory_space<hbm>>
          %dma_wait3A_1494 = arith.constant 0 : i32
          %dma_wait3A_1495 = tpu.memref_slice %arg4[%dma_wait3A_1494] : memref<151552xi32, #tpu.memory_space<hbm>> -> memref<1024xi32, #tpu.memory_space<hbm>>
          tpu.wait_dma2 semaphore(%arg22 : memref<!tpu.dma_semaphore, #tpu.memory_space<semaphore_mem>>) src(%dma_wait3A_1495 : memref<1024xi32, #tpu.memory_space<hbm>>) dst(%arg13 : memref<1024xi32, #tpu.memory_space<vmem>>)
          %dma_wait3A_1496 = arith.constant 0 : i32
          %dma_wait3A_1497 = arith.constant 0 : i32
          %dma_wait3A_1498 = tpu.memref_slice %arg5[%dma_wait3A_1496, %dma_wait3A_1497] : memref<151552x32xf32, #tpu.memory_space<hbm>> -> memref<1024x32xf32, #tpu.memory_space<hbm>>
          %dma_wait3A_1499 = arith.constant 0 : i32
          %dma_wait3A_1500 = arith.constant 0 : i32
          %dma_wait3A_1501 = tpu.memref_slice %arg5[%dma_wait3A_1499, %dma_wait3A_1500] : memref<151552x32xf32, #tpu.memory_space<hbm>> -> memref<1024x32xf32, #tpu.memory_space<hbm>>
          tpu.wait_dma2 semaphore(%arg22 : memref<!tpu.dma_semaphore, #tpu.memory_space<semaphore_mem>>) src(%dma_wait3A_1501 : memref<1024x32xf32, #tpu.memory_space<hbm>>) dst(%arg15 : memref<1024x32xf32, #tpu.memory_space<vmem>>)
          %add3A_1502 = arith.constant 2 : i32
          %add3A_1503 = arith.addi %mul3A_62, %add3A_1502 : i32
          %min3A = arith.constant 147 : i32
          %min3A_1504 = arith.minsi %add3A_1503, %min3A : i32
          %mul3A_1505 = arith.constant 1024 : i32
          %mul3A_1506 = arith.muli %min3A_1504, %mul3A_1505 : i32
          %dma_start3A_1507 = tpu.memref_slice %arg2[%mul3A_1506] : memref<151552xi32, #tpu.memory_space<hbm>> -> memref<1024xi32, #tpu.memory_space<hbm>>
          %dma_start3A_1508 = tpu.memref_slice %arg2[%mul3A_1506] : memref<151552xi32, #tpu.memory_space<hbm>> -> memref<1024xi32, #tpu.memory_space<hbm>>
          tpu.enqueue_dma source(%dma_start3A_1508 : memref<1024xi32, #tpu.memory_space<hbm>>) target(%arg8 : memref<1024xi32, #tpu.memory_space<vmem>>) target_semaphore(%arg21 : memref<!tpu.dma_semaphore, #tpu.memory_space<semaphore_mem>>)
          %dma_start3A_1509 = tpu.memref_slice %arg3[%mul3A_1506] : memref<151552xi32, #tpu.memory_space<hbm>> -> memref<1024xi32, #tpu.memory_space<hbm>>
          %dma_start3A_1510 = tpu.memref_slice %arg3[%mul3A_1506] : memref<151552xi32, #tpu.memory_space<hbm>> -> memref<1024xi32, #tpu.memory_space<hbm>>
          tpu.enqueue_dma source(%dma_start3A_1510 : memref<1024xi32, #tpu.memory_space<hbm>>) target(%arg10 : memref<1024xi32, #tpu.memory_space<vmem>>) target_semaphore(%arg21 : memref<!tpu.dma_semaphore, #tpu.memory_space<semaphore_mem>>)
          %dma_start3A_1511 = tpu.memref_slice %arg4[%mul3A_1506] : memref<151552xi32, #tpu.memory_space<hbm>> -> memref<1024xi32, #tpu.memory_space<hbm>>
          %dma_start3A_1512 = tpu.memref_slice %arg4[%mul3A_1506] : memref<151552xi32, #tpu.memory_space<hbm>> -> memref<1024xi32, #tpu.memory_space<hbm>>
          tpu.enqueue_dma source(%dma_start3A_1512 : memref<1024xi32, #tpu.memory_space<hbm>>) target(%arg12 : memref<1024xi32, #tpu.memory_space<vmem>>) target_semaphore(%arg21 : memref<!tpu.dma_semaphore, #tpu.memory_space<semaphore_mem>>)
          %dma_start3A_1513 = arith.constant 0 : i32
          %dma_start3A_1514 = tpu.memref_slice %arg5[%mul3A_1506, %dma_start3A_1513] : memref<151552x32xf32, #tpu.memory_space<hbm>> -> memref<1024x32xf32, #tpu.memory_space<hbm>>
          %dma_start3A_1515 = arith.constant 0 : i32
          %dma_start3A_1516 = tpu.memref_slice %arg5[%mul3A_1506, %dma_start3A_1515] : memref<151552x32xf32, #tpu.memory_space<hbm>> -> memref<1024x32xf32, #tpu.memory_space<hbm>>
          tpu.enqueue_dma source(%dma_start3A_1516 : memref<1024x32xf32, #tpu.memory_space<hbm>>) target(%arg14 : memref<1024x32xf32, #tpu.memory_space<vmem>>) target_semaphore(%arg21 : memref<!tpu.dma_semaphore, #tpu.memory_space<semaphore_mem>>)
          %get3A_1517 = arith.constant 0 : index
          %get3A_1518 = tpu.vector_load %arg9[%get3A_1517] {strides = array<i32>} : memref<1024xi32, #tpu.memory_space<vmem>>, vector<16xi32>,
          %get3A_1519 = vector.shape_cast %get3A_1518 : vector<16xi32> to vector<16xi32>
          %get3A_1520 = arith.constant 0 : index
          %get3A_1521 = tpu.vector_load %arg11[%get3A_1520] {strides = array<i32>} : memref<1024xi32, #tpu.memory_space<vmem>>, vector<16xi32>,
          %get3A_1522 = vector.shape_cast %get3A_1521 : vector<16xi32> to vector<16xi32>
          %get3A_1523 = arith.constant 0 : index
          %get3A_1524 = tpu.vector_load %arg13[%get3A_1523] {strides = array<i32>} : memref<1024xi32, #tpu.memory_space<vmem>>, vector<16xi32>,
          %get3A_1525 = vector.shape_cast %get3A_1524 : vector<16xi32> to vector<16xi32>
          %mul3A_1526 = arith.constant 16384 : i32
          %mul3A_1527 = vector.broadcast %mul3A_1526 : i32 to vector<16xi32>
          %mul3A_1528 = arith.muli %get3A_1519, %mul3A_1527 : vector<16xi32>
          %mul3A_1529 = arith.constant 128 : i32
          %mul3A_1530 = vector.broadcast %mul3A_1529 : i32 to vector<16xi32>
          %mul3A_1531 = arith.muli %get3A_1522, %mul3A_1530 : vector<16xi32>
          %add3A_1532 = arith.addi %mul3A_1528, %mul3A_1531 : vector<16xi32>
          %add3A_1533 = arith.addi %add3A_1532, %get3A_1525 : vector<16xi32>
          %swap3A_1534 = arith.constant 0 : index
          %swap3A_1535 = tpu.vector_load %arg16[%swap3A_1534] {strides = array<i32>} : memref<256xi32, #tpu.memory_space<vmem>>, vector<16xi32>,
          %swap3A_1536 = vector.shape_cast %swap3A_1535 : vector<16xi32> to vector<16xi32>
          %swap3A_1537 = vector.shape_cast %add3A_1533 : vector<16xi32> to vector<16xi32>
          tpu.vector_store %arg16[%swap3A_1534], %swap3A_1537 {strides = array<i32>} : memref<256xi32, #tpu.memory_space<vmem>>, vector<16xi32>,
          %get3A_1538 = arith.constant 16 : index
          %get3A_1539 = tpu.vector_load %arg9[%get3A_1538] {strides = array<i32>} : memref<1024xi32, #tpu.memory_space<vmem>>, vector<16xi32>,
          %get3A_1540 = vector.shape_cast %get3A_1539 : vector<16xi32> to vector<16xi32>
          %get3A_1541 = arith.constant 16 : index
          %get3A_1542 = tpu.vector_load %arg11[%get3A_1541] {strides = array<i32>} : memref<1024xi32, #tpu.memory_space<vmem>>, vector<16xi32>,
          %get3A_1543 = vector.shape_cast %get3A_1542 : vector<16xi32> to vector<16xi32>
          %get3A_1544 = arith.constant 16 : index
          %get3A_1545 = tpu.vector_load %arg13[%get3A_1544] {strides = array<i32>} : memref<1024xi32, #tpu.memory_space<vmem>>, vector<16xi32>,
          %get3A_1546 = vector.shape_cast %get3A_1545 : vector<16xi32> to vector<16xi32>
          %mul3A_1547 = arith.constant 16384 : i32
          %mul3A_1548 = vector.broadcast %mul3A_1547 : i32 to vector<16xi32>
          %mul3A_1549 = arith.muli %get3A_1540, %mul3A_1548 : vector<16xi32>
          %mul3A_1550 = arith.constant 128 : i32
          %mul3A_1551 = vector.broadcast %mul3A_1550 : i32 to vector<16xi32>
          %mul3A_1552 = arith.muli %get3A_1543, %mul3A_1551 : vector<16xi32>
          %add3A_1553 = arith.addi %mul3A_1549, %mul3A_1552 : vector<16xi32>
          %add3A_1554 = arith.addi %add3A_1553, %get3A_1546 : vector<16xi32>
          %swap3A_1555 = arith.constant 16 : index
          %swap3A_1556 = tpu.vector_load %arg16[%swap3A_1555] {strides = array<i32>} : memref<256xi32, #tpu.memory_space<vmem>>, vector<16xi32>,
          %swap3A_1557 = vector.shape_cast %swap3A_1556 : vector<16xi32> to vector<16xi32>
          %swap3A_1558 = vector.shape_cast %add3A_1554 : vector<16xi32> to vector<16xi32>
          tpu.vector_store %arg16[%swap3A_1555], %swap3A_1558 {strides = array<i32>} : memref<256xi32, #tpu.memory_space<vmem>>, vector<16xi32>,
          %get3A_1559 = arith.constant 32 : index
          %get3A_1560 = tpu.vector_load %arg9[%get3A_1559] {strides = array<i32>} : memref<1024xi32, #tpu.memory_space<vmem>>, vector<16xi32>,
          %get3A_1561 = vector.shape_cast %get3A_1560 : vector<16xi32> to vector<16xi32>
          %get3A_1562 = arith.constant 32 : index
          %get3A_1563 = tpu.vector_load %arg11[%get3A_1562] {strides = array<i32>} : memref<1024xi32, #tpu.memory_space<vmem>>, vector<16xi32>,
          %get3A_1564 = vector.shape_cast %get3A_1563 : vector<16xi32> to vector<16xi32>
          %get3A_1565 = arith.constant 32 : index
          %get3A_1566 = tpu.vector_load %arg13[%get3A_1565] {strides = array<i32>} : memref<1024xi32, #tpu.memory_space<vmem>>, vector<16xi32>,
          %get3A_1567 = vector.shape_cast %get3A_1566 : vector<16xi32> to vector<16xi32>
          %mul3A_1568 = arith.constant 16384 : i32
          %mul3A_1569 = vector.broadcast %mul3A_1568 : i32 to vector<16xi32>
          %mul3A_1570 = arith.muli %get3A_1561, %mul3A_1569 : vector<16xi32>
          %mul3A_1571 = arith.constant 128 : i32
          %mul3A_1572 = vector.broadcast %mul3A_1571 : i32 to vector<16xi32>
          %mul3A_1573 = arith.muli %get3A_1564, %mul3A_1572 : vector<16xi32>
          %add3A_1574 = arith.addi %mul3A_1570, %mul3A_1573 : vector<16xi32>
          %add3A_1575 = arith.addi %add3A_1574, %get3A_1567 : vector<16xi32>
          %swap3A_1576 = arith.constant 32 : index
          %swap3A_1577 = tpu.vector_load %arg16[%swap3A_1576] {strides = array<i32>} : memref<256xi32, #tpu.memory_space<vmem>>, vector<16xi32>,
          %swap3A_1578 = vector.shape_cast %swap3A_1577 : vector<16xi32> to vector<16xi32>
          %swap3A_1579 = vector.shape_cast %add3A_1575 : vector<16xi32> to vector<16xi32>
          tpu.vector_store %arg16[%swap3A_1576], %swap3A_1579 {strides = array<i32>} : memref<256xi32, #tpu.memory_space<vmem>>, vector<16xi32>,
          %get3A_1580 = arith.constant 48 : index
          %get3A_1581 = tpu.vector_load %arg9[%get3A_1580] {strides = array<i32>} : memref<1024xi32, #tpu.memory_space<vmem>>, vector<16xi32>,
          %get3A_1582 = vector.shape_cast %get3A_1581 : vector<16xi32> to vector<16xi32>
          %get3A_1583 = arith.constant 48 : index
          %get3A_1584 = tpu.vector_load %arg11[%get3A_1583] {strides = array<i32>} : memref<1024xi32, #tpu.memory_space<vmem>>, vector<16xi32>,
          %get3A_1585 = vector.shape_cast %get3A_1584 : vector<16xi32> to vector<16xi32>
          %get3A_1586 = arith.constant 48 : index
          %get3A_1587 = tpu.vector_load %arg13[%get3A_1586] {strides = array<i32>} : memref<1024xi32, #tpu.memory_space<vmem>>, vector<16xi32>,
          %get3A_1588 = vector.shape_cast %get3A_1587 : vector<16xi32> to vector<16xi32>
          %mul3A_1589 = arith.constant 16384 : i32
          %mul3A_1590 = vector.broadcast %mul3A_1589 : i32 to vector<16xi32>
          %mul3A_1591 = arith.muli %get3A_1582, %mul3A_1590 : vector<16xi32>
          %mul3A_1592 = arith.constant 128 : i32
          %mul3A_1593 = vector.broadcast %mul3A_1592 : i32 to vector<16xi32>
          %mul3A_1594 = arith.muli %get3A_1585, %mul3A_1593 : vector<16xi32>
          %add3A_1595 = arith.addi %mul3A_1591, %mul3A_1594 : vector<16xi32>
          %add3A_1596 = arith.addi %add3A_1595, %get3A_1588 : vector<16xi32>
          %swap3A_1597 = arith.constant 48 : index
          %swap3A_1598 = tpu.vector_load %arg16[%swap3A_1597] {strides = array<i32>} : memref<256xi32, #tpu.memory_space<vmem>>, vector<16xi32>,
          %swap3A_1599 = vector.shape_cast %swap3A_1598 : vector<16xi32> to vector<16xi32>
          %swap3A_1600 = vector.shape_cast %add3A_1596 : vector<16xi32> to vector<16xi32>
          tpu.vector_store %arg16[%swap3A_1597], %swap3A_1600 {strides = array<i32>} : memref<256xi32, #tpu.memory_space<vmem>>, vector<16xi32>,
          %get3A_1601 = arith.constant 64 : index
          %get3A_1602 = tpu.vector_load %arg9[%get3A_1601] {strides = array<i32>} : memref<1024xi32, #tpu.memory_space<vmem>>, vector<16xi32>,
          %get3A_1603 = vector.shape_cast %get3A_1602 : vector<16xi32> to vector<16xi32>
          %get3A_1604 = arith.constant 64 : index
          %get3A_1605 = tpu.vector_load %arg11[%get3A_1604] {strides = array<i32>} : memref<1024xi32, #tpu.memory_space<vmem>>, vector<16xi32>,
          %get3A_1606 = vector.shape_cast %get3A_1605 : vector<16xi32> to vector<16xi32>
          %get3A_1607 = arith.constant 64 : index
          %get3A_1608 = tpu.vector_load %arg13[%get3A_1607] {strides = array<i32>} : memref<1024xi32, #tpu.memory_space<vmem>>, vector<16xi32>,
          %get3A_1609 = vector.shape_cast %get3A_1608 : vector<16xi32> to vector<16xi32>
          %mul3A_1610 = arith.constant 16384 : i32
          %mul3A_1611 = vector.broadcast %mul3A_1610 : i32 to vector<16xi32>
          %mul3A_1612 = arith.muli %get3A_1603, %mul3A_1611 : vector<16xi32>
          %mul3A_1613 = arith.constant 128 : i32
          %mul3A_1614 = vector.broadcast %mul3A_1613 : i32 to vector<16xi32>
          %mul3A_1615 = arith.muli %get3A_1606, %mul3A_1614 : vector<16xi32>
          %add3A_1616 = arith.addi %mul3A_1612, %mul3A_1615 : vector<16xi32>
          %add3A_1617 = arith.addi %add3A_1616, %get3A_1609 : vector<16xi32>
          %swap3A_1618 = arith.constant 64 : index
          %swap3A_1619 = tpu.vector_load %arg16[%swap3A_1618] {strides = array<i32>} : memref<256xi32, #tpu.memory_space<vmem>>, vector<16xi32>,
          %swap3A_1620 = vector.shape_cast %swap3A_1619 : vector<16xi32> to vector<16xi32>
          %swap3A_1621 = vector.shape_cast %add3A_1617 : vector<16xi32> to vector<16xi32>
          tpu.vector_store %arg16[%swap3A_1618], %swap3A_1621 {strides = array<i32>} : memref<256xi32, #tpu.memory_space<vmem>>, vector<16xi32>,
          %get3A_1622 = arith.constant 80 : index
          %get3A_1623 = tpu.vector_load %arg9[%get3A_1622] {strides = array<i32>} : memref<1024xi32, #tpu.memory_space<vmem>>, vector<16xi32>,
          %get3A_1624 = vector.shape_cast %get3A_1623 : vector<16xi32> to vector<16xi32>
          %get3A_1625 = arith.constant 80 : index
          %get3A_1626 = tpu.vector_load %arg11[%get3A_1625] {strides = array<i32>} : memref<1024xi32, #tpu.memory_space<vmem>>, vector<16xi32>,
          %get3A_1627 = vector.shape_cast %get3A_1626 : vector<16xi32> to vector<16xi32>
          %get3A_1628 = arith.constant 80 : index
          %get3A_1629 = tpu.vector_load %arg13[%get3A_1628] {strides = array<i32>} : memref<1024xi32, #tpu.memory_space<vmem>>, vector<16xi32>,
          %get3A_1630 = vector.shape_cast %get3A_1629 : vector<16xi32> to vector<16xi32>
          %mul3A_1631 = arith.constant 16384 : i32
          %mul3A_1632 = vector.broadcast %mul3A_1631 : i32 to vector<16xi32>
          %mul3A_1633 = arith.muli %get3A_1624, %mul3A_1632 : vector<16xi32>
          %mul3A_1634 = arith.constant 128 : i32
          %mul3A_1635 = vector.broadcast %mul3A_1634 : i32 to vector<16xi32>
          %mul3A_1636 = arith.muli %get3A_1627, %mul3A_1635 : vector<16xi32>
          %add3A_1637 = arith.addi %mul3A_1633, %mul3A_1636 : vector<16xi32>
          %add3A_1638 = arith.addi %add3A_1637, %get3A_1630 : vector<16xi32>
          %swap3A_1639 = arith.constant 80 : index
          %swap3A_1640 = tpu.vector_load %arg16[%swap3A_1639] {strides = array<i32>} : memref<256xi32, #tpu.memory_space<vmem>>, vector<16xi32>,
          %swap3A_1641 = vector.shape_cast %swap3A_1640 : vector<16xi32> to vector<16xi32>
          %swap3A_1642 = vector.shape_cast %add3A_1638 : vector<16xi32> to vector<16xi32>
          tpu.vector_store %arg16[%swap3A_1639], %swap3A_1642 {strides = array<i32>} : memref<256xi32, #tpu.memory_space<vmem>>, vector<16xi32>,
          %get3A_1643 = arith.constant 96 : index
          %get3A_1644 = tpu.vector_load %arg9[%get3A_1643] {strides = array<i32>} : memref<1024xi32, #tpu.memory_space<vmem>>, vector<16xi32>,
          %get3A_1645 = vector.shape_cast %get3A_1644 : vector<16xi32> to vector<16xi32>
          %get3A_1646 = arith.constant 96 : index
          %get3A_1647 = tpu.vector_load %arg11[%get3A_1646] {strides = array<i32>} : memref<1024xi32, #tpu.memory_space<vmem>>, vector<16xi32>,
          %get3A_1648 = vector.shape_cast %get3A_1647 : vector<16xi32> to vector<16xi32>
          %get3A_1649 = arith.constant 96 : index
          %get3A_1650 = tpu.vector_load %arg13[%get3A_1649] {strides = array<i32>} : memref<1024xi32, #tpu.memory_space<vmem>>, vector<16xi32>,
          %get3A_1651 = vector.shape_cast %get3A_1650 : vector<16xi32> to vector<16xi32>
          %mul3A_1652 = arith.constant 16384 : i32
          %mul3A_1653 = vector.broadcast %mul3A_1652 : i32 to vector<16xi32>
          %mul3A_1654 = arith.muli %get3A_1645, %mul3A_1653 : vector<16xi32>
          %mul3A_1655 = arith.constant 128 : i32
          %mul3A_1656 = vector.broadcast %mul3A_1655 : i32 to vector<16xi32>
          %mul3A_1657 = arith.muli %get3A_1648, %mul3A_1656 : vector<16xi32>
          %add3A_1658 = arith.addi %mul3A_1654, %mul3A_1657 : vector<16xi32>
          %add3A_1659 = arith.addi %add3A_1658, %get3A_1651 : vector<16xi32>
          %swap3A_1660 = arith.constant 96 : index
          %swap3A_1661 = tpu.vector_load %arg16[%swap3A_1660] {strides = array<i32>} : memref<256xi32, #tpu.memory_space<vmem>>, vector<16xi32>,
          %swap3A_1662 = vector.shape_cast %swap3A_1661 : vector<16xi32> to vector<16xi32>
          %swap3A_1663 = vector.shape_cast %add3A_1659 : vector<16xi32> to vector<16xi32>
          tpu.vector_store %arg16[%swap3A_1660], %swap3A_1663 {strides = array<i32>} : memref<256xi32, #tpu.memory_space<vmem>>, vector<16xi32>,
          %get3A_1664 = arith.constant 112 : index
          %get3A_1665 = tpu.vector_load %arg9[%get3A_1664] {strides = array<i32>} : memref<1024xi32, #tpu.memory_space<vmem>>, vector<16xi32>,
          %get3A_1666 = vector.shape_cast %get3A_1665 : vector<16xi32> to vector<16xi32>
          %get3A_1667 = arith.constant 112 : index
          %get3A_1668 = tpu.vector_load %arg11[%get3A_1667] {strides = array<i32>} : memref<1024xi32, #tpu.memory_space<vmem>>, vector<16xi32>,
          %get3A_1669 = vector.shape_cast %get3A_1668 : vector<16xi32> to vector<16xi32>
          %get3A_1670 = arith.constant 112 : index
          %get3A_1671 = tpu.vector_load %arg13[%get3A_1670] {strides = array<i32>} : memref<1024xi32, #tpu.memory_space<vmem>>, vector<16xi32>,
          %get3A_1672 = vector.shape_cast %get3A_1671 : vector<16xi32> to vector<16xi32>
          %mul3A_1673 = arith.constant 16384 : i32
          %mul3A_1674 = vector.broadcast %mul3A_1673 : i32 to vector<16xi32>
          %mul3A_1675 = arith.muli %get3A_1666, %mul3A_1674 : vector<16xi32>
          %mul3A_1676 = arith.constant 128 : i32
          %mul3A_1677 = vector.broadcast %mul3A_1676 : i32 to vector<16xi32>
          %mul3A_1678 = arith.muli %get3A_1669, %mul3A_1677 : vector<16xi32>
          %add3A_1679 = arith.addi %mul3A_1675, %mul3A_1678 : vector<16xi32>
          %add3A_1680 = arith.addi %add3A_1679, %get3A_1672 : vector<16xi32>
          %swap3A_1681 = arith.constant 112 : index
          %swap3A_1682 = tpu.vector_load %arg16[%swap3A_1681] {strides = array<i32>} : memref<256xi32, #tpu.memory_space<vmem>>, vector<16xi32>,
          %swap3A_1683 = vector.shape_cast %swap3A_1682 : vector<16xi32> to vector<16xi32>
          %swap3A_1684 = vector.shape_cast %add3A_1680 : vector<16xi32> to vector<16xi32>
          tpu.vector_store %arg16[%swap3A_1681], %swap3A_1684 {strides = array<i32>} : memref<256xi32, #tpu.memory_space<vmem>>, vector<16xi32>,
          %get3A_1685 = arith.constant 128 : index
          %get3A_1686 = tpu.vector_load %arg9[%get3A_1685] {strides = array<i32>} : memref<1024xi32, #tpu.memory_space<vmem>>, vector<16xi32>,
          %get3A_1687 = vector.shape_cast %get3A_1686 : vector<16xi32> to vector<16xi32>
          %get3A_1688 = arith.constant 128 : index
          %get3A_1689 = tpu.vector_load %arg11[%get3A_1688] {strides = array<i32>} : memref<1024xi32, #tpu.memory_space<vmem>>, vector<16xi32>,
          %get3A_1690 = vector.shape_cast %get3A_1689 : vector<16xi32> to vector<16xi32>
          %get3A_1691 = arith.constant 128 : index
          %get3A_1692 = tpu.vector_load %arg13[%get3A_1691] {strides = array<i32>} : memref<1024xi32, #tpu.memory_space<vmem>>, vector<16xi32>,
          %get3A_1693 = vector.shape_cast %get3A_1692 : vector<16xi32> to vector<16xi32>
          %mul3A_1694 = arith.constant 16384 : i32
          %mul3A_1695 = vector.broadcast %mul3A_1694 : i32 to vector<16xi32>
          %mul3A_1696 = arith.muli %get3A_1687, %mul3A_1695 : vector<16xi32>
          %mul3A_1697 = arith.constant 128 : i32
          %mul3A_1698 = vector.broadcast %mul3A_1697 : i32 to vector<16xi32>
          %mul3A_1699 = arith.muli %get3A_1690, %mul3A_1698 : vector<16xi32>
          %add3A_1700 = arith.addi %mul3A_1696, %mul3A_1699 : vector<16xi32>
          %add3A_1701 = arith.addi %add3A_1700, %get3A_1693 : vector<16xi32>
          %swap3A_1702 = arith.constant 128 : index
          %swap3A_1703 = tpu.vector_load %arg16[%swap3A_1702] {strides = array<i32>} : memref<256xi32, #tpu.memory_space<vmem>>, vector<16xi32>,
          %swap3A_1704 = vector.shape_cast %swap3A_1703 : vector<16xi32> to vector<16xi32>
          %swap3A_1705 = vector.shape_cast %add3A_1701 : vector<16xi32> to vector<16xi32>
          tpu.vector_store %arg16[%swap3A_1702], %swap3A_1705 {strides = array<i32>} : memref<256xi32, #tpu.memory_space<vmem>>, vector<16xi32>,
          %get3A_1706 = arith.constant 144 : index
          %get3A_1707 = tpu.vector_load %arg9[%get3A_1706] {strides = array<i32>} : memref<1024xi32, #tpu.memory_space<vmem>>, vector<16xi32>,
          %get3A_1708 = vector.shape_cast %get3A_1707 : vector<16xi32> to vector<16xi32>
          %get3A_1709 = arith.constant 144 : index
          %get3A_1710 = tpu.vector_load %arg11[%get3A_1709] {strides = array<i32>} : memref<1024xi32, #tpu.memory_space<vmem>>, vector<16xi32>,
          %get3A_1711 = vector.shape_cast %get3A_1710 : vector<16xi32> to vector<16xi32>
          %get3A_1712 = arith.constant 144 : index
          %get3A_1713 = tpu.vector_load %arg13[%get3A_1712] {strides = array<i32>} : memref<1024xi32, #tpu.memory_space<vmem>>, vector<16xi32>,
          %get3A_1714 = vector.shape_cast %get3A_1713 : vector<16xi32> to vector<16xi32>
          %mul3A_1715 = arith.constant 16384 : i32
          %mul3A_1716 = vector.broadcast %mul3A_1715 : i32 to vector<16xi32>
          %mul3A_1717 = arith.muli %get3A_1708, %mul3A_1716 : vector<16xi32>
          %mul3A_1718 = arith.constant 128 : i32
          %mul3A_1719 = vector.broadcast %mul3A_1718 : i32 to vector<16xi32>
          %mul3A_1720 = arith.muli %get3A_1711, %mul3A_1719 : vector<16xi32>
          %add3A_1721 = arith.addi %mul3A_1717, %mul3A_1720 : vector<16xi32>
          %add3A_1722 = arith.addi %add3A_1721, %get3A_1714 : vector<16xi32>
          %swap3A_1723 = arith.constant 144 : index
          %swap3A_1724 = tpu.vector_load %arg16[%swap3A_1723] {strides = array<i32>} : memref<256xi32, #tpu.memory_space<vmem>>, vector<16xi32>,
          %swap3A_1725 = vector.shape_cast %swap3A_1724 : vector<16xi32> to vector<16xi32>
          %swap3A_1726 = vector.shape_cast %add3A_1722 : vector<16xi32> to vector<16xi32>
          tpu.vector_store %arg16[%swap3A_1723], %swap3A_1726 {strides = array<i32>} : memref<256xi32, #tpu.memory_space<vmem>>, vector<16xi32>,
          %get3A_1727 = arith.constant 160 : index
          %get3A_1728 = tpu.vector_load %arg9[%get3A_1727] {strides = array<i32>} : memref<1024xi32, #tpu.memory_space<vmem>>, vector<16xi32>,
          %get3A_1729 = vector.shape_cast %get3A_1728 : vector<16xi32> to vector<16xi32>
          %get3A_1730 = arith.constant 160 : index
          %get3A_1731 = tpu.vector_load %arg11[%get3A_1730] {strides = array<i32>} : memref<1024xi32, #tpu.memory_space<vmem>>, vector<16xi32>,
          %get3A_1732 = vector.shape_cast %get3A_1731 : vector<16xi32> to vector<16xi32>
          %get3A_1733 = arith.constant 160 : index
          %get3A_1734 = tpu.vector_load %arg13[%get3A_1733] {strides = array<i32>} : memref<1024xi32, #tpu.memory_space<vmem>>, vector<16xi32>,
          %get3A_1735 = vector.shape_cast %get3A_1734 : vector<16xi32> to vector<16xi32>
          %mul3A_1736 = arith.constant 16384 : i32
          %mul3A_1737 = vector.broadcast %mul3A_1736 : i32 to vector<16xi32>
          %mul3A_1738 = arith.muli %get3A_1729, %mul3A_1737 : vector<16xi32>
          %mul3A_1739 = arith.constant 128 : i32
          %mul3A_1740 = vector.broadcast %mul3A_1739 : i32 to vector<16xi32>
          %mul3A_1741 = arith.muli %get3A_1732, %mul3A_1740 : vector<16xi32>
          %add3A_1742 = arith.addi %mul3A_1738, %mul3A_1741 : vector<16xi32>
          %add3A_1743 = arith.addi %add3A_1742, %get3A_1735 : vector<16xi32>
          %swap3A_1744 = arith.constant 160 : index
          %swap3A_1745 = tpu.vector_load %arg16[%swap3A_1744] {strides = array<i32>} : memref<256xi32, #tpu.memory_space<vmem>>, vector<16xi32>,
          %swap3A_1746 = vector.shape_cast %swap3A_1745 : vector<16xi32> to vector<16xi32>
          %swap3A_1747 = vector.shape_cast %add3A_1743 : vector<16xi32> to vector<16xi32>
          tpu.vector_store %arg16[%swap3A_1744], %swap3A_1747 {strides = array<i32>} : memref<256xi32, #tpu.memory_space<vmem>>, vector<16xi32>,
          %get3A_1748 = arith.constant 176 : index
          %get3A_1749 = tpu.vector_load %arg9[%get3A_1748] {strides = array<i32>} : memref<1024xi32, #tpu.memory_space<vmem>>, vector<16xi32>,
          %get3A_1750 = vector.shape_cast %get3A_1749 : vector<16xi32> to vector<16xi32>
          %get3A_1751 = arith.constant 176 : index
          %get3A_1752 = tpu.vector_load %arg11[%get3A_1751] {strides = array<i32>} : memref<1024xi32, #tpu.memory_space<vmem>>, vector<16xi32>,
          %get3A_1753 = vector.shape_cast %get3A_1752 : vector<16xi32> to vector<16xi32>
          %get3A_1754 = arith.constant 176 : index
          %get3A_1755 = tpu.vector_load %arg13[%get3A_1754] {strides = array<i32>} : memref<1024xi32, #tpu.memory_space<vmem>>, vector<16xi32>,
          %get3A_1756 = vector.shape_cast %get3A_1755 : vector<16xi32> to vector<16xi32>
          %mul3A_1757 = arith.constant 16384 : i32
          %mul3A_1758 = vector.broadcast %mul3A_1757 : i32 to vector<16xi32>
          %mul3A_1759 = arith.muli %get3A_1750, %mul3A_1758 : vector<16xi32>
          %mul3A_1760 = arith.constant 128 : i32
          %mul3A_1761 = vector.broadcast %mul3A_1760 : i32 to vector<16xi32>
          %mul3A_1762 = arith.muli %get3A_1753, %mul3A_1761 : vector<16xi32>
          %add3A_1763 = arith.addi %mul3A_1759, %mul3A_1762 : vector<16xi32>
          %add3A_1764 = arith.addi %add3A_1763, %get3A_1756 : vector<16xi32>
          %swap3A_1765 = arith.constant 176 : index
          %swap3A_1766 = tpu.vector_load %arg16[%swap3A_1765] {strides = array<i32>} : memref<256xi32, #tpu.memory_space<vmem>>, vector<16xi32>,
          %swap3A_1767 = vector.shape_cast %swap3A_1766 : vector<16xi32> to vector<16xi32>
          %swap3A_1768 = vector.shape_cast %add3A_1764 : vector<16xi32> to vector<16xi32>
          tpu.vector_store %arg16[%swap3A_1765], %swap3A_1768 {strides = array<i32>} : memref<256xi32, #tpu.memory_space<vmem>>, vector<16xi32>,
          %get3A_1769 = arith.constant 192 : index
          %get3A_1770 = tpu.vector_load %arg9[%get3A_1769] {strides = array<i32>} : memref<1024xi32, #tpu.memory_space<vmem>>, vector<16xi32>,
          %get3A_1771 = vector.shape_cast %get3A_1770 : vector<16xi32> to vector<16xi32>
          %get3A_1772 = arith.constant 192 : index
          %get3A_1773 = tpu.vector_load %arg11[%get3A_1772] {strides = array<i32>} : memref<1024xi32, #tpu.memory_space<vmem>>, vector<16xi32>,
          %get3A_1774 = vector.shape_cast %get3A_1773 : vector<16xi32> to vector<16xi32>
          %get3A_1775 = arith.constant 192 : index
          %get3A_1776 = tpu.vector_load %arg13[%get3A_1775] {strides = array<i32>} : memref<1024xi32, #tpu.memory_space<vmem>>, vector<16xi32>,
          %get3A_1777 = vector.shape_cast %get3A_1776 : vector<16xi32> to vector<16xi32>
          %mul3A_1778 = arith.constant 16384 : i32
          %mul3A_1779 = vector.broadcast %mul3A_1778 : i32 to vector<16xi32>
          %mul3A_1780 = arith.muli %get3A_1771, %mul3A_1779 : vector<16xi32>
          %mul3A_1781 = arith.constant 128 : i32
          %mul3A_1782 = vector.broadcast %mul3A_1781 : i32 to vector<16xi32>
          %mul3A_1783 = arith.muli %get3A_1774, %mul3A_1782 : vector<16xi32>
          %add3A_1784 = arith.addi %mul3A_1780, %mul3A_1783 : vector<16xi32>
          %add3A_1785 = arith.addi %add3A_1784, %get3A_1777 : vector<16xi32>
          %swap3A_1786 = arith.constant 192 : index
          %swap3A_1787 = tpu.vector_load %arg16[%swap3A_1786] {strides = array<i32>} : memref<256xi32, #tpu.memory_space<vmem>>, vector<16xi32>,
          %swap3A_1788 = vector.shape_cast %swap3A_1787 : vector<16xi32> to vector<16xi32>
          %swap3A_1789 = vector.shape_cast %add3A_1785 : vector<16xi32> to vector<16xi32>
          tpu.vector_store %arg16[%swap3A_1786], %swap3A_1789 {strides = array<i32>} : memref<256xi32, #tpu.memory_space<vmem>>, vector<16xi32>,
          %get3A_1790 = arith.constant 208 : index
          %get3A_1791 = tpu.vector_load %arg9[%get3A_1790] {strides = array<i32>} : memref<1024xi32, #tpu.memory_space<vmem>>, vector<16xi32>,
          %get3A_1792 = vector.shape_cast %get3A_1791 : vector<16xi32> to vector<16xi32>
          %get3A_1793 = arith.constant 208 : index
          %get3A_1794 = tpu.vector_load %arg11[%get3A_1793] {strides = array<i32>} : memref<1024xi32, #tpu.memory_space<vmem>>, vector<16xi32>,
          %get3A_1795 = vector.shape_cast %get3A_1794 : vector<16xi32> to vector<16xi32>
          %get3A_1796 = arith.constant 208 : index
          %get3A_1797 = tpu.vector_load %arg13[%get3A_1796] {strides = array<i32>} : memref<1024xi32, #tpu.memory_space<vmem>>, vector<16xi32>,
          %get3A_1798 = vector.shape_cast %get3A_1797 : vector<16xi32> to vector<16xi32>
          %mul3A_1799 = arith.constant 16384 : i32
          %mul3A_1800 = vector.broadcast %mul3A_1799 : i32 to vector<16xi32>
          %mul3A_1801 = arith.muli %get3A_1792, %mul3A_1800 : vector<16xi32>
          %mul3A_1802 = arith.constant 128 : i32
          %mul3A_1803 = vector.broadcast %mul3A_1802 : i32 to vector<16xi32>
          %mul3A_1804 = arith.muli %get3A_1795, %mul3A_1803 : vector<16xi32>
          %add3A_1805 = arith.addi %mul3A_1801, %mul3A_1804 : vector<16xi32>
          %add3A_1806 = arith.addi %add3A_1805, %get3A_1798 : vector<16xi32>
          %swap3A_1807 = arith.constant 208 : index
          %swap3A_1808 = tpu.vector_load %arg16[%swap3A_1807] {strides = array<i32>} : memref<256xi32, #tpu.memory_space<vmem>>, vector<16xi32>,
          %swap3A_1809 = vector.shape_cast %swap3A_1808 : vector<16xi32> to vector<16xi32>
          %swap3A_1810 = vector.shape_cast %add3A_1806 : vector<16xi32> to vector<16xi32>
          tpu.vector_store %arg16[%swap3A_1807], %swap3A_1810 {strides = array<i32>} : memref<256xi32, #tpu.memory_space<vmem>>, vector<16xi32>,
          %get3A_1811 = arith.constant 224 : index
          %get3A_1812 = tpu.vector_load %arg9[%get3A_1811] {strides = array<i32>} : memref<1024xi32, #tpu.memory_space<vmem>>, vector<16xi32>,
          %get3A_1813 = vector.shape_cast %get3A_1812 : vector<16xi32> to vector<16xi32>
          %get3A_1814 = arith.constant 224 : index
          %get3A_1815 = tpu.vector_load %arg11[%get3A_1814] {strides = array<i32>} : memref<1024xi32, #tpu.memory_space<vmem>>, vector<16xi32>,
          %get3A_1816 = vector.shape_cast %get3A_1815 : vector<16xi32> to vector<16xi32>
          %get3A_1817 = arith.constant 224 : index
          %get3A_1818 = tpu.vector_load %arg13[%get3A_1817] {strides = array<i32>} : memref<1024xi32, #tpu.memory_space<vmem>>, vector<16xi32>,
          %get3A_1819 = vector.shape_cast %get3A_1818 : vector<16xi32> to vector<16xi32>
          %mul3A_1820 = arith.constant 16384 : i32
          %mul3A_1821 = vector.broadcast %mul3A_1820 : i32 to vector<16xi32>
          %mul3A_1822 = arith.muli %get3A_1813, %mul3A_1821 : vector<16xi32>
          %mul3A_1823 = arith.constant 128 : i32
          %mul3A_1824 = vector.broadcast %mul3A_1823 : i32 to vector<16xi32>
          %mul3A_1825 = arith.muli %get3A_1816, %mul3A_1824 : vector<16xi32>
          %add3A_1826 = arith.addi %mul3A_1822, %mul3A_1825 : vector<16xi32>
          %add3A_1827 = arith.addi %add3A_1826, %get3A_1819 : vector<16xi32>
          %swap3A_1828 = arith.constant 224 : index
          %swap3A_1829 = tpu.vector_load %arg16[%swap3A_1828] {strides = array<i32>} : memref<256xi32, #tpu.memory_space<vmem>>, vector<16xi32>,
          %swap3A_1830 = vector.shape_cast %swap3A_1829 : vector<16xi32> to vector<16xi32>
          %swap3A_1831 = vector.shape_cast %add3A_1827 : vector<16xi32> to vector<16xi32>
          tpu.vector_store %arg16[%swap3A_1828], %swap3A_1831 {strides = array<i32>} : memref<256xi32, #tpu.memory_space<vmem>>, vector<16xi32>,
          %get3A_1832 = arith.constant 240 : index
          %get3A_1833 = tpu.vector_load %arg9[%get3A_1832] {strides = array<i32>} : memref<1024xi32, #tpu.memory_space<vmem>>, vector<16xi32>,
          %get3A_1834 = vector.shape_cast %get3A_1833 : vector<16xi32> to vector<16xi32>
          %get3A_1835 = arith.constant 240 : index
          %get3A_1836 = tpu.vector_load %arg11[%get3A_1835] {strides = array<i32>} : memref<1024xi32, #tpu.memory_space<vmem>>, vector<16xi32>,
          %get3A_1837 = vector.shape_cast %get3A_1836 : vector<16xi32> to vector<16xi32>
          %get3A_1838 = arith.constant 240 : index
          %get3A_1839 = tpu.vector_load %arg13[%get3A_1838] {strides = array<i32>} : memref<1024xi32, #tpu.memory_space<vmem>>, vector<16xi32>,
          %get3A_1840 = vector.shape_cast %get3A_1839 : vector<16xi32> to vector<16xi32>
          %mul3A_1841 = arith.constant 16384 : i32
          %mul3A_1842 = vector.broadcast %mul3A_1841 : i32 to vector<16xi32>
          %mul3A_1843 = arith.muli %get3A_1834, %mul3A_1842 : vector<16xi32>
          %mul3A_1844 = arith.constant 128 : i32
          %mul3A_1845 = vector.broadcast %mul3A_1844 : i32 to vector<16xi32>
          %mul3A_1846 = arith.muli %get3A_1837, %mul3A_1845 : vector<16xi32>
          %add3A_1847 = arith.addi %mul3A_1843, %mul3A_1846 : vector<16xi32>
          %add3A_1848 = arith.addi %add3A_1847, %get3A_1840 : vector<16xi32>
          %swap3A_1849 = arith.constant 240 : index
          %swap3A_1850 = tpu.vector_load %arg16[%swap3A_1849] {strides = array<i32>} : memref<256xi32, #tpu.memory_space<vmem>>, vector<16xi32>,
          %swap3A_1851 = vector.shape_cast %swap3A_1850 : vector<16xi32> to vector<16xi32>
          %swap3A_1852 = vector.shape_cast %add3A_1848 : vector<16xi32> to vector<16xi32>
          tpu.vector_store %arg16[%swap3A_1849], %swap3A_1852 {strides = array<i32>} : memref<256xi32, #tpu.memory_space<vmem>>, vector<16xi32>,
          %get3A_1853 = arith.constant 256 : index
          %get3A_1854 = tpu.vector_load %arg9[%get3A_1853] {strides = array<i32>} : memref<1024xi32, #tpu.memory_space<vmem>>, vector<16xi32>,
          %get3A_1855 = vector.shape_cast %get3A_1854 : vector<16xi32> to vector<16xi32>
          %get3A_1856 = arith.constant 256 : index
          %get3A_1857 = tpu.vector_load %arg11[%get3A_1856] {strides = array<i32>} : memref<1024xi32, #tpu.memory_space<vmem>>, vector<16xi32>,
          %get3A_1858 = vector.shape_cast %get3A_1857 : vector<16xi32> to vector<16xi32>
          %get3A_1859 = arith.constant 256 : index
          %get3A_1860 = tpu.vector_load %arg13[%get3A_1859] {strides = array<i32>} : memref<1024xi32, #tpu.memory_space<vmem>>, vector<16xi32>,
          %get3A_1861 = vector.shape_cast %get3A_1860 : vector<16xi32> to vector<16xi32>
          %mul3A_1862 = arith.constant 16384 : i32
          %mul3A_1863 = vector.broadcast %mul3A_1862 : i32 to vector<16xi32>
          %mul3A_1864 = arith.muli %get3A_1855, %mul3A_1863 : vector<16xi32>
          %mul3A_1865 = arith.constant 128 : i32
          %mul3A_1866 = vector.broadcast %mul3A_1865 : i32 to vector<16xi32>
          %mul3A_1867 = arith.muli %get3A_1858, %mul3A_1866 : vector<16xi32>
          %add3A_1868 = arith.addi %mul3A_1864, %mul3A_1867 : vector<16xi32>
          %add3A_1869 = arith.addi %add3A_1868, %get3A_1861 : vector<16xi32>
          %swap3A_1870 = arith.constant 0 : index
          %swap3A_1871 = tpu.vector_load %arg17[%swap3A_1870] {strides = array<i32>} : memref<256xi32, #tpu.memory_space<vmem>>, vector<16xi32>,
          %swap3A_1872 = vector.shape_cast %swap3A_1871 : vector<16xi32> to vector<16xi32>
          %swap3A_1873 = vector.shape_cast %add3A_1869 : vector<16xi32> to vector<16xi32>
          tpu.vector_store %arg17[%swap3A_1870], %swap3A_1873 {strides = array<i32>} : memref<256xi32, #tpu.memory_space<vmem>>, vector<16xi32>,
          %get3A_1874 = arith.constant 272 : index
          %get3A_1875 = tpu.vector_load %arg9[%get3A_1874] {strides = array<i32>} : memref<1024xi32, #tpu.memory_space<vmem>>, vector<16xi32>,
          %get3A_1876 = vector.shape_cast %get3A_1875 : vector<16xi32> to vector<16xi32>
          %get3A_1877 = arith.constant 272 : index
          %get3A_1878 = tpu.vector_load %arg11[%get3A_1877] {strides = array<i32>} : memref<1024xi32, #tpu.memory_space<vmem>>, vector<16xi32>,
          %get3A_1879 = vector.shape_cast %get3A_1878 : vector<16xi32> to vector<16xi32>
          %get3A_1880 = arith.constant 272 : index
          %get3A_1881 = tpu.vector_load %arg13[%get3A_1880] {strides = array<i32>} : memref<1024xi32, #tpu.memory_space<vmem>>, vector<16xi32>,
          %get3A_1882 = vector.shape_cast %get3A_1881 : vector<16xi32> to vector<16xi32>
          %mul3A_1883 = arith.constant 16384 : i32
          %mul3A_1884 = vector.broadcast %mul3A_1883 : i32 to vector<16xi32>
          %mul3A_1885 = arith.muli %get3A_1876, %mul3A_1884 : vector<16xi32>
          %mul3A_1886 = arith.constant 128 : i32
          %mul3A_1887 = vector.broadcast %mul3A_1886 : i32 to vector<16xi32>
          %mul3A_1888 = arith.muli %get3A_1879, %mul3A_1887 : vector<16xi32>
          %add3A_1889 = arith.addi %mul3A_1885, %mul3A_1888 : vector<16xi32>
          %add3A_1890 = arith.addi %add3A_1889, %get3A_1882 : vector<16xi32>
          %swap3A_1891 = arith.constant 16 : index
          %swap3A_1892 = tpu.vector_load %arg17[%swap3A_1891] {strides = array<i32>} : memref<256xi32, #tpu.memory_space<vmem>>, vector<16xi32>,
          %swap3A_1893 = vector.shape_cast %swap3A_1892 : vector<16xi32> to vector<16xi32>
          %swap3A_1894 = vector.shape_cast %add3A_1890 : vector<16xi32> to vector<16xi32>
          tpu.vector_store %arg17[%swap3A_1891], %swap3A_1894 {strides = array<i32>} : memref<256xi32, #tpu.memory_space<vmem>>, vector<16xi32>,
          %get3A_1895 = arith.constant 288 : index
          %get3A_1896 = tpu.vector_load %arg9[%get3A_1895] {strides = array<i32>} : memref<1024xi32, #tpu.memory_space<vmem>>, vector<16xi32>,
          %get3A_1897 = vector.shape_cast %get3A_1896 : vector<16xi32> to vector<16xi32>
          %get3A_1898 = arith.constant 288 : index
          %get3A_1899 = tpu.vector_load %arg11[%get3A_1898] {strides = array<i32>} : memref<1024xi32, #tpu.memory_space<vmem>>, vector<16xi32>,
          %get3A_1900 = vector.shape_cast %get3A_1899 : vector<16xi32> to vector<16xi32>
          %get3A_1901 = arith.constant 288 : index
          %get3A_1902 = tpu.vector_load %arg13[%get3A_1901] {strides = array<i32>} : memref<1024xi32, #tpu.memory_space<vmem>>, vector<16xi32>,
          %get3A_1903 = vector.shape_cast %get3A_1902 : vector<16xi32> to vector<16xi32>
          %mul3A_1904 = arith.constant 16384 : i32
          %mul3A_1905 = vector.broadcast %mul3A_1904 : i32 to vector<16xi32>
          %mul3A_1906 = arith.muli %get3A_1897, %mul3A_1905 : vector<16xi32>
          %mul3A_1907 = arith.constant 128 : i32
          %mul3A_1908 = vector.broadcast %mul3A_1907 : i32 to vector<16xi32>
          %mul3A_1909 = arith.muli %get3A_1900, %mul3A_1908 : vector<16xi32>
          %add3A_1910 = arith.addi %mul3A_1906, %mul3A_1909 : vector<16xi32>
          %add3A_1911 = arith.addi %add3A_1910, %get3A_1903 : vector<16xi32>
          %swap3A_1912 = arith.constant 32 : index
          %swap3A_1913 = tpu.vector_load %arg17[%swap3A_1912] {strides = array<i32>} : memref<256xi32, #tpu.memory_space<vmem>>, vector<16xi32>,
          %swap3A_1914 = vector.shape_cast %swap3A_1913 : vector<16xi32> to vector<16xi32>
          %swap3A_1915 = vector.shape_cast %add3A_1911 : vector<16xi32> to vector<16xi32>
          tpu.vector_store %arg17[%swap3A_1912], %swap3A_1915 {strides = array<i32>} : memref<256xi32, #tpu.memory_space<vmem>>, vector<16xi32>,
          %get3A_1916 = arith.constant 304 : index
          %get3A_1917 = tpu.vector_load %arg9[%get3A_1916] {strides = array<i32>} : memref<1024xi32, #tpu.memory_space<vmem>>, vector<16xi32>,
          %get3A_1918 = vector.shape_cast %get3A_1917 : vector<16xi32> to vector<16xi32>
          %get3A_1919 = arith.constant 304 : index
          %get3A_1920 = tpu.vector_load %arg11[%get3A_1919] {strides = array<i32>} : memref<1024xi32, #tpu.memory_space<vmem>>, vector<16xi32>,
          %get3A_1921 = vector.shape_cast %get3A_1920 : vector<16xi32> to vector<16xi32>
          %get3A_1922 = arith.constant 304 : index
          %get3A_1923 = tpu.vector_load %arg13[%get3A_1922] {strides = array<i32>} : memref<1024xi32, #tpu.memory_space<vmem>>, vector<16xi32>,
          %get3A_1924 = vector.shape_cast %get3A_1923 : vector<16xi32> to vector<16xi32>
          %mul3A_1925 = arith.constant 16384 : i32
          %mul3A_1926 = vector.broadcast %mul3A_1925 : i32 to vector<16xi32>
          %mul3A_1927 = arith.muli %get3A_1918, %mul3A_1926 : vector<16xi32>
          %mul3A_1928 = arith.constant 128 : i32
          %mul3A_1929 = vector.broadcast %mul3A_1928 : i32 to vector<16xi32>
          %mul3A_1930 = arith.muli %get3A_1921, %mul3A_1929 : vector<16xi32>
          %add3A_1931 = arith.addi %mul3A_1927, %mul3A_1930 : vector<16xi32>
          %add3A_1932 = arith.addi %add3A_1931, %get3A_1924 : vector<16xi32>
          %swap3A_1933 = arith.constant 48 : index
          %swap3A_1934 = tpu.vector_load %arg17[%swap3A_1933] {strides = array<i32>} : memref<256xi32, #tpu.memory_space<vmem>>, vector<16xi32>,
          %swap3A_1935 = vector.shape_cast %swap3A_1934 : vector<16xi32> to vector<16xi32>
          %swap3A_1936 = vector.shape_cast %add3A_1932 : vector<16xi32> to vector<16xi32>
          tpu.vector_store %arg17[%swap3A_1933], %swap3A_1936 {strides = array<i32>} : memref<256xi32, #tpu.memory_space<vmem>>, vector<16xi32>,
          %get3A_1937 = arith.constant 320 : index
          %get3A_1938 = tpu.vector_load %arg9[%get3A_1937] {strides = array<i32>} : memref<1024xi32, #tpu.memory_space<vmem>>, vector<16xi32>,
          %get3A_1939 = vector.shape_cast %get3A_1938 : vector<16xi32> to vector<16xi32>
          %get3A_1940 = arith.constant 320 : index
          %get3A_1941 = tpu.vector_load %arg11[%get3A_1940] {strides = array<i32>} : memref<1024xi32, #tpu.memory_space<vmem>>, vector<16xi32>,
          %get3A_1942 = vector.shape_cast %get3A_1941 : vector<16xi32> to vector<16xi32>
          %get3A_1943 = arith.constant 320 : index
          %get3A_1944 = tpu.vector_load %arg13[%get3A_1943] {strides = array<i32>} : memref<1024xi32, #tpu.memory_space<vmem>>, vector<16xi32>,
          %get3A_1945 = vector.shape_cast %get3A_1944 : vector<16xi32> to vector<16xi32>
          %mul3A_1946 = arith.constant 16384 : i32
          %mul3A_1947 = vector.broadcast %mul3A_1946 : i32 to vector<16xi32>
          %mul3A_1948 = arith.muli %get3A_1939, %mul3A_1947 : vector<16xi32>
          %mul3A_1949 = arith.constant 128 : i32
          %mul3A_1950 = vector.broadcast %mul3A_1949 : i32 to vector<16xi32>
          %mul3A_1951 = arith.muli %get3A_1942, %mul3A_1950 : vector<16xi32>
          %add3A_1952 = arith.addi %mul3A_1948, %mul3A_1951 : vector<16xi32>
          %add3A_1953 = arith.addi %add3A_1952, %get3A_1945 : vector<16xi32>
          %swap3A_1954 = arith.constant 64 : index
          %swap3A_1955 = tpu.vector_load %arg17[%swap3A_1954] {strides = array<i32>} : memref<256xi32, #tpu.memory_space<vmem>>, vector<16xi32>,
          %swap3A_1956 = vector.shape_cast %swap3A_1955 : vector<16xi32> to vector<16xi32>
          %swap3A_1957 = vector.shape_cast %add3A_1953 : vector<16xi32> to vector<16xi32>
          tpu.vector_store %arg17[%swap3A_1954], %swap3A_1957 {strides = array<i32>} : memref<256xi32, #tpu.memory_space<vmem>>, vector<16xi32>,
          %get3A_1958 = arith.constant 336 : index
          %get3A_1959 = tpu.vector_load %arg9[%get3A_1958] {strides = array<i32>} : memref<1024xi32, #tpu.memory_space<vmem>>, vector<16xi32>,
          %get3A_1960 = vector.shape_cast %get3A_1959 : vector<16xi32> to vector<16xi32>
          %get3A_1961 = arith.constant 336 : index
          %get3A_1962 = tpu.vector_load %arg11[%get3A_1961] {strides = array<i32>} : memref<1024xi32, #tpu.memory_space<vmem>>, vector<16xi32>,
          %get3A_1963 = vector.shape_cast %get3A_1962 : vector<16xi32> to vector<16xi32>
          %get3A_1964 = arith.constant 336 : index
          %get3A_1965 = tpu.vector_load %arg13[%get3A_1964] {strides = array<i32>} : memref<1024xi32, #tpu.memory_space<vmem>>, vector<16xi32>,
          %get3A_1966 = vector.shape_cast %get3A_1965 : vector<16xi32> to vector<16xi32>
          %mul3A_1967 = arith.constant 16384 : i32
          %mul3A_1968 = vector.broadcast %mul3A_1967 : i32 to vector<16xi32>
          %mul3A_1969 = arith.muli %get3A_1960, %mul3A_1968 : vector<16xi32>
          %mul3A_1970 = arith.constant 128 : i32
          %mul3A_1971 = vector.broadcast %mul3A_1970 : i32 to vector<16xi32>
          %mul3A_1972 = arith.muli %get3A_1963, %mul3A_1971 : vector<16xi32>
          %add3A_1973 = arith.addi %mul3A_1969, %mul3A_1972 : vector<16xi32>
          %add3A_1974 = arith.addi %add3A_1973, %get3A_1966 : vector<16xi32>
          %swap3A_1975 = arith.constant 80 : index
          %swap3A_1976 = tpu.vector_load %arg17[%swap3A_1975] {strides = array<i32>} : memref<256xi32, #tpu.memory_space<vmem>>, vector<16xi32>,
          %swap3A_1977 = vector.shape_cast %swap3A_1976 : vector<16xi32> to vector<16xi32>
          %swap3A_1978 = vector.shape_cast %add3A_1974 : vector<16xi32> to vector<16xi32>
          tpu.vector_store %arg17[%swap3A_1975], %swap3A_1978 {strides = array<i32>} : memref<256xi32, #tpu.memory_space<vmem>>, vector<16xi32>,
          %get3A_1979 = arith.constant 352 : index
          %get3A_1980 = tpu.vector_load %arg9[%get3A_1979] {strides = array<i32>} : memref<1024xi32, #tpu.memory_space<vmem>>, vector<16xi32>,
          %get3A_1981 = vector.shape_cast %get3A_1980 : vector<16xi32> to vector<16xi32>
          %get3A_1982 = arith.constant 352 : index
          %get3A_1983 = tpu.vector_load %arg11[%get3A_1982] {strides = array<i32>} : memref<1024xi32, #tpu.memory_space<vmem>>, vector<16xi32>,
          %get3A_1984 = vector.shape_cast %get3A_1983 : vector<16xi32> to vector<16xi32>
          %get3A_1985 = arith.constant 352 : index
          %get3A_1986 = tpu.vector_load %arg13[%get3A_1985] {strides = array<i32>} : memref<1024xi32, #tpu.memory_space<vmem>>, vector<16xi32>,
          %get3A_1987 = vector.shape_cast %get3A_1986 : vector<16xi32> to vector<16xi32>
          %mul3A_1988 = arith.constant 16384 : i32
          %mul3A_1989 = vector.broadcast %mul3A_1988 : i32 to vector<16xi32>
          %mul3A_1990 = arith.muli %get3A_1981, %mul3A_1989 : vector<16xi32>
          %mul3A_1991 = arith.constant 128 : i32
          %mul3A_1992 = vector.broadcast %mul3A_1991 : i32 to vector<16xi32>
          %mul3A_1993 = arith.muli %get3A_1984, %mul3A_1992 : vector<16xi32>
          %add3A_1994 = arith.addi %mul3A_1990, %mul3A_1993 : vector<16xi32>
          %add3A_1995 = arith.addi %add3A_1994, %get3A_1987 : vector<16xi32>
          %swap3A_1996 = arith.constant 96 : index
          %swap3A_1997 = tpu.vector_load %arg17[%swap3A_1996] {strides = array<i32>} : memref<256xi32, #tpu.memory_space<vmem>>, vector<16xi32>,
          %swap3A_1998 = vector.shape_cast %swap3A_1997 : vector<16xi32> to vector<16xi32>
          %swap3A_1999 = vector.shape_cast %add3A_1995 : vector<16xi32> to vector<16xi32>
          tpu.vector_store %arg17[%swap3A_1996], %swap3A_1999 {strides = array<i32>} : memref<256xi32, #tpu.memory_space<vmem>>, vector<16xi32>,
          %get3A_2000 = arith.constant 368 : index
          %get3A_2001 = tpu.vector_load %arg9[%get3A_2000] {strides = array<i32>} : memref<1024xi32, #tpu.memory_space<vmem>>, vector<16xi32>,
          %get3A_2002 = vector.shape_cast %get3A_2001 : vector<16xi32> to vector<16xi32>
          %get3A_2003 = arith.constant 368 : index
          %get3A_2004 = tpu.vector_load %arg11[%get3A_2003] {strides = array<i32>} : memref<1024xi32, #tpu.memory_space<vmem>>, vector<16xi32>,
          %get3A_2005 = vector.shape_cast %get3A_2004 : vector<16xi32> to vector<16xi32>
          %get3A_2006 = arith.constant 368 : index
          %get3A_2007 = tpu.vector_load %arg13[%get3A_2006] {strides = array<i32>} : memref<1024xi32, #tpu.memory_space<vmem>>, vector<16xi32>,
          %get3A_2008 = vector.shape_cast %get3A_2007 : vector<16xi32> to vector<16xi32>
          %mul3A_2009 = arith.constant 16384 : i32
          %mul3A_2010 = vector.broadcast %mul3A_2009 : i32 to vector<16xi32>
          %mul3A_2011 = arith.muli %get3A_2002, %mul3A_2010 : vector<16xi32>
          %mul3A_2012 = arith.constant 128 : i32
          %mul3A_2013 = vector.broadcast %mul3A_2012 : i32 to vector<16xi32>
          %mul3A_2014 = arith.muli %get3A_2005, %mul3A_2013 : vector<16xi32>
          %add3A_2015 = arith.addi %mul3A_2011, %mul3A_2014 : vector<16xi32>
          %add3A_2016 = arith.addi %add3A_2015, %get3A_2008 : vector<16xi32>
          %swap3A_2017 = arith.constant 112 : index
          %swap3A_2018 = tpu.vector_load %arg17[%swap3A_2017] {strides = array<i32>} : memref<256xi32, #tpu.memory_space<vmem>>, vector<16xi32>,
          %swap3A_2019 = vector.shape_cast %swap3A_2018 : vector<16xi32> to vector<16xi32>
          %swap3A_2020 = vector.shape_cast %add3A_2016 : vector<16xi32> to vector<16xi32>
          tpu.vector_store %arg17[%swap3A_2017], %swap3A_2020 {strides = array<i32>} : memref<256xi32, #tpu.memory_space<vmem>>, vector<16xi32>,
          %get3A_2021 = arith.constant 384 : index
          %get3A_2022 = tpu.vector_load %arg9[%get3A_2021] {strides = array<i32>} : memref<1024xi32, #tpu.memory_space<vmem>>, vector<16xi32>,
          %get3A_2023 = vector.shape_cast %get3A_2022 : vector<16xi32> to vector<16xi32>
          %get3A_2024 = arith.constant 384 : index
          %get3A_2025 = tpu.vector_load %arg11[%get3A_2024] {strides = array<i32>} : memref<1024xi32, #tpu.memory_space<vmem>>, vector<16xi32>,
          %get3A_2026 = vector.shape_cast %get3A_2025 : vector<16xi32> to vector<16xi32>
          %get3A_2027 = arith.constant 384 : index
          %get3A_2028 = tpu.vector_load %arg13[%get3A_2027] {strides = array<i32>} : memref<1024xi32, #tpu.memory_space<vmem>>, vector<16xi32>,
          %get3A_2029 = vector.shape_cast %get3A_2028 : vector<16xi32> to vector<16xi32>
          %mul3A_2030 = arith.constant 16384 : i32
          %mul3A_2031 = vector.broadcast %mul3A_2030 : i32 to vector<16xi32>
          %mul3A_2032 = arith.muli %get3A_2023, %mul3A_2031 : vector<16xi32>
          %mul3A_2033 = arith.constant 128 : i32
          %mul3A_2034 = vector.broadcast %mul3A_2033 : i32 to vector<16xi32>
          %mul3A_2035 = arith.muli %get3A_2026, %mul3A_2034 : vector<16xi32>
          %add3A_2036 = arith.addi %mul3A_2032, %mul3A_2035 : vector<16xi32>
          %add3A_2037 = arith.addi %add3A_2036, %get3A_2029 : vector<16xi32>
          %swap3A_2038 = arith.constant 128 : index
          %swap3A_2039 = tpu.vector_load %arg17[%swap3A_2038] {strides = array<i32>} : memref<256xi32, #tpu.memory_space<vmem>>, vector<16xi32>,
          %swap3A_2040 = vector.shape_cast %swap3A_2039 : vector<16xi32> to vector<16xi32>
          %swap3A_2041 = vector.shape_cast %add3A_2037 : vector<16xi32> to vector<16xi32>
          tpu.vector_store %arg17[%swap3A_2038], %swap3A_2041 {strides = array<i32>} : memref<256xi32, #tpu.memory_space<vmem>>, vector<16xi32>,
          %get3A_2042 = arith.constant 400 : index
          %get3A_2043 = tpu.vector_load %arg9[%get3A_2042] {strides = array<i32>} : memref<1024xi32, #tpu.memory_space<vmem>>, vector<16xi32>,
          %get3A_2044 = vector.shape_cast %get3A_2043 : vector<16xi32> to vector<16xi32>
          %get3A_2045 = arith.constant 400 : index
          %get3A_2046 = tpu.vector_load %arg11[%get3A_2045] {strides = array<i32>} : memref<1024xi32, #tpu.memory_space<vmem>>, vector<16xi32>,
          %get3A_2047 = vector.shape_cast %get3A_2046 : vector<16xi32> to vector<16xi32>
          %get3A_2048 = arith.constant 400 : index
          %get3A_2049 = tpu.vector_load %arg13[%get3A_2048] {strides = array<i32>} : memref<1024xi32, #tpu.memory_space<vmem>>, vector<16xi32>,
          %get3A_2050 = vector.shape_cast %get3A_2049 : vector<16xi32> to vector<16xi32>
          %mul3A_2051 = arith.constant 16384 : i32
          %mul3A_2052 = vector.broadcast %mul3A_2051 : i32 to vector<16xi32>
          %mul3A_2053 = arith.muli %get3A_2044, %mul3A_2052 : vector<16xi32>
          %mul3A_2054 = arith.constant 128 : i32
          %mul3A_2055 = vector.broadcast %mul3A_2054 : i32 to vector<16xi32>
          %mul3A_2056 = arith.muli %get3A_2047, %mul3A_2055 : vector<16xi32>
          %add3A_2057 = arith.addi %mul3A_2053, %mul3A_2056 : vector<16xi32>
          %add3A_2058 = arith.addi %add3A_2057, %get3A_2050 : vector<16xi32>
          %swap3A_2059 = arith.constant 144 : index
          %swap3A_2060 = tpu.vector_load %arg17[%swap3A_2059] {strides = array<i32>} : memref<256xi32, #tpu.memory_space<vmem>>, vector<16xi32>,
          %swap3A_2061 = vector.shape_cast %swap3A_2060 : vector<16xi32> to vector<16xi32>
          %swap3A_2062 = vector.shape_cast %add3A_2058 : vector<16xi32> to vector<16xi32>
          tpu.vector_store %arg17[%swap3A_2059], %swap3A_2062 {strides = array<i32>} : memref<256xi32, #tpu.memory_space<vmem>>, vector<16xi32>,
          %get3A_2063 = arith.constant 416 : index
          %get3A_2064 = tpu.vector_load %arg9[%get3A_2063] {strides = array<i32>} : memref<1024xi32, #tpu.memory_space<vmem>>, vector<16xi32>,
          %get3A_2065 = vector.shape_cast %get3A_2064 : vector<16xi32> to vector<16xi32>
          %get3A_2066 = arith.constant 416 : index
          %get3A_2067 = tpu.vector_load %arg11[%get3A_2066] {strides = array<i32>} : memref<1024xi32, #tpu.memory_space<vmem>>, vector<16xi32>,
          %get3A_2068 = vector.shape_cast %get3A_2067 : vector<16xi32> to vector<16xi32>
          %get3A_2069 = arith.constant 416 : index
          %get3A_2070 = tpu.vector_load %arg13[%get3A_2069] {strides = array<i32>} : memref<1024xi32, #tpu.memory_space<vmem>>, vector<16xi32>,
          %get3A_2071 = vector.shape_cast %get3A_2070 : vector<16xi32> to vector<16xi32>
          %mul3A_2072 = arith.constant 16384 : i32
          %mul3A_2073 = vector.broadcast %mul3A_2072 : i32 to vector<16xi32>
          %mul3A_2074 = arith.muli %get3A_2065, %mul3A_2073 : vector<16xi32>
          %mul3A_2075 = arith.constant 128 : i32
          %mul3A_2076 = vector.broadcast %mul3A_2075 : i32 to vector<16xi32>
          %mul3A_2077 = arith.muli %get3A_2068, %mul3A_2076 : vector<16xi32>
          %add3A_2078 = arith.addi %mul3A_2074, %mul3A_2077 : vector<16xi32>
          %add3A_2079 = arith.addi %add3A_2078, %get3A_2071 : vector<16xi32>
          %swap3A_2080 = arith.constant 160 : index
          %swap3A_2081 = tpu.vector_load %arg17[%swap3A_2080] {strides = array<i32>} : memref<256xi32, #tpu.memory_space<vmem>>, vector<16xi32>,
          %swap3A_2082 = vector.shape_cast %swap3A_2081 : vector<16xi32> to vector<16xi32>
          %swap3A_2083 = vector.shape_cast %add3A_2079 : vector<16xi32> to vector<16xi32>
          tpu.vector_store %arg17[%swap3A_2080], %swap3A_2083 {strides = array<i32>} : memref<256xi32, #tpu.memory_space<vmem>>, vector<16xi32>,
          %get3A_2084 = arith.constant 432 : index
          %get3A_2085 = tpu.vector_load %arg9[%get3A_2084] {strides = array<i32>} : memref<1024xi32, #tpu.memory_space<vmem>>, vector<16xi32>,
          %get3A_2086 = vector.shape_cast %get3A_2085 : vector<16xi32> to vector<16xi32>
          %get3A_2087 = arith.constant 432 : index
          %get3A_2088 = tpu.vector_load %arg11[%get3A_2087] {strides = array<i32>} : memref<1024xi32, #tpu.memory_space<vmem>>, vector<16xi32>,
          %get3A_2089 = vector.shape_cast %get3A_2088 : vector<16xi32> to vector<16xi32>
          %get3A_2090 = arith.constant 432 : index
          %get3A_2091 = tpu.vector_load %arg13[%get3A_2090] {strides = array<i32>} : memref<1024xi32, #tpu.memory_space<vmem>>, vector<16xi32>,
          %get3A_2092 = vector.shape_cast %get3A_2091 : vector<16xi32> to vector<16xi32>
          %mul3A_2093 = arith.constant 16384 : i32
          %mul3A_2094 = vector.broadcast %mul3A_2093 : i32 to vector<16xi32>
          %mul3A_2095 = arith.muli %get3A_2086, %mul3A_2094 : vector<16xi32>
          %mul3A_2096 = arith.constant 128 : i32
          %mul3A_2097 = vector.broadcast %mul3A_2096 : i32 to vector<16xi32>
          %mul3A_2098 = arith.muli %get3A_2089, %mul3A_2097 : vector<16xi32>
          %add3A_2099 = arith.addi %mul3A_2095, %mul3A_2098 : vector<16xi32>
          %add3A_2100 = arith.addi %add3A_2099, %get3A_2092 : vector<16xi32>
          %swap3A_2101 = arith.constant 176 : index
          %swap3A_2102 = tpu.vector_load %arg17[%swap3A_2101] {strides = array<i32>} : memref<256xi32, #tpu.memory_space<vmem>>, vector<16xi32>,
          %swap3A_2103 = vector.shape_cast %swap3A_2102 : vector<16xi32> to vector<16xi32>
          %swap3A_2104 = vector.shape_cast %add3A_2100 : vector<16xi32> to vector<16xi32>
          tpu.vector_store %arg17[%swap3A_2101], %swap3A_2104 {strides = array<i32>} : memref<256xi32, #tpu.memory_space<vmem>>, vector<16xi32>,
          %get3A_2105 = arith.constant 448 : index
          %get3A_2106 = tpu.vector_load %arg9[%get3A_2105] {strides = array<i32>} : memref<1024xi32, #tpu.memory_space<vmem>>, vector<16xi32>,
          %get3A_2107 = vector.shape_cast %get3A_2106 : vector<16xi32> to vector<16xi32>
          %get3A_2108 = arith.constant 448 : index
          %get3A_2109 = tpu.vector_load %arg11[%get3A_2108] {strides = array<i32>} : memref<1024xi32, #tpu.memory_space<vmem>>, vector<16xi32>,
          %get3A_2110 = vector.shape_cast %get3A_2109 : vector<16xi32> to vector<16xi32>
          %get3A_2111 = arith.constant 448 : index
          %get3A_2112 = tpu.vector_load %arg13[%get3A_2111] {strides = array<i32>} : memref<1024xi32, #tpu.memory_space<vmem>>, vector<16xi32>,
          %get3A_2113 = vector.shape_cast %get3A_2112 : vector<16xi32> to vector<16xi32>
          %mul3A_2114 = arith.constant 16384 : i32
          %mul3A_2115 = vector.broadcast %mul3A_2114 : i32 to vector<16xi32>
          %mul3A_2116 = arith.muli %get3A_2107, %mul3A_2115 : vector<16xi32>
          %mul3A_2117 = arith.constant 128 : i32
          %mul3A_2118 = vector.broadcast %mul3A_2117 : i32 to vector<16xi32>
          %mul3A_2119 = arith.muli %get3A_2110, %mul3A_2118 : vector<16xi32>
          %add3A_2120 = arith.addi %mul3A_2116, %mul3A_2119 : vector<16xi32>
          %add3A_2121 = arith.addi %add3A_2120, %get3A_2113 : vector<16xi32>
          %swap3A_2122 = arith.constant 192 : index
          %swap3A_2123 = tpu.vector_load %arg17[%swap3A_2122] {strides = array<i32>} : memref<256xi32, #tpu.memory_space<vmem>>, vector<16xi32>,
          %swap3A_2124 = vector.shape_cast %swap3A_2123 : vector<16xi32> to vector<16xi32>
          %swap3A_2125 = vector.shape_cast %add3A_2121 : vector<16xi32> to vector<16xi32>
          tpu.vector_store %arg17[%swap3A_2122], %swap3A_2125 {strides = array<i32>} : memref<256xi32, #tpu.memory_space<vmem>>, vector<16xi32>,
          %get3A_2126 = arith.constant 464 : index
          %get3A_2127 = tpu.vector_load %arg9[%get3A_2126] {strides = array<i32>} : memref<1024xi32, #tpu.memory_space<vmem>>, vector<16xi32>,
          %get3A_2128 = vector.shape_cast %get3A_2127 : vector<16xi32> to vector<16xi32>
          %get3A_2129 = arith.constant 464 : index
          %get3A_2130 = tpu.vector_load %arg11[%get3A_2129] {strides = array<i32>} : memref<1024xi32, #tpu.memory_space<vmem>>, vector<16xi32>,
          %get3A_2131 = vector.shape_cast %get3A_2130 : vector<16xi32> to vector<16xi32>
          %get3A_2132 = arith.constant 464 : index
          %get3A_2133 = tpu.vector_load %arg13[%get3A_2132] {strides = array<i32>} : memref<1024xi32, #tpu.memory_space<vmem>>, vector<16xi32>,
          %get3A_2134 = vector.shape_cast %get3A_2133 : vector<16xi32> to vector<16xi32>
          %mul3A_2135 = arith.constant 16384 : i32
          %mul3A_2136 = vector.broadcast %mul3A_2135 : i32 to vector<16xi32>
          %mul3A_2137 = arith.muli %get3A_2128, %mul3A_2136 : vector<16xi32>
          %mul3A_2138 = arith.constant 128 : i32
          %mul3A_2139 = vector.broadcast %mul3A_2138 : i32 to vector<16xi32>
          %mul3A_2140 = arith.muli %get3A_2131, %mul3A_2139 : vector<16xi32>
          %add3A_2141 = arith.addi %mul3A_2137, %mul3A_2140 : vector<16xi32>
          %add3A_2142 = arith.addi %add3A_2141, %get3A_2134 : vector<16xi32>
          %swap3A_2143 = arith.constant 208 : index
          %swap3A_2144 = tpu.vector_load %arg17[%swap3A_2143] {strides = array<i32>} : memref<256xi32, #tpu.memory_space<vmem>>, vector<16xi32>,
          %swap3A_2145 = vector.shape_cast %swap3A_2144 : vector<16xi32> to vector<16xi32>
          %swap3A_2146 = vector.shape_cast %add3A_2142 : vector<16xi32> to vector<16xi32>
          tpu.vector_store %arg17[%swap3A_2143], %swap3A_2146 {strides = array<i32>} : memref<256xi32, #tpu.memory_space<vmem>>, vector<16xi32>,
          %get3A_2147 = arith.constant 480 : index
          %get3A_2148 = tpu.vector_load %arg9[%get3A_2147] {strides = array<i32>} : memref<1024xi32, #tpu.memory_space<vmem>>, vector<16xi32>,
          %get3A_2149 = vector.shape_cast %get3A_2148 : vector<16xi32> to vector<16xi32>
          %get3A_2150 = arith.constant 480 : index
          %get3A_2151 = tpu.vector_load %arg11[%get3A_2150] {strides = array<i32>} : memref<1024xi32, #tpu.memory_space<vmem>>, vector<16xi32>,
          %get3A_2152 = vector.shape_cast %get3A_2151 : vector<16xi32> to vector<16xi32>
          %get3A_2153 = arith.constant 480 : index
          %get3A_2154 = tpu.vector_load %arg13[%get3A_2153] {strides = array<i32>} : memref<1024xi32, #tpu.memory_space<vmem>>, vector<16xi32>,
          %get3A_2155 = vector.shape_cast %get3A_2154 : vector<16xi32> to vector<16xi32>
          %mul3A_2156 = arith.constant 16384 : i32
          %mul3A_2157 = vector.broadcast %mul3A_2156 : i32 to vector<16xi32>
          %mul3A_2158 = arith.muli %get3A_2149, %mul3A_2157 : vector<16xi32>
          %mul3A_2159 = arith.constant 128 : i32
          %mul3A_2160 = vector.broadcast %mul3A_2159 : i32 to vector<16xi32>
          %mul3A_2161 = arith.muli %get3A_2152, %mul3A_2160 : vector<16xi32>
          %add3A_2162 = arith.addi %mul3A_2158, %mul3A_2161 : vector<16xi32>
          %add3A_2163 = arith.addi %add3A_2162, %get3A_2155 : vector<16xi32>
          %swap3A_2164 = arith.constant 224 : index
          %swap3A_2165 = tpu.vector_load %arg17[%swap3A_2164] {strides = array<i32>} : memref<256xi32, #tpu.memory_space<vmem>>, vector<16xi32>,
          %swap3A_2166 = vector.shape_cast %swap3A_2165 : vector<16xi32> to vector<16xi32>
          %swap3A_2167 = vector.shape_cast %add3A_2163 : vector<16xi32> to vector<16xi32>
          tpu.vector_store %arg17[%swap3A_2164], %swap3A_2167 {strides = array<i32>} : memref<256xi32, #tpu.memory_space<vmem>>, vector<16xi32>,
          %get3A_2168 = arith.constant 496 : index
          %get3A_2169 = tpu.vector_load %arg9[%get3A_2168] {strides = array<i32>} : memref<1024xi32, #tpu.memory_space<vmem>>, vector<16xi32>,
          %get3A_2170 = vector.shape_cast %get3A_2169 : vector<16xi32> to vector<16xi32>
          %get3A_2171 = arith.constant 496 : index
          %get3A_2172 = tpu.vector_load %arg11[%get3A_2171] {strides = array<i32>} : memref<1024xi32, #tpu.memory_space<vmem>>, vector<16xi32>,
          %get3A_2173 = vector.shape_cast %get3A_2172 : vector<16xi32> to vector<16xi32>
          %get3A_2174 = arith.constant 496 : index
          %get3A_2175 = tpu.vector_load %arg13[%get3A_2174] {strides = array<i32>} : memref<1024xi32, #tpu.memory_space<vmem>>, vector<16xi32>,
          %get3A_2176 = vector.shape_cast %get3A_2175 : vector<16xi32> to vector<16xi32>
          %mul3A_2177 = arith.constant 16384 : i32
          %mul3A_2178 = vector.broadcast %mul3A_2177 : i32 to vector<16xi32>
          %mul3A_2179 = arith.muli %get3A_2170, %mul3A_2178 : vector<16xi32>
          %mul3A_2180 = arith.constant 128 : i32
          %mul3A_2181 = vector.broadcast %mul3A_2180 : i32 to vector<16xi32>
          %mul3A_2182 = arith.muli %get3A_2173, %mul3A_2181 : vector<16xi32>
          %add3A_2183 = arith.addi %mul3A_2179, %mul3A_2182 : vector<16xi32>
          %add3A_2184 = arith.addi %add3A_2183, %get3A_2176 : vector<16xi32>
          %swap3A_2185 = arith.constant 240 : index
          %swap3A_2186 = tpu.vector_load %arg17[%swap3A_2185] {strides = array<i32>} : memref<256xi32, #tpu.memory_space<vmem>>, vector<16xi32>,
          %swap3A_2187 = vector.shape_cast %swap3A_2186 : vector<16xi32> to vector<16xi32>
          %swap3A_2188 = vector.shape_cast %add3A_2184 : vector<16xi32> to vector<16xi32>
          tpu.vector_store %arg17[%swap3A_2185], %swap3A_2188 {strides = array<i32>} : memref<256xi32, #tpu.memory_space<vmem>>, vector<16xi32>,
          %get3A_2189 = arith.constant 512 : index
          %get3A_2190 = tpu.vector_load %arg9[%get3A_2189] {strides = array<i32>} : memref<1024xi32, #tpu.memory_space<vmem>>, vector<16xi32>,
          %get3A_2191 = vector.shape_cast %get3A_2190 : vector<16xi32> to vector<16xi32>
          %get3A_2192 = arith.constant 512 : index
          %get3A_2193 = tpu.vector_load %arg11[%get3A_2192] {strides = array<i32>} : memref<1024xi32, #tpu.memory_space<vmem>>, vector<16xi32>,
          %get3A_2194 = vector.shape_cast %get3A_2193 : vector<16xi32> to vector<16xi32>
          %get3A_2195 = arith.constant 512 : index
          %get3A_2196 = tpu.vector_load %arg13[%get3A_2195] {strides = array<i32>} : memref<1024xi32, #tpu.memory_space<vmem>>, vector<16xi32>,
          %get3A_2197 = vector.shape_cast %get3A_2196 : vector<16xi32> to vector<16xi32>
          %mul3A_2198 = arith.constant 16384 : i32
          %mul3A_2199 = vector.broadcast %mul3A_2198 : i32 to vector<16xi32>
          %mul3A_2200 = arith.muli %get3A_2191, %mul3A_2199 : vector<16xi32>
          %mul3A_2201 = arith.constant 128 : i32
          %mul3A_2202 = vector.broadcast %mul3A_2201 : i32 to vector<16xi32>
          %mul3A_2203 = arith.muli %get3A_2194, %mul3A_2202 : vector<16xi32>
          %add3A_2204 = arith.addi %mul3A_2200, %mul3A_2203 : vector<16xi32>
          %add3A_2205 = arith.addi %add3A_2204, %get3A_2197 : vector<16xi32>
          %swap3A_2206 = arith.constant 0 : index
          %swap3A_2207 = tpu.vector_load %arg18[%swap3A_2206] {strides = array<i32>} : memref<256xi32, #tpu.memory_space<vmem>>, vector<16xi32>,
          %swap3A_2208 = vector.shape_cast %swap3A_2207 : vector<16xi32> to vector<16xi32>
          %swap3A_2209 = vector.shape_cast %add3A_2205 : vector<16xi32> to vector<16xi32>
          tpu.vector_store %arg18[%swap3A_2206], %swap3A_2209 {strides = array<i32>} : memref<256xi32, #tpu.memory_space<vmem>>, vector<16xi32>,
          %get3A_2210 = arith.constant 528 : index
          %get3A_2211 = tpu.vector_load %arg9[%get3A_2210] {strides = array<i32>} : memref<1024xi32, #tpu.memory_space<vmem>>, vector<16xi32>,
          %get3A_2212 = vector.shape_cast %get3A_2211 : vector<16xi32> to vector<16xi32>
          %get3A_2213 = arith.constant 528 : index
          %get3A_2214 = tpu.vector_load %arg11[%get3A_2213] {strides = array<i32>} : memref<1024xi32, #tpu.memory_space<vmem>>, vector<16xi32>,
          %get3A_2215 = vector.shape_cast %get3A_2214 : vector<16xi32> to vector<16xi32>
          %get3A_2216 = arith.constant 528 : index
          %get3A_2217 = tpu.vector_load %arg13[%get3A_2216] {strides = array<i32>} : memref<1024xi32, #tpu.memory_space<vmem>>, vector<16xi32>,
          %get3A_2218 = vector.shape_cast %get3A_2217 : vector<16xi32> to vector<16xi32>
          %mul3A_2219 = arith.constant 16384 : i32
          %mul3A_2220 = vector.broadcast %mul3A_2219 : i32 to vector<16xi32>
          %mul3A_2221 = arith.muli %get3A_2212, %mul3A_2220 : vector<16xi32>
          %mul3A_2222 = arith.constant 128 : i32
          %mul3A_2223 = vector.broadcast %mul3A_2222 : i32 to vector<16xi32>
          %mul3A_2224 = arith.muli %get3A_2215, %mul3A_2223 : vector<16xi32>
          %add3A_2225 = arith.addi %mul3A_2221, %mul3A_2224 : vector<16xi32>
          %add3A_2226 = arith.addi %add3A_2225, %get3A_2218 : vector<16xi32>
          %swap3A_2227 = arith.constant 16 : index
          %swap3A_2228 = tpu.vector_load %arg18[%swap3A_2227] {strides = array<i32>} : memref<256xi32, #tpu.memory_space<vmem>>, vector<16xi32>,
          %swap3A_2229 = vector.shape_cast %swap3A_2228 : vector<16xi32> to vector<16xi32>
          %swap3A_2230 = vector.shape_cast %add3A_2226 : vector<16xi32> to vector<16xi32>
          tpu.vector_store %arg18[%swap3A_2227], %swap3A_2230 {strides = array<i32>} : memref<256xi32, #tpu.memory_space<vmem>>, vector<16xi32>,
          %get3A_2231 = arith.constant 544 : index
          %get3A_2232 = tpu.vector_load %arg9[%get3A_2231] {strides = array<i32>} : memref<1024xi32, #tpu.memory_space<vmem>>, vector<16xi32>,
          %get3A_2233 = vector.shape_cast %get3A_2232 : vector<16xi32> to vector<16xi32>
          %get3A_2234 = arith.constant 544 : index
          %get3A_2235 = tpu.vector_load %arg11[%get3A_2234] {strides = array<i32>} : memref<1024xi32, #tpu.memory_space<vmem>>, vector<16xi32>,
          %get3A_2236 = vector.shape_cast %get3A_2235 : vector<16xi32> to vector<16xi32>
          %get3A_2237 = arith.constant 544 : index
          %get3A_2238 = tpu.vector_load %arg13[%get3A_2237] {strides = array<i32>} : memref<1024xi32, #tpu.memory_space<vmem>>, vector<16xi32>,
          %get3A_2239 = vector.shape_cast %get3A_2238 : vector<16xi32> to vector<16xi32>
          %mul3A_2240 = arith.constant 16384 : i32
          %mul3A_2241 = vector.broadcast %mul3A_2240 : i32 to vector<16xi32>
          %mul3A_2242 = arith.muli %get3A_2233, %mul3A_2241 : vector<16xi32>
          %mul3A_2243 = arith.constant 128 : i32
          %mul3A_2244 = vector.broadcast %mul3A_2243 : i32 to vector<16xi32>
          %mul3A_2245 = arith.muli %get3A_2236, %mul3A_2244 : vector<16xi32>
          %add3A_2246 = arith.addi %mul3A_2242, %mul3A_2245 : vector<16xi32>
          %add3A_2247 = arith.addi %add3A_2246, %get3A_2239 : vector<16xi32>
          %swap3A_2248 = arith.constant 32 : index
          %swap3A_2249 = tpu.vector_load %arg18[%swap3A_2248] {strides = array<i32>} : memref<256xi32, #tpu.memory_space<vmem>>, vector<16xi32>,
          %swap3A_2250 = vector.shape_cast %swap3A_2249 : vector<16xi32> to vector<16xi32>
          %swap3A_2251 = vector.shape_cast %add3A_2247 : vector<16xi32> to vector<16xi32>
          tpu.vector_store %arg18[%swap3A_2248], %swap3A_2251 {strides = array<i32>} : memref<256xi32, #tpu.memory_space<vmem>>, vector<16xi32>,
          %get3A_2252 = arith.constant 560 : index
          %get3A_2253 = tpu.vector_load %arg9[%get3A_2252] {strides = array<i32>} : memref<1024xi32, #tpu.memory_space<vmem>>, vector<16xi32>,
          %get3A_2254 = vector.shape_cast %get3A_2253 : vector<16xi32> to vector<16xi32>
          %get3A_2255 = arith.constant 560 : index
          %get3A_2256 = tpu.vector_load %arg11[%get3A_2255] {strides = array<i32>} : memref<1024xi32, #tpu.memory_space<vmem>>, vector<16xi32>,
          %get3A_2257 = vector.shape_cast %get3A_2256 : vector<16xi32> to vector<16xi32>
          %get3A_2258 = arith.constant 560 : index
          %get3A_2259 = tpu.vector_load %arg13[%get3A_2258] {strides = array<i32>} : memref<1024xi32, #tpu.memory_space<vmem>>, vector<16xi32>,
          %get3A_2260 = vector.shape_cast %get3A_2259 : vector<16xi32> to vector<16xi32>
          %mul3A_2261 = arith.constant 16384 : i32
          %mul3A_2262 = vector.broadcast %mul3A_2261 : i32 to vector<16xi32>
          %mul3A_2263 = arith.muli %get3A_2254, %mul3A_2262 : vector<16xi32>
          %mul3A_2264 = arith.constant 128 : i32
          %mul3A_2265 = vector.broadcast %mul3A_2264 : i32 to vector<16xi32>
          %mul3A_2266 = arith.muli %get3A_2257, %mul3A_2265 : vector<16xi32>
          %add3A_2267 = arith.addi %mul3A_2263, %mul3A_2266 : vector<16xi32>
          %add3A_2268 = arith.addi %add3A_2267, %get3A_2260 : vector<16xi32>
          %swap3A_2269 = arith.constant 48 : index
          %swap3A_2270 = tpu.vector_load %arg18[%swap3A_2269] {strides = array<i32>} : memref<256xi32, #tpu.memory_space<vmem>>, vector<16xi32>,
          %swap3A_2271 = vector.shape_cast %swap3A_2270 : vector<16xi32> to vector<16xi32>
          %swap3A_2272 = vector.shape_cast %add3A_2268 : vector<16xi32> to vector<16xi32>
          tpu.vector_store %arg18[%swap3A_2269], %swap3A_2272 {strides = array<i32>} : memref<256xi32, #tpu.memory_space<vmem>>, vector<16xi32>,
          %get3A_2273 = arith.constant 576 : index
          %get3A_2274 = tpu.vector_load %arg9[%get3A_2273] {strides = array<i32>} : memref<1024xi32, #tpu.memory_space<vmem>>, vector<16xi32>,
          %get3A_2275 = vector.shape_cast %get3A_2274 : vector<16xi32> to vector<16xi32>
          %get3A_2276 = arith.constant 576 : index
          %get3A_2277 = tpu.vector_load %arg11[%get3A_2276] {strides = array<i32>} : memref<1024xi32, #tpu.memory_space<vmem>>, vector<16xi32>,
          %get3A_2278 = vector.shape_cast %get3A_2277 : vector<16xi32> to vector<16xi32>
          %get3A_2279 = arith.constant 576 : index
          %get3A_2280 = tpu.vector_load %arg13[%get3A_2279] {strides = array<i32>} : memref<1024xi32, #tpu.memory_space<vmem>>, vector<16xi32>,
          %get3A_2281 = vector.shape_cast %get3A_2280 : vector<16xi32> to vector<16xi32>
          %mul3A_2282 = arith.constant 16384 : i32
          %mul3A_2283 = vector.broadcast %mul3A_2282 : i32 to vector<16xi32>
          %mul3A_2284 = arith.muli %get3A_2275, %mul3A_2283 : vector<16xi32>
          %mul3A_2285 = arith.constant 128 : i32
          %mul3A_2286 = vector.broadcast %mul3A_2285 : i32 to vector<16xi32>
          %mul3A_2287 = arith.muli %get3A_2278, %mul3A_2286 : vector<16xi32>
          %add3A_2288 = arith.addi %mul3A_2284, %mul3A_2287 : vector<16xi32>
          %add3A_2289 = arith.addi %add3A_2288, %get3A_2281 : vector<16xi32>
          %swap3A_2290 = arith.constant 64 : index
          %swap3A_2291 = tpu.vector_load %arg18[%swap3A_2290] {strides = array<i32>} : memref<256xi32, #tpu.memory_space<vmem>>, vector<16xi32>,
          %swap3A_2292 = vector.shape_cast %swap3A_2291 : vector<16xi32> to vector<16xi32>
          %swap3A_2293 = vector.shape_cast %add3A_2289 : vector<16xi32> to vector<16xi32>
          tpu.vector_store %arg18[%swap3A_2290], %swap3A_2293 {strides = array<i32>} : memref<256xi32, #tpu.memory_space<vmem>>, vector<16xi32>,
          %get3A_2294 = arith.constant 592 : index
          %get3A_2295 = tpu.vector_load %arg9[%get3A_2294] {strides = array<i32>} : memref<1024xi32, #tpu.memory_space<vmem>>, vector<16xi32>,
          %get3A_2296 = vector.shape_cast %get3A_2295 : vector<16xi32> to vector<16xi32>
          %get3A_2297 = arith.constant 592 : index
          %get3A_2298 = tpu.vector_load %arg11[%get3A_2297] {strides = array<i32>} : memref<1024xi32, #tpu.memory_space<vmem>>, vector<16xi32>,
          %get3A_2299 = vector.shape_cast %get3A_2298 : vector<16xi32> to vector<16xi32>
          %get3A_2300 = arith.constant 592 : index
          %get3A_2301 = tpu.vector_load %arg13[%get3A_2300] {strides = array<i32>} : memref<1024xi32, #tpu.memory_space<vmem>>, vector<16xi32>,
          %get3A_2302 = vector.shape_cast %get3A_2301 : vector<16xi32> to vector<16xi32>
          %mul3A_2303 = arith.constant 16384 : i32
          %mul3A_2304 = vector.broadcast %mul3A_2303 : i32 to vector<16xi32>
          %mul3A_2305 = arith.muli %get3A_2296, %mul3A_2304 : vector<16xi32>
          %mul3A_2306 = arith.constant 128 : i32
          %mul3A_2307 = vector.broadcast %mul3A_2306 : i32 to vector<16xi32>
          %mul3A_2308 = arith.muli %get3A_2299, %mul3A_2307 : vector<16xi32>
          %add3A_2309 = arith.addi %mul3A_2305, %mul3A_2308 : vector<16xi32>
          %add3A_2310 = arith.addi %add3A_2309, %get3A_2302 : vector<16xi32>
          %swap3A_2311 = arith.constant 80 : index
          %swap3A_2312 = tpu.vector_load %arg18[%swap3A_2311] {strides = array<i32>} : memref<256xi32, #tpu.memory_space<vmem>>, vector<16xi32>,
          %swap3A_2313 = vector.shape_cast %swap3A_2312 : vector<16xi32> to vector<16xi32>
          %swap3A_2314 = vector.shape_cast %add3A_2310 : vector<16xi32> to vector<16xi32>
          tpu.vector_store %arg18[%swap3A_2311], %swap3A_2314 {strides = array<i32>} : memref<256xi32, #tpu.memory_space<vmem>>, vector<16xi32>,
          %get3A_2315 = arith.constant 608 : index
          %get3A_2316 = tpu.vector_load %arg9[%get3A_2315] {strides = array<i32>} : memref<1024xi32, #tpu.memory_space<vmem>>, vector<16xi32>,
          %get3A_2317 = vector.shape_cast %get3A_2316 : vector<16xi32> to vector<16xi32>
          %get3A_2318 = arith.constant 608 : index
          %get3A_2319 = tpu.vector_load %arg11[%get3A_2318] {strides = array<i32>} : memref<1024xi32, #tpu.memory_space<vmem>>, vector<16xi32>,
          %get3A_2320 = vector.shape_cast %get3A_2319 : vector<16xi32> to vector<16xi32>
          %get3A_2321 = arith.constant 608 : index
          %get3A_2322 = tpu.vector_load %arg13[%get3A_2321] {strides = array<i32>} : memref<1024xi32, #tpu.memory_space<vmem>>, vector<16xi32>,
          %get3A_2323 = vector.shape_cast %get3A_2322 : vector<16xi32> to vector<16xi32>
          %mul3A_2324 = arith.constant 16384 : i32
          %mul3A_2325 = vector.broadcast %mul3A_2324 : i32 to vector<16xi32>
          %mul3A_2326 = arith.muli %get3A_2317, %mul3A_2325 : vector<16xi32>
          %mul3A_2327 = arith.constant 128 : i32
          %mul3A_2328 = vector.broadcast %mul3A_2327 : i32 to vector<16xi32>
          %mul3A_2329 = arith.muli %get3A_2320, %mul3A_2328 : vector<16xi32>
          %add3A_2330 = arith.addi %mul3A_2326, %mul3A_2329 : vector<16xi32>
          %add3A_2331 = arith.addi %add3A_2330, %get3A_2323 : vector<16xi32>
          %swap3A_2332 = arith.constant 96 : index
          %swap3A_2333 = tpu.vector_load %arg18[%swap3A_2332] {strides = array<i32>} : memref<256xi32, #tpu.memory_space<vmem>>, vector<16xi32>,
          %swap3A_2334 = vector.shape_cast %swap3A_2333 : vector<16xi32> to vector<16xi32>
          %swap3A_2335 = vector.shape_cast %add3A_2331 : vector<16xi32> to vector<16xi32>
          tpu.vector_store %arg18[%swap3A_2332], %swap3A_2335 {strides = array<i32>} : memref<256xi32, #tpu.memory_space<vmem>>, vector<16xi32>,
          %get3A_2336 = arith.constant 624 : index
          %get3A_2337 = tpu.vector_load %arg9[%get3A_2336] {strides = array<i32>} : memref<1024xi32, #tpu.memory_space<vmem>>, vector<16xi32>,
          %get3A_2338 = vector.shape_cast %get3A_2337 : vector<16xi32> to vector<16xi32>
          %get3A_2339 = arith.constant 624 : index
          %get3A_2340 = tpu.vector_load %arg11[%get3A_2339] {strides = array<i32>} : memref<1024xi32, #tpu.memory_space<vmem>>, vector<16xi32>,
          %get3A_2341 = vector.shape_cast %get3A_2340 : vector<16xi32> to vector<16xi32>
          %get3A_2342 = arith.constant 624 : index
          %get3A_2343 = tpu.vector_load %arg13[%get3A_2342] {strides = array<i32>} : memref<1024xi32, #tpu.memory_space<vmem>>, vector<16xi32>,
          %get3A_2344 = vector.shape_cast %get3A_2343 : vector<16xi32> to vector<16xi32>
          %mul3A_2345 = arith.constant 16384 : i32
          %mul3A_2346 = vector.broadcast %mul3A_2345 : i32 to vector<16xi32>
          %mul3A_2347 = arith.muli %get3A_2338, %mul3A_2346 : vector<16xi32>
          %mul3A_2348 = arith.constant 128 : i32
          %mul3A_2349 = vector.broadcast %mul3A_2348 : i32 to vector<16xi32>
          %mul3A_2350 = arith.muli %get3A_2341, %mul3A_2349 : vector<16xi32>
          %add3A_2351 = arith.addi %mul3A_2347, %mul3A_2350 : vector<16xi32>
          %add3A_2352 = arith.addi %add3A_2351, %get3A_2344 : vector<16xi32>
          %swap3A_2353 = arith.constant 112 : index
          %swap3A_2354 = tpu.vector_load %arg18[%swap3A_2353] {strides = array<i32>} : memref<256xi32, #tpu.memory_space<vmem>>, vector<16xi32>,
          %swap3A_2355 = vector.shape_cast %swap3A_2354 : vector<16xi32> to vector<16xi32>
          %swap3A_2356 = vector.shape_cast %add3A_2352 : vector<16xi32> to vector<16xi32>
          tpu.vector_store %arg18[%swap3A_2353], %swap3A_2356 {strides = array<i32>} : memref<256xi32, #tpu.memory_space<vmem>>, vector<16xi32>,
          %get3A_2357 = arith.constant 640 : index
          %get3A_2358 = tpu.vector_load %arg9[%get3A_2357] {strides = array<i32>} : memref<1024xi32, #tpu.memory_space<vmem>>, vector<16xi32>,
          %get3A_2359 = vector.shape_cast %get3A_2358 : vector<16xi32> to vector<16xi32>
          %get3A_2360 = arith.constant 640 : index
          %get3A_2361 = tpu.vector_load %arg11[%get3A_2360] {strides = array<i32>} : memref<1024xi32, #tpu.memory_space<vmem>>, vector<16xi32>,
          %get3A_2362 = vector.shape_cast %get3A_2361 : vector<16xi32> to vector<16xi32>
          %get3A_2363 = arith.constant 640 : index
          %get3A_2364 = tpu.vector_load %arg13[%get3A_2363] {strides = array<i32>} : memref<1024xi32, #tpu.memory_space<vmem>>, vector<16xi32>,
          %get3A_2365 = vector.shape_cast %get3A_2364 : vector<16xi32> to vector<16xi32>
          %mul3A_2366 = arith.constant 16384 : i32
          %mul3A_2367 = vector.broadcast %mul3A_2366 : i32 to vector<16xi32>
          %mul3A_2368 = arith.muli %get3A_2359, %mul3A_2367 : vector<16xi32>
          %mul3A_2369 = arith.constant 128 : i32
          %mul3A_2370 = vector.broadcast %mul3A_2369 : i32 to vector<16xi32>
          %mul3A_2371 = arith.muli %get3A_2362, %mul3A_2370 : vector<16xi32>
          %add3A_2372 = arith.addi %mul3A_2368, %mul3A_2371 : vector<16xi32>
          %add3A_2373 = arith.addi %add3A_2372, %get3A_2365 : vector<16xi32>
          %swap3A_2374 = arith.constant 128 : index
          %swap3A_2375 = tpu.vector_load %arg18[%swap3A_2374] {strides = array<i32>} : memref<256xi32, #tpu.memory_space<vmem>>, vector<16xi32>,
          %swap3A_2376 = vector.shape_cast %swap3A_2375 : vector<16xi32> to vector<16xi32>
          %swap3A_2377 = vector.shape_cast %add3A_2373 : vector<16xi32> to vector<16xi32>
          tpu.vector_store %arg18[%swap3A_2374], %swap3A_2377 {strides = array<i32>} : memref<256xi32, #tpu.memory_space<vmem>>, vector<16xi32>,
          %get3A_2378 = arith.constant 656 : index
          %get3A_2379 = tpu.vector_load %arg9[%get3A_2378] {strides = array<i32>} : memref<1024xi32, #tpu.memory_space<vmem>>, vector<16xi32>,
          %get3A_2380 = vector.shape_cast %get3A_2379 : vector<16xi32> to vector<16xi32>
          %get3A_2381 = arith.constant 656 : index
          %get3A_2382 = tpu.vector_load %arg11[%get3A_2381] {strides = array<i32>} : memref<1024xi32, #tpu.memory_space<vmem>>, vector<16xi32>,
          %get3A_2383 = vector.shape_cast %get3A_2382 : vector<16xi32> to vector<16xi32>
          %get3A_2384 = arith.constant 656 : index
          %get3A_2385 = tpu.vector_load %arg13[%get3A_2384] {strides = array<i32>} : memref<1024xi32, #tpu.memory_space<vmem>>, vector<16xi32>,
          %get3A_2386 = vector.shape_cast %get3A_2385 : vector<16xi32> to vector<16xi32>
          %mul3A_2387 = arith.constant 16384 : i32
          %mul3A_2388 = vector.broadcast %mul3A_2387 : i32 to vector<16xi32>
          %mul3A_2389 = arith.muli %get3A_2380, %mul3A_2388 : vector<16xi32>
          %mul3A_2390 = arith.constant 128 : i32
          %mul3A_2391 = vector.broadcast %mul3A_2390 : i32 to vector<16xi32>
          %mul3A_2392 = arith.muli %get3A_2383, %mul3A_2391 : vector<16xi32>
          %add3A_2393 = arith.addi %mul3A_2389, %mul3A_2392 : vector<16xi32>
          %add3A_2394 = arith.addi %add3A_2393, %get3A_2386 : vector<16xi32>
          %swap3A_2395 = arith.constant 144 : index
          %swap3A_2396 = tpu.vector_load %arg18[%swap3A_2395] {strides = array<i32>} : memref<256xi32, #tpu.memory_space<vmem>>, vector<16xi32>,
          %swap3A_2397 = vector.shape_cast %swap3A_2396 : vector<16xi32> to vector<16xi32>
          %swap3A_2398 = vector.shape_cast %add3A_2394 : vector<16xi32> to vector<16xi32>
          tpu.vector_store %arg18[%swap3A_2395], %swap3A_2398 {strides = array<i32>} : memref<256xi32, #tpu.memory_space<vmem>>, vector<16xi32>,
          %get3A_2399 = arith.constant 672 : index
          %get3A_2400 = tpu.vector_load %arg9[%get3A_2399] {strides = array<i32>} : memref<1024xi32, #tpu.memory_space<vmem>>, vector<16xi32>,
          %get3A_2401 = vector.shape_cast %get3A_2400 : vector<16xi32> to vector<16xi32>
          %get3A_2402 = arith.constant 672 : index
          %get3A_2403 = tpu.vector_load %arg11[%get3A_2402] {strides = array<i32>} : memref<1024xi32, #tpu.memory_space<vmem>>, vector<16xi32>,
          %get3A_2404 = vector.shape_cast %get3A_2403 : vector<16xi32> to vector<16xi32>
          %get3A_2405 = arith.constant 672 : index
          %get3A_2406 = tpu.vector_load %arg13[%get3A_2405] {strides = array<i32>} : memref<1024xi32, #tpu.memory_space<vmem>>, vector<16xi32>,
          %get3A_2407 = vector.shape_cast %get3A_2406 : vector<16xi32> to vector<16xi32>
          %mul3A_2408 = arith.constant 16384 : i32
          %mul3A_2409 = vector.broadcast %mul3A_2408 : i32 to vector<16xi32>
          %mul3A_2410 = arith.muli %get3A_2401, %mul3A_2409 : vector<16xi32>
          %mul3A_2411 = arith.constant 128 : i32
          %mul3A_2412 = vector.broadcast %mul3A_2411 : i32 to vector<16xi32>
          %mul3A_2413 = arith.muli %get3A_2404, %mul3A_2412 : vector<16xi32>
          %add3A_2414 = arith.addi %mul3A_2410, %mul3A_2413 : vector<16xi32>
          %add3A_2415 = arith.addi %add3A_2414, %get3A_2407 : vector<16xi32>
          %swap3A_2416 = arith.constant 160 : index
          %swap3A_2417 = tpu.vector_load %arg18[%swap3A_2416] {strides = array<i32>} : memref<256xi32, #tpu.memory_space<vmem>>, vector<16xi32>,
          %swap3A_2418 = vector.shape_cast %swap3A_2417 : vector<16xi32> to vector<16xi32>
          %swap3A_2419 = vector.shape_cast %add3A_2415 : vector<16xi32> to vector<16xi32>
          tpu.vector_store %arg18[%swap3A_2416], %swap3A_2419 {strides = array<i32>} : memref<256xi32, #tpu.memory_space<vmem>>, vector<16xi32>,
          %get3A_2420 = arith.constant 688 : index
          %get3A_2421 = tpu.vector_load %arg9[%get3A_2420] {strides = array<i32>} : memref<1024xi32, #tpu.memory_space<vmem>>, vector<16xi32>,
          %get3A_2422 = vector.shape_cast %get3A_2421 : vector<16xi32> to vector<16xi32>
          %get3A_2423 = arith.constant 688 : index
          %get3A_2424 = tpu.vector_load %arg11[%get3A_2423] {strides = array<i32>} : memref<1024xi32, #tpu.memory_space<vmem>>, vector<16xi32>,
          %get3A_2425 = vector.shape_cast %get3A_2424 : vector<16xi32> to vector<16xi32>
          %get3A_2426 = arith.constant 688 : index
          %get3A_2427 = tpu.vector_load %arg13[%get3A_2426] {strides = array<i32>} : memref<1024xi32, #tpu.memory_space<vmem>>, vector<16xi32>,
          %get3A_2428 = vector.shape_cast %get3A_2427 : vector<16xi32> to vector<16xi32>
          %mul3A_2429 = arith.constant 16384 : i32
          %mul3A_2430 = vector.broadcast %mul3A_2429 : i32 to vector<16xi32>
          %mul3A_2431 = arith.muli %get3A_2422, %mul3A_2430 : vector<16xi32>
          %mul3A_2432 = arith.constant 128 : i32
          %mul3A_2433 = vector.broadcast %mul3A_2432 : i32 to vector<16xi32>
          %mul3A_2434 = arith.muli %get3A_2425, %mul3A_2433 : vector<16xi32>
          %add3A_2435 = arith.addi %mul3A_2431, %mul3A_2434 : vector<16xi32>
          %add3A_2436 = arith.addi %add3A_2435, %get3A_2428 : vector<16xi32>
          %swap3A_2437 = arith.constant 176 : index
          %swap3A_2438 = tpu.vector_load %arg18[%swap3A_2437] {strides = array<i32>} : memref<256xi32, #tpu.memory_space<vmem>>, vector<16xi32>,
          %swap3A_2439 = vector.shape_cast %swap3A_2438 : vector<16xi32> to vector<16xi32>
          %swap3A_2440 = vector.shape_cast %add3A_2436 : vector<16xi32> to vector<16xi32>
          tpu.vector_store %arg18[%swap3A_2437], %swap3A_2440 {strides = array<i32>} : memref<256xi32, #tpu.memory_space<vmem>>, vector<16xi32>,
          %get3A_2441 = arith.constant 704 : index
          %get3A_2442 = tpu.vector_load %arg9[%get3A_2441] {strides = array<i32>} : memref<1024xi32, #tpu.memory_space<vmem>>, vector<16xi32>,
          %get3A_2443 = vector.shape_cast %get3A_2442 : vector<16xi32> to vector<16xi32>
          %get3A_2444 = arith.constant 704 : index
          %get3A_2445 = tpu.vector_load %arg11[%get3A_2444] {strides = array<i32>} : memref<1024xi32, #tpu.memory_space<vmem>>, vector<16xi32>,
          %get3A_2446 = vector.shape_cast %get3A_2445 : vector<16xi32> to vector<16xi32>
          %get3A_2447 = arith.constant 704 : index
          %get3A_2448 = tpu.vector_load %arg13[%get3A_2447] {strides = array<i32>} : memref<1024xi32, #tpu.memory_space<vmem>>, vector<16xi32>,
          %get3A_2449 = vector.shape_cast %get3A_2448 : vector<16xi32> to vector<16xi32>
          %mul3A_2450 = arith.constant 16384 : i32
          %mul3A_2451 = vector.broadcast %mul3A_2450 : i32 to vector<16xi32>
          %mul3A_2452 = arith.muli %get3A_2443, %mul3A_2451 : vector<16xi32>
          %mul3A_2453 = arith.constant 128 : i32
          %mul3A_2454 = vector.broadcast %mul3A_2453 : i32 to vector<16xi32>
          %mul3A_2455 = arith.muli %get3A_2446, %mul3A_2454 : vector<16xi32>
          %add3A_2456 = arith.addi %mul3A_2452, %mul3A_2455 : vector<16xi32>
          %add3A_2457 = arith.addi %add3A_2456, %get3A_2449 : vector<16xi32>
          %swap3A_2458 = arith.constant 192 : index
          %swap3A_2459 = tpu.vector_load %arg18[%swap3A_2458] {strides = array<i32>} : memref<256xi32, #tpu.memory_space<vmem>>, vector<16xi32>,
          %swap3A_2460 = vector.shape_cast %swap3A_2459 : vector<16xi32> to vector<16xi32>
          %swap3A_2461 = vector.shape_cast %add3A_2457 : vector<16xi32> to vector<16xi32>
          tpu.vector_store %arg18[%swap3A_2458], %swap3A_2461 {strides = array<i32>} : memref<256xi32, #tpu.memory_space<vmem>>, vector<16xi32>,
          %get3A_2462 = arith.constant 720 : index
          %get3A_2463 = tpu.vector_load %arg9[%get3A_2462] {strides = array<i32>} : memref<1024xi32, #tpu.memory_space<vmem>>, vector<16xi32>,
          %get3A_2464 = vector.shape_cast %get3A_2463 : vector<16xi32> to vector<16xi32>
          %get3A_2465 = arith.constant 720 : index
          %get3A_2466 = tpu.vector_load %arg11[%get3A_2465] {strides = array<i32>} : memref<1024xi32, #tpu.memory_space<vmem>>, vector<16xi32>,
          %get3A_2467 = vector.shape_cast %get3A_2466 : vector<16xi32> to vector<16xi32>
          %get3A_2468 = arith.constant 720 : index
          %get3A_2469 = tpu.vector_load %arg13[%get3A_2468] {strides = array<i32>} : memref<1024xi32, #tpu.memory_space<vmem>>, vector<16xi32>,
          %get3A_2470 = vector.shape_cast %get3A_2469 : vector<16xi32> to vector<16xi32>
          %mul3A_2471 = arith.constant 16384 : i32
          %mul3A_2472 = vector.broadcast %mul3A_2471 : i32 to vector<16xi32>
          %mul3A_2473 = arith.muli %get3A_2464, %mul3A_2472 : vector<16xi32>
          %mul3A_2474 = arith.constant 128 : i32
          %mul3A_2475 = vector.broadcast %mul3A_2474 : i32 to vector<16xi32>
          %mul3A_2476 = arith.muli %get3A_2467, %mul3A_2475 : vector<16xi32>
          %add3A_2477 = arith.addi %mul3A_2473, %mul3A_2476 : vector<16xi32>
          %add3A_2478 = arith.addi %add3A_2477, %get3A_2470 : vector<16xi32>
          %swap3A_2479 = arith.constant 208 : index
          %swap3A_2480 = tpu.vector_load %arg18[%swap3A_2479] {strides = array<i32>} : memref<256xi32, #tpu.memory_space<vmem>>, vector<16xi32>,
          %swap3A_2481 = vector.shape_cast %swap3A_2480 : vector<16xi32> to vector<16xi32>
          %swap3A_2482 = vector.shape_cast %add3A_2478 : vector<16xi32> to vector<16xi32>
          tpu.vector_store %arg18[%swap3A_2479], %swap3A_2482 {strides = array<i32>} : memref<256xi32, #tpu.memory_space<vmem>>, vector<16xi32>,
          %get3A_2483 = arith.constant 736 : index
          %get3A_2484 = tpu.vector_load %arg9[%get3A_2483] {strides = array<i32>} : memref<1024xi32, #tpu.memory_space<vmem>>, vector<16xi32>,
          %get3A_2485 = vector.shape_cast %get3A_2484 : vector<16xi32> to vector<16xi32>
          %get3A_2486 = arith.constant 736 : index
          %get3A_2487 = tpu.vector_load %arg11[%get3A_2486] {strides = array<i32>} : memref<1024xi32, #tpu.memory_space<vmem>>, vector<16xi32>,
          %get3A_2488 = vector.shape_cast %get3A_2487 : vector<16xi32> to vector<16xi32>
          %get3A_2489 = arith.constant 736 : index
          %get3A_2490 = tpu.vector_load %arg13[%get3A_2489] {strides = array<i32>} : memref<1024xi32, #tpu.memory_space<vmem>>, vector<16xi32>,
          %get3A_2491 = vector.shape_cast %get3A_2490 : vector<16xi32> to vector<16xi32>
          %mul3A_2492 = arith.constant 16384 : i32
          %mul3A_2493 = vector.broadcast %mul3A_2492 : i32 to vector<16xi32>
          %mul3A_2494 = arith.muli %get3A_2485, %mul3A_2493 : vector<16xi32>
          %mul3A_2495 = arith.constant 128 : i32
          %mul3A_2496 = vector.broadcast %mul3A_2495 : i32 to vector<16xi32>
          %mul3A_2497 = arith.muli %get3A_2488, %mul3A_2496 : vector<16xi32>
          %add3A_2498 = arith.addi %mul3A_2494, %mul3A_2497 : vector<16xi32>
          %add3A_2499 = arith.addi %add3A_2498, %get3A_2491 : vector<16xi32>
          %swap3A_2500 = arith.constant 224 : index
          %swap3A_2501 = tpu.vector_load %arg18[%swap3A_2500] {strides = array<i32>} : memref<256xi32, #tpu.memory_space<vmem>>, vector<16xi32>,
          %swap3A_2502 = vector.shape_cast %swap3A_2501 : vector<16xi32> to vector<16xi32>
          %swap3A_2503 = vector.shape_cast %add3A_2499 : vector<16xi32> to vector<16xi32>
          tpu.vector_store %arg18[%swap3A_2500], %swap3A_2503 {strides = array<i32>} : memref<256xi32, #tpu.memory_space<vmem>>, vector<16xi32>,
          %get3A_2504 = arith.constant 752 : index
          %get3A_2505 = tpu.vector_load %arg9[%get3A_2504] {strides = array<i32>} : memref<1024xi32, #tpu.memory_space<vmem>>, vector<16xi32>,
          %get3A_2506 = vector.shape_cast %get3A_2505 : vector<16xi32> to vector<16xi32>
          %get3A_2507 = arith.constant 752 : index
          %get3A_2508 = tpu.vector_load %arg11[%get3A_2507] {strides = array<i32>} : memref<1024xi32, #tpu.memory_space<vmem>>, vector<16xi32>,
          %get3A_2509 = vector.shape_cast %get3A_2508 : vector<16xi32> to vector<16xi32>
          %get3A_2510 = arith.constant 752 : index
          %get3A_2511 = tpu.vector_load %arg13[%get3A_2510] {strides = array<i32>} : memref<1024xi32, #tpu.memory_space<vmem>>, vector<16xi32>,
          %get3A_2512 = vector.shape_cast %get3A_2511 : vector<16xi32> to vector<16xi32>
          %mul3A_2513 = arith.constant 16384 : i32
          %mul3A_2514 = vector.broadcast %mul3A_2513 : i32 to vector<16xi32>
          %mul3A_2515 = arith.muli %get3A_2506, %mul3A_2514 : vector<16xi32>
          %mul3A_2516 = arith.constant 128 : i32
          %mul3A_2517 = vector.broadcast %mul3A_2516 : i32 to vector<16xi32>
          %mul3A_2518 = arith.muli %get3A_2509, %mul3A_2517 : vector<16xi32>
          %add3A_2519 = arith.addi %mul3A_2515, %mul3A_2518 : vector<16xi32>
          %add3A_2520 = arith.addi %add3A_2519, %get3A_2512 : vector<16xi32>
          %swap3A_2521 = arith.constant 240 : index
          %swap3A_2522 = tpu.vector_load %arg18[%swap3A_2521] {strides = array<i32>} : memref<256xi32, #tpu.memory_space<vmem>>, vector<16xi32>,
          %swap3A_2523 = vector.shape_cast %swap3A_2522 : vector<16xi32> to vector<16xi32>
          %swap3A_2524 = vector.shape_cast %add3A_2520 : vector<16xi32> to vector<16xi32>
          tpu.vector_store %arg18[%swap3A_2521], %swap3A_2524 {strides = array<i32>} : memref<256xi32, #tpu.memory_space<vmem>>, vector<16xi32>,
          %get3A_2525 = arith.constant 768 : index
          %get3A_2526 = tpu.vector_load %arg9[%get3A_2525] {strides = array<i32>} : memref<1024xi32, #tpu.memory_space<vmem>>, vector<16xi32>,
          %get3A_2527 = vector.shape_cast %get3A_2526 : vector<16xi32> to vector<16xi32>
          %get3A_2528 = arith.constant 768 : index
          %get3A_2529 = tpu.vector_load %arg11[%get3A_2528] {strides = array<i32>} : memref<1024xi32, #tpu.memory_space<vmem>>, vector<16xi32>,
          %get3A_2530 = vector.shape_cast %get3A_2529 : vector<16xi32> to vector<16xi32>
          %get3A_2531 = arith.constant 768 : index
          %get3A_2532 = tpu.vector_load %arg13[%get3A_2531] {strides = array<i32>} : memref<1024xi32, #tpu.memory_space<vmem>>, vector<16xi32>,
          %get3A_2533 = vector.shape_cast %get3A_2532 : vector<16xi32> to vector<16xi32>
          %mul3A_2534 = arith.constant 16384 : i32
          %mul3A_2535 = vector.broadcast %mul3A_2534 : i32 to vector<16xi32>
          %mul3A_2536 = arith.muli %get3A_2527, %mul3A_2535 : vector<16xi32>
          %mul3A_2537 = arith.constant 128 : i32
          %mul3A_2538 = vector.broadcast %mul3A_2537 : i32 to vector<16xi32>
          %mul3A_2539 = arith.muli %get3A_2530, %mul3A_2538 : vector<16xi32>
          %add3A_2540 = arith.addi %mul3A_2536, %mul3A_2539 : vector<16xi32>
          %add3A_2541 = arith.addi %add3A_2540, %get3A_2533 : vector<16xi32>
          %swap3A_2542 = arith.constant 0 : index
          %swap3A_2543 = tpu.vector_load %arg19[%swap3A_2542] {strides = array<i32>} : memref<256xi32, #tpu.memory_space<vmem>>, vector<16xi32>,
          %swap3A_2544 = vector.shape_cast %swap3A_2543 : vector<16xi32> to vector<16xi32>
          %swap3A_2545 = vector.shape_cast %add3A_2541 : vector<16xi32> to vector<16xi32>
          tpu.vector_store %arg19[%swap3A_2542], %swap3A_2545 {strides = array<i32>} : memref<256xi32, #tpu.memory_space<vmem>>, vector<16xi32>,
          %get3A_2546 = arith.constant 784 : index
          %get3A_2547 = tpu.vector_load %arg9[%get3A_2546] {strides = array<i32>} : memref<1024xi32, #tpu.memory_space<vmem>>, vector<16xi32>,
          %get3A_2548 = vector.shape_cast %get3A_2547 : vector<16xi32> to vector<16xi32>
          %get3A_2549 = arith.constant 784 : index
          %get3A_2550 = tpu.vector_load %arg11[%get3A_2549] {strides = array<i32>} : memref<1024xi32, #tpu.memory_space<vmem>>, vector<16xi32>,
          %get3A_2551 = vector.shape_cast %get3A_2550 : vector<16xi32> to vector<16xi32>
          %get3A_2552 = arith.constant 784 : index
          %get3A_2553 = tpu.vector_load %arg13[%get3A_2552] {strides = array<i32>} : memref<1024xi32, #tpu.memory_space<vmem>>, vector<16xi32>,
          %get3A_2554 = vector.shape_cast %get3A_2553 : vector<16xi32> to vector<16xi32>
          %mul3A_2555 = arith.constant 16384 : i32
          %mul3A_2556 = vector.broadcast %mul3A_2555 : i32 to vector<16xi32>
          %mul3A_2557 = arith.muli %get3A_2548, %mul3A_2556 : vector<16xi32>
          %mul3A_2558 = arith.constant 128 : i32
          %mul3A_2559 = vector.broadcast %mul3A_2558 : i32 to vector<16xi32>
          %mul3A_2560 = arith.muli %get3A_2551, %mul3A_2559 : vector<16xi32>
          %add3A_2561 = arith.addi %mul3A_2557, %mul3A_2560 : vector<16xi32>
          %add3A_2562 = arith.addi %add3A_2561, %get3A_2554 : vector<16xi32>
          %swap3A_2563 = arith.constant 16 : index
          %swap3A_2564 = tpu.vector_load %arg19[%swap3A_2563] {strides = array<i32>} : memref<256xi32, #tpu.memory_space<vmem>>, vector<16xi32>,
          %swap3A_2565 = vector.shape_cast %swap3A_2564 : vector<16xi32> to vector<16xi32>
          %swap3A_2566 = vector.shape_cast %add3A_2562 : vector<16xi32> to vector<16xi32>
          tpu.vector_store %arg19[%swap3A_2563], %swap3A_2566 {strides = array<i32>} : memref<256xi32, #tpu.memory_space<vmem>>, vector<16xi32>,
          %get3A_2567 = arith.constant 800 : index
          %get3A_2568 = tpu.vector_load %arg9[%get3A_2567] {strides = array<i32>} : memref<1024xi32, #tpu.memory_space<vmem>>, vector<16xi32>,
          %get3A_2569 = vector.shape_cast %get3A_2568 : vector<16xi32> to vector<16xi32>
          %get3A_2570 = arith.constant 800 : index
          %get3A_2571 = tpu.vector_load %arg11[%get3A_2570] {strides = array<i32>} : memref<1024xi32, #tpu.memory_space<vmem>>, vector<16xi32>,
          %get3A_2572 = vector.shape_cast %get3A_2571 : vector<16xi32> to vector<16xi32>
          %get3A_2573 = arith.constant 800 : index
          %get3A_2574 = tpu.vector_load %arg13[%get3A_2573] {strides = array<i32>} : memref<1024xi32, #tpu.memory_space<vmem>>, vector<16xi32>,
          %get3A_2575 = vector.shape_cast %get3A_2574 : vector<16xi32> to vector<16xi32>
          %mul3A_2576 = arith.constant 16384 : i32
          %mul3A_2577 = vector.broadcast %mul3A_2576 : i32 to vector<16xi32>
          %mul3A_2578 = arith.muli %get3A_2569, %mul3A_2577 : vector<16xi32>
          %mul3A_2579 = arith.constant 128 : i32
          %mul3A_2580 = vector.broadcast %mul3A_2579 : i32 to vector<16xi32>
          %mul3A_2581 = arith.muli %get3A_2572, %mul3A_2580 : vector<16xi32>
          %add3A_2582 = arith.addi %mul3A_2578, %mul3A_2581 : vector<16xi32>
          %add3A_2583 = arith.addi %add3A_2582, %get3A_2575 : vector<16xi32>
          %swap3A_2584 = arith.constant 32 : index
          %swap3A_2585 = tpu.vector_load %arg19[%swap3A_2584] {strides = array<i32>} : memref<256xi32, #tpu.memory_space<vmem>>, vector<16xi32>,
          %swap3A_2586 = vector.shape_cast %swap3A_2585 : vector<16xi32> to vector<16xi32>
          %swap3A_2587 = vector.shape_cast %add3A_2583 : vector<16xi32> to vector<16xi32>
          tpu.vector_store %arg19[%swap3A_2584], %swap3A_2587 {strides = array<i32>} : memref<256xi32, #tpu.memory_space<vmem>>, vector<16xi32>,
          %get3A_2588 = arith.constant 816 : index
          %get3A_2589 = tpu.vector_load %arg9[%get3A_2588] {strides = array<i32>} : memref<1024xi32, #tpu.memory_space<vmem>>, vector<16xi32>,
          %get3A_2590 = vector.shape_cast %get3A_2589 : vector<16xi32> to vector<16xi32>
          %get3A_2591 = arith.constant 816 : index
          %get3A_2592 = tpu.vector_load %arg11[%get3A_2591] {strides = array<i32>} : memref<1024xi32, #tpu.memory_space<vmem>>, vector<16xi32>,
          %get3A_2593 = vector.shape_cast %get3A_2592 : vector<16xi32> to vector<16xi32>
          %get3A_2594 = arith.constant 816 : index
          %get3A_2595 = tpu.vector_load %arg13[%get3A_2594] {strides = array<i32>} : memref<1024xi32, #tpu.memory_space<vmem>>, vector<16xi32>,
          %get3A_2596 = vector.shape_cast %get3A_2595 : vector<16xi32> to vector<16xi32>
          %mul3A_2597 = arith.constant 16384 : i32
          %mul3A_2598 = vector.broadcast %mul3A_2597 : i32 to vector<16xi32>
          %mul3A_2599 = arith.muli %get3A_2590, %mul3A_2598 : vector<16xi32>
          %mul3A_2600 = arith.constant 128 : i32
          %mul3A_2601 = vector.broadcast %mul3A_2600 : i32 to vector<16xi32>
          %mul3A_2602 = arith.muli %get3A_2593, %mul3A_2601 : vector<16xi32>
          %add3A_2603 = arith.addi %mul3A_2599, %mul3A_2602 : vector<16xi32>
          %add3A_2604 = arith.addi %add3A_2603, %get3A_2596 : vector<16xi32>
          %swap3A_2605 = arith.constant 48 : index
          %swap3A_2606 = tpu.vector_load %arg19[%swap3A_2605] {strides = array<i32>} : memref<256xi32, #tpu.memory_space<vmem>>, vector<16xi32>,
          %swap3A_2607 = vector.shape_cast %swap3A_2606 : vector<16xi32> to vector<16xi32>
          %swap3A_2608 = vector.shape_cast %add3A_2604 : vector<16xi32> to vector<16xi32>
          tpu.vector_store %arg19[%swap3A_2605], %swap3A_2608 {strides = array<i32>} : memref<256xi32, #tpu.memory_space<vmem>>, vector<16xi32>,
          %get3A_2609 = arith.constant 832 : index
          %get3A_2610 = tpu.vector_load %arg9[%get3A_2609] {strides = array<i32>} : memref<1024xi32, #tpu.memory_space<vmem>>, vector<16xi32>,
          %get3A_2611 = vector.shape_cast %get3A_2610 : vector<16xi32> to vector<16xi32>
          %get3A_2612 = arith.constant 832 : index
          %get3A_2613 = tpu.vector_load %arg11[%get3A_2612] {strides = array<i32>} : memref<1024xi32, #tpu.memory_space<vmem>>, vector<16xi32>,
          %get3A_2614 = vector.shape_cast %get3A_2613 : vector<16xi32> to vector<16xi32>
          %get3A_2615 = arith.constant 832 : index
          %get3A_2616 = tpu.vector_load %arg13[%get3A_2615] {strides = array<i32>} : memref<1024xi32, #tpu.memory_space<vmem>>, vector<16xi32>,
          %get3A_2617 = vector.shape_cast %get3A_2616 : vector<16xi32> to vector<16xi32>
          %mul3A_2618 = arith.constant 16384 : i32
          %mul3A_2619 = vector.broadcast %mul3A_2618 : i32 to vector<16xi32>
          %mul3A_2620 = arith.muli %get3A_2611, %mul3A_2619 : vector<16xi32>
          %mul3A_2621 = arith.constant 128 : i32
          %mul3A_2622 = vector.broadcast %mul3A_2621 : i32 to vector<16xi32>
          %mul3A_2623 = arith.muli %get3A_2614, %mul3A_2622 : vector<16xi32>
          %add3A_2624 = arith.addi %mul3A_2620, %mul3A_2623 : vector<16xi32>
          %add3A_2625 = arith.addi %add3A_2624, %get3A_2617 : vector<16xi32>
          %swap3A_2626 = arith.constant 64 : index
          %swap3A_2627 = tpu.vector_load %arg19[%swap3A_2626] {strides = array<i32>} : memref<256xi32, #tpu.memory_space<vmem>>, vector<16xi32>,
          %swap3A_2628 = vector.shape_cast %swap3A_2627 : vector<16xi32> to vector<16xi32>
          %swap3A_2629 = vector.shape_cast %add3A_2625 : vector<16xi32> to vector<16xi32>
          tpu.vector_store %arg19[%swap3A_2626], %swap3A_2629 {strides = array<i32>} : memref<256xi32, #tpu.memory_space<vmem>>, vector<16xi32>,
          %get3A_2630 = arith.constant 848 : index
          %get3A_2631 = tpu.vector_load %arg9[%get3A_2630] {strides = array<i32>} : memref<1024xi32, #tpu.memory_space<vmem>>, vector<16xi32>,
          %get3A_2632 = vector.shape_cast %get3A_2631 : vector<16xi32> to vector<16xi32>
          %get3A_2633 = arith.constant 848 : index
          %get3A_2634 = tpu.vector_load %arg11[%get3A_2633] {strides = array<i32>} : memref<1024xi32, #tpu.memory_space<vmem>>, vector<16xi32>,
          %get3A_2635 = vector.shape_cast %get3A_2634 : vector<16xi32> to vector<16xi32>
          %get3A_2636 = arith.constant 848 : index
          %get3A_2637 = tpu.vector_load %arg13[%get3A_2636] {strides = array<i32>} : memref<1024xi32, #tpu.memory_space<vmem>>, vector<16xi32>,
          %get3A_2638 = vector.shape_cast %get3A_2637 : vector<16xi32> to vector<16xi32>
          %mul3A_2639 = arith.constant 16384 : i32
          %mul3A_2640 = vector.broadcast %mul3A_2639 : i32 to vector<16xi32>
          %mul3A_2641 = arith.muli %get3A_2632, %mul3A_2640 : vector<16xi32>
          %mul3A_2642 = arith.constant 128 : i32
          %mul3A_2643 = vector.broadcast %mul3A_2642 : i32 to vector<16xi32>
          %mul3A_2644 = arith.muli %get3A_2635, %mul3A_2643 : vector<16xi32>
          %add3A_2645 = arith.addi %mul3A_2641, %mul3A_2644 : vector<16xi32>
          %add3A_2646 = arith.addi %add3A_2645, %get3A_2638 : vector<16xi32>
          %swap3A_2647 = arith.constant 80 : index
          %swap3A_2648 = tpu.vector_load %arg19[%swap3A_2647] {strides = array<i32>} : memref<256xi32, #tpu.memory_space<vmem>>, vector<16xi32>,
          %swap3A_2649 = vector.shape_cast %swap3A_2648 : vector<16xi32> to vector<16xi32>
          %swap3A_2650 = vector.shape_cast %add3A_2646 : vector<16xi32> to vector<16xi32>
          tpu.vector_store %arg19[%swap3A_2647], %swap3A_2650 {strides = array<i32>} : memref<256xi32, #tpu.memory_space<vmem>>, vector<16xi32>,
          %get3A_2651 = arith.constant 864 : index
          %get3A_2652 = tpu.vector_load %arg9[%get3A_2651] {strides = array<i32>} : memref<1024xi32, #tpu.memory_space<vmem>>, vector<16xi32>,
          %get3A_2653 = vector.shape_cast %get3A_2652 : vector<16xi32> to vector<16xi32>
          %get3A_2654 = arith.constant 864 : index
          %get3A_2655 = tpu.vector_load %arg11[%get3A_2654] {strides = array<i32>} : memref<1024xi32, #tpu.memory_space<vmem>>, vector<16xi32>,
          %get3A_2656 = vector.shape_cast %get3A_2655 : vector<16xi32> to vector<16xi32>
          %get3A_2657 = arith.constant 864 : index
          %get3A_2658 = tpu.vector_load %arg13[%get3A_2657] {strides = array<i32>} : memref<1024xi32, #tpu.memory_space<vmem>>, vector<16xi32>,
          %get3A_2659 = vector.shape_cast %get3A_2658 : vector<16xi32> to vector<16xi32>
          %mul3A_2660 = arith.constant 16384 : i32
          %mul3A_2661 = vector.broadcast %mul3A_2660 : i32 to vector<16xi32>
          %mul3A_2662 = arith.muli %get3A_2653, %mul3A_2661 : vector<16xi32>
          %mul3A_2663 = arith.constant 128 : i32
          %mul3A_2664 = vector.broadcast %mul3A_2663 : i32 to vector<16xi32>
          %mul3A_2665 = arith.muli %get3A_2656, %mul3A_2664 : vector<16xi32>
          %add3A_2666 = arith.addi %mul3A_2662, %mul3A_2665 : vector<16xi32>
          %add3A_2667 = arith.addi %add3A_2666, %get3A_2659 : vector<16xi32>
          %swap3A_2668 = arith.constant 96 : index
          %swap3A_2669 = tpu.vector_load %arg19[%swap3A_2668] {strides = array<i32>} : memref<256xi32, #tpu.memory_space<vmem>>, vector<16xi32>,
          %swap3A_2670 = vector.shape_cast %swap3A_2669 : vector<16xi32> to vector<16xi32>
          %swap3A_2671 = vector.shape_cast %add3A_2667 : vector<16xi32> to vector<16xi32>
          tpu.vector_store %arg19[%swap3A_2668], %swap3A_2671 {strides = array<i32>} : memref<256xi32, #tpu.memory_space<vmem>>, vector<16xi32>,
          %get3A_2672 = arith.constant 880 : index
          %get3A_2673 = tpu.vector_load %arg9[%get3A_2672] {strides = array<i32>} : memref<1024xi32, #tpu.memory_space<vmem>>, vector<16xi32>,
          %get3A_2674 = vector.shape_cast %get3A_2673 : vector<16xi32> to vector<16xi32>
          %get3A_2675 = arith.constant 880 : index
          %get3A_2676 = tpu.vector_load %arg11[%get3A_2675] {strides = array<i32>} : memref<1024xi32, #tpu.memory_space<vmem>>, vector<16xi32>,
          %get3A_2677 = vector.shape_cast %get3A_2676 : vector<16xi32> to vector<16xi32>
          %get3A_2678 = arith.constant 880 : index
          %get3A_2679 = tpu.vector_load %arg13[%get3A_2678] {strides = array<i32>} : memref<1024xi32, #tpu.memory_space<vmem>>, vector<16xi32>,
          %get3A_2680 = vector.shape_cast %get3A_2679 : vector<16xi32> to vector<16xi32>
          %mul3A_2681 = arith.constant 16384 : i32
          %mul3A_2682 = vector.broadcast %mul3A_2681 : i32 to vector<16xi32>
          %mul3A_2683 = arith.muli %get3A_2674, %mul3A_2682 : vector<16xi32>
          %mul3A_2684 = arith.constant 128 : i32
          %mul3A_2685 = vector.broadcast %mul3A_2684 : i32 to vector<16xi32>
          %mul3A_2686 = arith.muli %get3A_2677, %mul3A_2685 : vector<16xi32>
          %add3A_2687 = arith.addi %mul3A_2683, %mul3A_2686 : vector<16xi32>
          %add3A_2688 = arith.addi %add3A_2687, %get3A_2680 : vector<16xi32>
          %swap3A_2689 = arith.constant 112 : index
          %swap3A_2690 = tpu.vector_load %arg19[%swap3A_2689] {strides = array<i32>} : memref<256xi32, #tpu.memory_space<vmem>>, vector<16xi32>,
          %swap3A_2691 = vector.shape_cast %swap3A_2690 : vector<16xi32> to vector<16xi32>
          %swap3A_2692 = vector.shape_cast %add3A_2688 : vector<16xi32> to vector<16xi32>
          tpu.vector_store %arg19[%swap3A_2689], %swap3A_2692 {strides = array<i32>} : memref<256xi32, #tpu.memory_space<vmem>>, vector<16xi32>,
          %get3A_2693 = arith.constant 896 : index
          %get3A_2694 = tpu.vector_load %arg9[%get3A_2693] {strides = array<i32>} : memref<1024xi32, #tpu.memory_space<vmem>>, vector<16xi32>,
          %get3A_2695 = vector.shape_cast %get3A_2694 : vector<16xi32> to vector<16xi32>
          %get3A_2696 = arith.constant 896 : index
          %get3A_2697 = tpu.vector_load %arg11[%get3A_2696] {strides = array<i32>} : memref<1024xi32, #tpu.memory_space<vmem>>, vector<16xi32>,
          %get3A_2698 = vector.shape_cast %get3A_2697 : vector<16xi32> to vector<16xi32>
          %get3A_2699 = arith.constant 896 : index
          %get3A_2700 = tpu.vector_load %arg13[%get3A_2699] {strides = array<i32>} : memref<1024xi32, #tpu.memory_space<vmem>>, vector<16xi32>,
          %get3A_2701 = vector.shape_cast %get3A_2700 : vector<16xi32> to vector<16xi32>
          %mul3A_2702 = arith.constant 16384 : i32
          %mul3A_2703 = vector.broadcast %mul3A_2702 : i32 to vector<16xi32>
          %mul3A_2704 = arith.muli %get3A_2695, %mul3A_2703 : vector<16xi32>
          %mul3A_2705 = arith.constant 128 : i32
          %mul3A_2706 = vector.broadcast %mul3A_2705 : i32 to vector<16xi32>
          %mul3A_2707 = arith.muli %get3A_2698, %mul3A_2706 : vector<16xi32>
          %add3A_2708 = arith.addi %mul3A_2704, %mul3A_2707 : vector<16xi32>
          %add3A_2709 = arith.addi %add3A_2708, %get3A_2701 : vector<16xi32>
          %swap3A_2710 = arith.constant 128 : index
          %swap3A_2711 = tpu.vector_load %arg19[%swap3A_2710] {strides = array<i32>} : memref<256xi32, #tpu.memory_space<vmem>>, vector<16xi32>,
          %swap3A_2712 = vector.shape_cast %swap3A_2711 : vector<16xi32> to vector<16xi32>
          %swap3A_2713 = vector.shape_cast %add3A_2709 : vector<16xi32> to vector<16xi32>
          tpu.vector_store %arg19[%swap3A_2710], %swap3A_2713 {strides = array<i32>} : memref<256xi32, #tpu.memory_space<vmem>>, vector<16xi32>,
          %get3A_2714 = arith.constant 912 : index
          %get3A_2715 = tpu.vector_load %arg9[%get3A_2714] {strides = array<i32>} : memref<1024xi32, #tpu.memory_space<vmem>>, vector<16xi32>,
          %get3A_2716 = vector.shape_cast %get3A_2715 : vector<16xi32> to vector<16xi32>
          %get3A_2717 = arith.constant 912 : index
          %get3A_2718 = tpu.vector_load %arg11[%get3A_2717] {strides = array<i32>} : memref<1024xi32, #tpu.memory_space<vmem>>, vector<16xi32>,
          %get3A_2719 = vector.shape_cast %get3A_2718 : vector<16xi32> to vector<16xi32>
          %get3A_2720 = arith.constant 912 : index
          %get3A_2721 = tpu.vector_load %arg13[%get3A_2720] {strides = array<i32>} : memref<1024xi32, #tpu.memory_space<vmem>>, vector<16xi32>,
          %get3A_2722 = vector.shape_cast %get3A_2721 : vector<16xi32> to vector<16xi32>
          %mul3A_2723 = arith.constant 16384 : i32
          %mul3A_2724 = vector.broadcast %mul3A_2723 : i32 to vector<16xi32>
          %mul3A_2725 = arith.muli %get3A_2716, %mul3A_2724 : vector<16xi32>
          %mul3A_2726 = arith.constant 128 : i32
          %mul3A_2727 = vector.broadcast %mul3A_2726 : i32 to vector<16xi32>
          %mul3A_2728 = arith.muli %get3A_2719, %mul3A_2727 : vector<16xi32>
          %add3A_2729 = arith.addi %mul3A_2725, %mul3A_2728 : vector<16xi32>
          %add3A_2730 = arith.addi %add3A_2729, %get3A_2722 : vector<16xi32>
          %swap3A_2731 = arith.constant 144 : index
          %swap3A_2732 = tpu.vector_load %arg19[%swap3A_2731] {strides = array<i32>} : memref<256xi32, #tpu.memory_space<vmem>>, vector<16xi32>,
          %swap3A_2733 = vector.shape_cast %swap3A_2732 : vector<16xi32> to vector<16xi32>
          %swap3A_2734 = vector.shape_cast %add3A_2730 : vector<16xi32> to vector<16xi32>
          tpu.vector_store %arg19[%swap3A_2731], %swap3A_2734 {strides = array<i32>} : memref<256xi32, #tpu.memory_space<vmem>>, vector<16xi32>,
          %get3A_2735 = arith.constant 928 : index
          %get3A_2736 = tpu.vector_load %arg9[%get3A_2735] {strides = array<i32>} : memref<1024xi32, #tpu.memory_space<vmem>>, vector<16xi32>,
          %get3A_2737 = vector.shape_cast %get3A_2736 : vector<16xi32> to vector<16xi32>
          %get3A_2738 = arith.constant 928 : index
          %get3A_2739 = tpu.vector_load %arg11[%get3A_2738] {strides = array<i32>} : memref<1024xi32, #tpu.memory_space<vmem>>, vector<16xi32>,
          %get3A_2740 = vector.shape_cast %get3A_2739 : vector<16xi32> to vector<16xi32>
          %get3A_2741 = arith.constant 928 : index
          %get3A_2742 = tpu.vector_load %arg13[%get3A_2741] {strides = array<i32>} : memref<1024xi32, #tpu.memory_space<vmem>>, vector<16xi32>,
          %get3A_2743 = vector.shape_cast %get3A_2742 : vector<16xi32> to vector<16xi32>
          %mul3A_2744 = arith.constant 16384 : i32
          %mul3A_2745 = vector.broadcast %mul3A_2744 : i32 to vector<16xi32>
          %mul3A_2746 = arith.muli %get3A_2737, %mul3A_2745 : vector<16xi32>
          %mul3A_2747 = arith.constant 128 : i32
          %mul3A_2748 = vector.broadcast %mul3A_2747 : i32 to vector<16xi32>
          %mul3A_2749 = arith.muli %get3A_2740, %mul3A_2748 : vector<16xi32>
          %add3A_2750 = arith.addi %mul3A_2746, %mul3A_2749 : vector<16xi32>
          %add3A_2751 = arith.addi %add3A_2750, %get3A_2743 : vector<16xi32>
          %swap3A_2752 = arith.constant 160 : index
          %swap3A_2753 = tpu.vector_load %arg19[%swap3A_2752] {strides = array<i32>} : memref<256xi32, #tpu.memory_space<vmem>>, vector<16xi32>,
          %swap3A_2754 = vector.shape_cast %swap3A_2753 : vector<16xi32> to vector<16xi32>
          %swap3A_2755 = vector.shape_cast %add3A_2751 : vector<16xi32> to vector<16xi32>
          tpu.vector_store %arg19[%swap3A_2752], %swap3A_2755 {strides = array<i32>} : memref<256xi32, #tpu.memory_space<vmem>>, vector<16xi32>,
          %get3A_2756 = arith.constant 944 : index
          %get3A_2757 = tpu.vector_load %arg9[%get3A_2756] {strides = array<i32>} : memref<1024xi32, #tpu.memory_space<vmem>>, vector<16xi32>,
          %get3A_2758 = vector.shape_cast %get3A_2757 : vector<16xi32> to vector<16xi32>
          %get3A_2759 = arith.constant 944 : index
          %get3A_2760 = tpu.vector_load %arg11[%get3A_2759] {strides = array<i32>} : memref<1024xi32, #tpu.memory_space<vmem>>, vector<16xi32>,
          %get3A_2761 = vector.shape_cast %get3A_2760 : vector<16xi32> to vector<16xi32>
          %get3A_2762 = arith.constant 944 : index
          %get3A_2763 = tpu.vector_load %arg13[%get3A_2762] {strides = array<i32>} : memref<1024xi32, #tpu.memory_space<vmem>>, vector<16xi32>,
          %get3A_2764 = vector.shape_cast %get3A_2763 : vector<16xi32> to vector<16xi32>
          %mul3A_2765 = arith.constant 16384 : i32
          %mul3A_2766 = vector.broadcast %mul3A_2765 : i32 to vector<16xi32>
          %mul3A_2767 = arith.muli %get3A_2758, %mul3A_2766 : vector<16xi32>
          %mul3A_2768 = arith.constant 128 : i32
          %mul3A_2769 = vector.broadcast %mul3A_2768 : i32 to vector<16xi32>
          %mul3A_2770 = arith.muli %get3A_2761, %mul3A_2769 : vector<16xi32>
          %add3A_2771 = arith.addi %mul3A_2767, %mul3A_2770 : vector<16xi32>
          %add3A_2772 = arith.addi %add3A_2771, %get3A_2764 : vector<16xi32>
          %swap3A_2773 = arith.constant 176 : index
          %swap3A_2774 = tpu.vector_load %arg19[%swap3A_2773] {strides = array<i32>} : memref<256xi32, #tpu.memory_space<vmem>>, vector<16xi32>,
          %swap3A_2775 = vector.shape_cast %swap3A_2774 : vector<16xi32> to vector<16xi32>
          %swap3A_2776 = vector.shape_cast %add3A_2772 : vector<16xi32> to vector<16xi32>
          tpu.vector_store %arg19[%swap3A_2773], %swap3A_2776 {strides = array<i32>} : memref<256xi32, #tpu.memory_space<vmem>>, vector<16xi32>,
          %get3A_2777 = arith.constant 960 : index
          %get3A_2778 = tpu.vector_load %arg9[%get3A_2777] {strides = array<i32>} : memref<1024xi32, #tpu.memory_space<vmem>>, vector<16xi32>,
          %get3A_2779 = vector.shape_cast %get3A_2778 : vector<16xi32> to vector<16xi32>
          %get3A_2780 = arith.constant 960 : index
          %get3A_2781 = tpu.vector_load %arg11[%get3A_2780] {strides = array<i32>} : memref<1024xi32, #tpu.memory_space<vmem>>, vector<16xi32>,
          %get3A_2782 = vector.shape_cast %get3A_2781 : vector<16xi32> to vector<16xi32>
          %get3A_2783 = arith.constant 960 : index
          %get3A_2784 = tpu.vector_load %arg13[%get3A_2783] {strides = array<i32>} : memref<1024xi32, #tpu.memory_space<vmem>>, vector<16xi32>,
          %get3A_2785 = vector.shape_cast %get3A_2784 : vector<16xi32> to vector<16xi32>
          %mul3A_2786 = arith.constant 16384 : i32
          %mul3A_2787 = vector.broadcast %mul3A_2786 : i32 to vector<16xi32>
          %mul3A_2788 = arith.muli %get3A_2779, %mul3A_2787 : vector<16xi32>
          %mul3A_2789 = arith.constant 128 : i32
          %mul3A_2790 = vector.broadcast %mul3A_2789 : i32 to vector<16xi32>
          %mul3A_2791 = arith.muli %get3A_2782, %mul3A_2790 : vector<16xi32>
          %add3A_2792 = arith.addi %mul3A_2788, %mul3A_2791 : vector<16xi32>
          %add3A_2793 = arith.addi %add3A_2792, %get3A_2785 : vector<16xi32>
          %swap3A_2794 = arith.constant 192 : index
          %swap3A_2795 = tpu.vector_load %arg19[%swap3A_2794] {strides = array<i32>} : memref<256xi32, #tpu.memory_space<vmem>>, vector<16xi32>,
          %swap3A_2796 = vector.shape_cast %swap3A_2795 : vector<16xi32> to vector<16xi32>
          %swap3A_2797 = vector.shape_cast %add3A_2793 : vector<16xi32> to vector<16xi32>
          tpu.vector_store %arg19[%swap3A_2794], %swap3A_2797 {strides = array<i32>} : memref<256xi32, #tpu.memory_space<vmem>>, vector<16xi32>,
          %get3A_2798 = arith.constant 976 : index
          %get3A_2799 = tpu.vector_load %arg9[%get3A_2798] {strides = array<i32>} : memref<1024xi32, #tpu.memory_space<vmem>>, vector<16xi32>,
          %get3A_2800 = vector.shape_cast %get3A_2799 : vector<16xi32> to vector<16xi32>
          %get3A_2801 = arith.constant 976 : index
          %get3A_2802 = tpu.vector_load %arg11[%get3A_2801] {strides = array<i32>} : memref<1024xi32, #tpu.memory_space<vmem>>, vector<16xi32>,
          %get3A_2803 = vector.shape_cast %get3A_2802 : vector<16xi32> to vector<16xi32>
          %get3A_2804 = arith.constant 976 : index
          %get3A_2805 = tpu.vector_load %arg13[%get3A_2804] {strides = array<i32>} : memref<1024xi32, #tpu.memory_space<vmem>>, vector<16xi32>,
          %get3A_2806 = vector.shape_cast %get3A_2805 : vector<16xi32> to vector<16xi32>
          %mul3A_2807 = arith.constant 16384 : i32
          %mul3A_2808 = vector.broadcast %mul3A_2807 : i32 to vector<16xi32>
          %mul3A_2809 = arith.muli %get3A_2800, %mul3A_2808 : vector<16xi32>
          %mul3A_2810 = arith.constant 128 : i32
          %mul3A_2811 = vector.broadcast %mul3A_2810 : i32 to vector<16xi32>
          %mul3A_2812 = arith.muli %get3A_2803, %mul3A_2811 : vector<16xi32>
          %add3A_2813 = arith.addi %mul3A_2809, %mul3A_2812 : vector<16xi32>
          %add3A_2814 = arith.addi %add3A_2813, %get3A_2806 : vector<16xi32>
          %swap3A_2815 = arith.constant 208 : index
          %swap3A_2816 = tpu.vector_load %arg19[%swap3A_2815] {strides = array<i32>} : memref<256xi32, #tpu.memory_space<vmem>>, vector<16xi32>,
          %swap3A_2817 = vector.shape_cast %swap3A_2816 : vector<16xi32> to vector<16xi32>
          %swap3A_2818 = vector.shape_cast %add3A_2814 : vector<16xi32> to vector<16xi32>
          tpu.vector_store %arg19[%swap3A_2815], %swap3A_2818 {strides = array<i32>} : memref<256xi32, #tpu.memory_space<vmem>>, vector<16xi32>,
          %get3A_2819 = arith.constant 992 : index
          %get3A_2820 = tpu.vector_load %arg9[%get3A_2819] {strides = array<i32>} : memref<1024xi32, #tpu.memory_space<vmem>>, vector<16xi32>,
          %get3A_2821 = vector.shape_cast %get3A_2820 : vector<16xi32> to vector<16xi32>
          %get3A_2822 = arith.constant 992 : index
          %get3A_2823 = tpu.vector_load %arg11[%get3A_2822] {strides = array<i32>} : memref<1024xi32, #tpu.memory_space<vmem>>, vector<16xi32>,
          %get3A_2824 = vector.shape_cast %get3A_2823 : vector<16xi32> to vector<16xi32>
          %get3A_2825 = arith.constant 992 : index
          %get3A_2826 = tpu.vector_load %arg13[%get3A_2825] {strides = array<i32>} : memref<1024xi32, #tpu.memory_space<vmem>>, vector<16xi32>,
          %get3A_2827 = vector.shape_cast %get3A_2826 : vector<16xi32> to vector<16xi32>
          %mul3A_2828 = arith.constant 16384 : i32
          %mul3A_2829 = vector.broadcast %mul3A_2828 : i32 to vector<16xi32>
          %mul3A_2830 = arith.muli %get3A_2821, %mul3A_2829 : vector<16xi32>
          %mul3A_2831 = arith.constant 128 : i32
          %mul3A_2832 = vector.broadcast %mul3A_2831 : i32 to vector<16xi32>
          %mul3A_2833 = arith.muli %get3A_2824, %mul3A_2832 : vector<16xi32>
          %add3A_2834 = arith.addi %mul3A_2830, %mul3A_2833 : vector<16xi32>
          %add3A_2835 = arith.addi %add3A_2834, %get3A_2827 : vector<16xi32>
          %swap3A_2836 = arith.constant 224 : index
          %swap3A_2837 = tpu.vector_load %arg19[%swap3A_2836] {strides = array<i32>} : memref<256xi32, #tpu.memory_space<vmem>>, vector<16xi32>,
          %swap3A_2838 = vector.shape_cast %swap3A_2837 : vector<16xi32> to vector<16xi32>
          %swap3A_2839 = vector.shape_cast %add3A_2835 : vector<16xi32> to vector<16xi32>
          tpu.vector_store %arg19[%swap3A_2836], %swap3A_2839 {strides = array<i32>} : memref<256xi32, #tpu.memory_space<vmem>>, vector<16xi32>,
          %get3A_2840 = arith.constant 1008 : index
          %get3A_2841 = tpu.vector_load %arg9[%get3A_2840] {strides = array<i32>} : memref<1024xi32, #tpu.memory_space<vmem>>, vector<16xi32>,
          %get3A_2842 = vector.shape_cast %get3A_2841 : vector<16xi32> to vector<16xi32>
          %get3A_2843 = arith.constant 1008 : index
          %get3A_2844 = tpu.vector_load %arg11[%get3A_2843] {strides = array<i32>} : memref<1024xi32, #tpu.memory_space<vmem>>, vector<16xi32>,
          %get3A_2845 = vector.shape_cast %get3A_2844 : vector<16xi32> to vector<16xi32>
          %get3A_2846 = arith.constant 1008 : index
          %get3A_2847 = tpu.vector_load %arg13[%get3A_2846] {strides = array<i32>} : memref<1024xi32, #tpu.memory_space<vmem>>, vector<16xi32>,
          %get3A_2848 = vector.shape_cast %get3A_2847 : vector<16xi32> to vector<16xi32>
          %mul3A_2849 = arith.constant 16384 : i32
          %mul3A_2850 = vector.broadcast %mul3A_2849 : i32 to vector<16xi32>
          %mul3A_2851 = arith.muli %get3A_2842, %mul3A_2850 : vector<16xi32>
          %mul3A_2852 = arith.constant 128 : i32
          %mul3A_2853 = vector.broadcast %mul3A_2852 : i32 to vector<16xi32>
          %mul3A_2854 = arith.muli %get3A_2845, %mul3A_2853 : vector<16xi32>
          %add3A_2855 = arith.addi %mul3A_2851, %mul3A_2854 : vector<16xi32>
          %add3A_2856 = arith.addi %add3A_2855, %get3A_2848 : vector<16xi32>
          %swap3A_2857 = arith.constant 240 : index
          %swap3A_2858 = tpu.vector_load %arg19[%swap3A_2857] {strides = array<i32>} : memref<256xi32, #tpu.memory_space<vmem>>, vector<16xi32>,
          %swap3A_2859 = vector.shape_cast %swap3A_2858 : vector<16xi32> to vector<16xi32>
          %swap3A_2860 = vector.shape_cast %add3A_2856 : vector<16xi32> to vector<16xi32>
          tpu.vector_store %arg19[%swap3A_2857], %swap3A_2860 {strides = array<i32>} : memref<256xi32, #tpu.memory_space<vmem>>, vector<16xi32>,
          %dma_start3A_2861 = arith.constant 0 : i32
          %dma_start3A_2862 = arith.constant 0 : i32
          %dma_start3A_2863 = tpu.memref_slice %arg15[%dma_start3A_2861, %dma_start3A_2862] : memref<1024x32xf32, #tpu.memory_space<vmem>> -> memref<256x32xf32, #tpu.memory_space<vmem>>
          %dma_start3A_2864 = arith.constant 0 : i32
          %dma_start3A_2865 = arith.constant 0 : i32
          %dma_start3A_2866 = tpu.memref_slice %arg6[%dma_start3A_2864, %dma_start3A_2865] : memref<2097160x32xf32, #tpu.memory_space<hbm>> -> memref<2097160x32xf32, #tpu.memory_space<hbm>>
          tpu.enqueue_indirect_dma source(%dma_start3A_2863 : memref<256x32xf32, #tpu.memory_space<vmem>>) target(%dma_start3A_2866 : memref<2097160x32xf32, #tpu.memory_space<hbm>>) offsets(%arg16 : memref<256xi32, #tpu.memory_space<vmem>>) semaphore(%arg23 : memref<!tpu.dma_semaphore, #tpu.memory_space<semaphore_mem>>)
          %dma_wait3A_2867 = arith.constant 0 : i32
          %dma_wait3A_2868 = arith.constant 0 : i32
          %dma_wait3A_2869 = tpu.memref_slice %arg15[%dma_wait3A_2867, %dma_wait3A_2868] : memref<1024x32xf32, #tpu.memory_space<vmem>> -> memref<256x32xf32, #tpu.memory_space<vmem>>
          %dma_wait3A_2870 = arith.constant 0 : i32
          %dma_wait3A_2871 = arith.constant 0 : i32
          %dma_wait3A_2872 = tpu.memref_slice %arg6[%dma_wait3A_2870, %dma_wait3A_2871] : memref<2097160x32xf32, #tpu.memory_space<hbm>> -> memref<2097160x32xf32, #tpu.memory_space<hbm>>
          tpu.wait_indirect_dma semaphore(%arg23 : memref<!tpu.dma_semaphore, #tpu.memory_space<semaphore_mem>>) src(%dma_wait3A_2869 : memref<256x32xf32, #tpu.memory_space<vmem>>) dst(%dma_wait3A_2872 : memref<2097160x32xf32, #tpu.memory_space<hbm>>)
          %dma_start3A_2873 = arith.constant 256 : i32
          %dma_start3A_2874 = arith.constant 0 : i32
          %dma_start3A_2875 = tpu.memref_slice %arg15[%dma_start3A_2873, %dma_start3A_2874] : memref<1024x32xf32, #tpu.memory_space<vmem>> -> memref<256x32xf32, #tpu.memory_space<vmem>>
          %dma_start3A_2876 = arith.constant 0 : i32
          %dma_start3A_2877 = arith.constant 0 : i32
          %dma_start3A_2878 = tpu.memref_slice %arg6[%dma_start3A_2876, %dma_start3A_2877] : memref<2097160x32xf32, #tpu.memory_space<hbm>> -> memref<2097160x32xf32, #tpu.memory_space<hbm>>
          tpu.enqueue_indirect_dma source(%dma_start3A_2875 : memref<256x32xf32, #tpu.memory_space<vmem>>) target(%dma_start3A_2878 : memref<2097160x32xf32, #tpu.memory_space<hbm>>) offsets(%arg17 : memref<256xi32, #tpu.memory_space<vmem>>) semaphore(%arg23 : memref<!tpu.dma_semaphore, #tpu.memory_space<semaphore_mem>>)
          %dma_wait3A_2879 = arith.constant 256 : i32
          %dma_wait3A_2880 = arith.constant 0 : i32
          %dma_wait3A_2881 = tpu.memref_slice %arg15[%dma_wait3A_2879, %dma_wait3A_2880] : memref<1024x32xf32, #tpu.memory_space<vmem>> -> memref<256x32xf32, #tpu.memory_space<vmem>>
          %dma_wait3A_2882 = arith.constant 0 : i32
          %dma_wait3A_2883 = arith.constant 0 : i32
          %dma_wait3A_2884 = tpu.memref_slice %arg6[%dma_wait3A_2882, %dma_wait3A_2883] : memref<2097160x32xf32, #tpu.memory_space<hbm>> -> memref<2097160x32xf32, #tpu.memory_space<hbm>>
          tpu.wait_indirect_dma semaphore(%arg23 : memref<!tpu.dma_semaphore, #tpu.memory_space<semaphore_mem>>) src(%dma_wait3A_2881 : memref<256x32xf32, #tpu.memory_space<vmem>>) dst(%dma_wait3A_2884 : memref<2097160x32xf32, #tpu.memory_space<hbm>>)
          %dma_start3A_2885 = arith.constant 512 : i32
          %dma_start3A_2886 = arith.constant 0 : i32
          %dma_start3A_2887 = tpu.memref_slice %arg15[%dma_start3A_2885, %dma_start3A_2886] : memref<1024x32xf32, #tpu.memory_space<vmem>> -> memref<256x32xf32, #tpu.memory_space<vmem>>
          %dma_start3A_2888 = arith.constant 0 : i32
          %dma_start3A_2889 = arith.constant 0 : i32
          %dma_start3A_2890 = tpu.memref_slice %arg6[%dma_start3A_2888, %dma_start3A_2889] : memref<2097160x32xf32, #tpu.memory_space<hbm>> -> memref<2097160x32xf32, #tpu.memory_space<hbm>>
          tpu.enqueue_indirect_dma source(%dma_start3A_2887 : memref<256x32xf32, #tpu.memory_space<vmem>>) target(%dma_start3A_2890 : memref<2097160x32xf32, #tpu.memory_space<hbm>>) offsets(%arg18 : memref<256xi32, #tpu.memory_space<vmem>>) semaphore(%arg23 : memref<!tpu.dma_semaphore, #tpu.memory_space<semaphore_mem>>)
          %dma_wait3A_2891 = arith.constant 512 : i32
          %dma_wait3A_2892 = arith.constant 0 : i32
          %dma_wait3A_2893 = tpu.memref_slice %arg15[%dma_wait3A_2891, %dma_wait3A_2892] : memref<1024x32xf32, #tpu.memory_space<vmem>> -> memref<256x32xf32, #tpu.memory_space<vmem>>
          %dma_wait3A_2894 = arith.constant 0 : i32
          %dma_wait3A_2895 = arith.constant 0 : i32
          %dma_wait3A_2896 = tpu.memref_slice %arg6[%dma_wait3A_2894, %dma_wait3A_2895] : memref<2097160x32xf32, #tpu.memory_space<hbm>> -> memref<2097160x32xf32, #tpu.memory_space<hbm>>
          tpu.wait_indirect_dma semaphore(%arg23 : memref<!tpu.dma_semaphore, #tpu.memory_space<semaphore_mem>>) src(%dma_wait3A_2893 : memref<256x32xf32, #tpu.memory_space<vmem>>) dst(%dma_wait3A_2896 : memref<2097160x32xf32, #tpu.memory_space<hbm>>)
          %dma_start3A_2897 = arith.constant 768 : i32
          %dma_start3A_2898 = arith.constant 0 : i32
          %dma_start3A_2899 = tpu.memref_slice %arg15[%dma_start3A_2897, %dma_start3A_2898] : memref<1024x32xf32, #tpu.memory_space<vmem>> -> memref<256x32xf32, #tpu.memory_space<vmem>>
          %dma_start3A_2900 = arith.constant 0 : i32
          %dma_start3A_2901 = arith.constant 0 : i32
          %dma_start3A_2902 = tpu.memref_slice %arg6[%dma_start3A_2900, %dma_start3A_2901] : memref<2097160x32xf32, #tpu.memory_space<hbm>> -> memref<2097160x32xf32, #tpu.memory_space<hbm>>
          tpu.enqueue_indirect_dma source(%dma_start3A_2899 : memref<256x32xf32, #tpu.memory_space<vmem>>) target(%dma_start3A_2902 : memref<2097160x32xf32, #tpu.memory_space<hbm>>) offsets(%arg19 : memref<256xi32, #tpu.memory_space<vmem>>) semaphore(%arg23 : memref<!tpu.dma_semaphore, #tpu.memory_space<semaphore_mem>>)
          %dma_wait3A_2903 = arith.constant 768 : i32
          %dma_wait3A_2904 = arith.constant 0 : i32
          %dma_wait3A_2905 = tpu.memref_slice %arg15[%dma_wait3A_2903, %dma_wait3A_2904] : memref<1024x32xf32, #tpu.memory_space<vmem>> -> memref<256x32xf32, #tpu.memory_space<vmem>>
          %dma_wait3A_2906 = arith.constant 0 : i32
          %dma_wait3A_2907 = arith.constant 0 : i32
          %dma_wait3A_2908 = tpu.memref_slice %arg6[%dma_wait3A_2906, %dma_wait3A_2907] : memref<2097160x32xf32, #tpu.memory_space<hbm>> -> memref<2097160x32xf32, #tpu.memory_space<hbm>>
          tpu.wait_indirect_dma semaphore(%arg23 : memref<!tpu.dma_semaphore, #tpu.memory_space<semaphore_mem>>) src(%dma_wait3A_2905 : memref<256x32xf32, #tpu.memory_space<vmem>>) dst(%dma_wait3A_2908 : memref<2097160x32xf32, #tpu.memory_space<hbm>>)
        }
        %scan3A_42 = arith.constant 74 : i32
        %dma_wait3A = arith.constant 0 : i32
        %dma_wait3A_43 = tpu.memref_slice %arg2[%dma_wait3A] : memref<151552xi32, #tpu.memory_space<hbm>> -> memref<1024xi32, #tpu.memory_space<hbm>>
        %dma_wait3A_44 = arith.constant 0 : i32
        %dma_wait3A_45 = tpu.memref_slice %arg2[%dma_wait3A_44] : memref<151552xi32, #tpu.memory_space<hbm>> -> memref<1024xi32, #tpu.memory_space<hbm>>
        tpu.wait_dma2 semaphore(%arg21 : memref<!tpu.dma_semaphore, #tpu.memory_space<semaphore_mem>>) src(%dma_wait3A_45 : memref<1024xi32, #tpu.memory_space<hbm>>) dst(%arg8 : memref<1024xi32, #tpu.memory_space<vmem>>)
        %dma_wait3A_46 = arith.constant 0 : i32
        %dma_wait3A_47 = tpu.memref_slice %arg3[%dma_wait3A_46] : memref<151552xi32, #tpu.memory_space<hbm>> -> memref<1024xi32, #tpu.memory_space<hbm>>
        %dma_wait3A_48 = arith.constant 0 : i32
        %dma_wait3A_49 = tpu.memref_slice %arg3[%dma_wait3A_48] : memref<151552xi32, #tpu.memory_space<hbm>> -> memref<1024xi32, #tpu.memory_space<hbm>>
        tpu.wait_dma2 semaphore(%arg21 : memref<!tpu.dma_semaphore, #tpu.memory_space<semaphore_mem>>) src(%dma_wait3A_49 : memref<1024xi32, #tpu.memory_space<hbm>>) dst(%arg10 : memref<1024xi32, #tpu.memory_space<vmem>>)
        %dma_wait3A_50 = arith.constant 0 : i32
        %dma_wait3A_51 = tpu.memref_slice %arg4[%dma_wait3A_50] : memref<151552xi32, #tpu.memory_space<hbm>> -> memref<1024xi32, #tpu.memory_space<hbm>>
        %dma_wait3A_52 = arith.constant 0 : i32
        %dma_wait3A_53 = tpu.memref_slice %arg4[%dma_wait3A_52] : memref<151552xi32, #tpu.memory_space<hbm>> -> memref<1024xi32, #tpu.memory_space<hbm>>
        tpu.wait_dma2 semaphore(%arg21 : memref<!tpu.dma_semaphore, #tpu.memory_space<semaphore_mem>>) src(%dma_wait3A_53 : memref<1024xi32, #tpu.memory_space<hbm>>) dst(%arg12 : memref<1024xi32, #tpu.memory_space<vmem>>)
        %dma_wait3A_54 = arith.constant 0 : i32
        %dma_wait3A_55 = arith.constant 0 : i32
        %dma_wait3A_56 = tpu.memref_slice %arg5[%dma_wait3A_54, %dma_wait3A_55] : memref<151552x32xf32, #tpu.memory_space<hbm>> -> memref<1024x32xf32, #tpu.memory_space<hbm>>
        %dma_wait3A_57 = arith.constant 0 : i32
        %dma_wait3A_58 = arith.constant 0 : i32
        %dma_wait3A_59 = tpu.memref_slice %arg5[%dma_wait3A_57, %dma_wait3A_58] : memref<151552x32xf32, #tpu.memory_space<hbm>> -> memref<1024x32xf32, #tpu.memory_space<hbm>>
        tpu.wait_dma2 semaphore(%arg21 : memref<!tpu.dma_semaphore, #tpu.memory_space<semaphore_mem>>) src(%dma_wait3A_59 : memref<1024x32xf32, #tpu.memory_space<hbm>>) dst(%arg14 : memref<1024x32xf32, #tpu.memory_space<vmem>>)
      } else {
      }
    } else {
    }
    return
  }
}

</mosaic_0001>

<sc_bundles>
// kernel: kernel.3.cloned.1.call-start
scs
__scs_entry_jumppad:
0x0: {  	(pc) =	sbr.rel $0x88, $3  }
0x1: {  	(tag) =	ssettag $0x0;
	lr =	simm.s32 $0x1  }
0x2: {  	[smem:$0x3F9F] =	sst lr;
	_ =	strace $0xD0000000  }
0x3: {  	_ = 	snop  }
0x4: {  	_ = 	snop  }
0x5: {  	_ = 	snop  }
0x6: {  	_ = 	snop  }
0x7: {  	_ = 	snop  }
__scs_overlays_trampoline_lowered:
0x8: {  	[smem:$0x3FAE] =	sst s0  }
0x9: {  	[smem:$0x3FAF] =	sst s1  }
0xa: {  	[smem:$0x3FB0] =	sst s2  }
0xb: {  	[smem:$0x3FB1] =	sst s3  }
0xc: {  	[smem:$0x3FB2] =	sst s4  }
0xd: {  	[smem:$0x3FB3] =	sst s5  }
0xe: {  	[smem:$0x3FB4] =	sst s6  }
0xf: {  	[smem:$0x3FB5] =	sst s7  }
0x10: {  	[smem:$0x3FB6] =	sst s8  }
0x11: {  	[smem:$0x3FB7] =	sst s9;
	s0 =	simm.s32 @!p0 $0x0  }
0x12: {  	s1 =	sld [smem:$0x3F9D];
	s0 =	simm.s32 @p0 $0x1  }
0x13: {  	[smem:$0x3FB8] =	sst s0;
	s0 =	simm.s32 @!p1 $0x0  }
0x14: {  	s2 =	sld [smem:$0x3F9C];
	s0 =	simm.s32 @p1 $0x1  }
0x15: {  	[smem:$0x3FB9] =	sst s0;
	s0 =	simm.s32 @!p2 $0x0  }
0x16: {  	s3 =	sld [smem:$0x3FDB];
	s0 =	simm.s32 @p2 $0x1  }
0x17: {  	s4 =	simm.s32 $0x1BF5;
	[smem:$0x3FBB] =	sst s0  }
0x18: {  	s0 =	sld [smem:$0x3F9E];
	_ =	swait.ge [sflag:s4], $0x0  }
0x19: {  	s7 =	sld [smem:$0x3F9F]  }
0x1a: {  	s8 =	sadd.s32 $0xFFFFE003, lr  }
0x1b: {  	s9 =	sadd.s32 $0xFFFFFEF7, lr;
	s5 =	simm.s32 $0xFFFFFFFF;
	p2 =	slt.u32 s8, $0xFFFFF086  }
0x1c: {  	p1 =	slt.u32 s9, $0xF7A;
	s5 =	simm.s32 @!p2 $0x0  }
0x1d: {  	s5 =	simm.s32 @p1 $0x1;
	p0 =	seq.s32 s7, s2  }
0x1e: {  	s7 =	smul.u32 @!p0 $0xF7A, s2;
	p2 =	seq.s32 @!p0 s5, $0x0  }
0x1f: {  	s9 =	smul.u32 $0xF7A, s1;
	s8 =	simm.s32 @!p0 $0x1BF5;
	p2 =	por !p2, p0  }
0x20: {  	[sflag:s8] =	ssyncset.s32 @!p0 $0xFFFFF086;
	s6 =	sadd.s32 @!p0 s3, s7;
	s7 =	simm.s32 @!p0 $0x108  }
0x21: {  	s3 =	sadd.s32 s3, s9;
	s6 =	sadd.s32 @!p0 $0x88, s6;
	s7 =	simm.s32 @p2 $0x1082  }
0x22: {  	[simem:s7], [sflag:s8] =	dma.local @!p0 [hbm:s6], $0xF7A  }
0x23: {  	s9 =	sor.u32 $0xD0000000, s2;
	s6 =	simm.s32 $0x108;
	_ =	swait.ge @!p0 [sflag:s8], $0x0  }
0x24: {  	s3 =	sadd.s32 $0x88, s3;
	s6 =	simm.s32 @!p1 $0x1082;
	[sflag:s4] =	ssyncset.s32 $0xFFFFF086  }
0x25: {  	[simem:s6], [sflag:s4] =	dma.local [hbm:s3], $0xF7A  }
0x26: {  	[smem:$0x3F9F] =	sst s1;
	(tag) =	ssettag s2;
	_ =	strace s9  }
0x27: {  	s1 =	sld [smem:$0x3FAF]  }
0x28: {  	s2 =	sld [smem:$0x3FB0]  }
0x29: {  	s4 =	sld [smem:$0x3FB2]  }
0x2a: {  	p0 =	seq.s32 s5, $0x0;
	s5 =	sld [smem:$0x3FB3]  }
0x2b: {  	s6 =	sld [smem:$0x3FB4]  }
0x2c: {  	s7 =	sld [smem:$0x3FB5]  }
0x2d: {  	s3 =	simm.s32 $0x108;
	s8 =	sld [smem:$0x3FB6]  }
0x2e: {  	s3 =	simm.s32 @!p0 $0x1082;
	s9 =	sld [smem:$0x3FB7]  }
0x2f: {  	lr =	sadd.s32 s0, s3;
	s0 =	sld [smem:$0x3FAE]  }
0x30: {  	s3 =	sld [smem:$0x3FB1]  }
0x31: {  	[smem:$0x3FBA] =	sst s10  }
0x32: {  	s10 =	sld [smem:$0x3FB8];
	_ =	sdelay $0x3  }
0x33: {  	p0 =	seq.s32 s10, $0x1;
	s10 =	sld [smem:$0x3FBA];
	_ =	sdelay $0x3  }
0x34: {  	[smem:$0x3FBA] =	sst s10  }
0x35: {  	s10 =	sld [smem:$0x3FB9];
	_ =	sdelay $0x3  }
0x36: {  	p1 =	seq.s32 s10, $0x1;
	s10 =	sld [smem:$0x3FBA];
	_ =	sdelay $0x3  }
0x37: {  	[smem:$0x3FBA] =	sst s10  }
0x38: {  	s10 =	sld [smem:$0x3FBB]  }
0x39: {  	_ = 	snop;
	(pc) =	sbr.ind lr, $3  }
0x3a: {  	_ = 	snop  }
0x3b: {  	_ = 	snop  }
0x3c: {  	p2 =	seq.s32 s10, $0x1;
	s10 =	sld [smem:$0x3FBA]  }
0x3d: {  	_ =	shalt  }
0x3e: {  	_ =	shalt  }
0x3f: {  	_ =	shalt  }
0x40: {  	_ =	shalt  }
0x41: {  	_ =	shalt  }
0x42: {  	_ =	shalt  }
0x43: {  	_ =	shalt  }
0x44: {  	_ =	shalt  }
0x45: {  	_ =	shalt  }
0x46: {  	_ =	shalt  }
0x47: {  	_ =	shalt  }
0x48: {  	_ =	shalt  }
0x49: {  	_ =	shalt  }
0x4a: {  	_ =	shalt  }
0x4b: {  	_ =	shalt  }
0x4c: {  	_ =	shalt  }
0x4d: {  	_ =	shalt  }
0x4e: {  	_ =	shalt  }
0x4f: {  	_ =	shalt  }
0x50: {  	_ =	shalt  }
0x51: {  	_ =	shalt  }
0x52: {  	_ =	shalt  }
0x53: {  	_ =	shalt  }
0x54: {  	_ =	shalt  }
0x55: {  	_ =	shalt  }
0x56: {  	_ =	shalt  }
0x57: {  	_ =	shalt  }
0x58: {  	_ =	shalt  }
0x59: {  	_ =	shalt  }
0x5a: {  	_ =	shalt  }
0x5b: {  	_ =	shalt  }
0x5c: {  	_ =	shalt  }
0x5d: {  	_ =	shalt  }
0x5e: {  	_ =	shalt  }
0x5f: {  	_ =	shalt  }
0x60: {  	_ =	shalt  }
0x61: {  	_ =	shalt  }
0x62: {  	_ =	shalt  }
0x63: {  	_ =	shalt  }
0x64: {  	_ =	shalt  }
0x65: {  	_ =	shalt  }
0x66: {  	_ =	shalt  }
0x67: {  	_ =	shalt  }
0x68: {  	_ =	shalt  }
0x69: {  	_ =	shalt  }
0x6a: {  	_ =	shalt  }
0x6b: {  	_ =	shalt  }
0x6c: {  	_ =	shalt  }
0x6d: {  	_ =	shalt  }
0x6e: {  	_ =	shalt  }
0x6f: {  	_ =	shalt  }
0x70: {  	_ =	shalt  }
0x71: {  	_ =	shalt  }
0x72: {  	_ =	shalt  }
0x73: {  	_ =	shalt  }
0x74: {  	_ =	shalt  }
0x75: {  	_ =	shalt  }
0x76: {  	_ =	shalt  }
0x77: {  	_ =	shalt  }
0x78: {  	_ =	shalt  }
0x79: {  	_ =	shalt  }
0x7a: {  	_ =	shalt  }
0x7b: {  	_ =	shalt  }
0x7c: {  	_ =	shalt  }
0x7d: {  	_ =	shalt  }
0x7e: {  	_ =	shalt  }
0x7f: {  	_ =	shalt  }
0x80: {  	_ =	shalt  }
0x81: {  	_ =	shalt  }
0x82: {  	_ =	shalt  }
0x83: {  	_ =	shalt  }
0x84: {  	_ =	shalt  }
0x85: {  	_ =	shalt  }
0x86: {  	_ =	shalt  }
0x87: {  	_ =	shalt  }
.Lfunc_end0:
.L_simem_size_0:
called_computation.1_lowered:
.L_overlay_start_0:
0x88: {  	s2 =	sld [smem:$0x3FD9]  }
0x89: {  	s3 =	sld [smem:$0x3FFE];
	_ =	sdelay $0x1  }
0x8a: {  	s1 =	srdreg.scid  }
0x8b: {  	s0 =	sand.u32 $0x1, s1  }
0x8c: {  	s17 =	sshll.u32 s0, $0xA;
	s2 =	sadd.s32 s3, s2  }
0x8d: {  	s2 =	sadd.s32 s2, s17  }
0x8e: {  	[smem:$0x3FC6] =	sst s2  }
0x8f: {  	_ = 	snop  }
0x90: {  	s2 =	sld [smem:$0x3FD0];
	(tm) =	ssettm $0x1  }
0x91: {  	s18 =	sld [smem:$0x3FFB];
	_ =	sdelay $0x3  }
0x92: {  	_ =	strace s18  }
0x93: {  	s3 =	sld [smem:$0x3FFC];
	_ =	sdelay $0x3  }
0x94: {  	_ =	strace s3  }
0x95: {  	s3 =	sld [smem:$0x3FFD];
	_ =	sdelay $0x3  }
0x96: {  	_ =	strace s3  }
0x97: {  	_ =	strace $0x8FFFFFFF  }
0x98: {  	s19 =	sld [smem:$0x3FDB];
	_ =	sdelay $0x1  }
0x99: {  	s4 =	simm.s32 $_scs_section_size  }
0x9a: {  	s5 =	simm.s32 $_size__tile_overlayer_lowered;
	s6 =	simm.s32 $_tile_overlayer_lowered  }
0x9b: {  	s22 =	simm.s32 $0x1BFF;
	s21 =	sshll.u32 s6, $0x1;
	s3 =	sadd.s32 s4, s19  }
0x9c: {  	s7 =	simm.s32 $0x0;
	s20 =	sshll.u32 s5, $0x1;
	s5 =	sadd.s32 s21, s3  }
0x9d: {  	[timem:s7], [sflag:s22] =	dma.local [hbm:s5], s20  }
0x9e: {  	_ =	swait.ge [sflag:s22], s20  }
0x9f: {  	s4 =	ssub.s32 $0x0, s20;
	[sflag:s22] =	ssyncset.done $0x0  }
0xa0: {  	[sflag:s22] =	ssyncadd.s32 s4;
	_ =	sdelay $0x1  }
0xa1: {  	s23 =	simm.s32 $0x1B8B  }
0xa2: {  	_ =	swait.ge [sflag:s23], $0x1  }
0xa3: {  	[sflag:s23] =	ssyncset.done $0x0  }
0xa4: {  	s25 =	simm.s32 $0x1B8E;
	s24 =	sld [smem:$0x3FFE];
	[sflag:s23] =	ssyncadd.s32 $0xFFFFFFFF  }
0xa5: {  	s26 =	simm.s32 $execute0_lowered;
	[smem:$0x3FD2] =	sst s25  }
0xa6: {  	s5 =	sshll.u32 s26, $0x1;
	_ =	strace $0x80000046;
	[dreg:$0x1] =	wrdreg $0xFFFFFFFF  }
0xa7: {  	s28 =	simm.s32 $_size_execute0_lowered;
	s3 =	sadd.s32 s3, s5;
	[dreg:$0x0] =	wrdreg $0x0  }
0xa8: {  	s5 =	sshll.u32 s28, $0x1;
	[dreg:$0x2] =	wrdreg s3  }
0xa9: {  	[dreg:$0x3] =	wrdreg s5  }
0xaa: {  	[dreg:$0x4] =	wrdreg $0xC0  }
0xab: {  	_ =	task [dreg:s7], $0x5FFFF  }
0xac: {  	[dreg:$0x1] =	wrdreg $0xFFFFFFFF  }
0xad: {  	[dreg:$0x0] =	wrdreg $0x60  }
0xae: {  	[dreg:$0x2] =	wrdreg s2  }
0xaf: {  	[dreg:$0x3] =	wrdreg s24  }
0xb0: {  	[dreg:$0x4] =	wrdreg $0x9  }
0xb1: {  	_ =	task.clear_ibuf [dreg:s7], $0x5FFFF;
	_ =	strace $0x90000046  }
0xb2: {  	s29 =	simm.s32 $0x9;
	_ =	strace $0x80000048  }
0xb3: {  	_ =	swait.ge [sflag:s29], $0x1  }
0xb4: {  	[sflag:s29] =	ssyncadd.s32 $0xFFFFFFFF  }
0xb5: {  	_ =	strace $0x90000048  }
0xb6: {  	_ =	sfence  }
0xb7: {  	s30 =	sld [smem:$0x0];
	_ =	sdelay $0x2  }
0xb8: {  	s31 =	sshll.u32 s1, $0xD;
	s1 =	sshrl.u32 s1, $0x2  }
0xb9: {  	s3 =	sand.u32 $0x4000, s31;
	s1 =	sadd.s32 s1, s30  }
0xba: {  	s0 =	sor.u32 s3, s0;
	s1 =	sshll.u32 s1, $0x11  }
0xbb: {  	s0 =	sor.u32 s1, s0  }
0xbc: {  	s0 =	sadd.s32 $0x8F2B, s0  }
0xbd: {  	[sflag:s0] =	ssyncadd.remote.s32 $0x1  }
0xbe: {  	_ =	sfence.sel $0xFFFF  }
0xbf: {  	[dreg:$0x0] =	wrdreg $0xFFFFFFFF;
	(pc) =	sbr.abs _section_cstart, $3  }
0xc0: {  	[dreg:$0x1] =	wrdreg $0xFFFFFFFF  }
0xc1: {  	_ =	task.clear_ibuf [dreg:s7], $0x2FFFF;
	_ =	strace $0x9FFFFFFF  }
0xc2: {  	(tm) =	ssettm $0x7FFFFFFF  }
0xc3: {  	_ =	shalt  }
tec
execute0_lowered:
.L_overlay_start_1:
0x0: {  	(tag) =	ssettag $0x1  }
0x1: {  	s1 =	srdreg.scid  }
0x2: {  	s1 =	sand.u32 $0x1, s1  }
0x3: {  	p0 =	seq.s32 s1, $0x1  }
.Ltmp0:
0x4: {  	_ = 	snop;
	(pc) =	sbr.rel @p0 .LBB2_9-.Ltmp0, $4  }
0x5: {  	s2 =	rddreg [dreg:$0x0]  }
0x6: {  	s3 =	rddreg [dreg:$0x1];
	s4 =	simm.s32 $0x0  }
0x7: {  	[smem:$0x7FF] =	sst s4  }
0x8: {  	s0 =	rddreg [dreg:$0x2];
	_ =	strace $0x80000047;
	s1 =	stileid.u32  }
0x9: {  	s4 =	sadd.s32 $0x4A00, s3;
	s5 =	sadd.s32 $0x9400, s3;
	s6 =	sadd.s32 $0x9D400, s3  }
0xa: {  	s7 =	sshll.u32 s1, $0x13;
	v0 =	vimm.f32 $0.0e+00;
	s8 =	simm.s32 $0x80;
	s10 =	simm.s32 $0x0  }
.LBB2_2:
0xb: {  	p0 =	sne.s32 s8, $0xFF80;
	[tilespmem:s10+$0x0] =	vst v0;
	s9 =	smov.u32 s8;
	s8 =	sadd.s32 $0x80, s8  }
.Ltmp1:
0xc: {  	[tilespmem:s10+$0x10] =	vst v0;
	(pc) =	sbr.rel @p0 .LBB2_2-.Ltmp1, $2  }
0xd: {  	_ =	sdelay $0x2  }
0xe: {  	s10 =	sshra.s32 s9, $0x2  }
0xf: {  	[tilespmem:s10+$0x0] =	vst v0;
	s9 =	sadd.s32 s7, s6  }
0x10: {  	[tilespmem:s10+$0x10] =	vst v0;
	s8 =	simm.s32 $0x0;
	s24 =	sadd.s32 $0x0, s9  }
0x11: {  	[hbm4b:s24+s8] =	stream.linear.scatter [tilespmem:s8], [sflag:$0x1], $0x4000, $0x38;
	[tilespmem:$0x15C00] =	vst v63  }
0x12: {  	s25 =	sadd.s32 $0x800, s24  }
0x13: {  	[hbm4b:s25+s8] =	stream.linear.scatter [tilespmem:s8], [sflag:$0x1], $0x4000, $0x38;
	[tilespmem:$0x15C00] =	vst v63  }
0x14: {  	s26 =	sadd.s32 $0x1000, s24  }
0x15: {  	[hbm4b:s26+s8] =	stream.linear.scatter [tilespmem:s8], [sflag:$0x1], $0x4000, $0x38;
	[tilespmem:$0x15C00] =	vst v63  }
0x16: {  	s28 =	sadd.s32 $0x1800, s24  }
0x17: {  	[hbm4b:s28+s8] =	stream.linear.scatter [tilespmem:s8], [sflag:$0x1], $0x4000, $0x38;
	[tilespmem:$0x15C00] =	vst v63  }
0x18: {  	s29 =	sadd.s32 $0x2000, s24  }
0x19: {  	[hbm4b:s29+s8] =	stream.linear.scatter [tilespmem:s8], [sflag:$0x1], $0x4000, $0x38;
	[tilespmem:$0x15C00] =	vst v63  }
0x1a: {  	s30 =	sadd.s32 $0x2800, s24  }
0x1b: {  	[hbm4b:s30+s8] =	stream.linear.scatter [tilespmem:s8], [sflag:$0x1], $0x4000, $0x38;
	[tilespmem:$0x15C00] =	vst v63  }
0x1c: {  	s31 =	sadd.s32 $0x3000, s24  }
0x1d: {  	[hbm4b:s31+s8] =	stream.linear.scatter [tilespmem:s8], [sflag:$0x1], $0x4000, $0x38;
	[tilespmem:$0x15C00] =	vst v63  }
0x1e: {  	s7 =	simm.s32 $0x1;
	s10 =	sadd.s32 $0x3800, s24  }
0x1f: {  	[hbm4b:s10+s8] =	stream.linear.scatter [tilespmem:s8], [sflag:$0x1], $0x4000, $0x38;
	[tilespmem:$0x15C00] =	vst v63  }
0x20: {  	_ =	swait.ge [sflag:s7], $0x4000  }
0x21: {  	[sflag:s7] =	ssyncset.done $0x0  }
0x22: {  	[sflag:s7] =	ssyncadd.s32 $0xFFFFC000  }
0x23: {  	_ =	swait.ge [sflag:s7], $0x4000  }
0x24: {  	[sflag:s7] =	ssyncset.done $0x0  }
0x25: {  	[sflag:s7] =	ssyncadd.s32 $0xFFFFC000  }
0x26: {  	_ =	swait.ge [sflag:s7], $0x4000  }
0x27: {  	[sflag:s7] =	ssyncset.done $0x0  }
0x28: {  	[sflag:s7] =	ssyncadd.s32 $0xFFFFC000  }
0x29: {  	_ =	swait.ge [sflag:s7], $0x4000  }
0x2a: {  	[sflag:s7] =	ssyncset.done $0x0  }
0x2b: {  	[sflag:s7] =	ssyncadd.s32 $0xFFFFC000  }
0x2c: {  	_ =	swait.ge [sflag:s7], $0x4000  }
0x2d: {  	[sflag:s7] =	ssyncset.done $0x0  }
0x2e: {  	[sflag:s7] =	ssyncadd.s32 $0xFFFFC000  }
0x2f: {  	_ =	swait.ge [sflag:s7], $0x4000  }
0x30: {  	[sflag:s7] =	ssyncset.done $0x0  }
0x31: {  	[sflag:s7] =	ssyncadd.s32 $0xFFFFC000  }
0x32: {  	_ =	swait.ge [sflag:s7], $0x4000  }
0x33: {  	[sflag:s7] =	ssyncset.done $0x0  }
0x34: {  	[sflag:s7] =	ssyncadd.s32 $0xFFFFC000  }
0x35: {  	_ =	swait.ge [sflag:s7], $0x4000  }
0x36: {  	s12 =	simm.s32 $0x8000;
	s10 =	simm.s32 $0x4000;
	[sflag:s7] =	ssyncset.done $0x0  }
.LBB2_4:
0x37: {  	s13 =	sadd.s32 s10, s9  }
0x38: {  	[sflag:s7] =	ssyncadd.s32 $0xFFFFC000;
	s10 =	smov.u32 s12;
	s11 =	sadd.s32 $0x4000, s12  }
0x39: {  	[hbm4b:s13+s8] =	stream.linear.scatter [tilespmem:s8], [sflag:$0x1], $0x4000, $0x38;
	[tilespmem:$0x15C00] =	vst v63  }
0x3a: {  	p0 =	sne.s32 s12, $0x7C000;
	s12 =	sadd.s32 $0x800, s13  }
0x3b: {  	[hbm4b:s12+s8] =	stream.linear.scatter [tilespmem:s8], [sflag:$0x1], $0x4000, $0x38;
	[tilespmem:$0x15C00] =	vst v63  }
0x3c: {  	s12 =	sadd.s32 $0x1000, s13  }
0x3d: {  	[hbm4b:s12+s8] =	stream.linear.scatter [tilespmem:s8], [sflag:$0x1], $0x4000, $0x38;
	[tilespmem:$0x15C00] =	vst v63  }
0x3e: {  	s12 =	sadd.s32 $0x1800, s13  }
0x3f: {  	[hbm4b:s12+s8] =	stream.linear.scatter [tilespmem:s8], [sflag:$0x1], $0x4000, $0x38;
	[tilespmem:$0x15C00] =	vst v63  }
0x40: {  	s12 =	sadd.s32 $0x2000, s13  }
0x41: {  	[hbm4b:s12+s8] =	stream.linear.scatter [tilespmem:s8], [sflag:$0x1], $0x4000, $0x38;
	[tilespmem:$0x15C00] =	vst v63  }
0x42: {  	s12 =	sadd.s32 $0x2800, s13  }
0x43: {  	[hbm4b:s12+s8] =	stream.linear.scatter [tilespmem:s8], [sflag:$0x1], $0x4000, $0x38;
	[tilespmem:$0x15C00] =	vst v63  }
0x44: {  	s12 =	sadd.s32 $0x3000, s13  }
0x45: {  	[hbm4b:s12+s8] =	stream.linear.scatter [tilespmem:s8], [sflag:$0x1], $0x4000, $0x38;
	[tilespmem:$0x15C00] =	vst v63  }
0x46: {  	s12 =	sadd.s32 $0x3800, s13  }
0x47: {  	[hbm4b:s12+s8] =	stream.linear.scatter [tilespmem:s8], [sflag:$0x1], $0x4000, $0x38;
	[tilespmem:$0x15C00] =	vst v63  }
0x48: {  	_ =	swait.ge [sflag:s7], $0x4000  }
0x49: {  	[sflag:s7] =	ssyncset.done $0x0  }
0x4a: {  	[sflag:s7] =	ssyncadd.s32 $0xFFFFC000  }
0x4b: {  	_ =	swait.ge [sflag:s7], $0x4000  }
0x4c: {  	[sflag:s7] =	ssyncset.done $0x0  }
0x4d: {  	[sflag:s7] =	ssyncadd.s32 $0xFFFFC000  }
0x4e: {  	_ =	swait.ge [sflag:s7], $0x4000  }
0x4f: {  	[sflag:s7] =	ssyncset.done $0x0  }
0x50: {  	[sflag:s7] =	ssyncadd.s32 $0xFFFFC000  }
0x51: {  	_ =	swait.ge [sflag:s7], $0x4000  }
0x52: {  	[sflag:s7] =	ssyncset.done $0x0  }
0x53: {  	[sflag:s7] =	ssyncadd.s32 $0xFFFFC000  }
0x54: {  	_ =	swait.ge [sflag:s7], $0x4000  }
0x55: {  	[sflag:s7] =	ssyncset.done $0x0  }
0x56: {  	[sflag:s7] =	ssyncadd.s32 $0xFFFFC000  }
0x57: {  	_ =	swait.ge [sflag:s7], $0x4000  }
0x58: {  	[sflag:s7] =	ssyncset.done $0x0  }
0x59: {  	[sflag:s7] =	ssyncadd.s32 $0xFFFFC000  }
.Ltmp2:
0x5a: {  	_ =	swait.ge [sflag:s7], $0x4000;
	(pc) =	sbr.rel @p0 .LBB2_4-.Ltmp2, $4  }
0x5b: {  	[sflag:s7] =	ssyncset.done $0x0  }
0x5c: {  	[sflag:s7] =	ssyncadd.s32 $0xFFFFC000  }
0x5d: {  	_ =	swait.ge [sflag:s7], $0x4000  }
0x5e: {  	s12 =	smov.u32 s11;
	[sflag:s7] =	ssyncset.done $0x0  }
0x5f: {  	s9 =	sadd.s32 s10, s9;
	[sflag:s7] =	ssyncadd.s32 $0xFFFFC000  }
0x60: {  	[hbm4b:s9+s8] =	stream.linear.scatter [tilespmem:s8], [sflag:$0x1], $0x4000, $0x38;
	[tilespmem:$0x15C00] =	vst v63  }
0x61: {  	s10 =	sadd.s32 $0x800, s9  }
0x62: {  	[hbm4b:s10+s8] =	stream.linear.scatter [tilespmem:s8], [sflag:$0x1], $0x4000, $0x38;
	[tilespmem:$0x15C00] =	vst v63  }
0x63: {  	s26 =	sadd.s32 $0x1000, s9  }
0x64: {  	[hbm4b:s26+s8] =	stream.linear.scatter [tilespmem:s8], [sflag:$0x1], $0x4000, $0x38;
	[tilespmem:$0x15C00] =	vst v63  }
0x65: {  	s28 =	sadd.s32 $0x1800, s9  }
0x66: {  	[hbm4b:s28+s8] =	stream.linear.scatter [tilespmem:s8], [sflag:$0x1], $0x4000, $0x38;
	[tilespmem:$0x15C00] =	vst v63  }
0x67: {  	s29 =	sadd.s32 $0x2000, s9  }
0x68: {  	[hbm4b:s29+s8] =	stream.linear.scatter [tilespmem:s8], [sflag:$0x1], $0x4000, $0x38;
	[tilespmem:$0x15C00] =	vst v63  }
0x69: {  	s30 =	sadd.s32 $0x2800, s9  }
0x6a: {  	[hbm4b:s30+s8] =	stream.linear.scatter [tilespmem:s8], [sflag:$0x1], $0x4000, $0x38;
	[tilespmem:$0x15C00] =	vst v63  }
0x6b: {  	s31 =	sadd.s32 $0x3000, s9  }
0x6c: {  	[hbm4b:s31+s8] =	stream.linear.scatter [tilespmem:s8], [sflag:$0x1], $0x4000, $0x38;
	[tilespmem:$0x15C00] =	vst v63  }
0x6d: {  	s9 =	sadd.s32 $0x3800, s9  }
0x6e: {  	[hbm4b:s9+s8] =	stream.linear.scatter [tilespmem:s8], [sflag:$0x1], $0x4000, $0x38;
	[tilespmem:$0x15C00] =	vst v63  }
0x6f: {  	_ =	swait.ge [sflag:s7], $0x4000  }
0x70: {  	[sflag:s7] =	ssyncset.done $0x0  }
0x71: {  	[sflag:s7] =	ssyncadd.s32 $0xFFFFC000  }
0x72: {  	_ =	swait.ge [sflag:s7], $0x4000  }
0x73: {  	[sflag:s7] =	ssyncset.done $0x0  }
0x74: {  	[sflag:s7] =	ssyncadd.s32 $0xFFFFC000  }
0x75: {  	_ =	swait.ge [sflag:s7], $0x4000  }
0x76: {  	[sflag:s7] =	ssyncset.done $0x0  }
0x77: {  	[sflag:s7] =	ssyncadd.s32 $0xFFFFC000  }
0x78: {  	_ =	swait.ge [sflag:s7], $0x4000  }
0x79: {  	[sflag:s7] =	ssyncset.done $0x0  }
0x7a: {  	[sflag:s7] =	ssyncadd.s32 $0xFFFFC000  }
0x7b: {  	_ =	swait.ge [sflag:s7], $0x4000  }
0x7c: {  	[sflag:s7] =	ssyncset.done $0x0  }
0x7d: {  	[sflag:s7] =	ssyncadd.s32 $0xFFFFC000  }
0x7e: {  	_ =	swait.ge [sflag:s7], $0x4000  }
0x7f: {  	[sflag:s7] =	ssyncset.done $0x0  }
0x80: {  	[sflag:s7] =	ssyncadd.s32 $0xFFFFC000  }
0x81: {  	_ =	swait.ge [sflag:s7], $0x4000  }
0x82: {  	[sflag:s7] =	ssyncset.done $0x0  }
0x83: {  	p0 =	sne.s32 s1, $0x0;
	[sflag:s7] =	ssyncadd.s32 $0xFFFFC000  }
.Ltmp3:
0x84: {  	_ =	swait.ge [sflag:s7], $0x4000;
	(pc) =	sbr.rel @p0 .LBB2_9-.Ltmp3, $3  }
0x85: {  	[sflag:s7] =	ssyncset.done $0x0  }
0x86: {  	[sflag:s7] =	ssyncadd.s32 $0xFFFFC000  }
0x87: {  	[bflag:$0x0] =	sbarrier.arrive $0xFFFF;
	_ =	sdelay $0x1  }
0x88: {  	s7 =	simm.s32 $0x0  }
0x89: {  	s8 =	simm.s32 $0x4000;
	s9 =	simm.s32 $0x4800;
	s10 =	simm.s32 $0x5000  }
0x8a: {  	s11 =	simm.s32 $0x5800;
	s12 =	sadd.s32 $0x1000, s5;
	s14 =	simm.s32 $0x4400  }
0x8b: {  	s13 =	sadd.s32 $0x80, s3;
	s15 =	simm.s32 $0x4C00;
	s17 =	simm.s32 $0x5400  }
0x8c: {  	[tilespmem:s8], [sflag:$0x2] =	stream.linear.gather [hbm4b:s2+s7], $0x400, $0x38;
	[tilespmem:$0x15C00] =	vst v63  }
0x8d: {  	s16 =	simm.s32 $0x2;
	s18 =	simm.s32 $0x100;
	[dreg:$0x3] =	wrdreg s14  }
0x8e: {  	s20 =	simm.s32 $0x7800;
	s19 =	simm.s32 $0x15800;
	[dreg:$0x4] =	wrdreg s15  }
0x8f: {  	s21 =	simm.s32 $0x9800;
	s22 =	simm.s32 $0xB800;
	[dreg:$0x5] =	wrdreg s17  }
0x90: {  	s23 =	simm.s32 $0xF800;
	s24 =	simm.s32 $0x11800;
	[dreg:$0x6] =	wrdreg s20  }
0x91: {  	s25 =	simm.s32 $0x13800;
	s14 =	sadd.s32 $0x80, s4;
	[dreg:$0x7] =	wrdreg s21  }
0x92: {  	s15 =	sadd.s32 $0x80, s2;
	s17 =	simm.s32 $0xD800;
	[dreg:$0x8] =	wrdreg s22  }
0x93: {  	s20 =	simm.s32 $0x4;
	s21 =	simm.s32 $0x15900;
	[dreg:$0x9] =	wrdreg s23  }
0x94: {  	[tilespmem:s9], [sflag:$0x2] =	stream.linear.gather [hbm4b:s4+s7], $0x400, $0x38;
	[tilespmem:$0x15C00] =	vst v63  }
0x95: {  	s22 =	simm.s32 $0x15A00;
	s23 =	simm.s32 $0x15B00;
	[dreg:$0xa] =	wrdreg s24  }
0x96: {  	[tilespmem:s10], [sflag:$0x2] =	stream.linear.gather [hbm4b:s3+s7], $0x400, $0x38;
	[tilespmem:$0x15C00] =	vst v63  }
0x97: {  	s24 =	simm.s32 $0x3;
	[dreg:$0xb] =	wrdreg s25;
	s25 =	simm.s32 $0x0  }
0x98: {  	[tilespmem:s11], [sflag:$0x2] =	stream.linear.gather [hbm4b:s5+s7], $0x8000, $0x38;
	[tilespmem:$0x15C00] =	vst v63  }
.LBB2_7:
0x99: {  	_ =	swait.ge [sflag:s16], $0x400  }
0x9a: {  	[sflag:s16] =	ssyncset.done $0x0  }
0x9b: {  	[sflag:s16] =	ssyncadd.s32 $0xFFFFFC00  }
0x9c: {  	_ =	swait.ge [sflag:s16], $0x400  }
0x9d: {  	[sflag:s16] =	ssyncset.done $0x0  }
0x9e: {  	[sflag:s16] =	ssyncadd.s32 $0xFFFFFC00  }
0x9f: {  	_ =	swait.ge [sflag:s16], $0x400  }
0xa0: {  	[sflag:s16] =	ssyncset.done $0x0  }
0xa1: {  	[sflag:s16] =	ssyncadd.s32 $0xFFFFFC00  }
0xa2: {  	_ =	swait.ge [sflag:s16], $0x8000  }
0xa3: {  	[sflag:s16] =	ssyncset.done $0x0  }
0xa4: {  	s26 =	rddreg [dreg:$0x3];
	[sflag:s16] =	ssyncadd.s32 $0xFFFF8000  }
0xa5: {  	[tilespmem:s26], [sflag:$0x3] =	stream.linear.gather [hbm4b:s15+s7], $0x400, $0x38;
	[tilespmem:$0x15C00] =	vst v63  }
0xa6: {  	s28 =	rddreg [dreg:$0x4]  }
0xa7: {  	[tilespmem:s28], [sflag:$0x3] =	stream.linear.gather [hbm4b:s14+s7], $0x400, $0x38;
	[tilespmem:$0x15C00] =	vst v63  }
0xa8: {  	s29 =	rddreg [dreg:$0x5]  }
0xa9: {  	[tilespmem:s29], [sflag:$0x3] =	stream.linear.gather [hbm4b:s13+s7], $0x400, $0x38;
	[tilespmem:$0x15C00] =	vst v63  }
0xaa: {  	_ = 	snop  }
0xab: {  	[tilespmem:s17], [sflag:$0x3] =	stream.linear.gather [hbm4b:s12+s7], $0x8000, $0x38;
	[tilespmem:$0x15C00] =	vst v63  }
0xac: {  	v0 =	vld [tilespmem:$0x4000]  }
0xad: {  	v1 =	vld [tilespmem:$0x4800];
	_ =	sdelay $0x1  }
0xae: {  	v2 =	vld [tilespmem:$0x5000];
	_ =	sdelay $0x1  }
0xaf: {  	v3 =	vld [tilespmem:$0x4010]  }
0xb0: {  	v4 =	vld [tilespmem:$0x4810];
	v0 =	vshll.u32 v0, $0xE;
	v1 =	vshll.u32 v1, $0x7  }
0xb1: {  	v5 =	vld [tilespmem:$0x5010];
	v0 =	vadd.s32 v0, v1  }
0xb2: {  	v6 =	vld [tilespmem:$0x4020];
	v0 =	vadd.s32 v2, v0  }
0xb3: {  	[tilespmem:$0x15800] =	vst v0;
	v0 =	vld [tilespmem:$0x5220]  }
0xb4: {  	v7 =	vld [tilespmem:$0x4820]  }
0xb5: {  	v8 =	vld [tilespmem:$0x5020]  }
0xb6: {  	v9 =	vld [tilespmem:$0x4030]  }
0xb7: {  	v10 =	vld [tilespmem:$0x4830]  }
0xb8: {  	[tilespmem:$0x1FAC0] =	vst v0;
	v0 =	vld [tilespmem:$0x4230]  }
0xb9: {  	v11 =	vld [tilespmem:$0x5030]  }
0xba: {  	v12 =	vld [tilespmem:$0x4040]  }
0xbb: {  	v13 =	vld [tilespmem:$0x4840]  }
0xbc: {  	v14 =	vld [tilespmem:$0x5040]  }
0xbd: {  	[tilespmem:$0x1FAD0] =	vst v0;
	v0 =	vld [tilespmem:$0x4A30]  }
0xbe: {  	v15 =	vld [tilespmem:$0x4050]  }
0xbf: {  	v16 =	vld [tilespmem:$0x4850]  }
0xc0: {  	v17 =	vld [tilespmem:$0x5050]  }
0xc1: {  	v18 =	vld [tilespmem:$0x4060]  }
0xc2: {  	[tilespmem:$0x1FAE0] =	vst v0;
	v0 =	vld [tilespmem:$0x5230]  }
0xc3: {  	v19 =	vld [tilespmem:$0x4860]  }
0xc4: {  	v20 =	vld [tilespmem:$0x5060]  }
0xc5: {  	v21 =	vld [tilespmem:$0x4070]  }
0xc6: {  	v22 =	vld [tilespmem:$0x4870]  }
0xc7: {  	[tilespmem:$0x1FB30] =	vst v0;
	v0 =	vld [tilespmem:$0x4240]  }
0xc8: {  	v23 =	vld [tilespmem:$0x5070]  }
0xc9: {  	v24 =	vld [tilespmem:$0x4080]  }
0xca: {  	v25 =	vld [tilespmem:$0x4880]  }
0xcb: {  	v43 =	vld [tilespmem:$0x5080]  }
0xcc: {  	[tilespmem:$0x1FAF0] =	vst v0;
	v0 =	vld [tilespmem:$0x4A40]  }
0xcd: {  	v44 =	vld [tilespmem:$0x4090]  }
0xce: {  	v47 =	vld [tilespmem:$0x4890]  }
0xcf: {  	v50 =	vld [tilespmem:$0x5090]  }
0xd0: {  	v53 =	vld [tilespmem:$0x40A0]  }
0xd1: {  	[tilespmem:$0x1FB00] =	vst v0;
	v0 =	vld [tilespmem:$0x5240]  }
0xd2: {  	v54 =	vld [tilespmem:$0x48A0]  }
0xd3: {  	v58 =	vld [tilespmem:$0x50A0]  }
0xd4: {  	v62 =	vld [tilespmem:$0x40B0]  }
0xd5: {  	v28 =	vld [tilespmem:$0x50B0]  }
0xd6: {  	[tilespmem:$0x1FB40] =	vst v0;
	v0 =	vld [tilespmem:$0x4250]  }
0xd7: {  	v31 =	vld [tilespmem:$0x50C0]  }
0xd8: {  	v61 =	vshll.u32 v19, $0x7;
	v19 =	vld [tilespmem:$0x48B0]  }
0xd9: {  	v57 =	vshll.u32 v16, $0x7;
	v16 =	vshll.u32 v21, $0xE;
	v21 =	vld [tilespmem:$0x40C0]  }
0xda: {  	v49 =	vshll.u32 v10, $0x7;
	v10 =	vld [tilespmem:$0x50D0]  }
0xdb: {  	[tilespmem:$0x1FB10] =	vst v0;
	v0 =	vld [tilespmem:$0x4A50]  }
0xdc: {  	v51 =	vshll.u32 v12, $0xE;
	v12 =	vld [tilespmem:$0x48E0]  }
0xdd: {  	v52 =	vshll.u32 v13, $0x7;
	v13 =	vld [tilespmem:$0x40F0]  }
0xde: {  	v30 =	vshll.u32 v54, $0x7;
	v54 =	vld [tilespmem:$0x4930]  }
0xdf: {  	v42 =	vshll.u32 v4, $0x7;
	v4 =	vld [tilespmem:$0x4140]  }
0xe0: {  	[tilespmem:$0x1FB20] =	vst v0;
	v0 =	vld [tilespmem:$0x5250]  }
0xe1: {  	v45 =	vshll.u32 v6, $0xE;
	v6 =	vld [tilespmem:$0x4150]  }
0xe2: {  	v48 =	vshll.u32 v9, $0xE;
	v9 =	vld [tilespmem:$0x5160]  }
0xe3: {  	v56 =	vshll.u32 v15, $0xE;
	v15 =	vld [tilespmem:$0x4970]  }
0xe4: {  	v36 =	vshll.u32 v62, $0xE;
	v62 =	vld [tilespmem:$0x41D0]  }
0xe5: {  	[tilespmem:$0x1FB50] =	vst v0;
	v0 =	vld [tilespmem:$0x4260]  }
0xe6: {  	v29 =	vshll.u32 v53, $0xE;
	v53 =	vld [tilespmem:$0x51E0]  }
0xe7: {  	v46 =	vshll.u32 v7, $0x7;
	v27 =	vshll.u32 v47, $0x7;
	v47 =	vld [tilespmem:$0x4210]  }
0xe8: {  	v41 =	vshll.u32 v3, $0xE;
	v3 =	vadd.s32 v45, v46;
	v46 =	vld [tilespmem:$0x4130]  }
0xe9: {  	v59 =	vadd.s32 v56, v57;
	v56 =	vld [tilespmem:$0x5130]  }
0xea: {  	[tilespmem:$0x1FB60] =	vst v0;
	v0 =	vld [tilespmem:$0x4A60]  }
0xeb: {  	v34 =	vadd.s32 v29, v30;
	v29 =	vld [tilespmem:$0x41A0]  }
0xec: {  	v60 =	vshll.u32 v18, $0xE;
	v30 =	vld [tilespmem:$0x49A0]  }
0xed: {  	v63 =	vadd.s32 v60, v61;
	v61 =	vld [tilespmem:$0x51C0]  }
0xee: {  	v60 =	vld [tilespmem:$0x49E0]  }
0xef: {  	[tilespmem:$0x1FB70] =	vst v0;
	v0 =	vld [tilespmem:$0x5260]  }
0xf0: {  	v57 =	vld [tilespmem:$0x41F0]  }
0xf1: {  	v7 =	vadd.s32 v51, v52;
	v51 =	vld [tilespmem:$0x4200]  }
0xf2: {  	v52 =	vld [tilespmem:$0x4A00]  }
0xf3: {  	v45 =	vld [tilespmem:$0x5210]  }
0xf4: {  	[tilespmem:$0x1FBC0] =	vst v0;
	v0 =	vld [tilespmem:$0x4270]  }
0xf5: {  	v35 =	vadd.s32 v58, v34;
	v34 =	vld [tilespmem:$0x4910]  }
0xf6: {  	v3 =	vadd.s32 v8, v3;
	v8 =	vld [tilespmem:$0x4160]  }
0xf7: {  	v55 =	vadd.s32 v14, v7;
	v7 =	vld [tilespmem:$0x4960]  }
0xf8: {  	v14 =	vld [tilespmem:$0x4170]  }
0xf9: {  	v1 =	vadd.s32 v41, v42;
	[tilespmem:$0x1FB80] =	vst v0;
	v0 =	vld [tilespmem:$0x4A70]  }
0xfa: {  	v1 =	vadd.s32 v5, v1;
	v5 =	vadd.s32 v48, v49;
	v49 =	vld [tilespmem:$0x51D0]  }
0xfb: {  	v58 =	vld [tilespmem:$0x49F0]  }
0xfc: {  	v2 =	vshll.u32 v44, $0xE;
	v44 =	vld [tilespmem:$0x5200]  }
0xfd: {  	v48 =	vld [tilespmem:$0x4A10]  }
0xfe: {  	[tilespmem:$0x1FB90] =	vst v0;
	v0 =	vld [tilespmem:$0x5270]  }
0xff: {  	v18 =	vshll.u32 v22, $0x7;
	v5 =	vadd.s32 v11, v5;
	v11 =	vld [tilespmem:$0x40E0]  }
0x100: {  	[tilespmem:$0x15820] =	vst v3;
	v3 =	vadd.s32 v20, v63;
	v20 =	vadd.s32 v16, v18;
	v16 =	vld [tilespmem:$0x50E0]  }
0x101: {  	v2 =	vadd.s32 v2, v27;
	v27 =	vld [tilespmem:$0x4900]  }
0x102: {  	[tilespmem:$0x15810] =	vst v1;
	v1 =	vadd.s32 v17, v59;
	v17 =	vld [tilespmem:$0x5150]  }
0x103: {  	[tilespmem:$0x1FBD0] =	vst v0;
	v0 =	vld [tilespmem:$0x4280]  }
0x104: {  	v18 =	vld [tilespmem:$0x4980]  }
0x105: {  	[tilespmem:$0x15840] =	vst v55;
	v55 =	vld [tilespmem:$0x51A0]  }
0x106: {  	[tilespmem:$0x158A0] =	vst v35;
	v35 =	vld [tilespmem:$0x41B0]  }
0x107: {  	v63 =	vld [tilespmem:$0x49D0]  }
0x108: {  	[tilespmem:$0x1FBA0] =	vst v0;
	v0 =	vld [tilespmem:$0x4A80]  }
0x109: {  	v59 =	vld [tilespmem:$0x41E0]  }
0x10a: {  	v22 =	vadd.s32 v23, v20;
	v23 =	vshll.u32 v24, $0xE;
	v24 =	vshll.u32 v25, $0x7;
	v25 =	vld [tilespmem:$0x48C0]  }
0x10b: {  	[tilespmem:$0x15850] =	vst v1;
	v1 =	vld [tilespmem:$0x40D0]  }
0x10c: {  	[tilespmem:$0x15860] =	vst v3;
	v3 =	vld [tilespmem:$0x48D0]  }
0x10d: {  	[tilespmem:$0x1FBB0] =	vst v0;
	v0 =	vld [tilespmem:$0x5280]  }
0x10e: {  	v33 =	vadd.s32 v50, v2;
	v2 =	vld [tilespmem:$0x4940]  }
0x10f: {  	[tilespmem:$0x15830] =	vst v5;
	v5 =	vld [tilespmem:$0x4950]  }
0x110: {  	v20 =	vld [tilespmem:$0x4180]  }
0x111: {  	v50 =	vld [tilespmem:$0x51F0]  }
0x112: {  	[tilespmem:$0x1FBE0] =	vst v0;
	v0 =	vld [tilespmem:$0x4290]  }
0x113: {  	v37 =	vshll.u32 v19, $0x7;
	v19 =	vld [tilespmem:$0x48F0]  }
0x114: {  	v26 =	vadd.s32 v23, v24;
	v24 =	vld [tilespmem:$0x50F0]  }
0x115: {  	v23 =	vld [tilespmem:$0x5140]  }
0x116: {  	v39 =	vshll.u32 v21, $0xE;
	v21 =	vld [tilespmem:$0x4190]  }
0x117: {  	[tilespmem:$0x1FBF0] =	vst v0;
	v0 =	vld [tilespmem:$0x4A90]  }
0x118: {  	[tilespmem:$0x15870] =	vst v22;
	v22 =	vld [tilespmem:$0x4990]  }
0x119: {  	[tilespmem:$0x15890] =	vst v33;
	v33 =	vld [tilespmem:$0x49B0]  }
0x11a: {  	v32 =	vadd.s32 v43, v26;
	v26 =	vld [tilespmem:$0x4100]  }
0x11b: {  	v38 =	vadd.s32 v36, v37;
	v36 =	vld [tilespmem:$0x5110]  }
0x11c: {  	[tilespmem:$0x1FC00] =	vst v0;
	v0 =	vld [tilespmem:$0x5290]  }
0x11d: {  	v37 =	vld [tilespmem:$0x5170]  }
0x11e: {  	[tilespmem:$0x1FAB0] =	vst v45;
	v45 =	vld [tilespmem:$0x4A20]  }
0x11f: {  	v41 =	vadd.s32 v28, v38;
	v28 =	vld [tilespmem:$0x5100]  }
0x120: {  	[tilespmem:$0x15880] =	vst v32;
	v32 =	vld [tilespmem:$0x5180]  }
0x121: {  	[tilespmem:$0x1FC30] =	vst v0;
	v0 =	vld [tilespmem:$0x42A0]  }
0x122: {  	v38 =	vld [tilespmem:$0x49C0]  }
0x123: {  	[tilespmem:$0x1FAA0] =	vst v44;
	v44 =	vld [tilespmem:$0x4220]  }
0x124: {  	[tilespmem:$0x158B0] =	vst v41;
	v41 =	vld [tilespmem:$0x4120]  }
0x125: {  	v40 =	vshll.u32 v25, $0x7;
	v25 =	vld [tilespmem:$0x5190]  }
0x126: {  	[tilespmem:$0x1FC10] =	vst v0;
	v0 =	vshll.u32 v1, $0xE;
	v1 =	vld [tilespmem:$0x4AA0]  }
0x127: {  	v42 =	vadd.s32 v39, v40;
	v40 =	vld [tilespmem:$0x51B0]  }
0x128: {  	v6 =	vshll.u32 v6, $0xE;
	v5 =	vshll.u32 v5, $0x7;
	v39 =	vld [tilespmem:$0x41C0]  }
0x129: {  	v6 =	vadd.s32 v6, v5;
	v5 =	vld [tilespmem:$0x4AE0]  }
0x12a: {  	v43 =	vadd.s32 v31, v42;
	v31 =	vld [tilespmem:$0x4110]  }
0x12b: {  	[tilespmem:$0x1FC20] =	vst v1;
	v1 =	vld [tilespmem:$0x52A0]  }
0x12c: {  	v42 =	vld [tilespmem:$0x4920]  }
0x12d: {  	v17 =	vadd.s32 v17, v6;
	v6 =	vld [tilespmem:$0x52E0]  }
0x12e: {  	v3 =	vshll.u32 v3, $0x7;
	[tilespmem:$0x158C0] =	vst v43;
	v43 =	vld [tilespmem:$0x5120]  }
0x12f: {  	v12 =	vshll.u32 v12, $0x7;
	v0 =	vadd.s32 v0, v3;
	v3 =	vshll.u32 v11, $0xE;
	v11 =	vld [tilespmem:$0x42B0]  }
0x130: {  	v19 =	vshll.u32 v19, $0x7;
	[tilespmem:$0x1FC40] =	vst v1;
	v1 =	vadd.s32 v10, v0;
	v0 =	vshll.u32 v13, $0xE;
	v13 =	vld [tilespmem:$0x4AB0]  }
0x131: {  	v3 =	vadd.s32 v3, v12;
	v10 =	vld [tilespmem:$0x52B0];
	v12 =	vadd.s32 v0, v19  }
0x132: {  	v19 =	vshll.u32 v26, $0xE;
	v26 =	vshll.u32 v27, $0x7;
	v27 =	vadd.s32 v16, v3;
	v16 =	vld [tilespmem:$0x4AC0]  }
0x133: {  	v3 =	vld [tilespmem:$0x52C0]  }
0x134: {  	v46 =	vshll.u32 v46, $0xE;
	v34 =	vshll.u32 v34, $0x7;
	v0 =	vadd.s32 v24, v12;
	v12 =	vld [tilespmem:$0x42C0]  }
0x135: {  	v8 =	vshll.u32 v8, $0xE;
	v41 =	vshll.u32 v41, $0xE;
	v26 =	vadd.s32 v19, v26;
	v24 =	vld [tilespmem:$0x42D0]  }
0x136: {  	v31 =	vshll.u32 v31, $0xE;
	v42 =	vshll.u32 v42, $0x7;
	[tilespmem:$0x158E0] =	vst v27;
	v27 =	vld [tilespmem:$0x4330];
	v19 =	vadd.s32 v28, v26  }
0x137: {  	v26 =	vadd.s32 v31, v34;
	v28 =	vadd.s32 v41, v42;
	v42 =	vshll.u32 v4, $0xE;
	v4 =	vld [tilespmem:$0x52D0]  }
0x138: {  	v7 =	vshll.u32 v7, $0x7;
	v2 =	vshll.u32 v2, $0x7;
	v36 =	vadd.s32 v36, v26;
	v26 =	vld [tilespmem:$0x4AD0]  }
0x139: {  	v41 =	vshll.u32 v54, $0x7;
	v28 =	vadd.s32 v43, v28;
	v43 =	vadd.s32 v8, v7;
	v7 =	vld [tilespmem:$0x42F0]  }
0x13a: {  	v31 =	vadd.s32 v46, v41;
	v2 =	vadd.s32 v42, v2;
	v41 =	vld [tilespmem:$0x4AF0];
	v42 =	vshll.u32 v30, $0x7  }
0x13b: {  	v30 =	vshll.u32 v38, $0x7;
	v38 =	vshll.u32 v60, $0x7;
	v60 =	vshll.u32 v48, $0x7;
	v48 =	vld [tilespmem:$0x1FB40]  }
0x13c: {  	v34 =	vadd.s32 v56, v31;
	v31 =	vld [tilespmem:$0x42E0]  }
0x13d: {  	v23 =	vadd.s32 v23, v2;
	v2 =	vld [tilespmem:$0x52F0]  }
0x13e: {  	v54 =	vshll.u32 v15, $0x7;
	v46 =	vshll.u32 v14, $0xE;
	v8 =	vadd.s32 v9, v43;
	v43 =	vld [tilespmem:$0x4300]  }
0x13f: {  	v9 =	vadd.s32 v46, v54;
	v46 =	vld [tilespmem:$0x4B00]  }
0x140: {  	[tilespmem:$0x15920] =	vst v28;
	v28 =	vld [tilespmem:$0x4B30]  }
0x141: {  	[tilespmem:$0x15910] =	vst v36;
	v36 =	vld [tilespmem:$0x1FAE0];
	v9 =	vadd.s32 v37, v9  }
0x142: {  	v37 =	vshll.u32 v29, $0xE;
	v29 =	vshll.u32 v39, $0xE;
	v39 =	vshll.u32 v57, $0xE;
	v57 =	vld [tilespmem:$0x4B20]  }
0x143: {  	v56 =	vshll.u32 v20, $0xE;
	v20 =	vshll.u32 v18, $0x7;
	[tilespmem:$0x15940] =	vst v23;
	v23 =	vld [tilespmem:$0x4340]  }
0x144: {  	v21 =	vshll.u32 v21, $0xE;
	v22 =	vshll.u32 v22, $0x7;
	v14 =	vadd.s32 v56, v20;
	[tilespmem:$0x15930] =	vst v34;
	v34 =	vld [tilespmem:$0x1FAC0]  }
0x145: {  	v56 =	vshll.u32 v33, $0x7;
	v33 =	vshll.u32 v63, $0x7;
	v63 =	vshll.u32 v45, $0x7;
	v45 =	vld [tilespmem:$0x1FB20]  }
0x146: {  	v15 =	vadd.s32 v21, v22;
	v54 =	vshll.u32 v35, $0xE;
	v18 =	vadd.s32 v37, v42;
	v42 =	vld [tilespmem:$0x5300]  }
0x147: {  	v15 =	vadd.s32 v25, v15;
	v25 =	vadd.s32 v54, v56;
	v54 =	vld [tilespmem:$0x4310]  }
0x148: {  	v56 =	vld [tilespmem:$0x4B10]  }
0x149: {  	v37 =	vshll.u32 v59, $0xE;
	v59 =	vld [tilespmem:$0x4320]  }
0x14a: {  	v20 =	vadd.s32 v29, v30;
	v29 =	vld [tilespmem:$0x5330]  }
0x14b: {  	v30 =	vld [tilespmem:$0x1FAA0]  }
0x14c: {  	v14 =	vadd.s32 v32, v14;
	v32 =	vshll.u32 v62, $0xE;
	v62 =	vshll.u32 v44, $0xE;
	v44 =	vld [tilespmem:$0x1FB10]  }
0x14d: {  	[tilespmem:$0x158D0] =	vst v1;
	v35 =	vadd.s32 v32, v33;
	v32 =	vld [tilespmem:$0x1FAB0]  }
0x14e: {  	[tilespmem:$0x158F0] =	vst v0;
	v0 =	vadd.s32 v61, v20;
	v20 =	vadd.s32 v37, v38;
	v38 =	vld [tilespmem:$0x1FAF0]  }
0x14f: {  	[tilespmem:$0x15900] =	vst v19;
	v1 =	vadd.s32 v40, v25;
	v40 =	vshll.u32 v58, $0x7;
	v19 =	vadd.s32 v49, v35;
	v35 =	vld [tilespmem:$0x1FAD0]  }
0x150: {  	v51 =	vshll.u32 v51, $0xE;
	v21 =	vadd.s32 v39, v40;
	v39 =	vld [tilespmem:$0x1FB00]  }
0x151: {  	[tilespmem:$0x15950] =	vst v17;
	v18 =	vadd.s32 v55, v18;
	v55 =	vld [tilespmem:$0x5310];
	v58 =	vshll.u32 v47, $0xE;
	v33 =	vadd.s32 v62, v63  }
0x152: {  	[tilespmem:$0x15990] =	vst v15;
	v47 =	vld [tilespmem:$0x1FB30];
	v20 =	vadd.s32 v53, v20;
	v53 =	vshll.u32 v52, $0x7;
	v61 =	vadd.s32 v58, v60  }
0x153: {  	[tilespmem:$0x15970] =	vst v9;
	v49 =	vld [tilespmem:$0x5320];
	v22 =	vadd.s32 v51, v53;
	v25 =	vshll.u32 v36, $0x7;
	v9 =	vadd.s32 v34, v33  }
0x154: {  	[tilespmem:$0x15960] =	vst v8;
	v33 =	vld [tilespmem:$0x4350];
	v8 =	vadd.s32 v30, v22;
	v17 =	vadd.s32 v32, v61;
	v22 =	vshll.u32 v35, $0xE  }
0x155: {  	[tilespmem:$0x15980] =	vst v14;
	v30 =	vld [tilespmem:$0x4B40];
	v37 =	vadd.s32 v22, v25;
	v22 =	vshll.u32 v38, $0xE;
	v25 =	vshll.u32 v39, $0x7  }
0x156: {  	[tilespmem:$0x159A0] =	vst v18;
	v32 =	vld [tilespmem:$0x5340];
	v40 =	vadd.s32 v22, v25;
	v22 =	vshll.u32 v44, $0xE;
	v25 =	vshll.u32 v45, $0x7  }
0x157: {  	v21 =	vadd.s32 v50, v21;
	v50 =	vadd.s32 v22, v25;
	v22 =	vld [tilespmem:$0x4B50];
	[tilespmem:$0x159B0] =	vst v1  }
0x158: {  	v1 =	vld [tilespmem:$0x1FB50]  }
0x159: {  	v51 =	vld [tilespmem:$0x1FB60]  }
0x15a: {  	v52 =	vld [tilespmem:$0x1FB70]  }
0x15b: {  	v34 =	vld [tilespmem:$0x5350]  }
0x15c: {  	v58 =	vld [tilespmem:$0x1FB80]  }
0x15d: {  	v60 =	vld [tilespmem:$0x1FB90]  }
0x15e: {  	v35 =	vld [tilespmem:$0x4360]  }
0x15f: {  	v61 =	vld [tilespmem:$0x1FBA0]  }
0x160: {  	v62 =	vld [tilespmem:$0x1FBB0]  }
0x161: {  	v36 =	vld [tilespmem:$0x4B60]  }
0x162: {  	v63 =	vld [tilespmem:$0x1FBC0]  }
0x163: {  	v14 =	vadd.s32 v47, v37;
	v37 =	vld [tilespmem:$0x1FBD0]  }
0x164: {  	[tilespmem:$0x159E0] =	vst v20;
	v20 =	vld [tilespmem:$0x5360]  }
0x165: {  	v38 =	vld [tilespmem:$0x1FBE0]  }
0x166: {  	v39 =	vld [tilespmem:$0x1FBF0]  }
0x167: {  	v11 =	vshll.u32 v11, $0xE;
	v13 =	vshll.u32 v13, $0x7;
	v15 =	vadd.s32 v48, v40;
	v40 =	vld [tilespmem:$0x1FC00]  }
0x168: {  	v11 =	vadd.s32 v11, v13;
	[tilespmem:$0x159D0] =	vst v19;
	v45 =	vld [tilespmem:$0x1FC10]  }
0x169: {  	v5 =	vshll.u32 v5, $0x7;
	v10 =	vadd.s32 v10, v11;
	[tilespmem:$0x15A10] =	vst v17;
	v17 =	vshll.u32 v7, $0xE;
	v47 =	vld [tilespmem:$0x1FC20]  }
0x16a: {  	[tilespmem:$0x159F0] =	vst v21;
	v13 =	vld [tilespmem:$0x4380];
	v1 =	vadd.s32 v1, v50;
	v18 =	vshll.u32 v51, $0xE;
	v25 =	vshll.u32 v52, $0x7  }
0x16b: {  	[tilespmem:$0x15A30] =	vst v14;
	v14 =	vld [tilespmem:$0x4B80];
	v19 =	vshll.u32 v61, $0xE;
	v21 =	vshll.u32 v39, $0xE;
	v52 =	vshll.u32 v12, $0xE  }
0x16c: {  	[tilespmem:$0x15A40] =	vst v15;
	v15 =	vld [tilespmem:$0x4390];
	v53 =	vadd.s32 v18, v25;
	v18 =	vshll.u32 v58, $0xE;
	v25 =	vshll.u32 v60, $0x7  }
0x16d: {  	v7 =	vld [tilespmem:$0x5390];
	v58 =	vshll.u32 v24, $0xE;
	v60 =	vshll.u32 v26, $0x7;
	v24 =	vshll.u32 v43, $0xE  }
0x16e: {  	v50 =	vld [tilespmem:$0x1FC30];
	v26 =	vshll.u32 v54, $0xE;
	v18 =	vadd.s32 v18, v25;
	v25 =	vshll.u32 v62, $0x7  }
0x16f: {  	[tilespmem:$0x159C0] =	vst v0;
	v51 =	vld [tilespmem:$0x1FC40];
	v0 =	vadd.s32 v63, v53;
	v53 =	vshll.u32 v16, $0x7;
	v61 =	vadd.s32 v58, v60  }
0x170: {  	[tilespmem:$0x15A00] =	vst v8;
	v43 =	vld [tilespmem:$0x43B0];
	v62 =	vshll.u32 v31, $0xE;
	v31 =	vshll.u32 v56, $0x7;
	v56 =	vshll.u32 v22, $0x7  }
0x171: {  	[tilespmem:$0x15A20] =	vst v9;
	v16 =	vld [tilespmem:$0x5380];
	v58 =	vshll.u32 v35, $0xE;
	v18 =	vadd.s32 v37, v18;
	v19 =	vadd.s32 v19, v25  }
0x172: {  	[tilespmem:$0x15A50] =	vst v1;
	v60 =	vld [tilespmem:$0x53C0];
	v25 =	vshll.u32 v40, $0x7;
	v11 =	vadd.s32 v52, v53;
	v1 =	vadd.s32 v4, v61  }
0x173: {  	[tilespmem:$0x15AB0] =	vst v10;
	v35 =	vld [tilespmem:$0x43E0];
	v12 =	vadd.s32 v62, v5;
	v40 =	vadd.s32 v26, v31;
	v31 =	vshll.u32 v14, $0x7  }
0x174: {  	v37 =	vld [tilespmem:$0x4370];
	[tilespmem:$0x15A60] =	vst v0;
	v19 =	vadd.s32 v38, v19;
	v44 =	vadd.s32 v21, v25;
	v21 =	vshll.u32 v45, $0xE  }
0x175: {  	v4 =	vld [tilespmem:$0x4B90];
	v25 =	vshll.u32 v47, $0x7;
	v63 =	vadd.s32 v3, v11;
	[tilespmem:$0x15A70] =	vst v18;
	v3 =	vadd.s32 v6, v12  }
0x176: {  	v53 =	vld [tilespmem:$0x43C0];
	v18 =	vshll.u32 v41, $0x7;
	v41 =	vshll.u32 v59, $0xE;
	v45 =	vshll.u32 v27, $0xE;
	[tilespmem:$0x15AD0] =	vst v1  }
0x177: {  	v38 =	vld [tilespmem:$0x4B70];
	v59 =	vshll.u32 v36, $0x7;
	v48 =	vadd.s32 v21, v25;
	v8 =	vadd.s32 v50, v44;
	[tilespmem:$0x15A80] =	vst v19  }
0x178: {  	v12 =	vld [tilespmem:$0x43A0];
	v5 =	vadd.s32 v17, v18;
	v25 =	vshll.u32 v46, $0x7;
	[tilespmem:$0x15AC0] =	vst v63;
	v46 =	vshll.u32 v28, $0x7  }
0x179: {  	v47 =	vld [tilespmem:$0x4BB0];
	v50 =	vshll.u32 v23, $0xE;
	[tilespmem:$0x15AE0] =	vst v3;
	v9 =	vadd.s32 v51, v48;
	v6 =	vadd.s32 v24, v25  }
0x17a: {  	v21 =	vld [tilespmem:$0x5370];
	[tilespmem:$0x15A90] =	vst v8;
	v2 =	vadd.s32 v2, v5;
	v48 =	vadd.s32 v45, v46;
	v51 =	vshll.u32 v30, $0x7  }
0x17b: {  	v17 =	vld [tilespmem:$0x4BA0];
	v5 =	vadd.s32 v58, v59;
	v30 =	vshll.u32 v13, $0xE;
	v43 =	vshll.u32 v43, $0xE;
	[tilespmem:$0x15AA0] =	vst v9  }
0x17c: {  	v19 =	vld [tilespmem:$0x53B0];
	v39 =	vadd.s32 v42, v6;
	v6 =	vadd.s32 v55, v40;
	v42 =	vshll.u32 v57, $0x7;
	[tilespmem:$0x15AF0] =	vst v2  }
0x17d: {  	v63 =	vld [tilespmem:$0x43D0];
	v1 =	vadd.s32 v29, v48;
	v52 =	vadd.s32 v50, v51;
	v55 =	vshll.u32 v33, $0xE;
	[tilespmem:$0x15B00] =	vst v39  }
0x17e: {  	v28 =	vld [tilespmem:$0x4BD0];
	v26 =	vadd.s32 v20, v5;
	v33 =	vadd.s32 v30, v31;
	v44 =	vadd.s32 v41, v42;
	[tilespmem:$0x15B10] =	vst v6  }
0x17f: {  	v8 =	vld [tilespmem:$0x53A0];
	v54 =	vadd.s32 v32, v52;
	v3 =	vadd.s32 v55, v56;
	v61 =	vshll.u32 v37, $0xE;
	[tilespmem:$0x15B30] =	vst v1  }
0x180: {  	v45 =	vld [tilespmem:$0x4BF0];
	v4 =	vshll.u32 v4, $0x7;
	[tilespmem:$0x15B60] =	vst v26;
	v2 =	vadd.s32 v16, v33;
	v0 =	vadd.s32 v49, v44  }
0x181: {  	v57 =	vld [tilespmem:$0x4BC0];
	v62 =	vshll.u32 v38, $0x7;
	v25 =	vadd.s32 v34, v3;
	[tilespmem:$0x15B40] =	vst v54;
	v34 =	vshll.u32 v15, $0xE  }
0x182: {  	v32 =	vld [tilespmem:$0x53D0];
	v37 =	vshll.u32 v12, $0xE;
	v44 =	vshll.u32 v47, $0x7;
	[tilespmem:$0x15B80] =	vst v2;
	v47 =	vshll.u32 v53, $0xE  }
0x183: {  	v39 =	vld [tilespmem:$0x4BE0];
	[tilespmem:$0x15B20] =	vst v0;
	v27 =	vadd.s32 v61, v62;
	v36 =	vadd.s32 v34, v4;
	v38 =	vshll.u32 v17, $0x7  }
0x184: {  	v41 =	vld [tilespmem:$0x43F0];
	[tilespmem:$0x15B50] =	vst v25;
	v46 =	vadd.s32 v43, v44;
	v51 =	vshll.u32 v63, $0xE;
	v29 =	vadd.s32 v21, v27  }
0x185: {  	v49 =	vld [tilespmem:$0x53E0];
	v52 =	vshll.u32 v28, $0x7;
	v0 =	vadd.s32 v7, v36;
	v40 =	vadd.s32 v37, v38;
	[tilespmem:$0x15B70] =	vst v29  }
0x186: {  	v53 =	vld [tilespmem:$0x53F0];
	v54 =	vadd.s32 v19, v46;
	v55 =	vadd.s32 v51, v52;
	v61 =	vshll.u32 v45, $0x7;
	[tilespmem:$0x15B90] =	vst v0  }
0x187: {  	v42 =	vadd.s32 v8, v40;
	v48 =	vshll.u32 v57, $0x7;
	[tilespmem:$0x15BB0] =	vst v54;
	v57 =	vshll.u32 v35, $0xE  }
0x188: {  	v50 =	vadd.s32 v47, v48;
	[tilespmem:$0x15BA0] =	vst v42;
	v56 =	vadd.s32 v32, v55;
	v58 =	vshll.u32 v39, $0x7  }
0x189: {  	v0 =	vadd.s32 v60, v50;
	v59 =	vadd.s32 v57, v58;
	v60 =	vshll.u32 v41, $0xE;
	[tilespmem:$0x15BD0] =	vst v56  }
0x18a: {  	[tilespmem:$0x15BC0] =	vst v0;
	v0 =	vadd.s32 v49, v59;
	v62 =	vadd.s32 v60, v61  }
0x18b: {  	[tilespmem:$0x15BE0] =	vst v0;
	v63 =	vadd.s32 v53, v62  }
0x18c: {  	[tilespmem:$0x15BF0] =	vst v63  }
0x18d: {  	[hbm4b:s6+s18] =	stream.indirect.scatter [tilespmem:s11], [sflag:$0x4], $0x20, s19, s18, $0xb8;
	[tilespmem:$0x15C00] =	vst v63  }
0x18e: {  	_ =	swait.ge [sflag:s20], $0x2000  }
0x18f: {  	[sflag:s20] =	ssyncset.done $0x0  }
0x190: {  	s30 =	rddreg [dreg:$0x6];
	[sflag:s20] =	ssyncadd.s32 $0xFFFFE000  }
0x191: {  	[hbm4b:s6+s18] =	stream.indirect.scatter [tilespmem:s30], [sflag:$0x4], $0x20, s21, s18, $0xb8;
	[tilespmem:$0x15C00] =	vst v63  }
0x192: {  	_ =	swait.ge [sflag:s20], $0x2000  }
0x193: {  	[sflag:s20] =	ssyncset.done $0x0  }
0x194: {  	s31 =	rddreg [dreg:$0x7];
	[sflag:s20] =	ssyncadd.s32 $0xFFFFE000  }
0x195: {  	[hbm4b:s6+s18] =	stream.indirect.scatter [tilespmem:s31], [sflag:$0x4], $0x20, s22, s18, $0xb8;
	[tilespmem:$0x15C00] =	vst v63  }
0x196: {  	_ =	swait.ge [sflag:s20], $0x2000  }
0x197: {  	[sflag:s20] =	ssyncset.done $0x0  }
0x198: {  	s28 =	rddreg [dreg:$0x8];
	[sflag:s20] =	ssyncadd.s32 $0xFFFFE000  }
0x199: {  	[hbm4b:s6+s18] =	stream.indirect.scatter [tilespmem:s28], [sflag:$0x4], $0x20, s23, s18, $0xb8;
	[tilespmem:$0x15C00] =	vst v63  }
0x19a: {  	_ =	swait.ge [sflag:s20], $0x2000  }
0x19b: {  	[sflag:s20] =	ssyncset.done $0x0  }
0x19c: {  	[sflag:s20] =	ssyncadd.s32 $0xFFFFE000  }
0x19d: {  	_ =	swait.ge [sflag:s24], $0x400  }
0x19e: {  	[sflag:s24] =	ssyncset.done $0x0  }
0x19f: {  	[sflag:s24] =	ssyncadd.s32 $0xFFFFFC00  }
0x1a0: {  	_ =	swait.ge [sflag:s24], $0x400  }
0x1a1: {  	[sflag:s24] =	ssyncset.done $0x0  }
0x1a2: {  	[sflag:s24] =	ssyncadd.s32 $0xFFFFFC00  }
0x1a3: {  	_ =	swait.ge [sflag:s24], $0x400  }
0x1a4: {  	[sflag:s24] =	ssyncset.done $0x0  }
0x1a5: {  	s29 =	smin.u32 s25, $0x91;
	[sflag:s24] =	ssyncadd.s32 $0xFFFFFC00  }
0x1a6: {  	s26 =	sadd.s32 $0x2, s29;
	_ =	swait.ge [sflag:s24], $0x8000  }
0x1a7: {  	s30 =	sshll.u32 s26, $0x7;
	[sflag:s24] =	ssyncset.done $0x0  }
0x1a8: {  	s29 =	sadd.s32 s2, s30;
	[sflag:s24] =	ssyncadd.s32 $0xFFFF8000  }
0x1a9: {  	[tilespmem:s8], [sflag:$0x2] =	stream.linear.gather [hbm4b:s29+s7], $0x400, $0x38;
	[tilespmem:$0x15C00] =	vst v63  }
0x1aa: {  	s31 =	sadd.s32 s4, s30  }
0x1ab: {  	[tilespmem:s9], [sflag:$0x2] =	stream.linear.gather [hbm4b:s31+s7], $0x400, $0x38;
	[tilespmem:$0x15C00] =	vst v63  }
0x1ac: {  	s26 =	sshll.u32 s26, $0xC;
	s28 =	sadd.s32 s3, s30  }
0x1ad: {  	[tilespmem:s10], [sflag:$0x2] =	stream.linear.gather [hbm4b:s28+s7], $0x400, $0x38;
	[tilespmem:$0x15C00] =	vst v63  }
0x1ae: {  	s26 =	sadd.s32 s5, s26  }
0x1af: {  	[tilespmem:s11], [sflag:$0x2] =	stream.linear.gather [hbm4b:s26+s7], $0x8000, $0x38;
	[tilespmem:$0x15C00] =	vst v63  }
0x1b0: {  	v62 =	vld [tilespmem:$0x5540];
	_ =	sdelay $0x4  }
0x1b1: {  	[tilespmem:$0x1FC80] =	vst v62;
	v62 =	vld [tilespmem:$0x4D50];
	_ =	sdelay $0x4  }
0x1b2: {  	[tilespmem:$0x1FC50] =	vst v62;
	v62 =	vld [tilespmem:$0x5550];
	_ =	sdelay $0x4  }
0x1b3: {  	[tilespmem:$0x1FC90] =	vst v62;
	v62 =	vld [tilespmem:$0x4560];
	_ =	sdelay $0x4  }
0x1b4: {  	[tilespmem:$0x1FC60] =	vst v62;
	v62 =	vld [tilespmem:$0x4D60];
	_ =	sdelay $0x3  }
0x1b5: {  	v0 =	vld [tilespmem:$0x4400]  }
0x1b6: {  	[tilespmem:$0x1FC70] =	vst v62;
	v62 =	vld [tilespmem:$0x5560]  }
0x1b7: {  	v1 =	vld [tilespmem:$0x4C00]  }
0x1b8: {  	v4 =	vld [tilespmem:$0x5400]  }
0x1b9: {  	v2 =	vld [tilespmem:$0x4410]  }
0x1ba: {  	v3 =	vld [tilespmem:$0x4C10]  }
0x1bb: {  	[tilespmem:$0x1FCA0] =	vst v62;
	v62 =	vld [tilespmem:$0x4570]  }
0x1bc: {  	v5 =	vld [tilespmem:$0x5410]  }
0x1bd: {  	v6 =	vld [tilespmem:$0x4420]  }
0x1be: {  	v7 =	vld [tilespmem:$0x4C20]  }
0x1bf: {  	v18 =	vld [tilespmem:$0x5420]  }
0x1c0: {  	[tilespmem:$0x1FCB0] =	vst v62;
	v62 =	vld [tilespmem:$0x4D70]  }
0x1c1: {  	v8 =	vld [tilespmem:$0x4430]  }
0x1c2: {  	v9 =	vld [tilespmem:$0x4C30]  }
0x1c3: {  	v12 =	vld [tilespmem:$0x5430]  }
0x1c4: {  	v10 =	vld [tilespmem:$0x4440]  }
0x1c5: {  	[tilespmem:$0x1FCC0] =	vst v62;
	v62 =	vld [tilespmem:$0x5570]  }
0x1c6: {  	v11 =	vld [tilespmem:$0x4C40]  }
0x1c7: {  	v13 =	vld [tilespmem:$0x5440]  }
0x1c8: {  	v14 =	vld [tilespmem:$0x4450]  }
0x1c9: {  	v15 =	vld [tilespmem:$0x4C50]  }
0x1ca: {  	[tilespmem:$0x1FD10] =	vst v62;
	v62 =	vld [tilespmem:$0x4580]  }
0x1cb: {  	v32 =	vld [tilespmem:$0x5450]  }
0x1cc: {  	v16 =	vld [tilespmem:$0x4460]  }
0x1cd: {  	v17 =	vld [tilespmem:$0x4C60]  }
0x1ce: {  	v24 =	vld [tilespmem:$0x5460]  }
0x1cf: {  	[tilespmem:$0x1FCD0] =	vst v62;
	v62 =	vld [tilespmem:$0x4D80]  }
0x1d0: {  	v19 =	vld [tilespmem:$0x4470]  }
0x1d1: {  	v20 =	vld [tilespmem:$0x4C70]  }
0x1d2: {  	v21 =	vld [tilespmem:$0x5470]  }
0x1d3: {  	v22 =	vld [tilespmem:$0x4480]  }
0x1d4: {  	[tilespmem:$0x1FCE0] =	vst v62;
	v62 =	vld [tilespmem:$0x5580]  }
0x1d5: {  	v23 =	vld [tilespmem:$0x4C80]  }
0x1d6: {  	v34 =	vld [tilespmem:$0x5480]  }
0x1d7: {  	v26 =	vld [tilespmem:$0x4490]  }
0x1d8: {  	v25 =	vld [tilespmem:$0x4C90]  }
0x1d9: {  	[tilespmem:$0x1FD20] =	vst v62;
	v62 =	vld [tilespmem:$0x4590]  }
0x1da: {  	v37 =	vld [tilespmem:$0x5490]  }
0x1db: {  	v28 =	vld [tilespmem:$0x44A0]  }
0x1dc: {  	v27 =	vld [tilespmem:$0x4CA0]  }
0x1dd: {  	v30 =	vld [tilespmem:$0x54A0]  }
0x1de: {  	[tilespmem:$0x1FCF0] =	vst v62;
	v62 =	vld [tilespmem:$0x4D90]  }
0x1df: {  	v31 =	vld [tilespmem:$0x44B0]  }
0x1e0: {  	v29 =	vld [tilespmem:$0x4CB0]  }
0x1e1: {  	v42 =	vld [tilespmem:$0x54B0]  }
0x1e2: {  	v43 =	vld [tilespmem:$0x44C0]  }
0x1e3: {  	[tilespmem:$0x1FD00] =	vst v62;
	v62 =	vld [tilespmem:$0x5590]  }
0x1e4: {  	v33 =	vld [tilespmem:$0x4CC0]  }
0x1e5: {  	v39 =	vld [tilespmem:$0x54C0]  }
0x1e6: {  	v44 =	vld [tilespmem:$0x44D0]  }
0x1e7: {  	v35 =	vld [tilespmem:$0x4CD0]  }
0x1e8: {  	[tilespmem:$0x1FD30] =	vst v62;
	v62 =	vld [tilespmem:$0x45A0]  }
0x1e9: {  	v52 =	vld [tilespmem:$0x54D0]  }
0x1ea: {  	v38 =	vld [tilespmem:$0x44E0]  }
0x1eb: {  	v36 =	vld [tilespmem:$0x4CE0]  }
0x1ec: {  	v47 =	vld [tilespmem:$0x54E0]  }
0x1ed: {  	[tilespmem:$0x1FD40] =	vst v62;
	v62 =	vld [tilespmem:$0x4DA0]  }
0x1ee: {  	v58 =	vld [tilespmem:$0x44F0]  }
0x1ef: {  	v40 =	vld [tilespmem:$0x4CF0]  }
0x1f0: {  	v57 =	vld [tilespmem:$0x54F0]  }
0x1f1: {  	v50 =	vld [tilespmem:$0x4500]  }
0x1f2: {  	[tilespmem:$0x1FD50] =	vst v62;
	v62 =	vld [tilespmem:$0x55A0]  }
0x1f3: {  	v41 =	vld [tilespmem:$0x4D00]  }
0x1f4: {  	v59 =	vld [tilespmem:$0x5500]  }
0x1f5: {  	v45 =	vld [tilespmem:$0x4510]  }
0x1f6: {  	v46 =	vld [tilespmem:$0x4D10]  }
0x1f7: {  	[tilespmem:$0x1FDA0] =	vst v62;
	v62 =	vld [tilespmem:$0x45B0]  }
0x1f8: {  	v61 =	vld [tilespmem:$0x5510]  }
0x1f9: {  	v48 =	vld [tilespmem:$0x4520]  }
0x1fa: {  	v49 =	vld [tilespmem:$0x4D20]  }
0x1fb: {  	v54 =	vld [tilespmem:$0x5520]  }
0x1fc: {  	[tilespmem:$0x1FD60] =	vst v62;
	v62 =	vld [tilespmem:$0x4DB0]  }
0x1fd: {  	v53 =	vld [tilespmem:$0x4530]  }
0x1fe: {  	v51 =	vld [tilespmem:$0x4D30]  }
0x1ff: {  	v55 =	vld [tilespmem:$0x5530]  }
0x200: {  	v60 =	vld [tilespmem:$0x4540]  }
0x201: {  	v0 =	vshll.u32 v0, $0xE;
	v1 =	vshll.u32 v1, $0x7;
	[tilespmem:$0x1FD70] =	vst v62;
	v62 =	vld [tilespmem:$0x55B0]  }
0x202: {  	v0 =	vadd.s32 v0, v1;
	v1 =	vshll.u32 v2, $0xE;
	v2 =	vshll.u32 v3, $0x7;
	v3 =	vld [tilespmem:$0x4650]  }
0x203: {  	v0 =	vadd.s32 v4, v0;
	v4 =	vld [tilespmem:$0x4E50]  }
0x204: {  	v56 =	vld [tilespmem:$0x4D40]  }
0x205: {  	v63 =	vld [tilespmem:$0x4550];
	[tilespmem:$0x15800] =	vst v0  }
0x206: {  	[tilespmem:$0x1FDB0] =	vst v62;
	v62 =	vld [tilespmem:$0x45C0]  }
0x207: {  	v0 =	vld [tilespmem:$0x46E0];
	[tilespmem:$0x1FF30] =	vst v3  }
0x208: {  	v1 =	vadd.s32 v1, v2;
	v2 =	vshll.u32 v6, $0xE;
	v3 =	vshll.u32 v7, $0x7;
	[tilespmem:$0x1FF40] =	vst v4;
	v4 =	vld [tilespmem:$0x5650]  }
0x209: {  	v9 =	vshll.u32 v9, $0x7;
	v2 =	vadd.s32 v2, v3;
	v3 =	vshll.u32 v8, $0xE;
	v8 =	vld [tilespmem:$0x4660]  }
0x20a: {  	v3 =	vadd.s32 v3, v9;
	v9 =	vshll.u32 v11, $0x7;
	v11 =	vld [tilespmem:$0x5660]  }
0x20b: {  	[tilespmem:$0x1FD80] =	vst v62;
	v62 =	vld [tilespmem:$0x4DC0]  }
0x20c: {  	v2 =	vadd.s32 v18, v2;
	v18 =	vshll.u32 v19, $0xE;
	v19 =	vshll.u32 v20, $0x7;
	v20 =	vld [tilespmem:$0x5670]  }
0x20d: {  	v3 =	vadd.s32 v12, v3;
	v12 =	vshll.u32 v14, $0xE;
	v14 =	vld [tilespmem:$0x4670]  }
0x20e: {  	[tilespmem:$0x15830] =	vst v3;
	v3 =	vld [tilespmem:$0x4EE0]  }
0x20f: {  	[tilespmem:$0x1FF60] =	vst v4;
	v4 =	vshll.u32 v10, $0xE;
	v10 =	vld [tilespmem:$0x4E60]  }
0x210: {  	v4 =	vadd.s32 v4, v9;
	[tilespmem:$0x1FD90] =	vst v62;
	v62 =	vld [tilespmem:$0x55C0]  }
0x211: {  	[tilespmem:$0x1FFD0] =	vst v20;
	v20 =	vld [tilespmem:$0x4690];
	v4 =	vadd.s32 v13, v4  }
0x212: {  	v13 =	vshll.u32 v15, $0x7;
	v15 =	vshll.u32 v16, $0xE;
	v16 =	vshll.u32 v17, $0x7;
	v17 =	vld [tilespmem:$0x4E70]  }
0x213: {  	[tilespmem:$0x1FF90] =	vst v14;
	v14 =	vshll.u32 v23, $0x7;
	v23 =	vshll.u32 v43, $0xE;
	v43 =	vld [tilespmem:$0x46A0]  }
0x214: {  	v1 =	vadd.s32 v5, v1;
	v7 =	vadd.s32 v18, v19;
	v5 =	vadd.s32 v12, v13;
	v12 =	vld [tilespmem:$0x4680]  }
0x215: {  	v7 =	vadd.s32 v21, v7;
	v21 =	vshll.u32 v31, $0xE;
	[tilespmem:$0x1FDC0] =	vst v62;
	v62 =	vld [tilespmem:$0x45D0]  }
0x216: {  	v6 =	vadd.s32 v15, v16;
	v16 =	vshll.u32 v25, $0x7;
	v25 =	vshll.u32 v44, $0xE;
	v44 =	vld [tilespmem:$0x4EA0]  }
0x217: {  	v13 =	vshll.u32 v22, $0xE;
	v22 =	vshll.u32 v29, $0x7;
	v5 =	vadd.s32 v32, v5;
	v32 =	vld [tilespmem:$0x4E80]  }
0x218: {  	v6 =	vadd.s32 v24, v6;
	v24 =	vshll.u32 v33, $0x7;
	v33 =	vshll.u32 v50, $0xE;
	v50 =	vld [tilespmem:$0x56B0]  }
0x219: {  	[tilespmem:$0x1FFC0] =	vst v11;
	v11 =	vadd.s32 v21, v22;
	v21 =	vld [tilespmem:$0x46D0]  }
0x21a: {  	v0 =	vshll.u32 v0, $0xE;
	v15 =	vshll.u32 v26, $0xE;
	v3 =	vshll.u32 v3, $0x7;
	[tilespmem:$0x1FDD0] =	vst v62;
	v62 =	vld [tilespmem:$0x4DD0]  }
0x21b: {  	v9 =	vadd.s32 v15, v16;
	v0 =	vadd.s32 v0, v3;
	v3 =	vld [tilespmem:$0x4F90]  }
0x21c: {  	v26 =	vshll.u32 v35, $0x7;
	v9 =	vadd.s32 v37, v9;
	v37 =	vld [tilespmem:$0x4E90]  }
0x21d: {  	v19 =	vshll.u32 v27, $0x7;
	v27 =	vadd.s32 v25, v26;
	v15 =	vadd.s32 v42, v11;
	v42 =	vld [tilespmem:$0x56A0]  }
0x21e: {  	[tilespmem:$0x1FF70] =	vst v8;
	v8 =	vadd.s32 v13, v14;
	v14 =	vadd.s32 v52, v27;
	v52 =	vld [tilespmem:$0x46B0]  }
0x21f: {  	v18 =	vshll.u32 v28, $0xE;
	v28 =	vshll.u32 v38, $0xE;
	v29 =	vshll.u32 v36, $0x7;
	[tilespmem:$0x1FDE0] =	vst v62;
	v62 =	vld [tilespmem:$0x55D0]  }
0x220: {  	[tilespmem:$0x1FF80] =	vst v10;
	v11 =	vadd.s32 v28, v29;
	v29 =	vld [tilespmem:$0x1FC80]  }
0x221: {  	[tilespmem:$0x15850] =	vst v5;
	v5 =	vld [tilespmem:$0x46F0]  }
0x222: {  	v10 =	vadd.s32 v18, v19;
	[tilespmem:$0x15860] =	vst v6;
	v6 =	vld [tilespmem:$0x4EF0]  }
0x223: {  	v10 =	vadd.s32 v30, v10;
	v30 =	vshll.u32 v58, $0xE;
	v58 =	vld [tilespmem:$0x4EB0]  }
0x224: {  	[tilespmem:$0x1FE30] =	vst v62;
	v62 =	vld [tilespmem:$0x45E0]  }
0x225: {  	v19 =	vadd.s32 v47, v11;
	v47 =	vld [tilespmem:$0x56C0]  }
0x226: {  	v8 =	vadd.s32 v34, v8;
	v11 =	vld [tilespmem:$0x56D0]  }
0x227: {  	[tilespmem:$0x15880] =	vst v8;
	v8 =	vld [tilespmem:$0x4F00]  }
0x228: {  	[tilespmem:$0x15890] =	vst v9;
	v9 =	vld [tilespmem:$0x4710]  }
0x229: {  	[tilespmem:$0x1FDF0] =	vst v62;
	v62 =	vld [tilespmem:$0x4DE0]  }
0x22a: {  	v31 =	vshll.u32 v40, $0x7;
	v34 =	vshll.u32 v41, $0x7;
	[tilespmem:$0x158D0] =	vst v14;
	v14 =	vld [tilespmem:$0x4F10]  }
0x22b: {  	v40 =	vshll.u32 v48, $0xE;
	v41 =	vshll.u32 v49, $0x7;
	v35 =	vadd.s32 v33, v34;
	[tilespmem:$0x1FFA0] =	vst v17;
	v17 =	vld [tilespmem:$0x5680]  }
0x22c: {  	v38 =	vshll.u32 v46, $0x7;
	v46 =	vadd.s32 v40, v41;
	v16 =	vadd.s32 v59, v35;
	v59 =	vld [tilespmem:$0x4EC0]  }
0x22d: {  	v22 =	vadd.s32 v54, v46;
	v54 =	vshll.u32 v56, $0x7;
	v56 =	vld [tilespmem:$0x1FC50]  }
0x22e: {  	[tilespmem:$0x1FE00] =	vst v62;
	v62 =	vld [tilespmem:$0x55E0]  }
0x22f: {  	v13 =	vadd.s32 v30, v31;
	v30 =	vld [tilespmem:$0x1FC90]  }
0x230: {  	[tilespmem:$0x158A0] =	vst v10;
	v10 =	vld [tilespmem:$0x5710]  }
0x231: {  	[tilespmem:$0x1FFF0] =	vst v20;
	v20 =	vadd.s32 v57, v13;
	v57 =	vld [tilespmem:$0x46C0]  }
0x232: {  	v13 =	vld [tilespmem:$0x4ED0]  }
0x233: {  	[tilespmem:$0x1FE40] =	vst v62;
	v62 =	vld [tilespmem:$0x45F0]  }
0x234: {  	[tilespmem:$0x15900] =	vst v16;
	v16 =	vld [tilespmem:$0x4F20]  }
0x235: {  	v27 =	vld [tilespmem:$0x1FC70]  }
0x236: {  	v34 =	vld [tilespmem:$0x1FCB0]  }
0x237: {  	v48 =	vshll.u32 v53, $0xE;
	v36 =	vshll.u32 v45, $0xE;
	[tilespmem:$0x1FFB0] =	vst v12;
	v12 =	vadd.s32 v23, v24;
	v35 =	vld [tilespmem:$0x1FCC0]  }
0x238: {  	v49 =	vshll.u32 v51, $0x7;
	v12 =	vadd.s32 v39, v12;
	v39 =	vadd.s32 v36, v38;
	[tilespmem:$0x1FE10] =	vst v62;
	v62 =	vld [tilespmem:$0x4DF0]  }
0x239: {  	[tilespmem:$0x15810] =	vst v1;
	v53 =	vshll.u32 v60, $0xE;
	v51 =	vadd.s32 v48, v49;
	v18 =	vadd.s32 v61, v39;
	v61 =	vld [tilespmem:$0x1FC60]  }
0x23a: {  	[tilespmem:$0x15820] =	vst v2;
	v23 =	vadd.s32 v55, v51;
	v1 =	vadd.s32 v53, v54;
	v48 =	vld [tilespmem:$0x1FD10]  }
0x23b: {  	[tilespmem:$0x15840] =	vst v4;
	v55 =	vshll.u32 v63, $0xE;
	v24 =	vadd.s32 v29, v1;
	v1 =	vld [tilespmem:$0x56E0];
	v60 =	vshll.u32 v56, $0x7  }
0x23c: {  	[tilespmem:$0x1FFE0] =	vst v17;
	v17 =	vld [tilespmem:$0x5690];
	v2 =	vadd.s32 v55, v60  }
0x23d: {  	v25 =	vadd.s32 v30, v2;
	v2 =	vshll.u32 v34, $0xE;
	v4 =	vshll.u32 v35, $0x7;
	[tilespmem:$0x1FE20] =	vst v62;
	v62 =	vld [tilespmem:$0x55F0]  }
0x23e: {  	v33 =	vld [tilespmem:$0x1FCA0];
	v4 =	vadd.s32 v2, v4  }
0x23f: {  	v28 =	vshll.u32 v27, $0x7;
	v27 =	vadd.s32 v48, v4;
	v4 =	vld [tilespmem:$0x4700]  }
0x240: {  	v36 =	vld [tilespmem:$0x1FCD0]  }
0x241: {  	v38 =	vld [tilespmem:$0x1FCE0]  }
0x242: {  	v21 =	vshll.u32 v21, $0xE;
	v13 =	vshll.u32 v13, $0x7;
	[tilespmem:$0x1FE50] =	vst v62;
	v62 =	vld [tilespmem:$0x4600]  }
0x243: {  	v13 =	vadd.s32 v21, v13;
	v21 =	vld [tilespmem:$0x4790]  }
0x244: {  	v11 =	vadd.s32 v11, v13;
	v13 =	vshll.u32 v8, $0x7;
	v8 =	vld [tilespmem:$0x47A0];
	v4 =	vshll.u32 v4, $0xE  }
0x245: {  	v4 =	vadd.s32 v4, v13;
	v13 =	vld [tilespmem:$0x4FA0]  }
0x246: {  	v49 =	vld [tilespmem:$0x1FD20]  }
0x247: {  	v2 =	vshll.u32 v36, $0xE;
	v39 =	vshll.u32 v38, $0x7;
	[tilespmem:$0x1FE60] =	vst v62;
	v62 =	vld [tilespmem:$0x4E00]  }
0x248: {  	[tilespmem:$0x15870] =	vst v7;
	v7 =	vadd.s32 v2, v39;
	v2 =	vld [tilespmem:$0x56F0]  }
0x249: {  	v40 =	vld [tilespmem:$0x1FCF0]  }
0x24a: {  	v54 =	vld [tilespmem:$0x1FD40]  }
0x24b: {  	v55 =	vld [tilespmem:$0x1FD50]  }
0x24c: {  	[tilespmem:$0x1FE70] =	vst v62;
	v62 =	vld [tilespmem:$0x5600]  }
0x24d: {  	v45 =	vld [tilespmem:$0x1FD00]  }
0x24e: {  	v53 =	vld [tilespmem:$0x1FD30]  }
0x24f: {  	v63 =	vshll.u32 v61, $0xE;
	v36 =	vld [tilespmem:$0x1FDA0]  }
0x250: {  	[tilespmem:$0x158B0] =	vst v15;
	v31 =	vadd.s32 v63, v28;
	v15 =	vld [tilespmem:$0x1FD70]  }
0x251: {  	v28 =	vadd.s32 v49, v7;
	v7 =	vshll.u32 v54, $0xE;
	v56 =	vshll.u32 v55, $0x7;
	[tilespmem:$0x1FEC0] =	vst v62;
	v62 =	vld [tilespmem:$0x4610]  }
0x252: {  	v60 =	vadd.s32 v7, v56;
	v7 =	vld [tilespmem:$0x5700]  }
0x253: {  	v61 =	vld [tilespmem:$0x1FD60]  }
0x254: {  	v38 =	vld [tilespmem:$0x1FDB0]  }
0x255: {  	v30 =	vshll.u32 v15, $0x7;
	v15 =	vld [tilespmem:$0x4720]  }
0x256: {  	[tilespmem:$0x1FE80] =	vst v62;
	v62 =	vld [tilespmem:$0x4E10]  }
0x257: {  	v26 =	vadd.s32 v33, v31;
	v31 =	vld [tilespmem:$0x1FD80]  }
0x258: {  	v41 =	vshll.u32 v40, $0xE;
	v46 =	vshll.u32 v45, $0x7;
	v34 =	vld [tilespmem:$0x1FD90]  }
0x259: {  	v51 =	vadd.s32 v41, v46;
	v41 =	vld [tilespmem:$0x1FDD0]  }
0x25a: {  	v46 =	vld [tilespmem:$0x1FDE0]  }
0x25b: {  	[tilespmem:$0x1FE90] =	vst v62;
	v62 =	vld [tilespmem:$0x5610]  }
0x25c: {  	v40 =	vld [tilespmem:$0x1FDC0]  }
0x25d: {  	[tilespmem:$0x158E0] =	vst v19;
	v19 =	vadd.s32 v36, v60;
	v36 =	vld [tilespmem:$0x1FE30]  }
0x25e: {  	v33 =	vshll.u32 v31, $0xE;
	v35 =	vshll.u32 v34, $0x7;
	v34 =	vld [tilespmem:$0x4730]  }
0x25f: {  	[tilespmem:$0x158C0] =	vst v12;
	v63 =	vshll.u32 v61, $0xE;
	v39 =	vadd.s32 v33, v35;
	v35 =	vld [tilespmem:$0x4F30]  }
0x260: {  	v12 =	vadd.s32 v63, v30;
	v45 =	vshll.u32 v41, $0xE;
	v48 =	vshll.u32 v46, $0x7;
	[tilespmem:$0x1FED0] =	vst v62;
	v62 =	vld [tilespmem:$0x4620]  }
0x261: {  	v30 =	vadd.s32 v38, v12;
	v12 =	vadd.s32 v45, v48;
	v49 =	vld [tilespmem:$0x1FDF0]  }
0x262: {  	[tilespmem:$0x15920] =	vst v22;
	v22 =	vadd.s32 v36, v12;
	v12 =	vld [tilespmem:$0x5720]  }
0x263: {  	v29 =	vadd.s32 v53, v51;
	v53 =	vld [tilespmem:$0x1FE00]  }
0x264: {  	v38 =	vld [tilespmem:$0x1FE40]  }
0x265: {  	[tilespmem:$0x1FEA0] =	vst v62;
	v62 =	vld [tilespmem:$0x4E20]  }
0x266: {  	v56 =	vld [tilespmem:$0x1FE10]  }
0x267: {  	v61 =	vld [tilespmem:$0x1FE20]  }
0x268: {  	[tilespmem:$0x158F0] =	vst v20;
	v20 =	vadd.s32 v40, v39;
	v39 =	vld [tilespmem:$0x1FE50]  }
0x269: {  	v40 =	vld [tilespmem:$0x1FE60]  }
0x26a: {  	[tilespmem:$0x1FEB0] =	vst v62;
	v62 =	vld [tilespmem:$0x5620]  }
0x26b: {  	v36 =	vld [tilespmem:$0x5730];
	v51 =	vshll.u32 v49, $0xE;
	v54 =	vshll.u32 v53, $0x7  }
0x26c: {  	v55 =	vadd.s32 v51, v54;
	v60 =	vshll.u32 v56, $0xE;
	v63 =	vshll.u32 v61, $0x7;
	v41 =	vld [tilespmem:$0x1FE70]  }
0x26d: {  	[tilespmem:$0x15910] =	vst v18;
	v18 =	vadd.s32 v38, v55;
	v38 =	vld [tilespmem:$0x4F40];
	v31 =	vadd.s32 v60, v63  }
0x26e: {  	[tilespmem:$0x15930] =	vst v23;
	v23 =	vadd.s32 v39, v31;
	v31 =	vshll.u32 v40, $0xE;
	v40 =	vld [tilespmem:$0x1FF30]  }
0x26f: {  	[tilespmem:$0x1FEE0] =	vst v62;
	v62 =	vld [tilespmem:$0x4630]  }
0x270: {  	v54 =	vld [tilespmem:$0x1FEC0]  }
0x271: {  	v33 =	vshll.u32 v41, $0x7;
	v41 =	vld [tilespmem:$0x1FF40]  }
0x272: {  	v46 =	vld [tilespmem:$0x1FE80]  }
0x273: {  	v48 =	vld [tilespmem:$0x1FE90]  }
0x274: {  	[tilespmem:$0x1FEF0] =	vst v62;
	v62 =	vld [tilespmem:$0x4E30]  }
0x275: {  	[tilespmem:$0x15990] =	vst v29;
	v29 =	vshll.u32 v40, $0xE;
	v40 =	vld [tilespmem:$0x4750]  }
0x276: {  	v45 =	vadd.s32 v31, v33;
	v55 =	vld [tilespmem:$0x1FED0]  }
0x277: {  	[tilespmem:$0x15940] =	vst v24;
	v24 =	vadd.s32 v54, v45;
	v54 =	vld [tilespmem:$0x1FF90]  }
0x278: {  	v33 =	vshll.u32 v48, $0x7;
	v48 =	vld [tilespmem:$0x1FF60]  }
0x279: {  	v31 =	vshll.u32 v46, $0xE;
	[tilespmem:$0x1FF00] =	vst v62;
	v62 =	vld [tilespmem:$0x5630]  }
0x27a: {  	v49 =	vadd.s32 v31, v33;
	v51 =	vld [tilespmem:$0x1FEA0]  }
0x27b: {  	[tilespmem:$0x15950] =	vst v25;
	v25 =	vadd.s32 v55, v49;
	v49 =	vld [tilespmem:$0x1FF70]  }
0x27c: {  	v55 =	vld [tilespmem:$0x1FFA0]  }
0x27d: {  	[tilespmem:$0x15A10] =	vst v25;
	v25 =	vld [tilespmem:$0x4780]  }
0x27e: {  	[tilespmem:$0x1FF50] =	vst v62;
	v62 =	vld [tilespmem:$0x4640]  }
0x27f: {  	v53 =	vld [tilespmem:$0x1FEB0]  }
0x280: {  	v31 =	vshll.u32 v51, $0xE;
	v51 =	vld [tilespmem:$0x1FF80]  }
0x281: {  	v61 =	vld [tilespmem:$0x1FEF0]  }
0x282: {  	v63 =	vld [tilespmem:$0x1FF00]  }
0x283: {  	[tilespmem:$0x1FF10] =	vst v62;
	v62 =	vld [tilespmem:$0x4E40]  }
0x284: {  	[tilespmem:$0x159B0] =	vst v30;
	v30 =	vshll.u32 v49, $0xE;
	v49 =	vshll.u32 v43, $0xE;
	v43 =	vld [tilespmem:$0x4F70]  }
0x285: {  	v33 =	vshll.u32 v53, $0x7;
	v60 =	vld [tilespmem:$0x1FEE0]  }
0x286: {  	v56 =	vadd.s32 v31, v33;
	v31 =	vld [tilespmem:$0x4740]  }
0x287: {  	[tilespmem:$0x15970] =	vst v27;
	v27 =	vshll.u32 v61, $0xE;
	v33 =	vshll.u32 v63, $0x7;
	v45 =	vld [tilespmem:$0x1FF50]  }
0x288: {  	v27 =	vadd.s32 v27, v33;
	v33 =	vld [tilespmem:$0x1FF10];
	[tilespmem:$0x1FF20] =	vst v62  }
0x289: {  	v39 =	vld [tilespmem:$0x1FF20]  }
0x28a: {  	[tilespmem:$0x15960] =	vst v26;
	v26 =	vadd.s32 v60, v56;
	v60 =	vld [tilespmem:$0x1FFB0]  }
0x28b: {  	v62 =	vld [tilespmem:$0x5640]  }
0x28c: {  	[tilespmem:$0x15A20] =	vst v26;
	v26 =	vld [tilespmem:$0x5780]  }
0x28d: {  	v32 =	vshll.u32 v32, $0x7;
	[tilespmem:$0x15980] =	vst v28;
	v61 =	vld [tilespmem:$0x1FFC0]  }
0x28e: {  	[tilespmem:$0x159A0] =	vst v19;
	v19 =	vadd.s32 v45, v27;
	v45 =	vld [tilespmem:$0x4760];
	v28 =	vshll.u32 v33, $0xE;
	v33 =	vshll.u32 v39, $0x7  }
0x28f: {  	v3 =	vshll.u32 v3, $0x7;
	v0 =	vadd.s32 v1, v0;
	[tilespmem:$0x15AD0] =	vst v11;
	v39 =	vld [tilespmem:$0x5740];
	v28 =	vadd.s32 v28, v33  }
0x290: {  	v52 =	vshll.u32 v52, $0xE;
	[tilespmem:$0x15AE0] =	vst v0;
	v33 =	vshll.u32 v41, $0x7;
	v41 =	vld [tilespmem:$0x5750];
	v27 =	vadd.s32 v62, v28  }
0x291: {  	[tilespmem:$0x159C0] =	vst v20;
	v46 =	vadd.s32 v29, v33;
	v29 =	vld [tilespmem:$0x4F50];
	v33 =	vshll.u32 v51, $0x7;
	v51 =	vshll.u32 v44, $0x7  }
0x292: {  	[tilespmem:$0x159D0] =	vst v22;
	v62 =	vld [tilespmem:$0x1FFD0];
	v28 =	vadd.s32 v48, v46;
	v53 =	vadd.s32 v30, v33;
	v30 =	vshll.u32 v54, $0xE  }
0x293: {  	[tilespmem:$0x15A00] =	vst v24;
	v44 =	vld [tilespmem:$0x5770];
	v33 =	vshll.u32 v55, $0x7;
	v48 =	vshll.u32 v37, $0x7;
	v24 =	vadd.s32 v49, v51  }
0x294: {  	[tilespmem:$0x159E0] =	vst v18;
	v46 =	vld [tilespmem:$0x1FFF0];
	v49 =	vshll.u32 v31, $0xE;
	v31 =	vshll.u32 v25, $0xE;
	v56 =	vadd.s32 v30, v33  }
0x295: {  	[tilespmem:$0x159F0] =	vst v23;
	v37 =	vld [tilespmem:$0x4770];
	v30 =	vshll.u32 v60, $0xE;
	v18 =	vadd.s32 v61, v53;
	v53 =	vshll.u32 v58, $0x7  }
0x296: {  	[tilespmem:$0x15A30] =	vst v19;
	v33 =	vld [tilespmem:$0x4F60];
	v54 =	vadd.s32 v42, v24;
	v58 =	vshll.u32 v57, $0xE;
	v60 =	vshll.u32 v59, $0x7  }
0x297: {  	[tilespmem:$0x15A50] =	vst v28;
	v28 =	vshll.u32 v15, $0xE;
	v42 =	vshll.u32 v16, $0x7;
	v63 =	vadd.s32 v30, v32;
	v30 =	vld [tilespmem:$0x5760]  }
0x298: {  	[tilespmem:$0x15A40] =	vst v27;
	v32 =	vld [tilespmem:$0x1FFE0];
	v55 =	vadd.s32 v52, v53;
	v24 =	vadd.s32 v58, v60;
	v60 =	vshll.u32 v45, $0xE  }
0x299: {  	[tilespmem:$0x15AA0] =	vst v54;
	v54 =	vld [tilespmem:$0x47C0];
	v61 =	vadd.s32 v47, v24;
	v24 =	vadd.s32 v7, v4;
	v7 =	vadd.s32 v28, v42  }
0x29a: {  	[tilespmem:$0x15A60] =	vst v18;
	v58 =	vld [tilespmem:$0x4FC0];
	v47 =	vshll.u32 v35, $0x7;
	v20 =	vadd.s32 v62, v56;
	v56 =	vadd.s32 v50, v55  }
0x29b: {  	v62 =	vshll.u32 v5, $0xE;
	v5 =	vld [tilespmem:$0x57A0];
	v50 =	vshll.u32 v38, $0x7;
	v51 =	vadd.s32 v12, v7;
	[tilespmem:$0x15B00] =	vst v24  }
0x29c: {  	v57 =	vshll.u32 v29, $0x7;
	v24 =	vld [tilespmem:$0x47D0];
	v23 =	vshll.u32 v46, $0xE;
	[tilespmem:$0x15A70] =	vst v20;
	v20 =	vshll.u32 v9, $0xE  }
0x29d: {  	[tilespmem:$0x15AB0] =	vst v56;
	v46 =	vshll.u32 v34, $0xE;
	v53 =	vadd.s32 v49, v50;
	v56 =	vshll.u32 v40, $0xE;
	v34 =	vld [tilespmem:$0x57D0]  }
0x29e: {  	[tilespmem:$0x15AC0] =	vst v61;
	v40 =	vshll.u32 v13, $0x7;
	v23 =	vadd.s32 v23, v48;
	v48 =	vld [tilespmem:$0x4FB0];
	v9 =	vadd.s32 v46, v47  }
0x29f: {  	[tilespmem:$0x15B20] =	vst v51;
	v55 =	vadd.s32 v39, v53;
	v59 =	vadd.s32 v56, v57;
	v61 =	vshll.u32 v33, $0x7;
	v46 =	vld [tilespmem:$0x4FF0]  }
0x2a0: {  	v39 =	vshll.u32 v8, $0xE;
	v22 =	vadd.s32 v32, v63;
	v17 =	vadd.s32 v17, v23;
	v32 =	vld [tilespmem:$0x4F80];
	[tilespmem:$0x15B40] =	vst v55  }
0x2a1: {  	v63 =	vshll.u32 v6, $0x7;
	v6 =	vld [tilespmem:$0x5790];
	v52 =	vadd.s32 v36, v9;
	v23 =	vshll.u32 v43, $0x7;
	[tilespmem:$0x15A80] =	vst v22  }
0x2a2: {  	v36 =	vshll.u32 v21, $0xE;
	v42 =	vadd.s32 v39, v40;
	v43 =	vld [tilespmem:$0x47F0];
	v1 =	vadd.s32 v62, v63;
	[tilespmem:$0x15A90] =	vst v17  }
0x2a3: {  	v49 =	vshll.u32 v58, $0x7;
	v62 =	vld [tilespmem:$0x57C0];
	v63 =	vadd.s32 v60, v61;
	[tilespmem:$0x15B30] =	vst v52;
	v1 =	vadd.s32 v2, v1  }
0x2a4: {  	v22 =	vshll.u32 v14, $0x7;
	v38 =	vadd.s32 v36, v3;
	v28 =	vadd.s32 v30, v63;
	v30 =	vld [tilespmem:$0x4FD0];
	[tilespmem:$0x15AF0] =	vst v1  }
0x2a5: {  	v27 =	vadd.s32 v20, v22;
	v22 =	vshll.u32 v37, $0xE;
	v37 =	vld [tilespmem:$0x47E0];
	v2 =	vadd.s32 v5, v42;
	[tilespmem:$0x15B60] =	vst v28  }
0x2a6: {  	v52 =	vshll.u32 v24, $0xE;
	v4 =	vadd.s32 v10, v27;
	v10 =	vld [tilespmem:$0x47B0];
	v29 =	vadd.s32 v22, v23;
	[tilespmem:$0x15BA0] =	vst v2  }
0x2a7: {  	v27 =	vadd.s32 v41, v59;
	v41 =	vld [tilespmem:$0x4FE0];
	[tilespmem:$0x15B10] =	vst v4;
	v4 =	vadd.s32 v44, v29;
	v45 =	vshll.u32 v48, $0x7  }
0x2a8: {  	[tilespmem:$0x15B50] =	vst v27;
	v48 =	vshll.u32 v54, $0xE;
	v54 =	vld [tilespmem:$0x57F0];
	v61 =	vshll.u32 v46, $0x7;
	v33 =	vshll.u32 v32, $0x7  }
0x2a9: {  	v16 =	vld [tilespmem:$0x57B0];
	v0 =	vadd.s32 v6, v38;
	[tilespmem:$0x15B70] =	vst v4;
	v51 =	vadd.s32 v48, v49;
	v60 =	vshll.u32 v43, $0xE  }
0x2aa: {  	v50 =	vld [tilespmem:$0x57E0];
	v35 =	vadd.s32 v31, v33;
	[tilespmem:$0x15B90] =	vst v0;
	v0 =	vadd.s32 v62, v51;
	v53 =	vshll.u32 v30, $0x7  }
0x2ab: {  	v62 =	vadd.s32 v60, v61;
	v1 =	vadd.s32 v26, v35;
	[tilespmem:$0x15BC0] =	vst v0;
	v55 =	vadd.s32 v52, v53  }
0x2ac: {  	v57 =	vshll.u32 v37, $0xE;
	v44 =	vshll.u32 v10, $0xE;
	[tilespmem:$0x15B80] =	vst v1;
	v56 =	vadd.s32 v34, v55  }
0x2ad: {  	v58 =	vshll.u32 v41, $0x7;
	v47 =	vadd.s32 v44, v45;
	v63 =	vadd.s32 v54, v62;
	[tilespmem:$0x15BD0] =	vst v56  }
0x2ae: {  	v59 =	vadd.s32 v57, v58;
	v1 =	vadd.s32 v16, v47;
	[tilespmem:$0x15BF0] =	vst v63  }
0x2af: {  	v0 =	vadd.s32 v50, v59;
	[tilespmem:$0x15BB0] =	vst v1  }
0x2b0: {  	[tilespmem:$0x15BE0] =	vst v0  }
0x2b1: {  	[hbm4b:s6+s18] =	stream.indirect.scatter [tilespmem:s17], [sflag:$0x4], $0x20, s19, s18, $0xb8;
	[tilespmem:$0x15C00] =	vst v63  }
0x2b2: {  	_ =	swait.ge [sflag:s20], $0x2000  }
0x2b3: {  	[sflag:s20] =	ssyncset.done $0x0  }
0x2b4: {  	s29 =	rddreg [dreg:$0x9];
	[sflag:s20] =	ssyncadd.s32 $0xFFFFE000  }
0x2b5: {  	[hbm4b:s6+s18] =	stream.indirect.scatter [tilespmem:s29], [sflag:$0x4], $0x20, s21, s18, $0xb8;
	[tilespmem:$0x15C00] =	vst v63  }
0x2b6: {  	_ =	swait.ge [sflag:s20], $0x2000  }
0x2b7: {  	[sflag:s20] =	ssyncset.done $0x0  }
0x2b8: {  	s30 =	rddreg [dreg:$0xa];
	[sflag:s20] =	ssyncadd.s32 $0xFFFFE000  }
0x2b9: {  	[hbm4b:s6+s18] =	stream.indirect.scatter [tilespmem:s30], [sflag:$0x4], $0x20, s22, s18, $0xb8;
	[tilespmem:$0x15C00] =	vst v63  }
0x2ba: {  	_ =	swait.ge [sflag:s20], $0x2000  }
0x2bb: {  	p0 =	sne.s32 s25, $0x92;
	[sflag:s20] =	ssyncset.done $0x0  }
.Ltmp4:
0x2bc: {  	s31 =	rddreg [dreg:$0xb];
	[sflag:s20] =	ssyncadd.s32 $0xFFFFE000;
	(pc) =	sbr.rel @p0 .LBB2_7-.Ltmp4, $4  }
0x2bd: {  	[hbm4b:s6+s18] =	stream.indirect.scatter [tilespmem:s31], [sflag:$0x4], $0x20, s23, s18, $0xb8;
	[tilespmem:$0x15C00] =	vst v63  }
0x2be: {  	s15 =	sadd.s32 $0x100, s15;
	_ =	swait.ge [sflag:s20], $0x2000  }
0x2bf: {  	s14 =	sadd.s32 $0x100, s14;
	s13 =	sadd.s32 $0x100, s13;
	[sflag:s20] =	ssyncset.done $0x0  }
0x2c0: {  	s25 =	sadd.s32 $0x2, s25;
	s12 =	sadd.s32 $0x2000, s12;
	[sflag:s20] =	ssyncadd.s32 $0xFFFFE000  }
0x2c1: {  	s2 =	simm.s32 $0x2  }
0x2c2: {  	_ =	swait.ge [sflag:s2], $0x400  }
0x2c3: {  	[sflag:s2] =	ssyncset.done $0x0  }
0x2c4: {  	[sflag:s2] =	ssyncadd.s32 $0xFFFFFC00  }
0x2c5: {  	_ =	swait.ge [sflag:s2], $0x400  }
0x2c6: {  	[sflag:s2] =	ssyncset.done $0x0  }
0x2c7: {  	[sflag:s2] =	ssyncadd.s32 $0xFFFFFC00  }
0x2c8: {  	_ =	swait.ge [sflag:s2], $0x400  }
0x2c9: {  	[sflag:s2] =	ssyncset.done $0x0  }
0x2ca: {  	[sflag:s2] =	ssyncadd.s32 $0xFFFFFC00  }
0x2cb: {  	_ =	swait.ge [sflag:s2], $0x8000  }
0x2cc: {  	[sflag:s2] =	ssyncset.done $0x0  }
0x2cd: {  	[sflag:s2] =	ssyncadd.s32 $0xFFFF8000  }
.LBB2_9:
0x2ce: {  	_ =	sfence.sel $0x180000  }
0x2cf: {  	[bflag:$0x0] =	sbarrier.arrive $0xFFFF  }
0x2d0: {  	p0 =	sne.s32 s1, $0x0;
	_ =	strace $0x90000047  }
0x2d1: {  	s0 =	sadd.s32 @!p0 $0x100000, s0;
	[bflag:$0x2] =	sbarrier.arrive $0xFFFF  }
0x2d2: {  	[sflag:s0] =	ssyncadd.tile.s32 @!p0 $0x1;
	_ =	shalt  }
.Lfunc_end2:
_tile_overlayer_lowered:
.L_overlay_start_2:
0x2d3: {  	(tag) =	ssettag $0x2  }
0x2d4: {  	s0 =	rddreg [dreg:$0x0];
	s2 =	stileid.u32  }
0x2d5: {  	s1 =	rddreg [dreg:$0x1];
	p0 =	sne.s32 s2, $0x0  }
0x2d6: {  	s3 =	rddreg [dreg:$0x2];
	[bflag:$0x3] =	sbarrier.arrive $0xFFFF;
	s2 =	simm.s32 @!p0 $0x1C05  }
0x2d7: {  	[timem:s3], [sflag:s2] =	dma.local @!p0 [hbm:s0], s1  }
0x2d8: {  	s0 =	simm.s32 @!p0 $0x5  }
0x2d9: {  	_ =	swait.ge @!p0 [sflag:s0], s1  }
0x2da: {  	s1 =	ssub.s32 @!p0 $0x0, s1;
	[sflag:s0] =	ssyncset.done @!p0 $0x0  }
0x2db: {  	[sflag:s0] =	ssyncadd.s32 @!p0 s1  }
0x2dc: {  	[bflag:$0x3] =	sbarrier.arrive $0xFFFF  }
0x2dd: {  	_ =	shalt  }

// kernel: sparse-core-data-format-call.cloned.1.call-start
scs
called_computation_lowered:
.L_overlay_start_0:
0x0: {  	s2 =	sld [smem:$0x3FD9]  }
0x1: {  	s3 =	sld [smem:$0x3FFE];
	_ =	sdelay $0x1  }
0x2: {  	s1 =	srdreg.scid  }
0x3: {  	s0 =	sand.u32 $0x1, s1  }
0x4: {  	s18 =	sshll.u32 s0, $0xA;
	s2 =	sadd.s32 s3, s2  }
0x5: {  	s2 =	sadd.s32 s2, s18  }
0x6: {  	[smem:$0x3FC6] =	sst s2  }
0x7: {  	_ = 	snop  }
0x8: {  	s2 =	sld [smem:$0x3FD0];
	(tm) =	ssettm $0x1  }
0x9: {  	s19 =	sld [smem:$0x3FFB];
	_ =	sdelay $0x3  }
0xa: {  	_ =	strace s19  }
0xb: {  	s3 =	sld [smem:$0x3FFC];
	_ =	sdelay $0x3  }
0xc: {  	_ =	strace s3  }
0xd: {  	s3 =	sld [smem:$0x3FFD];
	_ =	sdelay $0x3  }
0xe: {  	_ =	strace s3  }
0xf: {  	_ =	strace $0x8FFFFFFF  }
0x10: {  	s20 =	sld [smem:$0x3FDB];
	_ =	sdelay $0x1  }
0x11: {  	s4 =	simm.s32 $_scs_section_size  }
0x12: {  	s5 =	simm.s32 $_size__tile_overlayer_lowered;
	s6 =	simm.s32 $_tile_overlayer_lowered  }
0x13: {  	s23 =	simm.s32 $0x1BFF;
	s22 =	sshll.u32 s6, $0x1;
	s3 =	sadd.s32 s4, s20  }
0x14: {  	s7 =	simm.s32 $0x0;
	s21 =	sshll.u32 s5, $0x1;
	s5 =	sadd.s32 s22, s3  }
0x15: {  	[timem:s7], [sflag:s23] =	dma.local [hbm:s5], s21  }
0x16: {  	_ =	swait.ge [sflag:s23], s21  }
0x17: {  	s4 =	ssub.s32 $0x0, s21;
	[sflag:s23] =	ssyncset.done $0x0  }
0x18: {  	[sflag:s23] =	ssyncadd.s32 s4;
	_ =	sdelay $0x1  }
0x19: {  	s24 =	simm.s32 $0x1B8B  }
0x1a: {  	_ =	swait.ge [sflag:s24], $0x1  }
0x1b: {  	[sflag:s24] =	ssyncset.done $0x0  }
0x1c: {  	s26 =	simm.s32 $0x1B8E;
	s25 =	sld [smem:$0x3FFE];
	[sflag:s24] =	ssyncadd.s32 $0xFFFFFFFF  }
0x1d: {  	s27 =	simm.s32 $execute0_lowered;
	[smem:$0x3FD2] =	sst s26  }
0x1e: {  	s5 =	sshll.u32 s27, $0x1;
	_ =	strace $0x80000049;
	[dreg:$0x1] =	wrdreg $0xFFFFFFFF  }
0x1f: {  	s28 =	simm.s32 $_size_execute0_lowered;
	s3 =	sadd.s32 s3, s5;
	[dreg:$0x0] =	wrdreg $0x0  }
0x20: {  	s5 =	sshll.u32 s28, $0x1;
	[dreg:$0x2] =	wrdreg s3  }
0x21: {  	[dreg:$0x3] =	wrdreg s5  }
0x22: {  	[dreg:$0x4] =	wrdreg $0xC0  }
0x23: {  	_ =	task [dreg:s7], $0x5FFFF  }
0x24: {  	[dreg:$0x1] =	wrdreg $0xFFFFFFFF  }
0x25: {  	[dreg:$0x0] =	wrdreg $0x60  }
0x26: {  	[dreg:$0x2] =	wrdreg s25  }
0x27: {  	[dreg:$0x3] =	wrdreg s2  }
0x28: {  	[dreg:$0x4] =	wrdreg $0x9  }
0x29: {  	_ =	task.clear_ibuf [dreg:s7], $0x5FFFF;
	_ =	strace $0x90000049  }
0x2a: {  	s29 =	simm.s32 $0x9;
	_ =	strace $0x8000004B  }
0x2b: {  	_ =	swait.ge [sflag:s29], $0x1  }
0x2c: {  	[sflag:s29] =	ssyncadd.s32 $0xFFFFFFFF  }
0x2d: {  	_ =	strace $0x9000004B  }
0x2e: {  	_ =	sfence  }
0x2f: {  	s30 =	sld [smem:$0x0];
	_ =	sdelay $0x2  }
0x30: {  	s31 =	sshll.u32 s1, $0xD;
	s1 =	sshrl.u32 s1, $0x2  }
0x31: {  	s3 =	sand.u32 $0x4000, s31;
	s1 =	sadd.s32 s1, s30  }
0x32: {  	s0 =	sor.u32 s3, s0;
	s1 =	sshll.u32 s1, $0x11  }
0x33: {  	s0 =	sor.u32 s1, s0  }
0x34: {  	s0 =	sadd.s32 $0x8F2B, s0  }
0x35: {  	[sflag:s0] =	ssyncadd.remote.s32 $0x1  }
0x36: {  	_ =	sfence.sel $0xFFFF  }
0x37: {  	[dreg:$0x0] =	wrdreg $0xFFFFFFFF;
	(pc) =	sbr.abs _section_cstart, $3  }
0x38: {  	[dreg:$0x1] =	wrdreg $0xFFFFFFFF  }
0x39: {  	_ =	task.clear_ibuf [dreg:s7], $0x2FFFF;
	_ =	strace $0x9FFFFFFF  }
0x3a: {  	(tm) =	ssettm $0x7FFFFFFF  }
0x3b: {  	_ =	shalt  }
tec
execute0_lowered:
.L_overlay_start_1:
0x0: {  	(tag) =	ssettag $0x1  }
0x1: {  	s4 =	rddreg [dreg:$0x0]  }
0x2: {  	s2 =	rddreg [dreg:$0x1]  }
0x3: {  	s0 =	rddreg [dreg:$0x2];
	_ =	strace $0x8000004A  }
0x4: {  	s3 =	srdreg.scid;
	s1 =	stileid.u32;
	s6 =	simm.s32 $0x2  }
.Ltmp0:
0x5: {  	p0 =	por $0x0, $0x0;
	s10 =	simm.s32 $0x0;
	(pc) =	sbr.rel .LBB1_1-.Ltmp0, $4  }
0x6: {  	s11 =	simm.s32 $0x0;
	s8 =	simm.s32 $0x0;
	s5 =	sshll.u32 s3, $0x4  }
0x7: {  	s7 =	simm.s32 $0x0;
	s3 =	simm.s32 $0x1;
	s5 =	sand.u32 $0x10, s5  }
0x8: {  	s4 =	sadd.s32 $0x289D800, s4;
	[sflag:s3] =	ssyncpa.u1 $0x0;
	s5 =	sor.u32 s1, s5  }
0x9: {  	[sflag:s6] =	ssyncpa.u1 $0x0;
	s6 =	simm.s32 $0x0;
	s9 =	smov.u32 s5  }
.LBB1_7:
0xa: {  	s12 =	sadd.s32 $0x4, s8  }
0xb: {  	s10 =	sadd.s32 $0x20, s9;
	s14 =	smov.u32 s9;
	p2 =	sgt.s32 s12, $0x7F  }
0xc: {  	p1 =	slt.u32 s7, $0x2;
	s14 =	smov.u32 @p2 s10  }
0xd: {  	s7 =	sadd.s32 $0x1, s7;
	s12 =	simm.s32 @p2 $0x0;
	p2 =	sgt.s32 s14, $0x7F  }
0xe: {  	s14 =	smov.u32 @p2 s5;
	p2 =	sne.s32 s7, $0x82  }
.Ltmp1:
0xf: {  	_ = 	snop;
	(pc) =	sbr.rel @!p2 .LBB1_8-.Ltmp1, $4  }
0x10: {  	s13 =	simm.s32 @!p1 $0x2  }
0x11: {  	s11 =	smov.u32 s9;
	_ =	swait.ge @!p1 [sflag:s13], $0x4000  }
0x12: {  	p0 =	por !p0, !p0;
	s10 =	smov.u32 s8;
	[sflag:s13] =	ssyncset.done @!p1 $0x0  }
0x13: {  	s8 =	smov.u32 s12;
	[sflag:s13] =	ssyncadd.s32 @!p1 $0xFFFFC000;
	s9 =	smov.u32 s14  }
.LBB1_1:
0x14: {  	p1 =	sgt.u32 s7, $0x7F  }
0x15: {  	s12 =	sxor.u32 @!p1 $0xFFFFFFFF, s7;
	s13 =	sshll.u32 @!p1 s9, $0x12;
	s14 =	sshll.u32 @!p1 s8, $0xB  }
0x16: {  	s15 =	simm.s32 @!p1 $0x80;
	s12 =	sshll.u32 @!p1 s12, $0xE;
	s13 =	sadd.s32 @!p1 s4, s13  }
0x17: {  	s12 =	sand.u32 @!p1 $0x4000, s12;
	s13 =	sadd.s32 @!p1 s14, s13;
	s14 =	simm.s32 @!p1 $0x20  }
0x18: {  	[tilespmem:s12], [sflag:$0x1] =	stream.strided.gather @!p1 [hbm4b:s13+s14], $0x4000, s15, s14, $0x38;
	[tilespmem:$0x10100] =	vst v63  }
0x19: {  	p1 =	seq.s32 s7, $0x0  }
0x1a: {  	p2 =	seq.s32 @!p1 s7, $0x81  }
0x1b: {  	p1 =	por p1, p2  }
.Ltmp2:
0x1c: {  	_ = 	snop;
	(pc) =	sbr.rel @p1 .LBB1_7-.Ltmp2, $1  }
0x1d: {  	_ =	sdelay $0x3  }
0x1e: {  	s13 =	simm.s32 $0x1;
	s14 =	sand.u32 $0x1, s7  }
0x1f: {  	_ =	swait.ge [sflag:s3], $0x4000;
	s13 =	simm.s32 @!p0 $0x0;
	s15 =	smul.u32 $0x10200, s14  }
0x20: {  	[sflag:s3] =	ssyncset.done $0x0;
	s12 =	smul.u32 $0x10200, s13  }
0x21: {  	s13 =	sshll.u32 s13, $0xE;
	[sflag:s3] =	ssyncadd.s32 $0xFFFFC000  }
0x22: {  	s14 =	sor.u32 $0x10, s13;
	s31 =	sshrl.u32 s15, $0x2;
	s12 =	sshrl.u32 s12, $0x2  }
0x23: {  	s15 =	simm.s32 $0x0;
	s13 =	sor.u32 $0x8000, s31;
	s12 =	sor.u32 $0x8000, s12  }
.LBB1_3:
0x24: {  	v1 =	vld [tilespmem:s14+$0x0]  }
0x25: {  	v0 =	vld [tilespmem:s14+$0xFFFFFFF0];
	_ =	sdelay $0x2  }
0x26: {  	s18 =	sadd.s32 $0x0, s12  }
0x27: {  	s16 =	simm.s32 $0x4;
	s17 =	sadd.s32 $0x20, s14;
	[tilespmem:s18+$0x810 ss:$0x81] =	vst.msk $0xffff, v1  }
.LBB1_4:
0x28: {  	v1 =	vld [tilespmem:s17+$0x0];
	p1 =	sne.s32 s16, $0x1FC;
	[tilespmem:s18+$0x0 ss:$0x81] =	vst.msk $0xffff, v0;
	s18 =	smov.u32 s16;
	s16 =	sadd.s32 $0x4, s16  }
.Ltmp3:
0x29: {  	v0 =	vld [tilespmem:s17+$0xFFFFFFF0];
	(pc) =	sbr.rel @p1 .LBB1_4-.Ltmp3, $4  }
0x2a: {  	_ = 	snop  }
0x2b: {  	s18 =	sshra.s32 s18, $0x2  }
0x2c: {  	s18 =	sadd.s32 s18, s12  }
0x2d: {  	s17 =	sadd.s32 $0x20, s17;
	[tilespmem:s18+$0x810 ss:$0x81] =	vst.msk $0xffff, v1  }
0x2e: {  	s15 =	sadd.s32 $0x1, s15  }
0x2f: {  	p1 =	sne.s32 s15, $0x4  }
.Ltmp4:
0x30: {  	_ = 	snop;
	(pc) =	sbr.rel @p1 .LBB1_3-.Ltmp4, $2  }
0x31: {  	_ =	sdelay $0x2  }
0x32: {  	[tilespmem:s18+$0x0 ss:$0x81] =	vst.msk $0xffff, v0;
	s12 =	sadd.s32 $0x1020, s12;
	s14 =	sadd.s32 $0x1000, s14  }
.Ltmp5:
0x33: {  	(pc) =	sbr.rel .LBB1_7-.Ltmp5, $4  }
0x34: {  	s11 =	sshll.u32 s11, $0x10  }
0x35: {  	s10 =	sshll.u32 s10, $0x9;
	s11 =	sadd.s32 s2, s11  }
0x36: {  	s10 =	sadd.s32 s10, s11  }
0x37: {  	[hbm4b:s10+s6] =	stream.linear.scatter [tilespmem:s13], [sflag:$0x2], $0x4000, $0x20;
	[tilespmem:$0x10100] =	vst v63  }
.LBB1_8:
0x38: {  	_ =	sfence.sel $0x180000  }
0x39: {  	s2 =	simm.s32 $0x1;
	[bflag:$0x0] =	sbarrier.arrive $0xFFFF  }
0x3a: {  	s31 =	simm.s32 $0x2;
	[sflag:s2] =	ssyncpa.u1 $0x1  }
0x3b: {  	[sflag:s31] =	ssyncpa.u1 $0x1  }
0x3c: {  	p0 =	sne.s32 s1, $0x0;
	_ =	strace $0x9000004A  }
0x3d: {  	s0 =	sadd.s32 @!p0 $0x100000, s0;
	[bflag:$0x2] =	sbarrier.arrive $0xFFFF  }
0x3e: {  	[sflag:s0] =	ssyncadd.tile.s32 @!p0 $0x1;
	_ =	shalt  }
.Lfunc_end1:
_tile_overlayer_lowered:
.L_overlay_start_2:
0x3f: {  	(tag) =	ssettag $0x2  }
0x40: {  	s0 =	rddreg [dreg:$0x0];
	s2 =	stileid.u32  }
0x41: {  	s1 =	rddreg [dreg:$0x1];
	p0 =	sne.s32 s2, $0x0  }
0x42: {  	s3 =	rddreg [dreg:$0x2];
	[bflag:$0x3] =	sbarrier.arrive $0xFFFF;
	s2 =	simm.s32 @!p0 $0x1C01  }
0x43: {  	[timem:s3], [sflag:s2] =	dma.local @!p0 [hbm:s0], s1  }
0x44: {  	s0 =	simm.s32 @!p0 $0x1  }
0x45: {  	_ =	swait.ge @!p0 [sflag:s0], s1  }
0x46: {  	s1 =	ssub.s32 @!p0 $0x0, s1;
	[sflag:s0] =	ssyncset.done @!p0 $0x0  }
0x47: {  	[sflag:s0] =	ssyncadd.s32 @!p0 s1  }
0x48: {  	[bflag:$0x3] =	sbarrier.arrive $0xFFFF  }
0x49: {  	_ =	shalt  }

</sc_bundles>
